<compile_context>
chip_gen: v7x
topology: tpu7x:2x2x1
jax: 0.10.2.dev20260603
libtpu: 0.0.44.dev20260713+nightly
codegen_flags: <defaults>
</compile_context>

<pallas_src>
import functools

import jax
import jax.numpy as jnp
from jax import lax
from jax.experimental import pallas as pl
from jax.experimental.pallas import tpu as pltpu
from jax.experimental.pallas import tpu_sc as plsc

N = 10000
E = 320000
F_IN = 128

NC = 2
NS = 16
NW = NC * NS

EPW = E // NW
CHUNK = 128
NCHUNK = 80
NPAIR = NCHUNK // 2
EPW_PAD = NCHUNK * CHUNK
PADW = EPW_PAD - EPW
ACC_N = N + PADW
RPS = 624
RPS_TAIL = N - NS * RPS

DEG_PAD = 10240
DEG_W = 8
RPSD = DEG_PAD // NS

_mesh = plsc.VectorSubcoreMesh(
    core_axis_name="c", subcore_axis_name="s", num_cores=NC, num_subcores=NS)

_sc_params = pltpu.CompilerParams(use_tc_tiling_on_sc=False)


def _fill_pad(idx_v, base_val):
    for i in range(PADW // 16):
        idx_v[pl.ds(EPW + 16 * i, 16)] = (
            lax.iota(jnp.int32, 16) + (base_val + 16 * i))


@functools.partial(
    pl.kernel,
    out_type=[jax.ShapeDtypeStruct((DEG_PAD, DEG_W), jnp.float32),
              jax.ShapeDtypeStruct((DEG_PAD, DEG_W), jnp.float32)],
    mesh=_mesh,
    scratch_types=[
        pltpu.VMEM((EPW_PAD,), jnp.int32),
        pltpu.VMEM((CHUNK, DEG_W), jnp.float32),
        pltpu.VMEM_SHARED((DEG_PAD, DEG_W), jnp.float32),
        pltpu.SemaphoreType.DMA,
        pltpu.SemaphoreType.DMA,
        pltpu.SemaphoreType.DMA,
        pltpu.SemaphoreType.DMA,
    ],
    compiler_params=_sc_params,
)
def _deg_kernel(ei_hbm, ones_hbm, deg0_out, deg1_out, idx_v, ones_v, acc_sh,
                dsem0, dsem1, dsem2, dsem3):
    cid = lax.axis_index("c")
    sid = lax.axis_index("s")
    wid = sid * NC + cid
    pltpu.sync_copy(ei_hbm.at[1, pl.ds(wid * EPW, EPW)],
                    idx_v.at[pl.ds(0, EPW)])
    _fill_pad(idx_v, N)
    pltpu.sync_copy(ones_hbm.at[pl.ds(0, CHUNK)], ones_v)
    pltpu.sync_copy(ones_hbm.at[pl.ds(sid * RPSD, RPSD)],
                    acc_sh.at[pl.ds(sid * RPSD, RPSD)])
    plsc.subcore_barrier()

    def d_idx(g):
        return acc_sh.at[idx_v.at[pl.ds(g * CHUNK, CHUNK)]]

    dsems = [dsem0, dsem1, dsem2, dsem3]
    for b in range(4):
        pltpu.async_copy(ones_v, d_idx(b), dsems[b], add=True)

    def body(t, carry):
        for b in range(4):
            g = 4 * t + 4 + b
            pltpu.make_async_copy(ones_v, d_idx(g - 4), dsems[b]).wait()
            pltpu.async_copy(ones_v, d_idx(g), dsems[b], add=True)
        return carry

    lax.fori_loop(0, (NCHUNK - 4) // 4, body, 0)
    for b in range(4):
        g = NCHUNK - 4 + b
        pltpu.make_async_copy(ones_v, d_idx(g), dsems[b]).wait()
    plsc.subcore_barrier()

    @pl.when(cid == 0)
    def _():
        pltpu.sync_copy(acc_sh.at[pl.ds(sid * RPSD, RPSD)],
                        deg0_out.at[pl.ds(sid * RPSD, RPSD)])

    @pl.when(cid == 1)
    def _():
        pltpu.sync_copy(acc_sh.at[pl.ds(sid * RPSD, RPSD)],
                        deg1_out.at[pl.ds(sid * RPSD, RPSD)])


def _make_edge_kernel(d_feat):
    @functools.partial(
        pl.kernel,
        out_type=[jax.ShapeDtypeStruct((N, d_feat), jnp.float32),
                  jax.ShapeDtypeStruct((N, d_feat), jnp.float32)],
        mesh=_mesh,
        scratch_types=(
            [pltpu.VMEM((EPW_PAD,), jnp.int32),
             pltpu.VMEM((EPW_PAD,), jnp.int32)]
            + [pltpu.VMEM((CHUNK, d_feat), jnp.float32)] * 8
            + [pltpu.VMEM_SHARED((ACC_N, d_feat), jnp.float32)]
            + [pltpu.SemaphoreType.DMA] * 16
        ),
        compiler_params=_sc_params,
    )
    def edge_kernel(hs_hbm, ei_hbm, acc0_out, acc1_out,
                    src_v, dst_v, *ring):
        bufs = ring[0:8]
        acc_sh = ring[8]
        gsems = ring[9:17]
        ssems = ring[17:25]
        cid = lax.axis_index("c")
        sid = lax.axis_index("s")
        wid = sid * NC + cid
        pltpu.sync_copy(ei_hbm.at[0, pl.ds(wid * EPW, EPW)],
                        src_v.at[pl.ds(0, EPW)])
        pltpu.sync_copy(ei_hbm.at[1, pl.ds(wid * EPW, EPW)],
                        dst_v.at[pl.ds(0, EPW)])
        _fill_pad(src_v, 0)
        _fill_pad(dst_v, N)
        pltpu.sync_copy(hs_hbm.at[pl.ds(sid * RPS, RPS)],
                        acc_sh.at[pl.ds(sid * RPS, RPS)])

        @pl.when(sid == NS - 1)
        def _():
            pltpu.sync_copy(hs_hbm.at[pl.ds(NS * RPS, RPS_TAIL)],
                            acc_sh.at[pl.ds(NS * RPS, RPS_TAIL)])

        plsc.subcore_barrier()

        def s_idx(g):
            return hs_hbm.at[src_v.at[pl.ds(g * CHUNK, CHUNK)]]

        def d_idx(g):
            return acc_sh.at[dst_v.at[pl.ds(g * CHUNK, CHUNK)]]

        NB = 8

        def wait_gather(g, b):
            pltpu.make_async_copy(s_idx(g), bufs[b], gsems[b]).wait()

        def wait_scatter(g, b):
            pltpu.make_async_copy(bufs[b], d_idx(g), ssems[b]).wait()

        for b in range(4):
            pltpu.async_copy(s_idx(b), bufs[b], gsems[b])
        for g in range(4):
            wait_gather(g, g)
            pltpu.async_copy(bufs[g], d_idx(g), ssems[g], add=True)
            b2 = (g + 4) % NB
            pltpu.async_copy(s_idx(g + 4), bufs[b2], gsems[b2])

        def body(t, carry):
            for b in range(NB):
                g = NB * t + 4 + b
                bb = (4 + b) % NB
                wait_gather(g, bb)
                pltpu.async_copy(bufs[bb], d_idx(g), ssems[bb], add=True)
                wait_scatter(g - 4, b)
                pltpu.async_copy(s_idx(g + 4), bufs[b], gsems[b])
            return carry

        lax.fori_loop(0, (NCHUNK - NB) // NB, body, 0)
        for g in range(NCHUNK - 4, NCHUNK):
            b = g % NB
            wait_gather(g, b)
            pltpu.async_copy(bufs[b], d_idx(g), ssems[b], add=True)
        for g in range(NCHUNK - NB, NCHUNK):
            b = g % NB
            wait_scatter(g, b)

        plsc.subcore_barrier()

        @pl.when(cid == 0)
        def _():
            pltpu.sync_copy(acc_sh.at[pl.ds(sid * RPS, RPS)],
                            acc0_out.at[pl.ds(sid * RPS, RPS)])

            @pl.when(sid == NS - 1)
            def _():
                pltpu.sync_copy(acc_sh.at[pl.ds(NS * RPS, RPS_TAIL)],
                                acc0_out.at[pl.ds(NS * RPS, RPS_TAIL)])

        @pl.when(cid == 1)
        def _():
            pltpu.sync_copy(acc_sh.at[pl.ds(sid * RPS, RPS)],
                            acc1_out.at[pl.ds(sid * RPS, RPS)])

            @pl.when(sid == NS - 1)
            def _():
                pltpu.sync_copy(acc_sh.at[pl.ds(NS * RPS, RPS_TAIL)],
                                acc1_out.at[pl.ds(NS * RPS, RPS_TAIL)])

    return edge_kernel


_edge64 = _make_edge_kernel(64)
_edge32 = _make_edge_kernel(32)


BN = 2000


def _dinv(deg0_ref, deg1_ref):
    return lax.rsqrt(deg0_ref[:, :1] + deg1_ref[:, :1] - 1.0)


def _deg_spec():
    return pl.BlockSpec((BN, DEG_W), lambda i: (i, 0))


def _tc_matmul(x, w0):
    def body(x_ref, w_ref, out_ref):
        out_ref[...] = jnp.dot(x_ref[...], w_ref[...],
                               preferred_element_type=jnp.float32)

    d_out = w0.shape[1]
    return pl.pallas_call(
        body,
        grid=(N // BN,),
        in_specs=[
            pl.BlockSpec((BN, F_IN), lambda i: (i, 0)),
            pl.BlockSpec((F_IN, d_out), lambda i: (0, 0)),
        ],
        out_specs=pl.BlockSpec((BN, d_out), lambda i: (i, 0)),
        out_shape=jax.ShapeDtypeStruct((N, d_out), jnp.float32),
    )(x, w0)


def _tc_scale(deg0, deg1, h):
    d_out = h.shape[1]

    def body(deg0_ref, deg1_ref, h_ref, out_ref):
        out_ref[...] = _dinv(deg0_ref, deg1_ref) * h_ref[...]

    return pl.pallas_call(
        body,
        grid=(N // BN,),
        in_specs=[
            _deg_spec(),
            _deg_spec(),
            pl.BlockSpec((BN, d_out), lambda i: (i, 0)),
        ],
        out_specs=pl.BlockSpec((BN, d_out), lambda i: (i, 0)),
        out_shape=jax.ShapeDtypeStruct((N, d_out), jnp.float32),
    )(deg0, deg1, h)


def _tc_mid(deg0, deg1, acc0, acc1, hs, w, b):
    d_in = hs.shape[1]
    d_out = w.shape[1]

    def body(deg0_ref, deg1_ref, a0_ref, a1_ref, hs_ref, w_ref, b_ref,
             out_ref):
        dinv = _dinv(deg0_ref, deg1_ref)
        a = a0_ref[...] + a1_ref[...] - hs_ref[...]
        h = jnp.maximum(dinv * a + b_ref[...], 0.0)
        hn = jnp.dot(h, w_ref[...], preferred_element_type=jnp.float32)
        out_ref[...] = dinv * hn

    return pl.pallas_call(
        body,
        grid=(N // BN,),
        in_specs=[
            _deg_spec(),
            _deg_spec(),
            pl.BlockSpec((BN, d_in), lambda i: (i, 0)),
            pl.BlockSpec((BN, d_in), lambda i: (i, 0)),
            pl.BlockSpec((BN, d_in), lambda i: (i, 0)),
            pl.BlockSpec((d_in, d_out), lambda i: (0, 0)),
            pl.BlockSpec((1, d_in), lambda i: (0, 0)),
        ],
        out_specs=pl.BlockSpec((BN, d_out), lambda i: (i, 0)),
        out_shape=jax.ShapeDtypeStruct((N, d_out), jnp.float32),
    )(deg0, deg1, acc0, acc1, hs, w, b)


def _tc_last(deg0, deg1, acc0, acc1, hs, b):
    d_in = hs.shape[1]

    def body(deg0_ref, deg1_ref, a0_ref, a1_ref, hs_ref, b_ref, out_ref):
        dinv = _dinv(deg0_ref, deg1_ref)
        a = a0_ref[...] + a1_ref[...] - hs_ref[...]
        out_ref[...] = jnp.maximum(dinv * a + b_ref[...], 0.0)

    return pl.pallas_call(
        body,
        grid=(N // BN,),
        in_specs=[
            _deg_spec(),
            _deg_spec(),
            pl.BlockSpec((BN, d_in), lambda i: (i, 0)),
            pl.BlockSpec((BN, d_in), lambda i: (i, 0)),
            pl.BlockSpec((BN, d_in), lambda i: (i, 0)),
            pl.BlockSpec((1, d_in), lambda i: (0, 0)),
        ],
        out_specs=pl.BlockSpec((BN, d_in), lambda i: (i, 0)),
        out_shape=jax.ShapeDtypeStruct((N, d_in), jnp.float32),
    )(deg0, deg1, acc0, acc1, hs, b)


def kernel(x, edge_index, batch, W0, b0, W1, b1, W2, b2):
    ones = jnp.ones((DEG_PAD, DEG_W), jnp.float32)

    deg0, deg1 = _deg_kernel(edge_index, ones)

    hs1 = _tc_scale(deg0, deg1, _tc_matmul(x, W0))
    a0, a1 = _edge64(hs1, edge_index)
    hs2 = _tc_mid(deg0, deg1, a0, a1, hs1, W1, b0.reshape(1, -1))
    a0, a1 = _edge32(hs2, edge_index)
    hs3 = _tc_mid(deg0, deg1, a0, a1, hs2, W2, b1.reshape(1, -1))
    a0, a1 = _edge32(hs3, edge_index)
    return _tc_last(deg0, deg1, a0, a1, hs3, b2.reshape(1, -1))

# --- scband reference (transcript-rebuilt; emitter-appended) ---
"""Pipeline reference for scband-encoder-70995809403109 (READ-ONLY COPY).

The authoritative reference and input builder live on the scoring server;
editing this copy changes nothing except your own understanding.
"""

import jax, jax.numpy as jnp
import numpy as np

N = 10000
E = 320000
HC = [128, 64, 32]


def setup_inputs(seed: int = 0) -> dict:
    key = jax.random.key(seed)
    ks = jax.random.split(key, 9)
    inp = {}
    inp["x"] = jax.random.normal(ks[0], (N, HC[0]), dtype=jnp.float32)
    inp["edge_index"] = jax.random.randint(ks[1], (2, E), 0, N, dtype=jnp.int32)
    inp["batch"] = jnp.zeros((N,), dtype=jnp.int32)
    dims = [(HC[0], HC[1]), (HC[1], HC[2]), (HC[2], HC[2])]
    for i, (din, dout) in enumerate(dims):
        scale = 1.0 / np.sqrt(din)
        inp[f"W{i}"] = jax.random.uniform(ks[2 + 2 * i], (din, dout), minval=-scale, maxval=scale, dtype=jnp.float32)
        inp[f"b{i}"] = jnp.zeros((dout,), dtype=jnp.float32)
    return inp


def _gcn_layer(x, src, dst, W, b, num_nodes):
    # GCNConv (improved=False, add_self_loops=True, normalize=True), edge_weight = ones
    loop = jnp.arange(num_nodes, dtype=src.dtype)
    s = jnp.concatenate([src, loop])
    d = jnp.concatenate([dst, loop])
    ew = jnp.ones(s.shape[0], dtype=x.dtype)
    deg = jnp.zeros((num_nodes,), dtype=x.dtype).at[d].add(ew)
    dinv = jnp.where(deg > 0, 1.0 / jnp.sqrt(deg), 0.0)
    norm = dinv[s] * ew * dinv[d]
    h = x @ W
    msg = norm[:, None] * h[s]
    out = jnp.zeros((num_nodes, W.shape[1]), dtype=x.dtype).at[d].add(msg)
    return out + b


def reference(x, edge_index, batch, W0, b0, W1, b1, W2, b2):
    # Encoder forward, gcn_type=5 (GCNConv, edge_weight = ones), Norm='N', pooling=None
    src = edge_index[0]
    dst = edge_index[1]
    h = x
    for W, b in ((W0, b0), (W1, b1), (W2, b2)):
        h = _gcn_layer(h, src, dst, W, b, N)
        h = jax.nn.relu(h)
    return h

if __name__ == "__main__":
    import jax
    _d = setup_inputs()
    print(jax.jit(kernel)(*tuple(_d.values())))

</pallas_src>

<mosaic_0001>
#map = affine_map<(d0, d1) -> (0, 0)>
module attributes {stable_mosaic.version = 14 : i64} {
  func.func @_deg_kernel(%arg0: i32, %arg1: i32, %arg2: memref<2x320000xi32, #tpu.memory_space<hbm>>, %arg3: memref<10240x8xf32, #tpu.memory_space<hbm>>, %arg4: memref<10240x8xf32, #tpu.memory_space<hbm>>, %arg5: memref<10240x8xf32, #tpu.memory_space<hbm>>, %arg6: memref<10240xi32, #tpu.memory_space<vmem>>, %arg7: memref<128x8xf32, #tpu.memory_space<vmem>>, %arg8: memref<10240x8xf32, #tpu.memory_space<vmem_shared>>, %arg9: memref<!tpu.dma_semaphore, #tpu.memory_space<semaphore_mem>>, %arg10: memref<!tpu.dma_semaphore, #tpu.memory_space<semaphore_mem>>, %arg11: memref<!tpu.dma_semaphore, #tpu.memory_space<semaphore_mem>>, %arg12: memref<!tpu.dma_semaphore, #tpu.memory_space<semaphore_mem>>) attributes {dimension_semantics = [#tpu.dimension_semantics<core_parallel>, #tpu.dimension_semantics<subcore_parallel>], iteration_bounds = array<i64: 2, 16>, scalar_prefetch = 0 : i64, scratch_operands = 7 : i64, tpu.core_type = #tpu.core_type<sc_vector_subcore>, window_params = [{transform_indices = #map}, {transform_indices = #map}, {transform_indices = #map}, {transform_indices = #map}]} {
    %mul3A = arith.constant 2 : i32
    %mul3A_0 = arith.muli %arg1, %mul3A : i32
    %add3A = arith.addi %mul3A_0, %arg0 : i32
    %mul3A_1 = arith.constant 10000 : i32
    %mul3A_2 = arith.muli %add3A, %mul3A_1 : i32
    %run_scoped3A = arith.constant 1 : i32
    "tpu.region"() ({
      %run_scoped3A_176 = tpu.sem_alloc : memref<!tpu.dma_semaphore, #tpu.memory_space<semaphore_mem>>
      %dma_start3A_177 = arith.constant 0 : i32
      %dma_start3A_178 = tpu.memref_slice %arg6[%dma_start3A_177] : memref<10240xi32, #tpu.memory_space<vmem>> -> memref<10000xi32, #tpu.memory_space<vmem>>
      %dma_start3A_179 = tpu.memref_slice %arg2[%run_scoped3A, %mul3A_2] : memref<2x320000xi32, #tpu.memory_space<hbm>> -> memref<1x10000xi32, #tpu.memory_space<hbm>>
      %dma_start3A_180 = tpu.memref_squeeze %dma_start3A_179 : memref<1x10000xi32, #tpu.memory_space<hbm>> -> memref<10000xi32, #tpu.memory_space<hbm>>
      %dma_start3A_181 = arith.constant 0 : i32
      %dma_start3A_182 = tpu.memref_slice %arg6[%dma_start3A_181] : memref<10240xi32, #tpu.memory_space<vmem>> -> memref<10000xi32, #tpu.memory_space<vmem>>
      %dma_start3A_183 = tpu.memref_slice %arg2[%run_scoped3A, %mul3A_2] : memref<2x320000xi32, #tpu.memory_space<hbm>> -> memref<1x10000xi32, #tpu.memory_space<hbm>>
      %dma_start3A_184 = tpu.memref_squeeze %dma_start3A_183 : memref<1x10000xi32, #tpu.memory_space<hbm>> -> memref<10000xi32, #tpu.memory_space<hbm>>
      tpu.enqueue_dma source(%dma_start3A_184 : memref<10000xi32, #tpu.memory_space<hbm>>) target(%dma_start3A_182 : memref<10000xi32, #tpu.memory_space<vmem>>) target_semaphore(%run_scoped3A_176 : memref<!tpu.dma_semaphore, #tpu.memory_space<semaphore_mem>>)
      %dma_wait3A_185 = arith.constant 0 : i32
      %dma_wait3A_186 = tpu.memref_slice %arg6[%dma_wait3A_185] : memref<10240xi32, #tpu.memory_space<vmem>> -> memref<10000xi32, #tpu.memory_space<vmem>>
      %dma_wait3A_187 = tpu.memref_slice %arg2[%run_scoped3A, %mul3A_2] : memref<2x320000xi32, #tpu.memory_space<hbm>> -> memref<1x10000xi32, #tpu.memory_space<hbm>>
      %dma_wait3A_188 = tpu.memref_squeeze %dma_wait3A_187 : memref<1x10000xi32, #tpu.memory_space<hbm>> -> memref<10000xi32, #tpu.memory_space<hbm>>
      %dma_wait3A_189 = arith.constant 0 : i32
      %dma_wait3A_190 = tpu.memref_slice %arg6[%dma_wait3A_189] : memref<10240xi32, #tpu.memory_space<vmem>> -> memref<10000xi32, #tpu.memory_space<vmem>>
      %dma_wait3A_191 = tpu.memref_slice %arg2[%run_scoped3A, %mul3A_2] : memref<2x320000xi32, #tpu.memory_space<hbm>> -> memref<1x10000xi32, #tpu.memory_space<hbm>>
      %dma_wait3A_192 = tpu.memref_squeeze %dma_wait3A_191 : memref<1x10000xi32, #tpu.memory_space<hbm>> -> memref<10000xi32, #tpu.memory_space<hbm>>
      tpu.wait_dma2 semaphore(%run_scoped3A_176 : memref<!tpu.dma_semaphore, #tpu.memory_space<semaphore_mem>>) src(%dma_wait3A_192 : memref<10000xi32, #tpu.memory_space<hbm>>) dst(%dma_wait3A_190 : memref<10000xi32, #tpu.memory_space<vmem>>)
      tpu.yield
    }) : () -> ()
    %iota3A = tpu.iota {dimensions = array<i32: 0>} : vector<16xi32>
    %add3A_3 = arith.constant 10000 : i32
    %add3A_4 = vector.broadcast %add3A_3 : i32 to vector<16xi32>
    %add3A_5 = arith.addi %iota3A, %add3A_4 : vector<16xi32>
    %swap3A = arith.constant 10000 : index
    %swap3A_6 = tpu.vector_load %arg6[%swap3A] {strides = array<i32>} : memref<10240xi32, #tpu.memory_space<vmem>>, vector<16xi32>,
    %swap3A_7 = vector.shape_cast %swap3A_6 : vector<16xi32> to vector<16xi32>
    %swap3A_8 = vector.shape_cast %add3A_5 : vector<16xi32> to vector<16xi32>
    tpu.vector_store %arg6[%swap3A], %swap3A_8 {strides = array<i32>} : memref<10240xi32, #tpu.memory_space<vmem>>, vector<16xi32>,
    %iota3A_9 = tpu.iota {dimensions = array<i32: 0>} : vector<16xi32>
    %add3A_10 = arith.constant 10016 : i32
    %add3A_11 = vector.broadcast %add3A_10 : i32 to vector<16xi32>
    %add3A_12 = arith.addi %iota3A_9, %add3A_11 : vector<16xi32>
    %swap3A_13 = arith.constant 10016 : index
    %swap3A_14 = tpu.vector_load %arg6[%swap3A_13] {strides = array<i32>} : memref<10240xi32, #tpu.memory_space<vmem>>, vector<16xi32>,
    %swap3A_15 = vector.shape_cast %swap3A_14 : vector<16xi32> to vector<16xi32>
    %swap3A_16 = vector.shape_cast %add3A_12 : vector<16xi32> to vector<16xi32>
    tpu.vector_store %arg6[%swap3A_13], %swap3A_16 {strides = array<i32>} : memref<10240xi32, #tpu.memory_space<vmem>>, vector<16xi32>,
    %iota3A_17 = tpu.iota {dimensions = array<i32: 0>} : vector<16xi32>
    %add3A_18 = arith.constant 10032 : i32
    %add3A_19 = vector.broadcast %add3A_18 : i32 to vector<16xi32>
    %add3A_20 = arith.addi %iota3A_17, %add3A_19 : vector<16xi32>
    %swap3A_21 = arith.constant 10032 : index
    %swap3A_22 = tpu.vector_load %arg6[%swap3A_21] {strides = array<i32>} : memref<10240xi32, #tpu.memory_space<vmem>>, vector<16xi32>,
    %swap3A_23 = vector.shape_cast %swap3A_22 : vector<16xi32> to vector<16xi32>
    %swap3A_24 = vector.shape_cast %add3A_20 : vector<16xi32> to vector<16xi32>
    tpu.vector_store %arg6[%swap3A_21], %swap3A_24 {strides = array<i32>} : memref<10240xi32, #tpu.memory_space<vmem>>, vector<16xi32>,
    %iota3A_25 = tpu.iota {dimensions = array<i32: 0>} : vector<16xi32>
    %add3A_26 = arith.constant 10048 : i32
    %add3A_27 = vector.broadcast %add3A_26 : i32 to vector<16xi32>
    %add3A_28 = arith.addi %iota3A_25, %add3A_27 : vector<16xi32>
    %swap3A_29 = arith.constant 10048 : index
    %swap3A_30 = tpu.vector_load %arg6[%swap3A_29] {strides = array<i32>} : memref<10240xi32, #tpu.memory_space<vmem>>, vector<16xi32>,
    %swap3A_31 = vector.shape_cast %swap3A_30 : vector<16xi32> to vector<16xi32>
    %swap3A_32 = vector.shape_cast %add3A_28 : vector<16xi32> to vector<16xi32>
    tpu.vector_store %arg6[%swap3A_29], %swap3A_32 {strides = array<i32>} : memref<10240xi32, #tpu.memory_space<vmem>>, vector<16xi32>,
    %iota3A_33 = tpu.iota {dimensions = array<i32: 0>} : vector<16xi32>
    %add3A_34 = arith.constant 10064 : i32
    %add3A_35 = vector.broadcast %add3A_34 : i32 to vector<16xi32>
    %add3A_36 = arith.addi %iota3A_33, %add3A_35 : vector<16xi32>
    %swap3A_37 = arith.constant 10064 : index
    %swap3A_38 = tpu.vector_load %arg6[%swap3A_37] {strides = array<i32>} : memref<10240xi32, #tpu.memory_space<vmem>>, vector<16xi32>,
    %swap3A_39 = vector.shape_cast %swap3A_38 : vector<16xi32> to vector<16xi32>
    %swap3A_40 = vector.shape_cast %add3A_36 : vector<16xi32> to vector<16xi32>
    tpu.vector_store %arg6[%swap3A_37], %swap3A_40 {strides = array<i32>} : memref<10240xi32, #tpu.memory_space<vmem>>, vector<16xi32>,
    %iota3A_41 = tpu.iota {dimensions = array<i32: 0>} : vector<16xi32>
    %add3A_42 = arith.constant 10080 : i32
    %add3A_43 = vector.broadcast %add3A_42 : i32 to vector<16xi32>
    %add3A_44 = arith.addi %iota3A_41, %add3A_43 : vector<16xi32>
    %swap3A_45 = arith.constant 10080 : index
    %swap3A_46 = tpu.vector_load %arg6[%swap3A_45] {strides = array<i32>} : memref<10240xi32, #tpu.memory_space<vmem>>, vector<16xi32>,
    %swap3A_47 = vector.shape_cast %swap3A_46 : vector<16xi32> to vector<16xi32>
    %swap3A_48 = vector.shape_cast %add3A_44 : vector<16xi32> to vector<16xi32>
    tpu.vector_store %arg6[%swap3A_45], %swap3A_48 {strides = array<i32>} : memref<10240xi32, #tpu.memory_space<vmem>>, vector<16xi32>,
    %iota3A_49 = tpu.iota {dimensions = array<i32: 0>} : vector<16xi32>
    %add3A_50 = arith.constant 10096 : i32
    %add3A_51 = vector.broadcast %add3A_50 : i32 to vector<16xi32>
    %add3A_52 = arith.addi %iota3A_49, %add3A_51 : vector<16xi32>
    %swap3A_53 = arith.constant 10096 : index
    %swap3A_54 = tpu.vector_load %arg6[%swap3A_53] {strides = array<i32>} : memref<10240xi32, #tpu.memory_space<vmem>>, vector<16xi32>,
    %swap3A_55 = vector.shape_cast %swap3A_54 : vector<16xi32> to vector<16xi32>
    %swap3A_56 = vector.shape_cast %add3A_52 : vector<16xi32> to vector<16xi32>
    tpu.vector_store %arg6[%swap3A_53], %swap3A_56 {strides = array<i32>} : memref<10240xi32, #tpu.memory_space<vmem>>, vector<16xi32>,
    %iota3A_57 = tpu.iota {dimensions = array<i32: 0>} : vector<16xi32>
    %add3A_58 = arith.constant 10112 : i32
    %add3A_59 = vector.broadcast %add3A_58 : i32 to vector<16xi32>
    %add3A_60 = arith.addi %iota3A_57, %add3A_59 : vector<16xi32>
    %swap3A_61 = arith.constant 10112 : index
    %swap3A_62 = tpu.vector_load %arg6[%swap3A_61] {strides = array<i32>} : memref<10240xi32, #tpu.memory_space<vmem>>, vector<16xi32>,
    %swap3A_63 = vector.shape_cast %swap3A_62 : vector<16xi32> to vector<16xi32>
    %swap3A_64 = vector.shape_cast %add3A_60 : vector<16xi32> to vector<16xi32>
    tpu.vector_store %arg6[%swap3A_61], %swap3A_64 {strides = array<i32>} : memref<10240xi32, #tpu.memory_space<vmem>>, vector<16xi32>,
    %iota3A_65 = tpu.iota {dimensions = array<i32: 0>} : vector<16xi32>
    %add3A_66 = arith.constant 10128 : i32
    %add3A_67 = vector.broadcast %add3A_66 : i32 to vector<16xi32>
    %add3A_68 = arith.addi %iota3A_65, %add3A_67 : vector<16xi32>
    %swap3A_69 = arith.constant 10128 : index
    %swap3A_70 = tpu.vector_load %arg6[%swap3A_69] {strides = array<i32>} : memref<10240xi32, #tpu.memory_space<vmem>>, vector<16xi32>,
    %swap3A_71 = vector.shape_cast %swap3A_70 : vector<16xi32> to vector<16xi32>
    %swap3A_72 = vector.shape_cast %add3A_68 : vector<16xi32> to vector<16xi32>
    tpu.vector_store %arg6[%swap3A_69], %swap3A_72 {strides = array<i32>} : memref<10240xi32, #tpu.memory_space<vmem>>, vector<16xi32>,
    %iota3A_73 = tpu.iota {dimensions = array<i32: 0>} : vector<16xi32>
    %add3A_74 = arith.constant 10144 : i32
    %add3A_75 = vector.broadcast %add3A_74 : i32 to vector<16xi32>
    %add3A_76 = arith.addi %iota3A_73, %add3A_75 : vector<16xi32>
    %swap3A_77 = arith.constant 10144 : index
    %swap3A_78 = tpu.vector_load %arg6[%swap3A_77] {strides = array<i32>} : memref<10240xi32, #tpu.memory_space<vmem>>, vector<16xi32>,
    %swap3A_79 = vector.shape_cast %swap3A_78 : vector<16xi32> to vector<16xi32>
    %swap3A_80 = vector.shape_cast %add3A_76 : vector<16xi32> to vector<16xi32>
    tpu.vector_store %arg6[%swap3A_77], %swap3A_80 {strides = array<i32>} : memref<10240xi32, #tpu.memory_space<vmem>>, vector<16xi32>,
    %iota3A_81 = tpu.iota {dimensions = array<i32: 0>} : vector<16xi32>
    %add3A_82 = arith.constant 10160 : i32
    %add3A_83 = vector.broadcast %add3A_82 : i32 to vector<16xi32>
    %add3A_84 = arith.addi %iota3A_81, %add3A_83 : vector<16xi32>
    %swap3A_85 = arith.constant 10160 : index
    %swap3A_86 = tpu.vector_load %arg6[%swap3A_85] {strides = array<i32>} : memref<10240xi32, #tpu.memory_space<vmem>>, vector<16xi32>,
    %swap3A_87 = vector.shape_cast %swap3A_86 : vector<16xi32> to vector<16xi32>
    %swap3A_88 = vector.shape_cast %add3A_84 : vector<16xi32> to vector<16xi32>
    tpu.vector_store %arg6[%swap3A_85], %swap3A_88 {strides = array<i32>} : memref<10240xi32, #tpu.memory_space<vmem>>, vector<16xi32>,
    %iota3A_89 = tpu.iota {dimensions = array<i32: 0>} : vector<16xi32>
    %add3A_90 = arith.constant 10176 : i32
    %add3A_91 = vector.broadcast %add3A_90 : i32 to vector<16xi32>
    %add3A_92 = arith.addi %iota3A_89, %add3A_91 : vector<16xi32>
    %swap3A_93 = arith.constant 10176 : index
    %swap3A_94 = tpu.vector_load %arg6[%swap3A_93] {strides = array<i32>} : memref<10240xi32, #tpu.memory_space<vmem>>, vector<16xi32>,
    %swap3A_95 = vector.shape_cast %swap3A_94 : vector<16xi32> to vector<16xi32>
    %swap3A_96 = vector.shape_cast %add3A_92 : vector<16xi32> to vector<16xi32>
    tpu.vector_store %arg6[%swap3A_93], %swap3A_96 {strides = array<i32>} : memref<10240xi32, #tpu.memory_space<vmem>>, vector<16xi32>,
    %iota3A_97 = tpu.iota {dimensions = array<i32: 0>} : vector<16xi32>
    %add3A_98 = arith.constant 10192 : i32
    %add3A_99 = vector.broadcast %add3A_98 : i32 to vector<16xi32>
    %add3A_100 = arith.addi %iota3A_97, %add3A_99 : vector<16xi32>
    %swap3A_101 = arith.constant 10192 : index
    %swap3A_102 = tpu.vector_load %arg6[%swap3A_101] {strides = array<i32>} : memref<10240xi32, #tpu.memory_space<vmem>>, vector<16xi32>,
    %swap3A_103 = vector.shape_cast %swap3A_102 : vector<16xi32> to vector<16xi32>
    %swap3A_104 = vector.shape_cast %add3A_100 : vector<16xi32> to vector<16xi32>
    tpu.vector_store %arg6[%swap3A_101], %swap3A_104 {strides = array<i32>} : memref<10240xi32, #tpu.memory_space<vmem>>, vector<16xi32>,
    %iota3A_105 = tpu.iota {dimensions = array<i32: 0>} : vector<16xi32>
    %add3A_106 = arith.constant 10208 : i32
    %add3A_107 = vector.broadcast %add3A_106 : i32 to vector<16xi32>
    %add3A_108 = arith.addi %iota3A_105, %add3A_107 : vector<16xi32>
    %swap3A_109 = arith.constant 10208 : index
    %swap3A_110 = tpu.vector_load %arg6[%swap3A_109] {strides = array<i32>} : memref<10240xi32, #tpu.memory_space<vmem>>, vector<16xi32>,
    %swap3A_111 = vector.shape_cast %swap3A_110 : vector<16xi32> to vector<16xi32>
    %swap3A_112 = vector.shape_cast %add3A_108 : vector<16xi32> to vector<16xi32>
    tpu.vector_store %arg6[%swap3A_109], %swap3A_112 {strides = array<i32>} : memref<10240xi32, #tpu.memory_space<vmem>>, vector<16xi32>,
    %iota3A_113 = tpu.iota {dimensions = array<i32: 0>} : vector<16xi32>
    %add3A_114 = arith.constant 10224 : i32
    %add3A_115 = vector.broadcast %add3A_114 : i32 to vector<16xi32>
    %add3A_116 = arith.addi %iota3A_113, %add3A_115 : vector<16xi32>
    %swap3A_117 = arith.constant 10224 : index
    %swap3A_118 = tpu.vector_load %arg6[%swap3A_117] {strides = array<i32>} : memref<10240xi32, #tpu.memory_space<vmem>>, vector<16xi32>,
    %swap3A_119 = vector.shape_cast %swap3A_118 : vector<16xi32> to vector<16xi32>
    %swap3A_120 = vector.shape_cast %add3A_116 : vector<16xi32> to vector<16xi32>
    tpu.vector_store %arg6[%swap3A_117], %swap3A_120 {strides = array<i32>} : memref<10240xi32, #tpu.memory_space<vmem>>, vector<16xi32>,
    "tpu.region"() ({
      %run_scoped3A_176 = tpu.sem_alloc : memref<!tpu.dma_semaphore, #tpu.memory_space<semaphore_mem>>
      %dma_start3A_177 = arith.constant 0 : i32
      %dma_start3A_178 = arith.constant 0 : i32
      %dma_start3A_179 = tpu.memref_slice %arg3[%dma_start3A_177, %dma_start3A_178] : memref<10240x8xf32, #tpu.memory_space<hbm>> -> memref<128x8xf32, #tpu.memory_space<hbm>>
      %dma_start3A_180 = arith.constant 0 : i32
      %dma_start3A_181 = arith.constant 0 : i32
      %dma_start3A_182 = tpu.memref_slice %arg3[%dma_start3A_180, %dma_start3A_181] : memref<10240x8xf32, #tpu.memory_space<hbm>> -> memref<128x8xf32, #tpu.memory_space<hbm>>
      tpu.enqueue_dma source(%dma_start3A_182 : memref<128x8xf32, #tpu.memory_space<hbm>>) target(%arg7 : memref<128x8xf32, #tpu.memory_space<vmem>>) target_semaphore(%run_scoped3A_176 : memref<!tpu.dma_semaphore, #tpu.memory_space<semaphore_mem>>)
      %dma_wait3A_183 = arith.constant 0 : i32
      %dma_wait3A_184 = arith.constant 0 : i32
      %dma_wait3A_185 = tpu.memref_slice %arg3[%dma_wait3A_183, %dma_wait3A_184] : memref<10240x8xf32, #tpu.memory_space<hbm>> -> memref<128x8xf32, #tpu.memory_space<hbm>>
      %dma_wait3A_186 = arith.constant 0 : i32
      %dma_wait3A_187 = arith.constant 0 : i32
      %dma_wait3A_188 = tpu.memref_slice %arg3[%dma_wait3A_186, %dma_wait3A_187] : memref<10240x8xf32, #tpu.memory_space<hbm>> -> memref<128x8xf32, #tpu.memory_space<hbm>>
      tpu.wait_dma2 semaphore(%run_scoped3A_176 : memref<!tpu.dma_semaphore, #tpu.memory_space<semaphore_mem>>) src(%dma_wait3A_188 : memref<128x8xf32, #tpu.memory_space<hbm>>) dst(%arg7 : memref<128x8xf32, #tpu.memory_space<vmem>>)
      tpu.yield
    }) : () -> ()
    %mul3A_121 = arith.constant 640 : i32
    %mul3A_122 = arith.muli %arg1, %mul3A_121 : i32
    %mul3A_123 = arith.constant 640 : i32
    %mul3A_124 = arith.muli %arg1, %mul3A_123 : i32
    "tpu.region"() ({
      %run_scoped3A_176 = tpu.sem_alloc : memref<!tpu.dma_semaphore, #tpu.memory_space<semaphore_mem>>
      %dma_start3A_177 = arith.constant 0 : i32
      %dma_start3A_178 = tpu.memref_slice %arg8[%mul3A_124, %dma_start3A_177] : memref<10240x8xf32, #tpu.memory_space<vmem_shared>> -> memref<640x8xf32, #tpu.memory_space<vmem_shared>>
      %dma_start3A_179 = arith.constant 0 : i32
      %dma_start3A_180 = tpu.memref_slice %arg3[%mul3A_122, %dma_start3A_179] : memref<10240x8xf32, #tpu.memory_space<hbm>> -> memref<640x8xf32, #tpu.memory_space<hbm>>
      tpu.enqueue_dma source(%dma_start3A_180 : memref<640x8xf32, #tpu.memory_space<hbm>>) target(%dma_start3A_178 : memref<640x8xf32, #tpu.memory_space<vmem_shared>>) target_semaphore(%run_scoped3A_176 : memref<!tpu.dma_semaphore, #tpu.memory_space<semaphore_mem>>)
      %dma_wait3A_181 = arith.constant 0 : i32
      %dma_wait3A_182 = tpu.memref_slice %arg8[%mul3A_124, %dma_wait3A_181] : memref<10240x8xf32, #tpu.memory_space<vmem_shared>> -> memref<640x8xf32, #tpu.memory_space<vmem_shared>>
      %dma_wait3A_183 = arith.constant 0 : i32
      %dma_wait3A_184 = tpu.memref_slice %arg3[%mul3A_122, %dma_wait3A_183] : memref<10240x8xf32, #tpu.memory_space<hbm>> -> memref<640x8xf32, #tpu.memory_space<hbm>>
      tpu.wait_dma2 semaphore(%run_scoped3A_176 : memref<!tpu.dma_semaphore, #tpu.memory_space<semaphore_mem>>) src(%dma_wait3A_184 : memref<640x8xf32, #tpu.memory_space<hbm>>) dst(%dma_wait3A_182 : memref<640x8xf32, #tpu.memory_space<vmem_shared>>)
      tpu.yield
    }) : () -> ()
    %barrier3A = arith.constant 0 : index
    tpu.barrier barrier_id(%barrier3A)
    %dma_start3A = arith.constant 0 : i32
    %dma_start3A_125 = tpu.memref_slice %arg6[%dma_start3A] : memref<10240xi32, #tpu.memory_space<vmem>> -> memref<128xi32, #tpu.memory_space<vmem>>
    %dma_start3A_126 = arith.constant 0 : i32
    %dma_start3A_127 = arith.constant 0 : i32
    %dma_start3A_128 = tpu.memref_slice %arg8[%dma_start3A_126, %dma_start3A_127] : memref<10240x8xf32, #tpu.memory_space<vmem_shared>> -> memref<10240x8xf32, #tpu.memory_space<vmem_shared>>
    tpu.enqueue_indirect_dma source(%arg7 : memref<128x8xf32, #tpu.memory_space<vmem>>) target(%dma_start3A_128 : memref<10240x8xf32, #tpu.memory_space<vmem_shared>>) offsets(%dma_start3A_125 : memref<128xi32, #tpu.memory_space<vmem>>) semaphore(%arg9 : memref<!tpu.dma_semaphore, #tpu.memory_space<semaphore_mem>>) {add = true}
    %dma_start3A_129 = arith.constant 128 : i32
    %dma_start3A_130 = tpu.memref_slice %arg6[%dma_start3A_129] : memref<10240xi32, #tpu.memory_space<vmem>> -> memref<128xi32, #tpu.memory_space<vmem>>
    %dma_start3A_131 = arith.constant 0 : i32
    %dma_start3A_132 = arith.constant 0 : i32
    %dma_start3A_133 = tpu.memref_slice %arg8[%dma_start3A_131, %dma_start3A_132] : memref<10240x8xf32, #tpu.memory_space<vmem_shared>> -> memref<10240x8xf32, #tpu.memory_space<vmem_shared>>
    tpu.enqueue_indirect_dma source(%arg7 : memref<128x8xf32, #tpu.memory_space<vmem>>) target(%dma_start3A_133 : memref<10240x8xf32, #tpu.memory_space<vmem_shared>>) offsets(%dma_start3A_130 : memref<128xi32, #tpu.memory_space<vmem>>) semaphore(%arg10 : memref<!tpu.dma_semaphore, #tpu.memory_space<semaphore_mem>>) {add = true}
    %dma_start3A_134 = arith.constant 256 : i32
    %dma_start3A_135 = tpu.memref_slice %arg6[%dma_start3A_134] : memref<10240xi32, #tpu.memory_space<vmem>> -> memref<128xi32, #tpu.memory_space<vmem>>
    %dma_start3A_136 = arith.constant 0 : i32
    %dma_start3A_137 = arith.constant 0 : i32
    %dma_start3A_138 = tpu.memref_slice %arg8[%dma_start3A_136, %dma_start3A_137] : memref<10240x8xf32, #tpu.memory_space<vmem_shared>> -> memref<10240x8xf32, #tpu.memory_space<vmem_shared>>
    tpu.enqueue_indirect_dma source(%arg7 : memref<128x8xf32, #tpu.memory_space<vmem>>) target(%dma_start3A_138 : memref<10240x8xf32, #tpu.memory_space<vmem_shared>>) offsets(%dma_start3A_135 : memref<128xi32, #tpu.memory_space<vmem>>) semaphore(%arg11 : memref<!tpu.dma_semaphore, #tpu.memory_space<semaphore_mem>>) {add = true}
    %dma_start3A_139 = arith.constant 384 : i32
    %dma_start3A_140 = tpu.memref_slice %arg6[%dma_start3A_139] : memref<10240xi32, #tpu.memory_space<vmem>> -> memref<128xi32, #tpu.memory_space<vmem>>
    %dma_start3A_141 = arith.constant 0 : i32
    %dma_start3A_142 = arith.constant 0 : i32
    %dma_start3A_143 = tpu.memref_slice %arg8[%dma_start3A_141, %dma_start3A_142] : memref<10240x8xf32, #tpu.memory_space<vmem_shared>> -> memref<10240x8xf32, #tpu.memory_space<vmem_shared>>
    tpu.enqueue_indirect_dma source(%arg7 : memref<128x8xf32, #tpu.memory_space<vmem>>) target(%dma_start3A_143 : memref<10240x8xf32, #tpu.memory_space<vmem_shared>>) offsets(%dma_start3A_140 : memref<128xi32, #tpu.memory_space<vmem>>) semaphore(%arg12 : memref<!tpu.dma_semaphore, #tpu.memory_space<semaphore_mem>>) {add = true}
    %scan3A = arith.constant 0 : i32
    %scan3A_144 = arith.constant 0 : i32
    %scan3A_145 = arith.constant 19 : i32
    %scan3A_146 = arith.addi %scan3A_144, %scan3A_145 : i32
    %scan3A_147 = arith.constant 1 : i32
    scf.for %scan3A_176 = %scan3A_144 to %scan3A_146 step %scan3A_147  : i32 {
      %mul3A_177 = arith.constant 4 : i32
      %mul3A_178 = arith.muli %mul3A_177, %scan3A_176 : i32
      %add3A_179 = arith.constant 4 : i32
      %add3A_180 = arith.addi %mul3A_178, %add3A_179 : i32
      %add3A_181 = arith.constant 0 : i32
      %add3A_182 = arith.addi %add3A_180, %add3A_181 : i32
      %sub3A = arith.constant 4 : i32
      %sub3A_183 = arith.subi %add3A_182, %sub3A : i32
      %mul3A_184 = arith.constant 128 : i32
      %mul3A_185 = arith.muli %sub3A_183, %mul3A_184 : i32
      %dma_wait3A_186 = tpu.memref_slice %arg6[%mul3A_185] : memref<10240xi32, #tpu.memory_space<vmem>> -> memref<128xi32, #tpu.memory_space<vmem>>
      %dma_wait3A_187 = arith.constant 0 : i32
      %dma_wait3A_188 = arith.constant 0 : i32
      %dma_wait3A_189 = tpu.memref_slice %arg8[%dma_wait3A_187, %dma_wait3A_188] : memref<10240x8xf32, #tpu.memory_space<vmem_shared>> -> memref<10240x8xf32, #tpu.memory_space<vmem_shared>>
      tpu.wait_indirect_dma semaphore(%arg9 : memref<!tpu.dma_semaphore, #tpu.memory_space<semaphore_mem>>) src(%arg7 : memref<128x8xf32, #tpu.memory_space<vmem>>) dst(%dma_wait3A_189 : memref<10240x8xf32, #tpu.memory_space<vmem_shared>>)
      %mul3A_190 = arith.constant 128 : i32
      %mul3A_191 = arith.muli %add3A_182, %mul3A_190 : i32
      %dma_start3A_192 = tpu.memref_slice %arg6[%mul3A_191] : memref<10240xi32, #tpu.memory_space<vmem>> -> memref<128xi32, #tpu.memory_space<vmem>>
      %dma_start3A_193 = arith.constant 0 : i32
      %dma_start3A_194 = arith.constant 0 : i32
      %dma_start3A_195 = tpu.memref_slice %arg8[%dma_start3A_193, %dma_start3A_194] : memref<10240x8xf32, #tpu.memory_space<vmem_shared>> -> memref<10240x8xf32, #tpu.memory_space<vmem_shared>>
      tpu.enqueue_indirect_dma source(%arg7 : memref<128x8xf32, #tpu.memory_space<vmem>>) target(%dma_start3A_195 : memref<10240x8xf32, #tpu.memory_space<vmem_shared>>) offsets(%dma_start3A_192 : memref<128xi32, #tpu.memory_space<vmem>>) semaphore(%arg9 : memref<!tpu.dma_semaphore, #tpu.memory_space<semaphore_mem>>) {add = true}
      %mul3A_196 = arith.constant 4 : i32
      %mul3A_197 = arith.muli %mul3A_196, %scan3A_176 : i32
      %add3A_198 = arith.constant 4 : i32
      %add3A_199 = arith.addi %mul3A_197, %add3A_198 : i32
      %add3A_200 = arith.constant 1 : i32
      %add3A_201 = arith.addi %add3A_199, %add3A_200 : i32
      %sub3A_202 = arith.constant 4 : i32
      %sub3A_203 = arith.subi %add3A_201, %sub3A_202 : i32
      %mul3A_204 = arith.constant 128 : i32
      %mul3A_205 = arith.muli %sub3A_203, %mul3A_204 : i32
      %dma_wait3A_206 = tpu.memref_slice %arg6[%mul3A_205] : memref<10240xi32, #tpu.memory_space<vmem>> -> memref<128xi32, #tpu.memory_space<vmem>>
      %dma_wait3A_207 = arith.constant 0 : i32
      %dma_wait3A_208 = arith.constant 0 : i32
      %dma_wait3A_209 = tpu.memref_slice %arg8[%dma_wait3A_207, %dma_wait3A_208] : memref<10240x8xf32, #tpu.memory_space<vmem_shared>> -> memref<10240x8xf32, #tpu.memory_space<vmem_shared>>
      tpu.wait_indirect_dma semaphore(%arg10 : memref<!tpu.dma_semaphore, #tpu.memory_space<semaphore_mem>>) src(%arg7 : memref<128x8xf32, #tpu.memory_space<vmem>>) dst(%dma_wait3A_209 : memref<10240x8xf32, #tpu.memory_space<vmem_shared>>)
      %mul3A_210 = arith.constant 128 : i32
      %mul3A_211 = arith.muli %add3A_201, %mul3A_210 : i32
      %dma_start3A_212 = tpu.memref_slice %arg6[%mul3A_211] : memref<10240xi32, #tpu.memory_space<vmem>> -> memref<128xi32, #tpu.memory_space<vmem>>
      %dma_start3A_213 = arith.constant 0 : i32
      %dma_start3A_214 = arith.constant 0 : i32
      %dma_start3A_215 = tpu.memref_slice %arg8[%dma_start3A_213, %dma_start3A_214] : memref<10240x8xf32, #tpu.memory_space<vmem_shared>> -> memref<10240x8xf32, #tpu.memory_space<vmem_shared>>
      tpu.enqueue_indirect_dma source(%arg7 : memref<128x8xf32, #tpu.memory_space<vmem>>) target(%dma_start3A_215 : memref<10240x8xf32, #tpu.memory_space<vmem_shared>>) offsets(%dma_start3A_212 : memref<128xi32, #tpu.memory_space<vmem>>) semaphore(%arg10 : memref<!tpu.dma_semaphore, #tpu.memory_space<semaphore_mem>>) {add = true}
      %mul3A_216 = arith.constant 4 : i32
      %mul3A_217 = arith.muli %mul3A_216, %scan3A_176 : i32
      %add3A_218 = arith.constant 4 : i32
      %add3A_219 = arith.addi %mul3A_217, %add3A_218 : i32
      %add3A_220 = arith.constant 2 : i32
      %add3A_221 = arith.addi %add3A_219, %add3A_220 : i32
      %sub3A_222 = arith.constant 4 : i32
      %sub3A_223 = arith.subi %add3A_221, %sub3A_222 : i32
      %mul3A_224 = arith.constant 128 : i32
      %mul3A_225 = arith.muli %sub3A_223, %mul3A_224 : i32
      %dma_wait3A_226 = tpu.memref_slice %arg6[%mul3A_225] : memref<10240xi32, #tpu.memory_space<vmem>> -> memref<128xi32, #tpu.memory_space<vmem>>
      %dma_wait3A_227 = arith.constant 0 : i32
      %dma_wait3A_228 = arith.constant 0 : i32
      %dma_wait3A_229 = tpu.memref_slice %arg8[%dma_wait3A_227, %dma_wait3A_228] : memref<10240x8xf32, #tpu.memory_space<vmem_shared>> -> memref<10240x8xf32, #tpu.memory_space<vmem_shared>>
      tpu.wait_indirect_dma semaphore(%arg11 : memref<!tpu.dma_semaphore, #tpu.memory_space<semaphore_mem>>) src(%arg7 : memref<128x8xf32, #tpu.memory_space<vmem>>) dst(%dma_wait3A_229 : memref<10240x8xf32, #tpu.memory_space<vmem_shared>>)
      %mul3A_230 = arith.constant 128 : i32
      %mul3A_231 = arith.muli %add3A_221, %mul3A_230 : i32
      %dma_start3A_232 = tpu.memref_slice %arg6[%mul3A_231] : memref<10240xi32, #tpu.memory_space<vmem>> -> memref<128xi32, #tpu.memory_space<vmem>>
      %dma_start3A_233 = arith.constant 0 : i32
      %dma_start3A_234 = arith.constant 0 : i32
      %dma_start3A_235 = tpu.memref_slice %arg8[%dma_start3A_233, %dma_start3A_234] : memref<10240x8xf32, #tpu.memory_space<vmem_shared>> -> memref<10240x8xf32, #tpu.memory_space<vmem_shared>>
      tpu.enqueue_indirect_dma source(%arg7 : memref<128x8xf32, #tpu.memory_space<vmem>>) target(%dma_start3A_235 : memref<10240x8xf32, #tpu.memory_space<vmem_shared>>) offsets(%dma_start3A_232 : memref<128xi32, #tpu.memory_space<vmem>>) semaphore(%arg11 : memref<!tpu.dma_semaphore, #tpu.memory_space<semaphore_mem>>) {add = true}
      %mul3A_236 = arith.constant 4 : i32
      %mul3A_237 = arith.muli %mul3A_236, %scan3A_176 : i32
      %add3A_238 = arith.constant 4 : i32
      %add3A_239 = arith.addi %mul3A_237, %add3A_238 : i32
      %add3A_240 = arith.constant 3 : i32
      %add3A_241 = arith.addi %add3A_239, %add3A_240 : i32
      %sub3A_242 = arith.constant 4 : i32
      %sub3A_243 = arith.subi %add3A_241, %sub3A_242 : i32
      %mul3A_244 = arith.constant 128 : i32
      %mul3A_245 = arith.muli %sub3A_243, %mul3A_244 : i32
      %dma_wait3A_246 = tpu.memref_slice %arg6[%mul3A_245] : memref<10240xi32, #tpu.memory_space<vmem>> -> memref<128xi32, #tpu.memory_space<vmem>>
      %dma_wait3A_247 = arith.constant 0 : i32
      %dma_wait3A_248 = arith.constant 0 : i32
      %dma_wait3A_249 = tpu.memref_slice %arg8[%dma_wait3A_247, %dma_wait3A_248] : memref<10240x8xf32, #tpu.memory_space<vmem_shared>> -> memref<10240x8xf32, #tpu.memory_space<vmem_shared>>
      tpu.wait_indirect_dma semaphore(%arg12 : memref<!tpu.dma_semaphore, #tpu.memory_space<semaphore_mem>>) src(%arg7 : memref<128x8xf32, #tpu.memory_space<vmem>>) dst(%dma_wait3A_249 : memref<10240x8xf32, #tpu.memory_space<vmem_shared>>)
      %mul3A_250 = arith.constant 128 : i32
      %mul3A_251 = arith.muli %add3A_241, %mul3A_250 : i32
      %dma_start3A_252 = tpu.memref_slice %arg6[%mul3A_251] : memref<10240xi32, #tpu.memory_space<vmem>> -> memref<128xi32, #tpu.memory_space<vmem>>
      %dma_start3A_253 = arith.constant 0 : i32
      %dma_start3A_254 = arith.constant 0 : i32
      %dma_start3A_255 = tpu.memref_slice %arg8[%dma_start3A_253, %dma_start3A_254] : memref<10240x8xf32, #tpu.memory_space<vmem_shared>> -> memref<10240x8xf32, #tpu.memory_space<vmem_shared>>
      tpu.enqueue_indirect_dma source(%arg7 : memref<128x8xf32, #tpu.memory_space<vmem>>) target(%dma_start3A_255 : memref<10240x8xf32, #tpu.memory_space<vmem_shared>>) offsets(%dma_start3A_252 : memref<128xi32, #tpu.memory_space<vmem>>) semaphore(%arg12 : memref<!tpu.dma_semaphore, #tpu.memory_space<semaphore_mem>>) {add = true}
    }
    %scan3A_148 = arith.constant 19 : i32
    %dma_wait3A = arith.constant 9728 : i32
    %dma_wait3A_149 = tpu.memref_slice %arg6[%dma_wait3A] : memref<10240xi32, #tpu.memory_space<vmem>> -> memref<128xi32, #tpu.memory_space<vmem>>
    %dma_wait3A_150 = arith.constant 0 : i32
    %dma_wait3A_151 = arith.constant 0 : i32
    %dma_wait3A_152 = tpu.memref_slice %arg8[%dma_wait3A_150, %dma_wait3A_151] : memref<10240x8xf32, #tpu.memory_space<vmem_shared>> -> memref<10240x8xf32, #tpu.memory_space<vmem_shared>>
    tpu.wait_indirect_dma semaphore(%arg9 : memref<!tpu.dma_semaphore, #tpu.memory_space<semaphore_mem>>) src(%arg7 : memref<128x8xf32, #tpu.memory_space<vmem>>) dst(%dma_wait3A_152 : memref<10240x8xf32, #tpu.memory_space<vmem_shared>>)
    %dma_wait3A_153 = arith.constant 9856 : i32
    %dma_wait3A_154 = tpu.memref_slice %arg6[%dma_wait3A_153] : memref<10240xi32, #tpu.memory_space<vmem>> -> memref<128xi32, #tpu.memory_space<vmem>>
    %dma_wait3A_155 = arith.constant 0 : i32
    %dma_wait3A_156 = arith.constant 0 : i32
    %dma_wait3A_157 = tpu.memref_slice %arg8[%dma_wait3A_155, %dma_wait3A_156] : memref<10240x8xf32, #tpu.memory_space<vmem_shared>> -> memref<10240x8xf32, #tpu.memory_space<vmem_shared>>
    tpu.wait_indirect_dma semaphore(%arg10 : memref<!tpu.dma_semaphore, #tpu.memory_space<semaphore_mem>>) src(%arg7 : memref<128x8xf32, #tpu.memory_space<vmem>>) dst(%dma_wait3A_157 : memref<10240x8xf32, #tpu.memory_space<vmem_shared>>)
    %dma_wait3A_158 = arith.constant 9984 : i32
    %dma_wait3A_159 = tpu.memref_slice %arg6[%dma_wait3A_158] : memref<10240xi32, #tpu.memory_space<vmem>> -> memref<128xi32, #tpu.memory_space<vmem>>
    %dma_wait3A_160 = arith.constant 0 : i32
    %dma_wait3A_161 = arith.constant 0 : i32
    %dma_wait3A_162 = tpu.memref_slice %arg8[%dma_wait3A_160, %dma_wait3A_161] : memref<10240x8xf32, #tpu.memory_space<vmem_shared>> -> memref<10240x8xf32, #tpu.memory_space<vmem_shared>>
    tpu.wait_indirect_dma semaphore(%arg11 : memref<!tpu.dma_semaphore, #tpu.memory_space<semaphore_mem>>) src(%arg7 : memref<128x8xf32, #tpu.memory_space<vmem>>) dst(%dma_wait3A_162 : memref<10240x8xf32, #tpu.memory_space<vmem_shared>>)
    %dma_wait3A_163 = arith.constant 10112 : i32
    %dma_wait3A_164 = tpu.memref_slice %arg6[%dma_wait3A_163] : memref<10240xi32, #tpu.memory_space<vmem>> -> memref<128xi32, #tpu.memory_space<vmem>>
    %dma_wait3A_165 = arith.constant 0 : i32
    %dma_wait3A_166 = arith.constant 0 : i32
    %dma_wait3A_167 = tpu.memref_slice %arg8[%dma_wait3A_165, %dma_wait3A_166] : memref<10240x8xf32, #tpu.memory_space<vmem_shared>> -> memref<10240x8xf32, #tpu.memory_space<vmem_shared>>
    tpu.wait_indirect_dma semaphore(%arg12 : memref<!tpu.dma_semaphore, #tpu.memory_space<semaphore_mem>>) src(%arg7 : memref<128x8xf32, #tpu.memory_space<vmem>>) dst(%dma_wait3A_167 : memref<10240x8xf32, #tpu.memory_space<vmem_shared>>)
    %barrier3A_168 = arith.constant 0 : index
    tpu.barrier barrier_id(%barrier3A_168)
    %eq3A = arith.constant 0 : i32
    %eq3A_169 = arith.cmpi eq, %arg0, %eq3A : i32
    %convert_element_type3A = arith.extui %eq3A_169 : i1 to i32
    %cond3A = arith.constant 0 : i32
    %cond3A_170 = arith.cmpi ne, %convert_element_type3A, %cond3A : i32
    scf.if %cond3A_170 {
      %mul3A_176 = arith.constant 640 : i32
      %mul3A_177 = arith.muli %arg1, %mul3A_176 : i32
      %mul3A_178 = arith.constant 640 : i32
      %mul3A_179 = arith.muli %arg1, %mul3A_178 : i32
      "tpu.region"() ({
        %run_scoped3A_180 = tpu.sem_alloc : memref<!tpu.dma_semaphore, #tpu.memory_space<semaphore_mem>>
        %dma_start3A_181 = arith.constant 0 : i32
        %dma_start3A_182 = tpu.memref_slice %arg4[%mul3A_179, %dma_start3A_181] : memref<10240x8xf32, #tpu.memory_space<hbm>> -> memref<640x8xf32, #tpu.memory_space<hbm>>
        %dma_start3A_183 = arith.constant 0 : i32
        %dma_start3A_184 = tpu.memref_slice %arg8[%mul3A_177, %dma_start3A_183] : memref<10240x8xf32, #tpu.memory_space<vmem_shared>> -> memref<640x8xf32, #tpu.memory_space<vmem_shared>>
        tpu.enqueue_dma source(%dma_start3A_184 : memref<640x8xf32, #tpu.memory_space<vmem_shared>>) target(%dma_start3A_182 : memref<640x8xf32, #tpu.memory_space<hbm>>) target_semaphore(%run_scoped3A_180 : memref<!tpu.dma_semaphore, #tpu.memory_space<semaphore_mem>>)
        %dma_wait3A_185 = arith.constant 0 : i32
        %dma_wait3A_186 = tpu.memref_slice %arg4[%mul3A_179, %dma_wait3A_185] : memref<10240x8xf32, #tpu.memory_space<hbm>> -> memref<640x8xf32, #tpu.memory_space<hbm>>
        %dma_wait3A_187 = arith.constant 0 : i32
        %dma_wait3A_188 = tpu.memref_slice %arg8[%mul3A_177, %dma_wait3A_187] : memref<10240x8xf32, #tpu.memory_space<vmem_shared>> -> memref<640x8xf32, #tpu.memory_space<vmem_shared>>
        tpu.wait_dma2 semaphore(%run_scoped3A_180 : memref<!tpu.dma_semaphore, #tpu.memory_space<semaphore_mem>>) src(%dma_wait3A_188 : memref<640x8xf32, #tpu.memory_space<vmem_shared>>) dst(%dma_wait3A_186 : memref<640x8xf32, #tpu.memory_space<hbm>>)
        tpu.yield
      }) : () -> ()
    } else {
    }
    %eq3A_171 = arith.constant 1 : i32
    %eq3A_172 = arith.cmpi eq, %arg0, %eq3A_171 : i32
    %convert_element_type3A_173 = arith.extui %eq3A_172 : i1 to i32
    %cond3A_174 = arith.constant 0 : i32
    %cond3A_175 = arith.cmpi ne, %convert_element_type3A_173, %cond3A_174 : i32
    scf.if %cond3A_175 {
      %mul3A_176 = arith.constant 640 : i32
      %mul3A_177 = arith.muli %arg1, %mul3A_176 : i32
      %mul3A_178 = arith.constant 640 : i32
      %mul3A_179 = arith.muli %arg1, %mul3A_178 : i32
      "tpu.region"() ({
        %run_scoped3A_180 = tpu.sem_alloc : memref<!tpu.dma_semaphore, #tpu.memory_space<semaphore_mem>>
        %dma_start3A_181 = arith.constant 0 : i32
        %dma_start3A_182 = tpu.memref_slice %arg5[%mul3A_179, %dma_start3A_181] : memref<10240x8xf32, #tpu.memory_space<hbm>> -> memref<640x8xf32, #tpu.memory_space<hbm>>
        %dma_start3A_183 = arith.constant 0 : i32
        %dma_start3A_184 = tpu.memref_slice %arg8[%mul3A_177, %dma_start3A_183] : memref<10240x8xf32, #tpu.memory_space<vmem_shared>> -> memref<640x8xf32, #tpu.memory_space<vmem_shared>>
        tpu.enqueue_dma source(%dma_start3A_184 : memref<640x8xf32, #tpu.memory_space<vmem_shared>>) target(%dma_start3A_182 : memref<640x8xf32, #tpu.memory_space<hbm>>) target_semaphore(%run_scoped3A_180 : memref<!tpu.dma_semaphore, #tpu.memory_space<semaphore_mem>>)
        %dma_wait3A_185 = arith.constant 0 : i32
        %dma_wait3A_186 = tpu.memref_slice %arg5[%mul3A_179, %dma_wait3A_185] : memref<10240x8xf32, #tpu.memory_space<hbm>> -> memref<640x8xf32, #tpu.memory_space<hbm>>
        %dma_wait3A_187 = arith.constant 0 : i32
        %dma_wait3A_188 = tpu.memref_slice %arg8[%mul3A_177, %dma_wait3A_187] : memref<10240x8xf32, #tpu.memory_space<vmem_shared>> -> memref<640x8xf32, #tpu.memory_space<vmem_shared>>
        tpu.wait_dma2 semaphore(%run_scoped3A_180 : memref<!tpu.dma_semaphore, #tpu.memory_space<semaphore_mem>>) src(%dma_wait3A_188 : memref<640x8xf32, #tpu.memory_space<vmem_shared>>) dst(%dma_wait3A_186 : memref<640x8xf32, #tpu.memory_space<hbm>>)
        tpu.yield
      }) : () -> ()
    } else {
    }
    return
  }
}

#map = affine_map<(d0, d1) -> (0, 0)>
module attributes {stable_mosaic.version = 14 : i64} {
  func.func @edge_kernel(%arg0: i32, %arg1: i32, %arg2: memref<10000x64xf32, #tpu.memory_space<hbm>>, %arg3: memref<2x320000xi32, #tpu.memory_space<hbm>>, %arg4: memref<10000x64xf32, #tpu.memory_space<hbm>>, %arg5: memref<10000x64xf32, #tpu.memory_space<hbm>>, %arg6: memref<10240xi32, #tpu.memory_space<vmem>>, %arg7: memref<10240xi32, #tpu.memory_space<vmem>>, %arg8: memref<128x64xf32, #tpu.memory_space<vmem>>, %arg9: memref<128x64xf32, #tpu.memory_space<vmem>>, %arg10: memref<128x64xf32, #tpu.memory_space<vmem>>, %arg11: memref<128x64xf32, #tpu.memory_space<vmem>>, %arg12: memref<128x64xf32, #tpu.memory_space<vmem>>, %arg13: memref<128x64xf32, #tpu.memory_space<vmem>>, %arg14: memref<128x64xf32, #tpu.memory_space<vmem>>, %arg15: memref<128x64xf32, #tpu.memory_space<vmem>>, %arg16: memref<10240x64xf32, #tpu.memory_space<vmem_shared>>, %arg17: memref<!tpu.dma_semaphore, #tpu.memory_space<semaphore_mem>>, %arg18: memref<!tpu.dma_semaphore, #tpu.memory_space<semaphore_mem>>, %arg19: memref<!tpu.dma_semaphore, #tpu.memory_space<semaphore_mem>>, %arg20: memref<!tpu.dma_semaphore, #tpu.memory_space<semaphore_mem>>, %arg21: memref<!tpu.dma_semaphore, #tpu.memory_space<semaphore_mem>>, %arg22: memref<!tpu.dma_semaphore, #tpu.memory_space<semaphore_mem>>, %arg23: memref<!tpu.dma_semaphore, #tpu.memory_space<semaphore_mem>>, %arg24: memref<!tpu.dma_semaphore, #tpu.memory_space<semaphore_mem>>, %arg25: memref<!tpu.dma_semaphore, #tpu.memory_space<semaphore_mem>>, %arg26: memref<!tpu.dma_semaphore, #tpu.memory_space<semaphore_mem>>, %arg27: memref<!tpu.dma_semaphore, #tpu.memory_space<semaphore_mem>>, %arg28: memref<!tpu.dma_semaphore, #tpu.memory_space<semaphore_mem>>, %arg29: memref<!tpu.dma_semaphore, #tpu.memory_space<semaphore_mem>>, %arg30: memref<!tpu.dma_semaphore, #tpu.memory_space<semaphore_mem>>, %arg31: memref<!tpu.dma_semaphore, #tpu.memory_space<semaphore_mem>>, %arg32: memref<!tpu.dma_semaphore, #tpu.memory_space<semaphore_mem>>) attributes {dimension_semantics = [#tpu.dimension_semantics<core_parallel>, #tpu.dimension_semantics<subcore_parallel>], iteration_bounds = array<i64: 2, 16>, scalar_prefetch = 0 : i64, scratch_operands = 27 : i64, tpu.core_type = #tpu.core_type<sc_vector_subcore>, window_params = [{transform_indices = #map}, {transform_indices = #map}, {transform_indices = #map}, {transform_indices = #map}]} {
    %mul3A = arith.constant 2 : i32
    %mul3A_0 = arith.muli %arg1, %mul3A : i32
    %add3A = arith.addi %mul3A_0, %arg0 : i32
    %mul3A_1 = arith.constant 10000 : i32
    %mul3A_2 = arith.muli %add3A, %mul3A_1 : i32
    %run_scoped3A = arith.constant 0 : i32
    "tpu.region"() ({
      %run_scoped3A_424 = tpu.sem_alloc : memref<!tpu.dma_semaphore, #tpu.memory_space<semaphore_mem>>
      %dma_start3A_425 = arith.constant 0 : i32
      %dma_start3A_426 = tpu.memref_slice %arg6[%dma_start3A_425] : memref<10240xi32, #tpu.memory_space<vmem>> -> memref<10000xi32, #tpu.memory_space<vmem>>
      %dma_start3A_427 = tpu.memref_slice %arg3[%run_scoped3A, %mul3A_2] : memref<2x320000xi32, #tpu.memory_space<hbm>> -> memref<1x10000xi32, #tpu.memory_space<hbm>>
      %dma_start3A_428 = tpu.memref_squeeze %dma_start3A_427 : memref<1x10000xi32, #tpu.memory_space<hbm>> -> memref<10000xi32, #tpu.memory_space<hbm>>
      %dma_start3A_429 = arith.constant 0 : i32
      %dma_start3A_430 = tpu.memref_slice %arg6[%dma_start3A_429] : memref<10240xi32, #tpu.memory_space<vmem>> -> memref<10000xi32, #tpu.memory_space<vmem>>
      %dma_start3A_431 = tpu.memref_slice %arg3[%run_scoped3A, %mul3A_2] : memref<2x320000xi32, #tpu.memory_space<hbm>> -> memref<1x10000xi32, #tpu.memory_space<hbm>>
      %dma_start3A_432 = tpu.memref_squeeze %dma_start3A_431 : memref<1x10000xi32, #tpu.memory_space<hbm>> -> memref<10000xi32, #tpu.memory_space<hbm>>
      tpu.enqueue_dma source(%dma_start3A_432 : memref<10000xi32, #tpu.memory_space<hbm>>) target(%dma_start3A_430 : memref<10000xi32, #tpu.memory_space<vmem>>) target_semaphore(%run_scoped3A_424 : memref<!tpu.dma_semaphore, #tpu.memory_space<semaphore_mem>>)
      %dma_wait3A_433 = arith.constant 0 : i32
      %dma_wait3A_434 = tpu.memref_slice %arg6[%dma_wait3A_433] : memref<10240xi32, #tpu.memory_space<vmem>> -> memref<10000xi32, #tpu.memory_space<vmem>>
      %dma_wait3A_435 = tpu.memref_slice %arg3[%run_scoped3A, %mul3A_2] : memref<2x320000xi32, #tpu.memory_space<hbm>> -> memref<1x10000xi32, #tpu.memory_space<hbm>>
      %dma_wait3A_436 = tpu.memref_squeeze %dma_wait3A_435 : memref<1x10000xi32, #tpu.memory_space<hbm>> -> memref<10000xi32, #tpu.memory_space<hbm>>
      %dma_wait3A_437 = arith.constant 0 : i32
      %dma_wait3A_438 = tpu.memref_slice %arg6[%dma_wait3A_437] : memref<10240xi32, #tpu.memory_space<vmem>> -> memref<10000xi32, #tpu.memory_space<vmem>>
      %dma_wait3A_439 = tpu.memref_slice %arg3[%run_scoped3A, %mul3A_2] : memref<2x320000xi32, #tpu.memory_space<hbm>> -> memref<1x10000xi32, #tpu.memory_space<hbm>>
      %dma_wait3A_440 = tpu.memref_squeeze %dma_wait3A_439 : memref<1x10000xi32, #tpu.memory_space<hbm>> -> memref<10000xi32, #tpu.memory_space<hbm>>
      tpu.wait_dma2 semaphore(%run_scoped3A_424 : memref<!tpu.dma_semaphore, #tpu.memory_space<semaphore_mem>>) src(%dma_wait3A_440 : memref<10000xi32, #tpu.memory_space<hbm>>) dst(%dma_wait3A_438 : memref<10000xi32, #tpu.memory_space<vmem>>)
      tpu.yield
    }) : () -> ()
    %mul3A_3 = arith.constant 10000 : i32
    %mul3A_4 = arith.muli %add3A, %mul3A_3 : i32
    %run_scoped3A_5 = arith.constant 1 : i32
    "tpu.region"() ({
      %run_scoped3A_424 = tpu.sem_alloc : memref<!tpu.dma_semaphore, #tpu.memory_space<semaphore_mem>>
      %dma_start3A_425 = arith.constant 0 : i32
      %dma_start3A_426 = tpu.memref_slice %arg7[%dma_start3A_425] : memref<10240xi32, #tpu.memory_space<vmem>> -> memref<10000xi32, #tpu.memory_space<vmem>>
      %dma_start3A_427 = tpu.memref_slice %arg3[%run_scoped3A_5, %mul3A_4] : memref<2x320000xi32, #tpu.memory_space<hbm>> -> memref<1x10000xi32, #tpu.memory_space<hbm>>
      %dma_start3A_428 = tpu.memref_squeeze %dma_start3A_427 : memref<1x10000xi32, #tpu.memory_space<hbm>> -> memref<10000xi32, #tpu.memory_space<hbm>>
      %dma_start3A_429 = arith.constant 0 : i32
      %dma_start3A_430 = tpu.memref_slice %arg7[%dma_start3A_429] : memref<10240xi32, #tpu.memory_space<vmem>> -> memref<10000xi32, #tpu.memory_space<vmem>>
      %dma_start3A_431 = tpu.memref_slice %arg3[%run_scoped3A_5, %mul3A_4] : memref<2x320000xi32, #tpu.memory_space<hbm>> -> memref<1x10000xi32, #tpu.memory_space<hbm>>
      %dma_start3A_432 = tpu.memref_squeeze %dma_start3A_431 : memref<1x10000xi32, #tpu.memory_space<hbm>> -> memref<10000xi32, #tpu.memory_space<hbm>>
      tpu.enqueue_dma source(%dma_start3A_432 : memref<10000xi32, #tpu.memory_space<hbm>>) target(%dma_start3A_430 : memref<10000xi32, #tpu.memory_space<vmem>>) target_semaphore(%run_scoped3A_424 : memref<!tpu.dma_semaphore, #tpu.memory_space<semaphore_mem>>)
      %dma_wait3A_433 = arith.constant 0 : i32
      %dma_wait3A_434 = tpu.memref_slice %arg7[%dma_wait3A_433] : memref<10240xi32, #tpu.memory_space<vmem>> -> memref<10000xi32, #tpu.memory_space<vmem>>
      %dma_wait3A_435 = tpu.memref_slice %arg3[%run_scoped3A_5, %mul3A_4] : memref<2x320000xi32, #tpu.memory_space<hbm>> -> memref<1x10000xi32, #tpu.memory_space<hbm>>
      %dma_wait3A_436 = tpu.memref_squeeze %dma_wait3A_435 : memref<1x10000xi32, #tpu.memory_space<hbm>> -> memref<10000xi32, #tpu.memory_space<hbm>>
      %dma_wait3A_437 = arith.constant 0 : i32
      %dma_wait3A_438 = tpu.memref_slice %arg7[%dma_wait3A_437] : memref<10240xi32, #tpu.memory_space<vmem>> -> memref<10000xi32, #tpu.memory_space<vmem>>
      %dma_wait3A_439 = tpu.memref_slice %arg3[%run_scoped3A_5, %mul3A_4] : memref<2x320000xi32, #tpu.memory_space<hbm>> -> memref<1x10000xi32, #tpu.memory_space<hbm>>
      %dma_wait3A_440 = tpu.memref_squeeze %dma_wait3A_439 : memref<1x10000xi32, #tpu.memory_space<hbm>> -> memref<10000xi32, #tpu.memory_space<hbm>>
      tpu.wait_dma2 semaphore(%run_scoped3A_424 : memref<!tpu.dma_semaphore, #tpu.memory_space<semaphore_mem>>) src(%dma_wait3A_440 : memref<10000xi32, #tpu.memory_space<hbm>>) dst(%dma_wait3A_438 : memref<10000xi32, #tpu.memory_space<vmem>>)
      tpu.yield
    }) : () -> ()
    %iota3A = tpu.iota {dimensions = array<i32: 0>} : vector<16xi32>
    %add3A_6 = arith.constant 0 : i32
    %add3A_7 = vector.broadcast %add3A_6 : i32 to vector<16xi32>
    %add3A_8 = arith.addi %iota3A, %add3A_7 : vector<16xi32>
    %swap3A = arith.constant 10000 : index
    %swap3A_9 = tpu.vector_load %arg6[%swap3A] {strides = array<i32>} : memref<10240xi32, #tpu.memory_space<vmem>>, vector<16xi32>,
    %swap3A_10 = vector.shape_cast %swap3A_9 : vector<16xi32> to vector<16xi32>
    %swap3A_11 = vector.shape_cast %add3A_8 : vector<16xi32> to vector<16xi32>
    tpu.vector_store %arg6[%swap3A], %swap3A_11 {strides = array<i32>} : memref<10240xi32, #tpu.memory_space<vmem>>, vector<16xi32>,
    %iota3A_12 = tpu.iota {dimensions = array<i32: 0>} : vector<16xi32>
    %add3A_13 = arith.constant 16 : i32
    %add3A_14 = vector.broadcast %add3A_13 : i32 to vector<16xi32>
    %add3A_15 = arith.addi %iota3A_12, %add3A_14 : vector<16xi32>
    %swap3A_16 = arith.constant 10016 : index
    %swap3A_17 = tpu.vector_load %arg6[%swap3A_16] {strides = array<i32>} : memref<10240xi32, #tpu.memory_space<vmem>>, vector<16xi32>,
    %swap3A_18 = vector.shape_cast %swap3A_17 : vector<16xi32> to vector<16xi32>
    %swap3A_19 = vector.shape_cast %add3A_15 : vector<16xi32> to vector<16xi32>
    tpu.vector_store %arg6[%swap3A_16], %swap3A_19 {strides = array<i32>} : memref<10240xi32, #tpu.memory_space<vmem>>, vector<16xi32>,
    %iota3A_20 = tpu.iota {dimensions = array<i32: 0>} : vector<16xi32>
    %add3A_21 = arith.constant 32 : i32
    %add3A_22 = vector.broadcast %add3A_21 : i32 to vector<16xi32>
    %add3A_23 = arith.addi %iota3A_20, %add3A_22 : vector<16xi32>
    %swap3A_24 = arith.constant 10032 : index
    %swap3A_25 = tpu.vector_load %arg6[%swap3A_24] {strides = array<i32>} : memref<10240xi32, #tpu.memory_space<vmem>>, vector<16xi32>,
    %swap3A_26 = vector.shape_cast %swap3A_25 : vector<16xi32> to vector<16xi32>
    %swap3A_27 = vector.shape_cast %add3A_23 : vector<16xi32> to vector<16xi32>
    tpu.vector_store %arg6[%swap3A_24], %swap3A_27 {strides = array<i32>} : memref<10240xi32, #tpu.memory_space<vmem>>, vector<16xi32>,
    %iota3A_28 = tpu.iota {dimensions = array<i32: 0>} : vector<16xi32>
    %add3A_29 = arith.constant 48 : i32
    %add3A_30 = vector.broadcast %add3A_29 : i32 to vector<16xi32>
    %add3A_31 = arith.addi %iota3A_28, %add3A_30 : vector<16xi32>
    %swap3A_32 = arith.constant 10048 : index
    %swap3A_33 = tpu.vector_load %arg6[%swap3A_32] {strides = array<i32>} : memref<10240xi32, #tpu.memory_space<vmem>>, vector<16xi32>,
    %swap3A_34 = vector.shape_cast %swap3A_33 : vector<16xi32> to vector<16xi32>
    %swap3A_35 = vector.shape_cast %add3A_31 : vector<16xi32> to vector<16xi32>
    tpu.vector_store %arg6[%swap3A_32], %swap3A_35 {strides = array<i32>} : memref<10240xi32, #tpu.memory_space<vmem>>, vector<16xi32>,
    %iota3A_36 = tpu.iota {dimensions = array<i32: 0>} : vector<16xi32>
    %add3A_37 = arith.constant 64 : i32
    %add3A_38 = vector.broadcast %add3A_37 : i32 to vector<16xi32>
    %add3A_39 = arith.addi %iota3A_36, %add3A_38 : vector<16xi32>
    %swap3A_40 = arith.constant 10064 : index
    %swap3A_41 = tpu.vector_load %arg6[%swap3A_40] {strides = array<i32>} : memref<10240xi32, #tpu.memory_space<vmem>>, vector<16xi32>,
    %swap3A_42 = vector.shape_cast %swap3A_41 : vector<16xi32> to vector<16xi32>
    %swap3A_43 = vector.shape_cast %add3A_39 : vector<16xi32> to vector<16xi32>
    tpu.vector_store %arg6[%swap3A_40], %swap3A_43 {strides = array<i32>} : memref<10240xi32, #tpu.memory_space<vmem>>, vector<16xi32>,
    %iota3A_44 = tpu.iota {dimensions = array<i32: 0>} : vector<16xi32>
    %add3A_45 = arith.constant 80 : i32
    %add3A_46 = vector.broadcast %add3A_45 : i32 to vector<16xi32>
    %add3A_47 = arith.addi %iota3A_44, %add3A_46 : vector<16xi32>
    %swap3A_48 = arith.constant 10080 : index
    %swap3A_49 = tpu.vector_load %arg6[%swap3A_48] {strides = array<i32>} : memref<10240xi32, #tpu.memory_space<vmem>>, vector<16xi32>,
    %swap3A_50 = vector.shape_cast %swap3A_49 : vector<16xi32> to vector<16xi32>
    %swap3A_51 = vector.shape_cast %add3A_47 : vector<16xi32> to vector<16xi32>
    tpu.vector_store %arg6[%swap3A_48], %swap3A_51 {strides = array<i32>} : memref<10240xi32, #tpu.memory_space<vmem>>, vector<16xi32>,
    %iota3A_52 = tpu.iota {dimensions = array<i32: 0>} : vector<16xi32>
    %add3A_53 = arith.constant 96 : i32
    %add3A_54 = vector.broadcast %add3A_53 : i32 to vector<16xi32>
    %add3A_55 = arith.addi %iota3A_52, %add3A_54 : vector<16xi32>
    %swap3A_56 = arith.constant 10096 : index
    %swap3A_57 = tpu.vector_load %arg6[%swap3A_56] {strides = array<i32>} : memref<10240xi32, #tpu.memory_space<vmem>>, vector<16xi32>,
    %swap3A_58 = vector.shape_cast %swap3A_57 : vector<16xi32> to vector<16xi32>
    %swap3A_59 = vector.shape_cast %add3A_55 : vector<16xi32> to vector<16xi32>
    tpu.vector_store %arg6[%swap3A_56], %swap3A_59 {strides = array<i32>} : memref<10240xi32, #tpu.memory_space<vmem>>, vector<16xi32>,
    %iota3A_60 = tpu.iota {dimensions = array<i32: 0>} : vector<16xi32>
    %add3A_61 = arith.constant 112 : i32
    %add3A_62 = vector.broadcast %add3A_61 : i32 to vector<16xi32>
    %add3A_63 = arith.addi %iota3A_60, %add3A_62 : vector<16xi32>
    %swap3A_64 = arith.constant 10112 : index
    %swap3A_65 = tpu.vector_load %arg6[%swap3A_64] {strides = array<i32>} : memref<10240xi32, #tpu.memory_space<vmem>>, vector<16xi32>,
    %swap3A_66 = vector.shape_cast %swap3A_65 : vector<16xi32> to vector<16xi32>
    %swap3A_67 = vector.shape_cast %add3A_63 : vector<16xi32> to vector<16xi32>
    tpu.vector_store %arg6[%swap3A_64], %swap3A_67 {strides = array<i32>} : memref<10240xi32, #tpu.memory_space<vmem>>, vector<16xi32>,
    %iota3A_68 = tpu.iota {dimensions = array<i32: 0>} : vector<16xi32>
    %add3A_69 = arith.constant 128 : i32
    %add3A_70 = vector.broadcast %add3A_69 : i32 to vector<16xi32>
    %add3A_71 = arith.addi %iota3A_68, %add3A_70 : vector<16xi32>
    %swap3A_72 = arith.constant 10128 : index
    %swap3A_73 = tpu.vector_load %arg6[%swap3A_72] {strides = array<i32>} : memref<10240xi32, #tpu.memory_space<vmem>>, vector<16xi32>,
    %swap3A_74 = vector.shape_cast %swap3A_73 : vector<16xi32> to vector<16xi32>
    %swap3A_75 = vector.shape_cast %add3A_71 : vector<16xi32> to vector<16xi32>
    tpu.vector_store %arg6[%swap3A_72], %swap3A_75 {strides = array<i32>} : memref<10240xi32, #tpu.memory_space<vmem>>, vector<16xi32>,
    %iota3A_76 = tpu.iota {dimensions = array<i32: 0>} : vector<16xi32>
    %add3A_77 = arith.constant 144 : i32
    %add3A_78 = vector.broadcast %add3A_77 : i32 to vector<16xi32>
    %add3A_79 = arith.addi %iota3A_76, %add3A_78 : vector<16xi32>
    %swap3A_80 = arith.constant 10144 : index
    %swap3A_81 = tpu.vector_load %arg6[%swap3A_80] {strides = array<i32>} : memref<10240xi32, #tpu.memory_space<vmem>>, vector<16xi32>,
    %swap3A_82 = vector.shape_cast %swap3A_81 : vector<16xi32> to vector<16xi32>
    %swap3A_83 = vector.shape_cast %add3A_79 : vector<16xi32> to vector<16xi32>
    tpu.vector_store %arg6[%swap3A_80], %swap3A_83 {strides = array<i32>} : memref<10240xi32, #tpu.memory_space<vmem>>, vector<16xi32>,
    %iota3A_84 = tpu.iota {dimensions = array<i32: 0>} : vector<16xi32>
    %add3A_85 = arith.constant 160 : i32
    %add3A_86 = vector.broadcast %add3A_85 : i32 to vector<16xi32>
    %add3A_87 = arith.addi %iota3A_84, %add3A_86 : vector<16xi32>
    %swap3A_88 = arith.constant 10160 : index
    %swap3A_89 = tpu.vector_load %arg6[%swap3A_88] {strides = array<i32>} : memref<10240xi32, #tpu.memory_space<vmem>>, vector<16xi32>,
    %swap3A_90 = vector.shape_cast %swap3A_89 : vector<16xi32> to vector<16xi32>
    %swap3A_91 = vector.shape_cast %add3A_87 : vector<16xi32> to vector<16xi32>
    tpu.vector_store %arg6[%swap3A_88], %swap3A_91 {strides = array<i32>} : memref<10240xi32, #tpu.memory_space<vmem>>, vector<16xi32>,
    %iota3A_92 = tpu.iota {dimensions = array<i32: 0>} : vector<16xi32>
    %add3A_93 = arith.constant 176 : i32
    %add3A_94 = vector.broadcast %add3A_93 : i32 to vector<16xi32>
    %add3A_95 = arith.addi %iota3A_92, %add3A_94 : vector<16xi32>
    %swap3A_96 = arith.constant 10176 : index
    %swap3A_97 = tpu.vector_load %arg6[%swap3A_96] {strides = array<i32>} : memref<10240xi32, #tpu.memory_space<vmem>>, vector<16xi32>,
    %swap3A_98 = vector.shape_cast %swap3A_97 : vector<16xi32> to vector<16xi32>
    %swap3A_99 = vector.shape_cast %add3A_95 : vector<16xi32> to vector<16xi32>
    tpu.vector_store %arg6[%swap3A_96], %swap3A_99 {strides = array<i32>} : memref<10240xi32, #tpu.memory_space<vmem>>, vector<16xi32>,
    %iota3A_100 = tpu.iota {dimensions = array<i32: 0>} : vector<16xi32>
    %add3A_101 = arith.constant 192 : i32
    %add3A_102 = vector.broadcast %add3A_101 : i32 to vector<16xi32>
    %add3A_103 = arith.addi %iota3A_100, %add3A_102 : vector<16xi32>
    %swap3A_104 = arith.constant 10192 : index
    %swap3A_105 = tpu.vector_load %arg6[%swap3A_104] {strides = array<i32>} : memref<10240xi32, #tpu.memory_space<vmem>>, vector<16xi32>,
    %swap3A_106 = vector.shape_cast %swap3A_105 : vector<16xi32> to vector<16xi32>
    %swap3A_107 = vector.shape_cast %add3A_103 : vector<16xi32> to vector<16xi32>
    tpu.vector_store %arg6[%swap3A_104], %swap3A_107 {strides = array<i32>} : memref<10240xi32, #tpu.memory_space<vmem>>, vector<16xi32>,
    %iota3A_108 = tpu.iota {dimensions = array<i32: 0>} : vector<16xi32>
    %add3A_109 = arith.constant 208 : i32
    %add3A_110 = vector.broadcast %add3A_109 : i32 to vector<16xi32>
    %add3A_111 = arith.addi %iota3A_108, %add3A_110 : vector<16xi32>
    %swap3A_112 = arith.constant 10208 : index
    %swap3A_113 = tpu.vector_load %arg6[%swap3A_112] {strides = array<i32>} : memref<10240xi32, #tpu.memory_space<vmem>>, vector<16xi32>,
    %swap3A_114 = vector.shape_cast %swap3A_113 : vector<16xi32> to vector<16xi32>
    %swap3A_115 = vector.shape_cast %add3A_111 : vector<16xi32> to vector<16xi32>
    tpu.vector_store %arg6[%swap3A_112], %swap3A_115 {strides = array<i32>} : memref<10240xi32, #tpu.memory_space<vmem>>, vector<16xi32>,
    %iota3A_116 = tpu.iota {dimensions = array<i32: 0>} : vector<16xi32>
    %add3A_117 = arith.constant 224 : i32
    %add3A_118 = vector.broadcast %add3A_117 : i32 to vector<16xi32>
    %add3A_119 = arith.addi %iota3A_116, %add3A_118 : vector<16xi32>
    %swap3A_120 = arith.constant 10224 : index
    %swap3A_121 = tpu.vector_load %arg6[%swap3A_120] {strides = array<i32>} : memref<10240xi32, #tpu.memory_space<vmem>>, vector<16xi32>,
    %swap3A_122 = vector.shape_cast %swap3A_121 : vector<16xi32> to vector<16xi32>
    %swap3A_123 = vector.shape_cast %add3A_119 : vector<16xi32> to vector<16xi32>
    tpu.vector_store %arg6[%swap3A_120], %swap3A_123 {strides = array<i32>} : memref<10240xi32, #tpu.memory_space<vmem>>, vector<16xi32>,
    %iota3A_124 = tpu.iota {dimensions = array<i32: 0>} : vector<16xi32>
    %add3A_125 = arith.constant 10000 : i32
    %add3A_126 = vector.broadcast %add3A_125 : i32 to vector<16xi32>
    %add3A_127 = arith.addi %iota3A_124, %add3A_126 : vector<16xi32>
    %swap3A_128 = arith.constant 10000 : index
    %swap3A_129 = tpu.vector_load %arg7[%swap3A_128] {strides = array<i32>} : memref<10240xi32, #tpu.memory_space<vmem>>, vector<16xi32>,
    %swap3A_130 = vector.shape_cast %swap3A_129 : vector<16xi32> to vector<16xi32>
    %swap3A_131 = vector.shape_cast %add3A_127 : vector<16xi32> to vector<16xi32>
    tpu.vector_store %arg7[%swap3A_128], %swap3A_131 {strides = array<i32>} : memref<10240xi32, #tpu.memory_space<vmem>>, vector<16xi32>,
    %iota3A_132 = tpu.iota {dimensions = array<i32: 0>} : vector<16xi32>
    %add3A_133 = arith.constant 10016 : i32
    %add3A_134 = vector.broadcast %add3A_133 : i32 to vector<16xi32>
    %add3A_135 = arith.addi %iota3A_132, %add3A_134 : vector<16xi32>
    %swap3A_136 = arith.constant 10016 : index
    %swap3A_137 = tpu.vector_load %arg7[%swap3A_136] {strides = array<i32>} : memref<10240xi32, #tpu.memory_space<vmem>>, vector<16xi32>,
    %swap3A_138 = vector.shape_cast %swap3A_137 : vector<16xi32> to vector<16xi32>
    %swap3A_139 = vector.shape_cast %add3A_135 : vector<16xi32> to vector<16xi32>
    tpu.vector_store %arg7[%swap3A_136], %swap3A_139 {strides = array<i32>} : memref<10240xi32, #tpu.memory_space<vmem>>, vector<16xi32>,
    %iota3A_140 = tpu.iota {dimensions = array<i32: 0>} : vector<16xi32>
    %add3A_141 = arith.constant 10032 : i32
    %add3A_142 = vector.broadcast %add3A_141 : i32 to vector<16xi32>
    %add3A_143 = arith.addi %iota3A_140, %add3A_142 : vector<16xi32>
    %swap3A_144 = arith.constant 10032 : index
    %swap3A_145 = tpu.vector_load %arg7[%swap3A_144] {strides = array<i32>} : memref<10240xi32, #tpu.memory_space<vmem>>, vector<16xi32>,
    %swap3A_146 = vector.shape_cast %swap3A_145 : vector<16xi32> to vector<16xi32>
    %swap3A_147 = vector.shape_cast %add3A_143 : vector<16xi32> to vector<16xi32>
    tpu.vector_store %arg7[%swap3A_144], %swap3A_147 {strides = array<i32>} : memref<10240xi32, #tpu.memory_space<vmem>>, vector<16xi32>,
    %iota3A_148 = tpu.iota {dimensions = array<i32: 0>} : vector<16xi32>
    %add3A_149 = arith.constant 10048 : i32
    %add3A_150 = vector.broadcast %add3A_149 : i32 to vector<16xi32>
    %add3A_151 = arith.addi %iota3A_148, %add3A_150 : vector<16xi32>
    %swap3A_152 = arith.constant 10048 : index
    %swap3A_153 = tpu.vector_load %arg7[%swap3A_152] {strides = array<i32>} : memref<10240xi32, #tpu.memory_space<vmem>>, vector<16xi32>,
    %swap3A_154 = vector.shape_cast %swap3A_153 : vector<16xi32> to vector<16xi32>
    %swap3A_155 = vector.shape_cast %add3A_151 : vector<16xi32> to vector<16xi32>
    tpu.vector_store %arg7[%swap3A_152], %swap3A_155 {strides = array<i32>} : memref<10240xi32, #tpu.memory_space<vmem>>, vector<16xi32>,
    %iota3A_156 = tpu.iota {dimensions = array<i32: 0>} : vector<16xi32>
    %add3A_157 = arith.constant 10064 : i32
    %add3A_158 = vector.broadcast %add3A_157 : i32 to vector<16xi32>
    %add3A_159 = arith.addi %iota3A_156, %add3A_158 : vector<16xi32>
    %swap3A_160 = arith.constant 10064 : index
    %swap3A_161 = tpu.vector_load %arg7[%swap3A_160] {strides = array<i32>} : memref<10240xi32, #tpu.memory_space<vmem>>, vector<16xi32>,
    %swap3A_162 = vector.shape_cast %swap3A_161 : vector<16xi32> to vector<16xi32>
    %swap3A_163 = vector.shape_cast %add3A_159 : vector<16xi32> to vector<16xi32>
    tpu.vector_store %arg7[%swap3A_160], %swap3A_163 {strides = array<i32>} : memref<10240xi32, #tpu.memory_space<vmem>>, vector<16xi32>,
    %iota3A_164 = tpu.iota {dimensions = array<i32: 0>} : vector<16xi32>
    %add3A_165 = arith.constant 10080 : i32
    %add3A_166 = vector.broadcast %add3A_165 : i32 to vector<16xi32>
    %add3A_167 = arith.addi %iota3A_164, %add3A_166 : vector<16xi32>
    %swap3A_168 = arith.constant 10080 : index
    %swap3A_169 = tpu.vector_load %arg7[%swap3A_168] {strides = array<i32>} : memref<10240xi32, #tpu.memory_space<vmem>>, vector<16xi32>,
    %swap3A_170 = vector.shape_cast %swap3A_169 : vector<16xi32> to vector<16xi32>
    %swap3A_171 = vector.shape_cast %add3A_167 : vector<16xi32> to vector<16xi32>
    tpu.vector_store %arg7[%swap3A_168], %swap3A_171 {strides = array<i32>} : memref<10240xi32, #tpu.memory_space<vmem>>, vector<16xi32>,
    %iota3A_172 = tpu.iota {dimensions = array<i32: 0>} : vector<16xi32>
    %add3A_173 = arith.constant 10096 : i32
    %add3A_174 = vector.broadcast %add3A_173 : i32 to vector<16xi32>
    %add3A_175 = arith.addi %iota3A_172, %add3A_174 : vector<16xi32>
    %swap3A_176 = arith.constant 10096 : index
    %swap3A_177 = tpu.vector_load %arg7[%swap3A_176] {strides = array<i32>} : memref<10240xi32, #tpu.memory_space<vmem>>, vector<16xi32>,
    %swap3A_178 = vector.shape_cast %swap3A_177 : vector<16xi32> to vector<16xi32>
    %swap3A_179 = vector.shape_cast %add3A_175 : vector<16xi32> to vector<16xi32>
    tpu.vector_store %arg7[%swap3A_176], %swap3A_179 {strides = array<i32>} : memref<10240xi32, #tpu.memory_space<vmem>>, vector<16xi32>,
    %iota3A_180 = tpu.iota {dimensions = array<i32: 0>} : vector<16xi32>
    %add3A_181 = arith.constant 10112 : i32
    %add3A_182 = vector.broadcast %add3A_181 : i32 to vector<16xi32>
    %add3A_183 = arith.addi %iota3A_180, %add3A_182 : vector<16xi32>
    %swap3A_184 = arith.constant 10112 : index
    %swap3A_185 = tpu.vector_load %arg7[%swap3A_184] {strides = array<i32>} : memref<10240xi32, #tpu.memory_space<vmem>>, vector<16xi32>,
    %swap3A_186 = vector.shape_cast %swap3A_185 : vector<16xi32> to vector<16xi32>
    %swap3A_187 = vector.shape_cast %add3A_183 : vector<16xi32> to vector<16xi32>
    tpu.vector_store %arg7[%swap3A_184], %swap3A_187 {strides = array<i32>} : memref<10240xi32, #tpu.memory_space<vmem>>, vector<16xi32>,
    %iota3A_188 = tpu.iota {dimensions = array<i32: 0>} : vector<16xi32>
    %add3A_189 = arith.constant 10128 : i32
    %add3A_190 = vector.broadcast %add3A_189 : i32 to vector<16xi32>
    %add3A_191 = arith.addi %iota3A_188, %add3A_190 : vector<16xi32>
    %swap3A_192 = arith.constant 10128 : index
    %swap3A_193 = tpu.vector_load %arg7[%swap3A_192] {strides = array<i32>} : memref<10240xi32, #tpu.memory_space<vmem>>, vector<16xi32>,
    %swap3A_194 = vector.shape_cast %swap3A_193 : vector<16xi32> to vector<16xi32>
    %swap3A_195 = vector.shape_cast %add3A_191 : vector<16xi32> to vector<16xi32>
    tpu.vector_store %arg7[%swap3A_192], %swap3A_195 {strides = array<i32>} : memref<10240xi32, #tpu.memory_space<vmem>>, vector<16xi32>,
    %iota3A_196 = tpu.iota {dimensions = array<i32: 0>} : vector<16xi32>
    %add3A_197 = arith.constant 10144 : i32
    %add3A_198 = vector.broadcast %add3A_197 : i32 to vector<16xi32>
    %add3A_199 = arith.addi %iota3A_196, %add3A_198 : vector<16xi32>
    %swap3A_200 = arith.constant 10144 : index
    %swap3A_201 = tpu.vector_load %arg7[%swap3A_200] {strides = array<i32>} : memref<10240xi32, #tpu.memory_space<vmem>>, vector<16xi32>,
    %swap3A_202 = vector.shape_cast %swap3A_201 : vector<16xi32> to vector<16xi32>
    %swap3A_203 = vector.shape_cast %add3A_199 : vector<16xi32> to vector<16xi32>
    tpu.vector_store %arg7[%swap3A_200], %swap3A_203 {strides = array<i32>} : memref<10240xi32, #tpu.memory_space<vmem>>, vector<16xi32>,
    %iota3A_204 = tpu.iota {dimensions = array<i32: 0>} : vector<16xi32>
    %add3A_205 = arith.constant 10160 : i32
    %add3A_206 = vector.broadcast %add3A_205 : i32 to vector<16xi32>
    %add3A_207 = arith.addi %iota3A_204, %add3A_206 : vector<16xi32>
    %swap3A_208 = arith.constant 10160 : index
    %swap3A_209 = tpu.vector_load %arg7[%swap3A_208] {strides = array<i32>} : memref<10240xi32, #tpu.memory_space<vmem>>, vector<16xi32>,
    %swap3A_210 = vector.shape_cast %swap3A_209 : vector<16xi32> to vector<16xi32>
    %swap3A_211 = vector.shape_cast %add3A_207 : vector<16xi32> to vector<16xi32>
    tpu.vector_store %arg7[%swap3A_208], %swap3A_211 {strides = array<i32>} : memref<10240xi32, #tpu.memory_space<vmem>>, vector<16xi32>,
    %iota3A_212 = tpu.iota {dimensions = array<i32: 0>} : vector<16xi32>
    %add3A_213 = arith.constant 10176 : i32
    %add3A_214 = vector.broadcast %add3A_213 : i32 to vector<16xi32>
    %add3A_215 = arith.addi %iota3A_212, %add3A_214 : vector<16xi32>
    %swap3A_216 = arith.constant 10176 : index
    %swap3A_217 = tpu.vector_load %arg7[%swap3A_216] {strides = array<i32>} : memref<10240xi32, #tpu.memory_space<vmem>>, vector<16xi32>,
    %swap3A_218 = vector.shape_cast %swap3A_217 : vector<16xi32> to vector<16xi32>
    %swap3A_219 = vector.shape_cast %add3A_215 : vector<16xi32> to vector<16xi32>
    tpu.vector_store %arg7[%swap3A_216], %swap3A_219 {strides = array<i32>} : memref<10240xi32, #tpu.memory_space<vmem>>, vector<16xi32>,
    %iota3A_220 = tpu.iota {dimensions = array<i32: 0>} : vector<16xi32>
    %add3A_221 = arith.constant 10192 : i32
    %add3A_222 = vector.broadcast %add3A_221 : i32 to vector<16xi32>
    %add3A_223 = arith.addi %iota3A_220, %add3A_222 : vector<16xi32>
    %swap3A_224 = arith.constant 10192 : index
    %swap3A_225 = tpu.vector_load %arg7[%swap3A_224] {strides = array<i32>} : memref<10240xi32, #tpu.memory_space<vmem>>, vector<16xi32>,
    %swap3A_226 = vector.shape_cast %swap3A_225 : vector<16xi32> to vector<16xi32>
    %swap3A_227 = vector.shape_cast %add3A_223 : vector<16xi32> to vector<16xi32>
    tpu.vector_store %arg7[%swap3A_224], %swap3A_227 {strides = array<i32>} : memref<10240xi32, #tpu.memory_space<vmem>>, vector<16xi32>,
    %iota3A_228 = tpu.iota {dimensions = array<i32: 0>} : vector<16xi32>
    %add3A_229 = arith.constant 10208 : i32
    %add3A_230 = vector.broadcast %add3A_229 : i32 to vector<16xi32>
    %add3A_231 = arith.addi %iota3A_228, %add3A_230 : vector<16xi32>
    %swap3A_232 = arith.constant 10208 : index
    %swap3A_233 = tpu.vector_load %arg7[%swap3A_232] {strides = array<i32>} : memref<10240xi32, #tpu.memory_space<vmem>>, vector<16xi32>,
    %swap3A_234 = vector.shape_cast %swap3A_233 : vector<16xi32> to vector<16xi32>
    %swap3A_235 = vector.shape_cast %add3A_231 : vector<16xi32> to vector<16xi32>
    tpu.vector_store %arg7[%swap3A_232], %swap3A_235 {strides = array<i32>} : memref<10240xi32, #tpu.memory_space<vmem>>, vector<16xi32>,
    %iota3A_236 = tpu.iota {dimensions = array<i32: 0>} : vector<16xi32>
    %add3A_237 = arith.constant 10224 : i32
    %add3A_238 = vector.broadcast %add3A_237 : i32 to vector<16xi32>
    %add3A_239 = arith.addi %iota3A_236, %add3A_238 : vector<16xi32>
    %swap3A_240 = arith.constant 10224 : index
    %swap3A_241 = tpu.vector_load %arg7[%swap3A_240] {strides = array<i32>} : memref<10240xi32, #tpu.memory_space<vmem>>, vector<16xi32>,
    %swap3A_242 = vector.shape_cast %swap3A_241 : vector<16xi32> to vector<16xi32>
    %swap3A_243 = vector.shape_cast %add3A_239 : vector<16xi32> to vector<16xi32>
    tpu.vector_store %arg7[%swap3A_240], %swap3A_243 {strides = array<i32>} : memref<10240xi32, #tpu.memory_space<vmem>>, vector<16xi32>,
    %mul3A_244 = arith.constant 624 : i32
    %mul3A_245 = arith.muli %arg1, %mul3A_244 : i32
    %mul3A_246 = arith.constant 624 : i32
    %mul3A_247 = arith.muli %arg1, %mul3A_246 : i32
    "tpu.region"() ({
      %run_scoped3A_424 = tpu.sem_alloc : memref<!tpu.dma_semaphore, #tpu.memory_space<semaphore_mem>>
      %dma_start3A_425 = arith.constant 0 : i32
      %dma_start3A_426 = tpu.memref_slice %arg16[%mul3A_247, %dma_start3A_425] : memref<10240x64xf32, #tpu.memory_space<vmem_shared>> -> memref<624x64xf32, #tpu.memory_space<vmem_shared>>
      %dma_start3A_427 = arith.constant 0 : i32
      %dma_start3A_428 = tpu.memref_slice %arg2[%mul3A_245, %dma_start3A_427] : memref<10000x64xf32, #tpu.memory_space<hbm>> -> memref<624x64xf32, #tpu.memory_space<hbm>>
      tpu.enqueue_dma source(%dma_start3A_428 : memref<624x64xf32, #tpu.memory_space<hbm>>) target(%dma_start3A_426 : memref<624x64xf32, #tpu.memory_space<vmem_shared>>) target_semaphore(%run_scoped3A_424 : memref<!tpu.dma_semaphore, #tpu.memory_space<semaphore_mem>>)
      %dma_wait3A_429 = arith.constant 0 : i32
      %dma_wait3A_430 = tpu.memref_slice %arg16[%mul3A_247, %dma_wait3A_429] : memref<10240x64xf32, #tpu.memory_space<vmem_shared>> -> memref<624x64xf32, #tpu.memory_space<vmem_shared>>
      %dma_wait3A_431 = arith.constant 0 : i32
      %dma_wait3A_432 = tpu.memref_slice %arg2[%mul3A_245, %dma_wait3A_431] : memref<10000x64xf32, #tpu.memory_space<hbm>> -> memref<624x64xf32, #tpu.memory_space<hbm>>
      tpu.wait_dma2 semaphore(%run_scoped3A_424 : memref<!tpu.dma_semaphore, #tpu.memory_space<semaphore_mem>>) src(%dma_wait3A_432 : memref<624x64xf32, #tpu.memory_space<hbm>>) dst(%dma_wait3A_430 : memref<624x64xf32, #tpu.memory_space<vmem_shared>>)
      tpu.yield
    }) : () -> ()
    %eq3A = arith.constant 15 : i32
    %eq3A_248 = arith.cmpi eq, %arg1, %eq3A : i32
    %convert_element_type3A = arith.extui %eq3A_248 : i1 to i32
    %cond3A = arith.constant 0 : i32
    %cond3A_249 = arith.cmpi ne, %convert_element_type3A, %cond3A : i32
    scf.if %cond3A_249 {
      "tpu.region"() ({
        %run_scoped3A_424 = tpu.sem_alloc : memref<!tpu.dma_semaphore, #tpu.memory_space<semaphore_mem>>
        %dma_start3A_425 = arith.constant 9984 : i32
        %dma_start3A_426 = arith.constant 0 : i32
        %dma_start3A_427 = tpu.memref_slice %arg16[%dma_start3A_425, %dma_start3A_426] : memref<10240x64xf32, #tpu.memory_space<vmem_shared>> -> memref<16x64xf32, #tpu.memory_space<vmem_shared>>
        %dma_start3A_428 = arith.constant 9984 : i32
        %dma_start3A_429 = arith.constant 0 : i32
        %dma_start3A_430 = tpu.memref_slice %arg2[%dma_start3A_428, %dma_start3A_429] : memref<10000x64xf32, #tpu.memory_space<hbm>> -> memref<16x64xf32, #tpu.memory_space<hbm>>
        tpu.enqueue_dma source(%dma_start3A_430 : memref<16x64xf32, #tpu.memory_space<hbm>>) target(%dma_start3A_427 : memref<16x64xf32, #tpu.memory_space<vmem_shared>>) target_semaphore(%run_scoped3A_424 : memref<!tpu.dma_semaphore, #tpu.memory_space<semaphore_mem>>)
        %dma_wait3A_431 = arith.constant 9984 : i32
        %dma_wait3A_432 = arith.constant 0 : i32
        %dma_wait3A_433 = tpu.memref_slice %arg16[%dma_wait3A_431, %dma_wait3A_432] : memref<10240x64xf32, #tpu.memory_space<vmem_shared>> -> memref<16x64xf32, #tpu.memory_space<vmem_shared>>
        %dma_wait3A_434 = arith.constant 9984 : i32
        %dma_wait3A_435 = arith.constant 0 : i32
        %dma_wait3A_436 = tpu.memref_slice %arg2[%dma_wait3A_434, %dma_wait3A_435] : memref<10000x64xf32, #tpu.memory_space<hbm>> -> memref<16x64xf32, #tpu.memory_space<hbm>>
        tpu.wait_dma2 semaphore(%run_scoped3A_424 : memref<!tpu.dma_semaphore, #tpu.memory_space<semaphore_mem>>) src(%dma_wait3A_436 : memref<16x64xf32, #tpu.memory_space<hbm>>) dst(%dma_wait3A_433 : memref<16x64xf32, #tpu.memory_space<vmem_shared>>)
        tpu.yield
      }) : () -> ()
    } else {
    }
    %barrier3A = arith.constant 0 : index
    tpu.barrier barrier_id(%barrier3A)
    %dma_start3A = arith.constant 0 : i32
    %dma_start3A_250 = tpu.memref_slice %arg6[%dma_start3A] : memref<10240xi32, #tpu.memory_space<vmem>> -> memref<128xi32, #tpu.memory_space<vmem>>
    %dma_start3A_251 = arith.constant 0 : i32
    %dma_start3A_252 = arith.constant 0 : i32
    %dma_start3A_253 = tpu.memref_slice %arg2[%dma_start3A_251, %dma_start3A_252] : memref<10000x64xf32, #tpu.memory_space<hbm>> -> memref<10000x64xf32, #tpu.memory_space<hbm>>
    tpu.enqueue_indirect_dma source(%dma_start3A_253 : memref<10000x64xf32, #tpu.memory_space<hbm>>) target(%arg8 : memref<128x64xf32, #tpu.memory_space<vmem>>) offsets(%dma_start3A_250 : memref<128xi32, #tpu.memory_space<vmem>>) semaphore(%arg17 : memref<!tpu.dma_semaphore, #tpu.memory_space<semaphore_mem>>)
    %dma_start3A_254 = arith.constant 128 : i32
    %dma_start3A_255 = tpu.memref_slice %arg6[%dma_start3A_254] : memref<10240xi32, #tpu.memory_space<vmem>> -> memref<128xi32, #tpu.memory_space<vmem>>
    %dma_start3A_256 = arith.constant 0 : i32
    %dma_start3A_257 = arith.constant 0 : i32
    %dma_start3A_258 = tpu.memref_slice %arg2[%dma_start3A_256, %dma_start3A_257] : memref<10000x64xf32, #tpu.memory_space<hbm>> -> memref<10000x64xf32, #tpu.memory_space<hbm>>
    tpu.enqueue_indirect_dma source(%dma_start3A_258 : memref<10000x64xf32, #tpu.memory_space<hbm>>) target(%arg9 : memref<128x64xf32, #tpu.memory_space<vmem>>) offsets(%dma_start3A_255 : memref<128xi32, #tpu.memory_space<vmem>>) semaphore(%arg18 : memref<!tpu.dma_semaphore, #tpu.memory_space<semaphore_mem>>)
    %dma_start3A_259 = arith.constant 256 : i32
    %dma_start3A_260 = tpu.memref_slice %arg6[%dma_start3A_259] : memref<10240xi32, #tpu.memory_space<vmem>> -> memref<128xi32, #tpu.memory_space<vmem>>
    %dma_start3A_261 = arith.constant 0 : i32
    %dma_start3A_262 = arith.constant 0 : i32
    %dma_start3A_263 = tpu.memref_slice %arg2[%dma_start3A_261, %dma_start3A_262] : memref<10000x64xf32, #tpu.memory_space<hbm>> -> memref<10000x64xf32, #tpu.memory_space<hbm>>
    tpu.enqueue_indirect_dma source(%dma_start3A_263 : memref<10000x64xf32, #tpu.memory_space<hbm>>) target(%arg10 : memref<128x64xf32, #tpu.memory_space<vmem>>) offsets(%dma_start3A_260 : memref<128xi32, #tpu.memory_space<vmem>>) semaphore(%arg19 : memref<!tpu.dma_semaphore, #tpu.memory_space<semaphore_mem>>)
    %dma_start3A_264 = arith.constant 384 : i32
    %dma_start3A_265 = tpu.memref_slice %arg6[%dma_start3A_264] : memref<10240xi32, #tpu.memory_space<vmem>> -> memref<128xi32, #tpu.memory_space<vmem>>
    %dma_start3A_266 = arith.constant 0 : i32
    %dma_start3A_267 = arith.constant 0 : i32
    %dma_start3A_268 = tpu.memref_slice %arg2[%dma_start3A_266, %dma_start3A_267] : memref<10000x64xf32, #tpu.memory_space<hbm>> -> memref<10000x64xf32, #tpu.memory_space<hbm>>
    tpu.enqueue_indirect_dma source(%dma_start3A_268 : memref<10000x64xf32, #tpu.memory_space<hbm>>) target(%arg11 : memref<128x64xf32, #tpu.memory_space<vmem>>) offsets(%dma_start3A_265 : memref<128xi32, #tpu.memory_space<vmem>>) semaphore(%arg20 : memref<!tpu.dma_semaphore, #tpu.memory_space<semaphore_mem>>)
    %dma_wait3A = arith.constant 0 : i32
    %dma_wait3A_269 = tpu.memref_slice %arg6[%dma_wait3A] : memref<10240xi32, #tpu.memory_space<vmem>> -> memref<128xi32, #tpu.memory_space<vmem>>
    %dma_wait3A_270 = arith.constant 0 : i32
    %dma_wait3A_271 = arith.constant 0 : i32
    %dma_wait3A_272 = tpu.memref_slice %arg2[%dma_wait3A_270, %dma_wait3A_271] : memref<10000x64xf32, #tpu.memory_space<hbm>> -> memref<10000x64xf32, #tpu.memory_space<hbm>>
    tpu.wait_indirect_dma semaphore(%arg17 : memref<!tpu.dma_semaphore, #tpu.memory_space<semaphore_mem>>) src(%dma_wait3A_272 : memref<10000x64xf32, #tpu.memory_space<hbm>>) dst(%arg8 : memref<128x64xf32, #tpu.memory_space<vmem>>)
    %dma_start3A_273 = arith.constant 0 : i32
    %dma_start3A_274 = tpu.memref_slice %arg7[%dma_start3A_273] : memref<10240xi32, #tpu.memory_space<vmem>> -> memref<128xi32, #tpu.memory_space<vmem>>
    %dma_start3A_275 = arith.constant 0 : i32
    %dma_start3A_276 = arith.constant 0 : i32
    %dma_start3A_277 = tpu.memref_slice %arg16[%dma_start3A_275, %dma_start3A_276] : memref<10240x64xf32, #tpu.memory_space<vmem_shared>> -> memref<10240x64xf32, #tpu.memory_space<vmem_shared>>
    tpu.enqueue_indirect_dma source(%arg8 : memref<128x64xf32, #tpu.memory_space<vmem>>) target(%dma_start3A_277 : memref<10240x64xf32, #tpu.memory_space<vmem_shared>>) offsets(%dma_start3A_274 : memref<128xi32, #tpu.memory_space<vmem>>) semaphore(%arg25 : memref<!tpu.dma_semaphore, #tpu.memory_space<semaphore_mem>>) {add = true}
    %dma_start3A_278 = arith.constant 512 : i32
    %dma_start3A_279 = tpu.memref_slice %arg6[%dma_start3A_278] : memref<10240xi32, #tpu.memory_space<vmem>> -> memref<128xi32, #tpu.memory_space<vmem>>
    %dma_start3A_280 = arith.constant 0 : i32
    %dma_start3A_281 = arith.constant 0 : i32
    %dma_start3A_282 = tpu.memref_slice %arg2[%dma_start3A_280, %dma_start3A_281] : memref<10000x64xf32, #tpu.memory_space<hbm>> -> memref<10000x64xf32, #tpu.memory_space<hbm>>
    tpu.enqueue_indirect_dma source(%dma_start3A_282 : memref<10000x64xf32, #tpu.memory_space<hbm>>) target(%arg12 : memref<128x64xf32, #tpu.memory_space<vmem>>) offsets(%dma_start3A_279 : memref<128xi32, #tpu.memory_space<vmem>>) semaphore(%arg21 : memref<!tpu.dma_semaphore, #tpu.memory_space<semaphore_mem>>)
    %dma_wait3A_283 = arith.constant 128 : i32
    %dma_wait3A_284 = tpu.memref_slice %arg6[%dma_wait3A_283] : memref<10240xi32, #tpu.memory_space<vmem>> -> memref<128xi32, #tpu.memory_space<vmem>>
    %dma_wait3A_285 = arith.constant 0 : i32
    %dma_wait3A_286 = arith.constant 0 : i32
    %dma_wait3A_287 = tpu.memref_slice %arg2[%dma_wait3A_285, %dma_wait3A_286] : memref<10000x64xf32, #tpu.memory_space<hbm>> -> memref<10000x64xf32, #tpu.memory_space<hbm>>
    tpu.wait_indirect_dma semaphore(%arg18 : memref<!tpu.dma_semaphore, #tpu.memory_space<semaphore_mem>>) src(%dma_wait3A_287 : memref<10000x64xf32, #tpu.memory_space<hbm>>) dst(%arg9 : memref<128x64xf32, #tpu.memory_space<vmem>>)
    %dma_start3A_288 = arith.constant 128 : i32
    %dma_start3A_289 = tpu.memref_slice %arg7[%dma_start3A_288] : memref<10240xi32, #tpu.memory_space<vmem>> -> memref<128xi32, #tpu.memory_space<vmem>>
    %dma_start3A_290 = arith.constant 0 : i32
    %dma_start3A_291 = arith.constant 0 : i32
    %dma_start3A_292 = tpu.memref_slice %arg16[%dma_start3A_290, %dma_start3A_291] : memref<10240x64xf32, #tpu.memory_space<vmem_shared>> -> memref<10240x64xf32, #tpu.memory_space<vmem_shared>>
    tpu.enqueue_indirect_dma source(%arg9 : memref<128x64xf32, #tpu.memory_space<vmem>>) target(%dma_start3A_292 : memref<10240x64xf32, #tpu.memory_space<vmem_shared>>) offsets(%dma_start3A_289 : memref<128xi32, #tpu.memory_space<vmem>>) semaphore(%arg26 : memref<!tpu.dma_semaphore, #tpu.memory_space<semaphore_mem>>) {add = true}
    %dma_start3A_293 = arith.constant 640 : i32
    %dma_start3A_294 = tpu.memref_slice %arg6[%dma_start3A_293] : memref<10240xi32, #tpu.memory_space<vmem>> -> memref<128xi32, #tpu.memory_space<vmem>>
    %dma_start3A_295 = arith.constant 0 : i32
    %dma_start3A_296 = arith.constant 0 : i32
    %dma_start3A_297 = tpu.memref_slice %arg2[%dma_start3A_295, %dma_start3A_296] : memref<10000x64xf32, #tpu.memory_space<hbm>> -> memref<10000x64xf32, #tpu.memory_space<hbm>>
    tpu.enqueue_indirect_dma source(%dma_start3A_297 : memref<10000x64xf32, #tpu.memory_space<hbm>>) target(%arg13 : memref<128x64xf32, #tpu.memory_space<vmem>>) offsets(%dma_start3A_294 : memref<128xi32, #tpu.memory_space<vmem>>) semaphore(%arg22 : memref<!tpu.dma_semaphore, #tpu.memory_space<semaphore_mem>>)
    %dma_wait3A_298 = arith.constant 256 : i32
    %dma_wait3A_299 = tpu.memref_slice %arg6[%dma_wait3A_298] : memref<10240xi32, #tpu.memory_space<vmem>> -> memref<128xi32, #tpu.memory_space<vmem>>
    %dma_wait3A_300 = arith.constant 0 : i32
    %dma_wait3A_301 = arith.constant 0 : i32
    %dma_wait3A_302 = tpu.memref_slice %arg2[%dma_wait3A_300, %dma_wait3A_301] : memref<10000x64xf32, #tpu.memory_space<hbm>> -> memref<10000x64xf32, #tpu.memory_space<hbm>>
    tpu.wait_indirect_dma semaphore(%arg19 : memref<!tpu.dma_semaphore, #tpu.memory_space<semaphore_mem>>) src(%dma_wait3A_302 : memref<10000x64xf32, #tpu.memory_space<hbm>>) dst(%arg10 : memref<128x64xf32, #tpu.memory_space<vmem>>)
    %dma_start3A_303 = arith.constant 256 : i32
    %dma_start3A_304 = tpu.memref_slice %arg7[%dma_start3A_303] : memref<10240xi32, #tpu.memory_space<vmem>> -> memref<128xi32, #tpu.memory_space<vmem>>
    %dma_start3A_305 = arith.constant 0 : i32
    %dma_start3A_306 = arith.constant 0 : i32
    %dma_start3A_307 = tpu.memref_slice %arg16[%dma_start3A_305, %dma_start3A_306] : memref<10240x64xf32, #tpu.memory_space<vmem_shared>> -> memref<10240x64xf32, #tpu.memory_space<vmem_shared>>
    tpu.enqueue_indirect_dma source(%arg10 : memref<128x64xf32, #tpu.memory_space<vmem>>) target(%dma_start3A_307 : memref<10240x64xf32, #tpu.memory_space<vmem_shared>>) offsets(%dma_start3A_304 : memref<128xi32, #tpu.memory_space<vmem>>) semaphore(%arg27 : memref<!tpu.dma_semaphore, #tpu.memory_space<semaphore_mem>>) {add = true}
    %dma_start3A_308 = arith.constant 768 : i32
    %dma_start3A_309 = tpu.memref_slice %arg6[%dma_start3A_308] : memref<10240xi32, #tpu.memory_space<vmem>> -> memref<128xi32, #tpu.memory_space<vmem>>
    %dma_start3A_310 = arith.constant 0 : i32
    %dma_start3A_311 = arith.constant 0 : i32
    %dma_start3A_312 = tpu.memref_slice %arg2[%dma_start3A_310, %dma_start3A_311] : memref<10000x64xf32, #tpu.memory_space<hbm>> -> memref<10000x64xf32, #tpu.memory_space<hbm>>
    tpu.enqueue_indirect_dma source(%dma_start3A_312 : memref<10000x64xf32, #tpu.memory_space<hbm>>) target(%arg14 : memref<128x64xf32, #tpu.memory_space<vmem>>) offsets(%dma_start3A_309 : memref<128xi32, #tpu.memory_space<vmem>>) semaphore(%arg23 : memref<!tpu.dma_semaphore, #tpu.memory_space<semaphore_mem>>)
    %dma_wait3A_313 = arith.constant 384 : i32
    %dma_wait3A_314 = tpu.memref_slice %arg6[%dma_wait3A_313] : memref<10240xi32, #tpu.memory_space<vmem>> -> memref<128xi32, #tpu.memory_space<vmem>>
    %dma_wait3A_315 = arith.constant 0 : i32
    %dma_wait3A_316 = arith.constant 0 : i32
    %dma_wait3A_317 = tpu.memref_slice %arg2[%dma_wait3A_315, %dma_wait3A_316] : memref<10000x64xf32, #tpu.memory_space<hbm>> -> memref<10000x64xf32, #tpu.memory_space<hbm>>
    tpu.wait_indirect_dma semaphore(%arg20 : memref<!tpu.dma_semaphore, #tpu.memory_space<semaphore_mem>>) src(%dma_wait3A_317 : memref<10000x64xf32, #tpu.memory_space<hbm>>) dst(%arg11 : memref<128x64xf32, #tpu.memory_space<vmem>>)
    %dma_start3A_318 = arith.constant 384 : i32
    %dma_start3A_319 = tpu.memref_slice %arg7[%dma_start3A_318] : memref<10240xi32, #tpu.memory_space<vmem>> -> memref<128xi32, #tpu.memory_space<vmem>>
    %dma_start3A_320 = arith.constant 0 : i32
    %dma_start3A_321 = arith.constant 0 : i32
    %dma_start3A_322 = tpu.memref_slice %arg16[%dma_start3A_320, %dma_start3A_321] : memref<10240x64xf32, #tpu.memory_space<vmem_shared>> -> memref<10240x64xf32, #tpu.memory_space<vmem_shared>>
    tpu.enqueue_indirect_dma source(%arg11 : memref<128x64xf32, #tpu.memory_space<vmem>>) target(%dma_start3A_322 : memref<10240x64xf32, #tpu.memory_space<vmem_shared>>) offsets(%dma_start3A_319 : memref<128xi32, #tpu.memory_space<vmem>>) semaphore(%arg28 : memref<!tpu.dma_semaphore, #tpu.memory_space<semaphore_mem>>) {add = true}
    %dma_start3A_323 = arith.constant 896 : i32
    %dma_start3A_324 = tpu.memref_slice %arg6[%dma_start3A_323] : memref<10240xi32, #tpu.memory_space<vmem>> -> memref<128xi32, #tpu.memory_space<vmem>>
    %dma_start3A_325 = arith.constant 0 : i32
    %dma_start3A_326 = arith.constant 0 : i32
    %dma_start3A_327 = tpu.memref_slice %arg2[%dma_start3A_325, %dma_start3A_326] : memref<10000x64xf32, #tpu.memory_space<hbm>> -> memref<10000x64xf32, #tpu.memory_space<hbm>>
    tpu.enqueue_indirect_dma source(%dma_start3A_327 : memref<10000x64xf32, #tpu.memory_space<hbm>>) target(%arg15 : memref<128x64xf32, #tpu.memory_space<vmem>>) offsets(%dma_start3A_324 : memref<128xi32, #tpu.memory_space<vmem>>) semaphore(%arg24 : memref<!tpu.dma_semaphore, #tpu.memory_space<semaphore_mem>>)
    %scan3A = arith.constant 0 : i32
    %scan3A_328 = arith.constant 0 : i32
    %scan3A_329 = arith.constant 9 : i32
    %scan3A_330 = arith.addi %scan3A_328, %scan3A_329 : i32
    %scan3A_331 = arith.constant 1 : i32
    scf.for %scan3A_424 = %scan3A_328 to %scan3A_330 step %scan3A_331  : i32 {
      %mul3A_425 = arith.constant 8 : i32
      %mul3A_426 = arith.muli %mul3A_425, %scan3A_424 : i32
      %add3A_427 = arith.constant 4 : i32
      %add3A_428 = arith.addi %mul3A_426, %add3A_427 : i32
      %add3A_429 = arith.constant 0 : i32
      %add3A_430 = arith.addi %add3A_428, %add3A_429 : i32
      %mul3A_431 = arith.constant 128 : i32
      %mul3A_432 = arith.muli %add3A_430, %mul3A_431 : i32
      %dma_wait3A_433 = tpu.memref_slice %arg6[%mul3A_432] : memref<10240xi32, #tpu.memory_space<vmem>> -> memref<128xi32, #tpu.memory_space<vmem>>
      %dma_wait3A_434 = arith.constant 0 : i32
      %dma_wait3A_435 = arith.constant 0 : i32
      %dma_wait3A_436 = tpu.memref_slice %arg2[%dma_wait3A_434, %dma_wait3A_435] : memref<10000x64xf32, #tpu.memory_space<hbm>> -> memref<10000x64xf32, #tpu.memory_space<hbm>>
      tpu.wait_indirect_dma semaphore(%arg21 : memref<!tpu.dma_semaphore, #tpu.memory_space<semaphore_mem>>) src(%dma_wait3A_436 : memref<10000x64xf32, #tpu.memory_space<hbm>>) dst(%arg12 : memref<128x64xf32, #tpu.memory_space<vmem>>)
      %mul3A_437 = arith.constant 128 : i32
      %mul3A_438 = arith.muli %add3A_430, %mul3A_437 : i32
      %dma_start3A_439 = tpu.memref_slice %arg7[%mul3A_438] : memref<10240xi32, #tpu.memory_space<vmem>> -> memref<128xi32, #tpu.memory_space<vmem>>
      %dma_start3A_440 = arith.constant 0 : i32
      %dma_start3A_441 = arith.constant 0 : i32
      %dma_start3A_442 = tpu.memref_slice %arg16[%dma_start3A_440, %dma_start3A_441] : memref<10240x64xf32, #tpu.memory_space<vmem_shared>> -> memref<10240x64xf32, #tpu.memory_space<vmem_shared>>
      tpu.enqueue_indirect_dma source(%arg12 : memref<128x64xf32, #tpu.memory_space<vmem>>) target(%dma_start3A_442 : memref<10240x64xf32, #tpu.memory_space<vmem_shared>>) offsets(%dma_start3A_439 : memref<128xi32, #tpu.memory_space<vmem>>) semaphore(%arg29 : memref<!tpu.dma_semaphore, #tpu.memory_space<semaphore_mem>>) {add = true}
      %sub3A = arith.constant 4 : i32
      %sub3A_443 = arith.subi %add3A_430, %sub3A : i32
      %mul3A_444 = arith.constant 128 : i32
      %mul3A_445 = arith.muli %sub3A_443, %mul3A_444 : i32
      %dma_wait3A_446 = tpu.memref_slice %arg7[%mul3A_445] : memref<10240xi32, #tpu.memory_space<vmem>> -> memref<128xi32, #tpu.memory_space<vmem>>
      %dma_wait3A_447 = arith.constant 0 : i32
      %dma_wait3A_448 = arith.constant 0 : i32
      %dma_wait3A_449 = tpu.memref_slice %arg16[%dma_wait3A_447, %dma_wait3A_448] : memref<10240x64xf32, #tpu.memory_space<vmem_shared>> -> memref<10240x64xf32, #tpu.memory_space<vmem_shared>>
      tpu.wait_indirect_dma semaphore(%arg25 : memref<!tpu.dma_semaphore, #tpu.memory_space<semaphore_mem>>) src(%arg8 : memref<128x64xf32, #tpu.memory_space<vmem>>) dst(%dma_wait3A_449 : memref<10240x64xf32, #tpu.memory_space<vmem_shared>>)
      %add3A_450 = arith.constant 4 : i32
      %add3A_451 = arith.addi %add3A_430, %add3A_450 : i32
      %mul3A_452 = arith.constant 128 : i32
      %mul3A_453 = arith.muli %add3A_451, %mul3A_452 : i32
      %dma_start3A_454 = tpu.memref_slice %arg6[%mul3A_453] : memref<10240xi32, #tpu.memory_space<vmem>> -> memref<128xi32, #tpu.memory_space<vmem>>
      %dma_start3A_455 = arith.constant 0 : i32
      %dma_start3A_456 = arith.constant 0 : i32
      %dma_start3A_457 = tpu.memref_slice %arg2[%dma_start3A_455, %dma_start3A_456] : memref<10000x64xf32, #tpu.memory_space<hbm>> -> memref<10000x64xf32, #tpu.memory_space<hbm>>
      tpu.enqueue_indirect_dma source(%dma_start3A_457 : memref<10000x64xf32, #tpu.memory_space<hbm>>) target(%arg8 : memref<128x64xf32, #tpu.memory_space<vmem>>) offsets(%dma_start3A_454 : memref<128xi32, #tpu.memory_space<vmem>>) semaphore(%arg17 : memref<!tpu.dma_semaphore, #tpu.memory_space<semaphore_mem>>)
      %mul3A_458 = arith.constant 8 : i32
      %mul3A_459 = arith.muli %mul3A_458, %scan3A_424 : i32
      %add3A_460 = arith.constant 4 : i32
      %add3A_461 = arith.addi %mul3A_459, %add3A_460 : i32
      %add3A_462 = arith.constant 1 : i32
      %add3A_463 = arith.addi %add3A_461, %add3A_462 : i32
      %mul3A_464 = arith.constant 128 : i32
      %mul3A_465 = arith.muli %add3A_463, %mul3A_464 : i32
      %dma_wait3A_466 = tpu.memref_slice %arg6[%mul3A_465] : memref<10240xi32, #tpu.memory_space<vmem>> -> memref<128xi32, #tpu.memory_space<vmem>>
      %dma_wait3A_467 = arith.constant 0 : i32
      %dma_wait3A_468 = arith.constant 0 : i32
      %dma_wait3A_469 = tpu.memref_slice %arg2[%dma_wait3A_467, %dma_wait3A_468] : memref<10000x64xf32, #tpu.memory_space<hbm>> -> memref<10000x64xf32, #tpu.memory_space<hbm>>
      tpu.wait_indirect_dma semaphore(%arg22 : memref<!tpu.dma_semaphore, #tpu.memory_space<semaphore_mem>>) src(%dma_wait3A_469 : memref<10000x64xf32, #tpu.memory_space<hbm>>) dst(%arg13 : memref<128x64xf32, #tpu.memory_space<vmem>>)
      %mul3A_470 = arith.constant 128 : i32
      %mul3A_471 = arith.muli %add3A_463, %mul3A_470 : i32
      %dma_start3A_472 = tpu.memref_slice %arg7[%mul3A_471] : memref<10240xi32, #tpu.memory_space<vmem>> -> memref<128xi32, #tpu.memory_space<vmem>>
      %dma_start3A_473 = arith.constant 0 : i32
      %dma_start3A_474 = arith.constant 0 : i32
      %dma_start3A_475 = tpu.memref_slice %arg16[%dma_start3A_473, %dma_start3A_474] : memref<10240x64xf32, #tpu.memory_space<vmem_shared>> -> memref<10240x64xf32, #tpu.memory_space<vmem_shared>>
      tpu.enqueue_indirect_dma source(%arg13 : memref<128x64xf32, #tpu.memory_space<vmem>>) target(%dma_start3A_475 : memref<10240x64xf32, #tpu.memory_space<vmem_shared>>) offsets(%dma_start3A_472 : memref<128xi32, #tpu.memory_space<vmem>>) semaphore(%arg30 : memref<!tpu.dma_semaphore, #tpu.memory_space<semaphore_mem>>) {add = true}
      %sub3A_476 = arith.constant 4 : i32
      %sub3A_477 = arith.subi %add3A_463, %sub3A_476 : i32
      %mul3A_478 = arith.constant 128 : i32
      %mul3A_479 = arith.muli %sub3A_477, %mul3A_478 : i32
      %dma_wait3A_480 = tpu.memref_slice %arg7[%mul3A_479] : memref<10240xi32, #tpu.memory_space<vmem>> -> memref<128xi32, #tpu.memory_space<vmem>>
      %dma_wait3A_481 = arith.constant 0 : i32
      %dma_wait3A_482 = arith.constant 0 : i32
      %dma_wait3A_483 = tpu.memref_slice %arg16[%dma_wait3A_481, %dma_wait3A_482] : memref<10240x64xf32, #tpu.memory_space<vmem_shared>> -> memref<10240x64xf32, #tpu.memory_space<vmem_shared>>
      tpu.wait_indirect_dma semaphore(%arg26 : memref<!tpu.dma_semaphore, #tpu.memory_space<semaphore_mem>>) src(%arg9 : memref<128x64xf32, #tpu.memory_space<vmem>>) dst(%dma_wait3A_483 : memref<10240x64xf32, #tpu.memory_space<vmem_shared>>)
      %add3A_484 = arith.constant 4 : i32
      %add3A_485 = arith.addi %add3A_463, %add3A_484 : i32
      %mul3A_486 = arith.constant 128 : i32
      %mul3A_487 = arith.muli %add3A_485, %mul3A_486 : i32
      %dma_start3A_488 = tpu.memref_slice %arg6[%mul3A_487] : memref<10240xi32, #tpu.memory_space<vmem>> -> memref<128xi32, #tpu.memory_space<vmem>>
      %dma_start3A_489 = arith.constant 0 : i32
      %dma_start3A_490 = arith.constant 0 : i32
      %dma_start3A_491 = tpu.memref_slice %arg2[%dma_start3A_489, %dma_start3A_490] : memref<10000x64xf32, #tpu.memory_space<hbm>> -> memref<10000x64xf32, #tpu.memory_space<hbm>>
      tpu.enqueue_indirect_dma source(%dma_start3A_491 : memref<10000x64xf32, #tpu.memory_space<hbm>>) target(%arg9 : memref<128x64xf32, #tpu.memory_space<vmem>>) offsets(%dma_start3A_488 : memref<128xi32, #tpu.memory_space<vmem>>) semaphore(%arg18 : memref<!tpu.dma_semaphore, #tpu.memory_space<semaphore_mem>>)
      %mul3A_492 = arith.constant 8 : i32
      %mul3A_493 = arith.muli %mul3A_492, %scan3A_424 : i32
      %add3A_494 = arith.constant 4 : i32
      %add3A_495 = arith.addi %mul3A_493, %add3A_494 : i32
      %add3A_496 = arith.constant 2 : i32
      %add3A_497 = arith.addi %add3A_495, %add3A_496 : i32
      %mul3A_498 = arith.constant 128 : i32
      %mul3A_499 = arith.muli %add3A_497, %mul3A_498 : i32
      %dma_wait3A_500 = tpu.memref_slice %arg6[%mul3A_499] : memref<10240xi32, #tpu.memory_space<vmem>> -> memref<128xi32, #tpu.memory_space<vmem>>
      %dma_wait3A_501 = arith.constant 0 : i32
      %dma_wait3A_502 = arith.constant 0 : i32
      %dma_wait3A_503 = tpu.memref_slice %arg2[%dma_wait3A_501, %dma_wait3A_502] : memref<10000x64xf32, #tpu.memory_space<hbm>> -> memref<10000x64xf32, #tpu.memory_space<hbm>>
      tpu.wait_indirect_dma semaphore(%arg23 : memref<!tpu.dma_semaphore, #tpu.memory_space<semaphore_mem>>) src(%dma_wait3A_503 : memref<10000x64xf32, #tpu.memory_space<hbm>>) dst(%arg14 : memref<128x64xf32, #tpu.memory_space<vmem>>)
      %mul3A_504 = arith.constant 128 : i32
      %mul3A_505 = arith.muli %add3A_497, %mul3A_504 : i32
      %dma_start3A_506 = tpu.memref_slice %arg7[%mul3A_505] : memref<10240xi32, #tpu.memory_space<vmem>> -> memref<128xi32, #tpu.memory_space<vmem>>
      %dma_start3A_507 = arith.constant 0 : i32
      %dma_start3A_508 = arith.constant 0 : i32
      %dma_start3A_509 = tpu.memref_slice %arg16[%dma_start3A_507, %dma_start3A_508] : memref<10240x64xf32, #tpu.memory_space<vmem_shared>> -> memref<10240x64xf32, #tpu.memory_space<vmem_shared>>
      tpu.enqueue_indirect_dma source(%arg14 : memref<128x64xf32, #tpu.memory_space<vmem>>) target(%dma_start3A_509 : memref<10240x64xf32, #tpu.memory_space<vmem_shared>>) offsets(%dma_start3A_506 : memref<128xi32, #tpu.memory_space<vmem>>) semaphore(%arg31 : memref<!tpu.dma_semaphore, #tpu.memory_space<semaphore_mem>>) {add = true}
      %sub3A_510 = arith.constant 4 : i32
      %sub3A_511 = arith.subi %add3A_497, %sub3A_510 : i32
      %mul3A_512 = arith.constant 128 : i32
      %mul3A_513 = arith.muli %sub3A_511, %mul3A_512 : i32
      %dma_wait3A_514 = tpu.memref_slice %arg7[%mul3A_513] : memref<10240xi32, #tpu.memory_space<vmem>> -> memref<128xi32, #tpu.memory_space<vmem>>
      %dma_wait3A_515 = arith.constant 0 : i32
      %dma_wait3A_516 = arith.constant 0 : i32
      %dma_wait3A_517 = tpu.memref_slice %arg16[%dma_wait3A_515, %dma_wait3A_516] : memref<10240x64xf32, #tpu.memory_space<vmem_shared>> -> memref<10240x64xf32, #tpu.memory_space<vmem_shared>>
      tpu.wait_indirect_dma semaphore(%arg27 : memref<!tpu.dma_semaphore, #tpu.memory_space<semaphore_mem>>) src(%arg10 : memref<128x64xf32, #tpu.memory_space<vmem>>) dst(%dma_wait3A_517 : memref<10240x64xf32, #tpu.memory_space<vmem_shared>>)
      %add3A_518 = arith.constant 4 : i32
      %add3A_519 = arith.addi %add3A_497, %add3A_518 : i32
      %mul3A_520 = arith.constant 128 : i32
      %mul3A_521 = arith.muli %add3A_519, %mul3A_520 : i32
      %dma_start3A_522 = tpu.memref_slice %arg6[%mul3A_521] : memref<10240xi32, #tpu.memory_space<vmem>> -> memref<128xi32, #tpu.memory_space<vmem>>
      %dma_start3A_523 = arith.constant 0 : i32
      %dma_start3A_524 = arith.constant 0 : i32
      %dma_start3A_525 = tpu.memref_slice %arg2[%dma_start3A_523, %dma_start3A_524] : memref<10000x64xf32, #tpu.memory_space<hbm>> -> memref<10000x64xf32, #tpu.memory_space<hbm>>
      tpu.enqueue_indirect_dma source(%dma_start3A_525 : memref<10000x64xf32, #tpu.memory_space<hbm>>) target(%arg10 : memref<128x64xf32, #tpu.memory_space<vmem>>) offsets(%dma_start3A_522 : memref<128xi32, #tpu.memory_space<vmem>>) semaphore(%arg19 : memref<!tpu.dma_semaphore, #tpu.memory_space<semaphore_mem>>)
      %mul3A_526 = arith.constant 8 : i32
      %mul3A_527 = arith.muli %mul3A_526, %scan3A_424 : i32
      %add3A_528 = arith.constant 4 : i32
      %add3A_529 = arith.addi %mul3A_527, %add3A_528 : i32
      %add3A_530 = arith.constant 3 : i32
      %add3A_531 = arith.addi %add3A_529, %add3A_530 : i32
      %mul3A_532 = arith.constant 128 : i32
      %mul3A_533 = arith.muli %add3A_531, %mul3A_532 : i32
      %dma_wait3A_534 = tpu.memref_slice %arg6[%mul3A_533] : memref<10240xi32, #tpu.memory_space<vmem>> -> memref<128xi32, #tpu.memory_space<vmem>>
      %dma_wait3A_535 = arith.constant 0 : i32
      %dma_wait3A_536 = arith.constant 0 : i32
      %dma_wait3A_537 = tpu.memref_slice %arg2[%dma_wait3A_535, %dma_wait3A_536] : memref<10000x64xf32, #tpu.memory_space<hbm>> -> memref<10000x64xf32, #tpu.memory_space<hbm>>
      tpu.wait_indirect_dma semaphore(%arg24 : memref<!tpu.dma_semaphore, #tpu.memory_space<semaphore_mem>>) src(%dma_wait3A_537 : memref<10000x64xf32, #tpu.memory_space<hbm>>) dst(%arg15 : memref<128x64xf32, #tpu.memory_space<vmem>>)
      %mul3A_538 = arith.constant 128 : i32
      %mul3A_539 = arith.muli %add3A_531, %mul3A_538 : i32
      %dma_start3A_540 = tpu.memref_slice %arg7[%mul3A_539] : memref<10240xi32, #tpu.memory_space<vmem>> -> memref<128xi32, #tpu.memory_space<vmem>>
      %dma_start3A_541 = arith.constant 0 : i32
      %dma_start3A_542 = arith.constant 0 : i32
      %dma_start3A_543 = tpu.memref_slice %arg16[%dma_start3A_541, %dma_start3A_542] : memref<10240x64xf32, #tpu.memory_space<vmem_shared>> -> memref<10240x64xf32, #tpu.memory_space<vmem_shared>>
      tpu.enqueue_indirect_dma source(%arg15 : memref<128x64xf32, #tpu.memory_space<vmem>>) target(%dma_start3A_543 : memref<10240x64xf32, #tpu.memory_space<vmem_shared>>) offsets(%dma_start3A_540 : memref<128xi32, #tpu.memory_space<vmem>>) semaphore(%arg32 : memref<!tpu.dma_semaphore, #tpu.memory_space<semaphore_mem>>) {add = true}
      %sub3A_544 = arith.constant 4 : i32
      %sub3A_545 = arith.subi %add3A_531, %sub3A_544 : i32
      %mul3A_546 = arith.constant 128 : i32
      %mul3A_547 = arith.muli %sub3A_545, %mul3A_546 : i32
      %dma_wait3A_548 = tpu.memref_slice %arg7[%mul3A_547] : memref<10240xi32, #tpu.memory_space<vmem>> -> memref<128xi32, #tpu.memory_space<vmem>>
      %dma_wait3A_549 = arith.constant 0 : i32
      %dma_wait3A_550 = arith.constant 0 : i32
      %dma_wait3A_551 = tpu.memref_slice %arg16[%dma_wait3A_549, %dma_wait3A_550] : memref<10240x64xf32, #tpu.memory_space<vmem_shared>> -> memref<10240x64xf32, #tpu.memory_space<vmem_shared>>
      tpu.wait_indirect_dma semaphore(%arg28 : memref<!tpu.dma_semaphore, #tpu.memory_space<semaphore_mem>>) src(%arg11 : memref<128x64xf32, #tpu.memory_space<vmem>>) dst(%dma_wait3A_551 : memref<10240x64xf32, #tpu.memory_space<vmem_shared>>)
      %add3A_552 = arith.constant 4 : i32
      %add3A_553 = arith.addi %add3A_531, %add3A_552 : i32
      %mul3A_554 = arith.constant 128 : i32
      %mul3A_555 = arith.muli %add3A_553, %mul3A_554 : i32
      %dma_start3A_556 = tpu.memref_slice %arg6[%mul3A_555] : memref<10240xi32, #tpu.memory_space<vmem>> -> memref<128xi32, #tpu.memory_space<vmem>>
      %dma_start3A_557 = arith.constant 0 : i32
      %dma_start3A_558 = arith.constant 0 : i32
      %dma_start3A_559 = tpu.memref_slice %arg2[%dma_start3A_557, %dma_start3A_558] : memref<10000x64xf32, #tpu.memory_space<hbm>> -> memref<10000x64xf32, #tpu.memory_space<hbm>>
      tpu.enqueue_indirect_dma source(%dma_start3A_559 : memref<10000x64xf32, #tpu.memory_space<hbm>>) target(%arg11 : memref<128x64xf32, #tpu.memory_space<vmem>>) offsets(%dma_start3A_556 : memref<128xi32, #tpu.memory_space<vmem>>) semaphore(%arg20 : memref<!tpu.dma_semaphore, #tpu.memory_space<semaphore_mem>>)
      %mul3A_560 = arith.constant 8 : i32
      %mul3A_561 = arith.muli %mul3A_560, %scan3A_424 : i32
      %add3A_562 = arith.constant 4 : i32
      %add3A_563 = arith.addi %mul3A_561, %add3A_562 : i32
      %add3A_564 = arith.constant 4 : i32
      %add3A_565 = arith.addi %add3A_563, %add3A_564 : i32
      %mul3A_566 = arith.constant 128 : i32
      %mul3A_567 = arith.muli %add3A_565, %mul3A_566 : i32
      %dma_wait3A_568 = tpu.memref_slice %arg6[%mul3A_567] : memref<10240xi32, #tpu.memory_space<vmem>> -> memref<128xi32, #tpu.memory_space<vmem>>
      %dma_wait3A_569 = arith.constant 0 : i32
      %dma_wait3A_570 = arith.constant 0 : i32
      %dma_wait3A_571 = tpu.memref_slice %arg2[%dma_wait3A_569, %dma_wait3A_570] : memref<10000x64xf32, #tpu.memory_space<hbm>> -> memref<10000x64xf32, #tpu.memory_space<hbm>>
      tpu.wait_indirect_dma semaphore(%arg17 : memref<!tpu.dma_semaphore, #tpu.memory_space<semaphore_mem>>) src(%dma_wait3A_571 : memref<10000x64xf32, #tpu.memory_space<hbm>>) dst(%arg8 : memref<128x64xf32, #tpu.memory_space<vmem>>)
      %mul3A_572 = arith.constant 128 : i32
      %mul3A_573 = arith.muli %add3A_565, %mul3A_572 : i32
      %dma_start3A_574 = tpu.memref_slice %arg7[%mul3A_573] : memref<10240xi32, #tpu.memory_space<vmem>> -> memref<128xi32, #tpu.memory_space<vmem>>
      %dma_start3A_575 = arith.constant 0 : i32
      %dma_start3A_576 = arith.constant 0 : i32
      %dma_start3A_577 = tpu.memref_slice %arg16[%dma_start3A_575, %dma_start3A_576] : memref<10240x64xf32, #tpu.memory_space<vmem_shared>> -> memref<10240x64xf32, #tpu.memory_space<vmem_shared>>
      tpu.enqueue_indirect_dma source(%arg8 : memref<128x64xf32, #tpu.memory_space<vmem>>) target(%dma_start3A_577 : memref<10240x64xf32, #tpu.memory_space<vmem_shared>>) offsets(%dma_start3A_574 : memref<128xi32, #tpu.memory_space<vmem>>) semaphore(%arg25 : memref<!tpu.dma_semaphore, #tpu.memory_space<semaphore_mem>>) {add = true}
      %sub3A_578 = arith.constant 4 : i32
      %sub3A_579 = arith.subi %add3A_565, %sub3A_578 : i32
      %mul3A_580 = arith.constant 128 : i32
      %mul3A_581 = arith.muli %sub3A_579, %mul3A_580 : i32
      %dma_wait3A_582 = tpu.memref_slice %arg7[%mul3A_581] : memref<10240xi32, #tpu.memory_space<vmem>> -> memref<128xi32, #tpu.memory_space<vmem>>
      %dma_wait3A_583 = arith.constant 0 : i32
      %dma_wait3A_584 = arith.constant 0 : i32
      %dma_wait3A_585 = tpu.memref_slice %arg16[%dma_wait3A_583, %dma_wait3A_584] : memref<10240x64xf32, #tpu.memory_space<vmem_shared>> -> memref<10240x64xf32, #tpu.memory_space<vmem_shared>>
      tpu.wait_indirect_dma semaphore(%arg29 : memref<!tpu.dma_semaphore, #tpu.memory_space<semaphore_mem>>) src(%arg12 : memref<128x64xf32, #tpu.memory_space<vmem>>) dst(%dma_wait3A_585 : memref<10240x64xf32, #tpu.memory_space<vmem_shared>>)
      %add3A_586 = arith.constant 4 : i32
      %add3A_587 = arith.addi %add3A_565, %add3A_586 : i32
      %mul3A_588 = arith.constant 128 : i32
      %mul3A_589 = arith.muli %add3A_587, %mul3A_588 : i32
      %dma_start3A_590 = tpu.memref_slice %arg6[%mul3A_589] : memref<10240xi32, #tpu.memory_space<vmem>> -> memref<128xi32, #tpu.memory_space<vmem>>
      %dma_start3A_591 = arith.constant 0 : i32
      %dma_start3A_592 = arith.constant 0 : i32
      %dma_start3A_593 = tpu.memref_slice %arg2[%dma_start3A_591, %dma_start3A_592] : memref<10000x64xf32, #tpu.memory_space<hbm>> -> memref<10000x64xf32, #tpu.memory_space<hbm>>
      tpu.enqueue_indirect_dma source(%dma_start3A_593 : memref<10000x64xf32, #tpu.memory_space<hbm>>) target(%arg12 : memref<128x64xf32, #tpu.memory_space<vmem>>) offsets(%dma_start3A_590 : memref<128xi32, #tpu.memory_space<vmem>>) semaphore(%arg21 : memref<!tpu.dma_semaphore, #tpu.memory_space<semaphore_mem>>)
      %mul3A_594 = arith.constant 8 : i32
      %mul3A_595 = arith.muli %mul3A_594, %scan3A_424 : i32
      %add3A_596 = arith.constant 4 : i32
      %add3A_597 = arith.addi %mul3A_595, %add3A_596 : i32
      %add3A_598 = arith.constant 5 : i32
      %add3A_599 = arith.addi %add3A_597, %add3A_598 : i32
      %mul3A_600 = arith.constant 128 : i32
      %mul3A_601 = arith.muli %add3A_599, %mul3A_600 : i32
      %dma_wait3A_602 = tpu.memref_slice %arg6[%mul3A_601] : memref<10240xi32, #tpu.memory_space<vmem>> -> memref<128xi32, #tpu.memory_space<vmem>>
      %dma_wait3A_603 = arith.constant 0 : i32
      %dma_wait3A_604 = arith.constant 0 : i32
      %dma_wait3A_605 = tpu.memref_slice %arg2[%dma_wait3A_603, %dma_wait3A_604] : memref<10000x64xf32, #tpu.memory_space<hbm>> -> memref<10000x64xf32, #tpu.memory_space<hbm>>
      tpu.wait_indirect_dma semaphore(%arg18 : memref<!tpu.dma_semaphore, #tpu.memory_space<semaphore_mem>>) src(%dma_wait3A_605 : memref<10000x64xf32, #tpu.memory_space<hbm>>) dst(%arg9 : memref<128x64xf32, #tpu.memory_space<vmem>>)
      %mul3A_606 = arith.constant 128 : i32
      %mul3A_607 = arith.muli %add3A_599, %mul3A_606 : i32
      %dma_start3A_608 = tpu.memref_slice %arg7[%mul3A_607] : memref<10240xi32, #tpu.memory_space<vmem>> -> memref<128xi32, #tpu.memory_space<vmem>>
      %dma_start3A_609 = arith.constant 0 : i32
      %dma_start3A_610 = arith.constant 0 : i32
      %dma_start3A_611 = tpu.memref_slice %arg16[%dma_start3A_609, %dma_start3A_610] : memref<10240x64xf32, #tpu.memory_space<vmem_shared>> -> memref<10240x64xf32, #tpu.memory_space<vmem_shared>>
      tpu.enqueue_indirect_dma source(%arg9 : memref<128x64xf32, #tpu.memory_space<vmem>>) target(%dma_start3A_611 : memref<10240x64xf32, #tpu.memory_space<vmem_shared>>) offsets(%dma_start3A_608 : memref<128xi32, #tpu.memory_space<vmem>>) semaphore(%arg26 : memref<!tpu.dma_semaphore, #tpu.memory_space<semaphore_mem>>) {add = true}
      %sub3A_612 = arith.constant 4 : i32
      %sub3A_613 = arith.subi %add3A_599, %sub3A_612 : i32
      %mul3A_614 = arith.constant 128 : i32
      %mul3A_615 = arith.muli %sub3A_613, %mul3A_614 : i32
      %dma_wait3A_616 = tpu.memref_slice %arg7[%mul3A_615] : memref<10240xi32, #tpu.memory_space<vmem>> -> memref<128xi32, #tpu.memory_space<vmem>>
      %dma_wait3A_617 = arith.constant 0 : i32
      %dma_wait3A_618 = arith.constant 0 : i32
      %dma_wait3A_619 = tpu.memref_slice %arg16[%dma_wait3A_617, %dma_wait3A_618] : memref<10240x64xf32, #tpu.memory_space<vmem_shared>> -> memref<10240x64xf32, #tpu.memory_space<vmem_shared>>
      tpu.wait_indirect_dma semaphore(%arg30 : memref<!tpu.dma_semaphore, #tpu.memory_space<semaphore_mem>>) src(%arg13 : memref<128x64xf32, #tpu.memory_space<vmem>>) dst(%dma_wait3A_619 : memref<10240x64xf32, #tpu.memory_space<vmem_shared>>)
      %add3A_620 = arith.constant 4 : i32
      %add3A_621 = arith.addi %add3A_599, %add3A_620 : i32
      %mul3A_622 = arith.constant 128 : i32
      %mul3A_623 = arith.muli %add3A_621, %mul3A_622 : i32
      %dma_start3A_624 = tpu.memref_slice %arg6[%mul3A_623] : memref<10240xi32, #tpu.memory_space<vmem>> -> memref<128xi32, #tpu.memory_space<vmem>>
      %dma_start3A_625 = arith.constant 0 : i32
      %dma_start3A_626 = arith.constant 0 : i32
      %dma_start3A_627 = tpu.memref_slice %arg2[%dma_start3A_625, %dma_start3A_626] : memref<10000x64xf32, #tpu.memory_space<hbm>> -> memref<10000x64xf32, #tpu.memory_space<hbm>>
      tpu.enqueue_indirect_dma source(%dma_start3A_627 : memref<10000x64xf32, #tpu.memory_space<hbm>>) target(%arg13 : memref<128x64xf32, #tpu.memory_space<vmem>>) offsets(%dma_start3A_624 : memref<128xi32, #tpu.memory_space<vmem>>) semaphore(%arg22 : memref<!tpu.dma_semaphore, #tpu.memory_space<semaphore_mem>>)
      %mul3A_628 = arith.constant 8 : i32
      %mul3A_629 = arith.muli %mul3A_628, %scan3A_424 : i32
      %add3A_630 = arith.constant 4 : i32
      %add3A_631 = arith.addi %mul3A_629, %add3A_630 : i32
      %add3A_632 = arith.constant 6 : i32
      %add3A_633 = arith.addi %add3A_631, %add3A_632 : i32
      %mul3A_634 = arith.constant 128 : i32
      %mul3A_635 = arith.muli %add3A_633, %mul3A_634 : i32
      %dma_wait3A_636 = tpu.memref_slice %arg6[%mul3A_635] : memref<10240xi32, #tpu.memory_space<vmem>> -> memref<128xi32, #tpu.memory_space<vmem>>
      %dma_wait3A_637 = arith.constant 0 : i32
      %dma_wait3A_638 = arith.constant 0 : i32
      %dma_wait3A_639 = tpu.memref_slice %arg2[%dma_wait3A_637, %dma_wait3A_638] : memref<10000x64xf32, #tpu.memory_space<hbm>> -> memref<10000x64xf32, #tpu.memory_space<hbm>>
      tpu.wait_indirect_dma semaphore(%arg19 : memref<!tpu.dma_semaphore, #tpu.memory_space<semaphore_mem>>) src(%dma_wait3A_639 : memref<10000x64xf32, #tpu.memory_space<hbm>>) dst(%arg10 : memref<128x64xf32, #tpu.memory_space<vmem>>)
      %mul3A_640 = arith.constant 128 : i32
      %mul3A_641 = arith.muli %add3A_633, %mul3A_640 : i32
      %dma_start3A_642 = tpu.memref_slice %arg7[%mul3A_641] : memref<10240xi32, #tpu.memory_space<vmem>> -> memref<128xi32, #tpu.memory_space<vmem>>
      %dma_start3A_643 = arith.constant 0 : i32
      %dma_start3A_644 = arith.constant 0 : i32
      %dma_start3A_645 = tpu.memref_slice %arg16[%dma_start3A_643, %dma_start3A_644] : memref<10240x64xf32, #tpu.memory_space<vmem_shared>> -> memref<10240x64xf32, #tpu.memory_space<vmem_shared>>
      tpu.enqueue_indirect_dma source(%arg10 : memref<128x64xf32, #tpu.memory_space<vmem>>) target(%dma_start3A_645 : memref<10240x64xf32, #tpu.memory_space<vmem_shared>>) offsets(%dma_start3A_642 : memref<128xi32, #tpu.memory_space<vmem>>) semaphore(%arg27 : memref<!tpu.dma_semaphore, #tpu.memory_space<semaphore_mem>>) {add = true}
      %sub3A_646 = arith.constant 4 : i32
      %sub3A_647 = arith.subi %add3A_633, %sub3A_646 : i32
      %mul3A_648 = arith.constant 128 : i32
      %mul3A_649 = arith.muli %sub3A_647, %mul3A_648 : i32
      %dma_wait3A_650 = tpu.memref_slice %arg7[%mul3A_649] : memref<10240xi32, #tpu.memory_space<vmem>> -> memref<128xi32, #tpu.memory_space<vmem>>
      %dma_wait3A_651 = arith.constant 0 : i32
      %dma_wait3A_652 = arith.constant 0 : i32
      %dma_wait3A_653 = tpu.memref_slice %arg16[%dma_wait3A_651, %dma_wait3A_652] : memref<10240x64xf32, #tpu.memory_space<vmem_shared>> -> memref<10240x64xf32, #tpu.memory_space<vmem_shared>>
      tpu.wait_indirect_dma semaphore(%arg31 : memref<!tpu.dma_semaphore, #tpu.memory_space<semaphore_mem>>) src(%arg14 : memref<128x64xf32, #tpu.memory_space<vmem>>) dst(%dma_wait3A_653 : memref<10240x64xf32, #tpu.memory_space<vmem_shared>>)
      %add3A_654 = arith.constant 4 : i32
      %add3A_655 = arith.addi %add3A_633, %add3A_654 : i32
      %mul3A_656 = arith.constant 128 : i32
      %mul3A_657 = arith.muli %add3A_655, %mul3A_656 : i32
      %dma_start3A_658 = tpu.memref_slice %arg6[%mul3A_657] : memref<10240xi32, #tpu.memory_space<vmem>> -> memref<128xi32, #tpu.memory_space<vmem>>
      %dma_start3A_659 = arith.constant 0 : i32
      %dma_start3A_660 = arith.constant 0 : i32
      %dma_start3A_661 = tpu.memref_slice %arg2[%dma_start3A_659, %dma_start3A_660] : memref<10000x64xf32, #tpu.memory_space<hbm>> -> memref<10000x64xf32, #tpu.memory_space<hbm>>
      tpu.enqueue_indirect_dma source(%dma_start3A_661 : memref<10000x64xf32, #tpu.memory_space<hbm>>) target(%arg14 : memref<128x64xf32, #tpu.memory_space<vmem>>) offsets(%dma_start3A_658 : memref<128xi32, #tpu.memory_space<vmem>>) semaphore(%arg23 : memref<!tpu.dma_semaphore, #tpu.memory_space<semaphore_mem>>)
      %mul3A_662 = arith.constant 8 : i32
      %mul3A_663 = arith.muli %mul3A_662, %scan3A_424 : i32
      %add3A_664 = arith.constant 4 : i32
      %add3A_665 = arith.addi %mul3A_663, %add3A_664 : i32
      %add3A_666 = arith.constant 7 : i32
      %add3A_667 = arith.addi %add3A_665, %add3A_666 : i32
      %mul3A_668 = arith.constant 128 : i32
      %mul3A_669 = arith.muli %add3A_667, %mul3A_668 : i32
      %dma_wait3A_670 = tpu.memref_slice %arg6[%mul3A_669] : memref<10240xi32, #tpu.memory_space<vmem>> -> memref<128xi32, #tpu.memory_space<vmem>>
      %dma_wait3A_671 = arith.constant 0 : i32
      %dma_wait3A_672 = arith.constant 0 : i32
      %dma_wait3A_673 = tpu.memref_slice %arg2[%dma_wait3A_671, %dma_wait3A_672] : memref<10000x64xf32, #tpu.memory_space<hbm>> -> memref<10000x64xf32, #tpu.memory_space<hbm>>
      tpu.wait_indirect_dma semaphore(%arg20 : memref<!tpu.dma_semaphore, #tpu.memory_space<semaphore_mem>>) src(%dma_wait3A_673 : memref<10000x64xf32, #tpu.memory_space<hbm>>) dst(%arg11 : memref<128x64xf32, #tpu.memory_space<vmem>>)
      %mul3A_674 = arith.constant 128 : i32
      %mul3A_675 = arith.muli %add3A_667, %mul3A_674 : i32
      %dma_start3A_676 = tpu.memref_slice %arg7[%mul3A_675] : memref<10240xi32, #tpu.memory_space<vmem>> -> memref<128xi32, #tpu.memory_space<vmem>>
      %dma_start3A_677 = arith.constant 0 : i32
      %dma_start3A_678 = arith.constant 0 : i32
      %dma_start3A_679 = tpu.memref_slice %arg16[%dma_start3A_677, %dma_start3A_678] : memref<10240x64xf32, #tpu.memory_space<vmem_shared>> -> memref<10240x64xf32, #tpu.memory_space<vmem_shared>>
      tpu.enqueue_indirect_dma source(%arg11 : memref<128x64xf32, #tpu.memory_space<vmem>>) target(%dma_start3A_679 : memref<10240x64xf32, #tpu.memory_space<vmem_shared>>) offsets(%dma_start3A_676 : memref<128xi32, #tpu.memory_space<vmem>>) semaphore(%arg28 : memref<!tpu.dma_semaphore, #tpu.memory_space<semaphore_mem>>) {add = true}
      %sub3A_680 = arith.constant 4 : i32
      %sub3A_681 = arith.subi %add3A_667, %sub3A_680 : i32
      %mul3A_682 = arith.constant 128 : i32
      %mul3A_683 = arith.muli %sub3A_681, %mul3A_682 : i32
      %dma_wait3A_684 = tpu.memref_slice %arg7[%mul3A_683] : memref<10240xi32, #tpu.memory_space<vmem>> -> memref<128xi32, #tpu.memory_space<vmem>>
      %dma_wait3A_685 = arith.constant 0 : i32
      %dma_wait3A_686 = arith.constant 0 : i32
      %dma_wait3A_687 = tpu.memref_slice %arg16[%dma_wait3A_685, %dma_wait3A_686] : memref<10240x64xf32, #tpu.memory_space<vmem_shared>> -> memref<10240x64xf32, #tpu.memory_space<vmem_shared>>
      tpu.wait_indirect_dma semaphore(%arg32 : memref<!tpu.dma_semaphore, #tpu.memory_space<semaphore_mem>>) src(%arg15 : memref<128x64xf32, #tpu.memory_space<vmem>>) dst(%dma_wait3A_687 : memref<10240x64xf32, #tpu.memory_space<vmem_shared>>)
      %add3A_688 = arith.constant 4 : i32
      %add3A_689 = arith.addi %add3A_667, %add3A_688 : i32
      %mul3A_690 = arith.constant 128 : i32
      %mul3A_691 = arith.muli %add3A_689, %mul3A_690 : i32
      %dma_start3A_692 = tpu.memref_slice %arg6[%mul3A_691] : memref<10240xi32, #tpu.memory_space<vmem>> -> memref<128xi32, #tpu.memory_space<vmem>>
      %dma_start3A_693 = arith.constant 0 : i32
      %dma_start3A_694 = arith.constant 0 : i32
      %dma_start3A_695 = tpu.memref_slice %arg2[%dma_start3A_693, %dma_start3A_694] : memref<10000x64xf32, #tpu.memory_space<hbm>> -> memref<10000x64xf32, #tpu.memory_space<hbm>>
      tpu.enqueue_indirect_dma source(%dma_start3A_695 : memref<10000x64xf32, #tpu.memory_space<hbm>>) target(%arg15 : memref<128x64xf32, #tpu.memory_space<vmem>>) offsets(%dma_start3A_692 : memref<128xi32, #tpu.memory_space<vmem>>) semaphore(%arg24 : memref<!tpu.dma_semaphore, #tpu.memory_space<semaphore_mem>>)
    }
    %scan3A_332 = arith.constant 9 : i32
    %dma_wait3A_333 = arith.constant 9728 : i32
    %dma_wait3A_334 = tpu.memref_slice %arg6[%dma_wait3A_333] : memref<10240xi32, #tpu.memory_space<vmem>> -> memref<128xi32, #tpu.memory_space<vmem>>
    %dma_wait3A_335 = arith.constant 0 : i32
    %dma_wait3A_336 = arith.constant 0 : i32
    %dma_wait3A_337 = tpu.memref_slice %arg2[%dma_wait3A_335, %dma_wait3A_336] : memref<10000x64xf32, #tpu.memory_space<hbm>> -> memref<10000x64xf32, #tpu.memory_space<hbm>>
    tpu.wait_indirect_dma semaphore(%arg21 : memref<!tpu.dma_semaphore, #tpu.memory_space<semaphore_mem>>) src(%dma_wait3A_337 : memref<10000x64xf32, #tpu.memory_space<hbm>>) dst(%arg12 : memref<128x64xf32, #tpu.memory_space<vmem>>)
    %dma_start3A_338 = arith.constant 9728 : i32
    %dma_start3A_339 = tpu.memref_slice %arg7[%dma_start3A_338] : memref<10240xi32, #tpu.memory_space<vmem>> -> memref<128xi32, #tpu.memory_space<vmem>>
    %dma_start3A_340 = arith.constant 0 : i32
    %dma_start3A_341 = arith.constant 0 : i32
    %dma_start3A_342 = tpu.memref_slice %arg16[%dma_start3A_340, %dma_start3A_341] : memref<10240x64xf32, #tpu.memory_space<vmem_shared>> -> memref<10240x64xf32, #tpu.memory_space<vmem_shared>>
    tpu.enqueue_indirect_dma source(%arg12 : memref<128x64xf32, #tpu.memory_space<vmem>>) target(%dma_start3A_342 : memref<10240x64xf32, #tpu.memory_space<vmem_shared>>) offsets(%dma_start3A_339 : memref<128xi32, #tpu.memory_space<vmem>>) semaphore(%arg29 : memref<!tpu.dma_semaphore, #tpu.memory_space<semaphore_mem>>) {add = true}
    %dma_wait3A_343 = arith.constant 9856 : i32
    %dma_wait3A_344 = tpu.memref_slice %arg6[%dma_wait3A_343] : memref<10240xi32, #tpu.memory_space<vmem>> -> memref<128xi32, #tpu.memory_space<vmem>>
    %dma_wait3A_345 = arith.constant 0 : i32
    %dma_wait3A_346 = arith.constant 0 : i32
    %dma_wait3A_347 = tpu.memref_slice %arg2[%dma_wait3A_345, %dma_wait3A_346] : memref<10000x64xf32, #tpu.memory_space<hbm>> -> memref<10000x64xf32, #tpu.memory_space<hbm>>
    tpu.wait_indirect_dma semaphore(%arg22 : memref<!tpu.dma_semaphore, #tpu.memory_space<semaphore_mem>>) src(%dma_wait3A_347 : memref<10000x64xf32, #tpu.memory_space<hbm>>) dst(%arg13 : memref<128x64xf32, #tpu.memory_space<vmem>>)
    %dma_start3A_348 = arith.constant 9856 : i32
    %dma_start3A_349 = tpu.memref_slice %arg7[%dma_start3A_348] : memref<10240xi32, #tpu.memory_space<vmem>> -> memref<128xi32, #tpu.memory_space<vmem>>
    %dma_start3A_350 = arith.constant 0 : i32
    %dma_start3A_351 = arith.constant 0 : i32
    %dma_start3A_352 = tpu.memref_slice %arg16[%dma_start3A_350, %dma_start3A_351] : memref<10240x64xf32, #tpu.memory_space<vmem_shared>> -> memref<10240x64xf32, #tpu.memory_space<vmem_shared>>
    tpu.enqueue_indirect_dma source(%arg13 : memref<128x64xf32, #tpu.memory_space<vmem>>) target(%dma_start3A_352 : memref<10240x64xf32, #tpu.memory_space<vmem_shared>>) offsets(%dma_start3A_349 : memref<128xi32, #tpu.memory_space<vmem>>) semaphore(%arg30 : memref<!tpu.dma_semaphore, #tpu.memory_space<semaphore_mem>>) {add = true}
    %dma_wait3A_353 = arith.constant 9984 : i32
    %dma_wait3A_354 = tpu.memref_slice %arg6[%dma_wait3A_353] : memref<10240xi32, #tpu.memory_space<vmem>> -> memref<128xi32, #tpu.memory_space<vmem>>
    %dma_wait3A_355 = arith.constant 0 : i32
    %dma_wait3A_356 = arith.constant 0 : i32
    %dma_wait3A_357 = tpu.memref_slice %arg2[%dma_wait3A_355, %dma_wait3A_356] : memref<10000x64xf32, #tpu.memory_space<hbm>> -> memref<10000x64xf32, #tpu.memory_space<hbm>>
    tpu.wait_indirect_dma semaphore(%arg23 : memref<!tpu.dma_semaphore, #tpu.memory_space<semaphore_mem>>) src(%dma_wait3A_357 : memref<10000x64xf32, #tpu.memory_space<hbm>>) dst(%arg14 : memref<128x64xf32, #tpu.memory_space<vmem>>)
    %dma_start3A_358 = arith.constant 9984 : i32
    %dma_start3A_359 = tpu.memref_slice %arg7[%dma_start3A_358] : memref<10240xi32, #tpu.memory_space<vmem>> -> memref<128xi32, #tpu.memory_space<vmem>>
    %dma_start3A_360 = arith.constant 0 : i32
    %dma_start3A_361 = arith.constant 0 : i32
    %dma_start3A_362 = tpu.memref_slice %arg16[%dma_start3A_360, %dma_start3A_361] : memref<10240x64xf32, #tpu.memory_space<vmem_shared>> -> memref<10240x64xf32, #tpu.memory_space<vmem_shared>>
    tpu.enqueue_indirect_dma source(%arg14 : memref<128x64xf32, #tpu.memory_space<vmem>>) target(%dma_start3A_362 : memref<10240x64xf32, #tpu.memory_space<vmem_shared>>) offsets(%dma_start3A_359 : memref<128xi32, #tpu.memory_space<vmem>>) semaphore(%arg31 : memref<!tpu.dma_semaphore, #tpu.memory_space<semaphore_mem>>) {add = true}
    %dma_wait3A_363 = arith.constant 10112 : i32
    %dma_wait3A_364 = tpu.memref_slice %arg6[%dma_wait3A_363] : memref<10240xi32, #tpu.memory_space<vmem>> -> memref<128xi32, #tpu.memory_space<vmem>>
    %dma_wait3A_365 = arith.constant 0 : i32
    %dma_wait3A_366 = arith.constant 0 : i32
    %dma_wait3A_367 = tpu.memref_slice %arg2[%dma_wait3A_365, %dma_wait3A_366] : memref<10000x64xf32, #tpu.memory_space<hbm>> -> memref<10000x64xf32, #tpu.memory_space<hbm>>
    tpu.wait_indirect_dma semaphore(%arg24 : memref<!tpu.dma_semaphore, #tpu.memory_space<semaphore_mem>>) src(%dma_wait3A_367 : memref<10000x64xf32, #tpu.memory_space<hbm>>) dst(%arg15 : memref<128x64xf32, #tpu.memory_space<vmem>>)
    %dma_start3A_368 = arith.constant 10112 : i32
    %dma_start3A_369 = tpu.memref_slice %arg7[%dma_start3A_368] : memref<10240xi32, #tpu.memory_space<vmem>> -> memref<128xi32, #tpu.memory_space<vmem>>
    %dma_start3A_370 = arith.constant 0 : i32
    %dma_start3A_371 = arith.constant 0 : i32
    %dma_start3A_372 = tpu.memref_slice %arg16[%dma_start3A_370, %dma_start3A_371] : memref<10240x64xf32, #tpu.memory_space<vmem_shared>> -> memref<10240x64xf32, #tpu.memory_space<vmem_shared>>
    tpu.enqueue_indirect_dma source(%arg15 : memref<128x64xf32, #tpu.memory_space<vmem>>) target(%dma_start3A_372 : memref<10240x64xf32, #tpu.memory_space<vmem_shared>>) offsets(%dma_start3A_369 : memref<128xi32, #tpu.memory_space<vmem>>) semaphore(%arg32 : memref<!tpu.dma_semaphore, #tpu.memory_space<semaphore_mem>>) {add = true}
    %dma_wait3A_373 = arith.constant 9216 : i32
    %dma_wait3A_374 = tpu.memref_slice %arg7[%dma_wait3A_373] : memref<10240xi32, #tpu.memory_space<vmem>> -> memref<128xi32, #tpu.memory_space<vmem>>
    %dma_wait3A_375 = arith.constant 0 : i32
    %dma_wait3A_376 = arith.constant 0 : i32
    %dma_wait3A_377 = tpu.memref_slice %arg16[%dma_wait3A_375, %dma_wait3A_376] : memref<10240x64xf32, #tpu.memory_space<vmem_shared>> -> memref<10240x64xf32, #tpu.memory_space<vmem_shared>>
    tpu.wait_indirect_dma semaphore(%arg25 : memref<!tpu.dma_semaphore, #tpu.memory_space<semaphore_mem>>) src(%arg8 : memref<128x64xf32, #tpu.memory_space<vmem>>) dst(%dma_wait3A_377 : memref<10240x64xf32, #tpu.memory_space<vmem_shared>>)
    %dma_wait3A_378 = arith.constant 9344 : i32
    %dma_wait3A_379 = tpu.memref_slice %arg7[%dma_wait3A_378] : memref<10240xi32, #tpu.memory_space<vmem>> -> memref<128xi32, #tpu.memory_space<vmem>>
    %dma_wait3A_380 = arith.constant 0 : i32
    %dma_wait3A_381 = arith.constant 0 : i32
    %dma_wait3A_382 = tpu.memref_slice %arg16[%dma_wait3A_380, %dma_wait3A_381] : memref<10240x64xf32, #tpu.memory_space<vmem_shared>> -> memref<10240x64xf32, #tpu.memory_space<vmem_shared>>
    tpu.wait_indirect_dma semaphore(%arg26 : memref<!tpu.dma_semaphore, #tpu.memory_space<semaphore_mem>>) src(%arg9 : memref<128x64xf32, #tpu.memory_space<vmem>>) dst(%dma_wait3A_382 : memref<10240x64xf32, #tpu.memory_space<vmem_shared>>)
    %dma_wait3A_383 = arith.constant 9472 : i32
    %dma_wait3A_384 = tpu.memref_slice %arg7[%dma_wait3A_383] : memref<10240xi32, #tpu.memory_space<vmem>> -> memref<128xi32, #tpu.memory_space<vmem>>
    %dma_wait3A_385 = arith.constant 0 : i32
    %dma_wait3A_386 = arith.constant 0 : i32
    %dma_wait3A_387 = tpu.memref_slice %arg16[%dma_wait3A_385, %dma_wait3A_386] : memref<10240x64xf32, #tpu.memory_space<vmem_shared>> -> memref<10240x64xf32, #tpu.memory_space<vmem_shared>>
    tpu.wait_indirect_dma semaphore(%arg27 : memref<!tpu.dma_semaphore, #tpu.memory_space<semaphore_mem>>) src(%arg10 : memref<128x64xf32, #tpu.memory_space<vmem>>) dst(%dma_wait3A_387 : memref<10240x64xf32, #tpu.memory_space<vmem_shared>>)
    %dma_wait3A_388 = arith.constant 9600 : i32
    %dma_wait3A_389 = tpu.memref_slice %arg7[%dma_wait3A_388] : memref<10240xi32, #tpu.memory_space<vmem>> -> memref<128xi32, #tpu.memory_space<vmem>>
    %dma_wait3A_390 = arith.constant 0 : i32
    %dma_wait3A_391 = arith.constant 0 : i32
    %dma_wait3A_392 = tpu.memref_slice %arg16[%dma_wait3A_390, %dma_wait3A_391] : memref<10240x64xf32, #tpu.memory_space<vmem_shared>> -> memref<10240x64xf32, #tpu.memory_space<vmem_shared>>
    tpu.wait_indirect_dma semaphore(%arg28 : memref<!tpu.dma_semaphore, #tpu.memory_space<semaphore_mem>>) src(%arg11 : memref<128x64xf32, #tpu.memory_space<vmem>>) dst(%dma_wait3A_392 : memref<10240x64xf32, #tpu.memory_space<vmem_shared>>)
    %dma_wait3A_393 = arith.constant 9728 : i32
    %dma_wait3A_394 = tpu.memref_slice %arg7[%dma_wait3A_393] : memref<10240xi32, #tpu.memory_space<vmem>> -> memref<128xi32, #tpu.memory_space<vmem>>
    %dma_wait3A_395 = arith.constant 0 : i32
    %dma_wait3A_396 = arith.constant 0 : i32
    %dma_wait3A_397 = tpu.memref_slice %arg16[%dma_wait3A_395, %dma_wait3A_396] : memref<10240x64xf32, #tpu.memory_space<vmem_shared>> -> memref<10240x64xf32, #tpu.memory_space<vmem_shared>>
    tpu.wait_indirect_dma semaphore(%arg29 : memref<!tpu.dma_semaphore, #tpu.memory_space<semaphore_mem>>) src(%arg12 : memref<128x64xf32, #tpu.memory_space<vmem>>) dst(%dma_wait3A_397 : memref<10240x64xf32, #tpu.memory_space<vmem_shared>>)
    %dma_wait3A_398 = arith.constant 9856 : i32
    %dma_wait3A_399 = tpu.memref_slice %arg7[%dma_wait3A_398] : memref<10240xi32, #tpu.memory_space<vmem>> -> memref<128xi32, #tpu.memory_space<vmem>>
    %dma_wait3A_400 = arith.constant 0 : i32
    %dma_wait3A_401 = arith.constant 0 : i32
    %dma_wait3A_402 = tpu.memref_slice %arg16[%dma_wait3A_400, %dma_wait3A_401] : memref<10240x64xf32, #tpu.memory_space<vmem_shared>> -> memref<10240x64xf32, #tpu.memory_space<vmem_shared>>
    tpu.wait_indirect_dma semaphore(%arg30 : memref<!tpu.dma_semaphore, #tpu.memory_space<semaphore_mem>>) src(%arg13 : memref<128x64xf32, #tpu.memory_space<vmem>>) dst(%dma_wait3A_402 : memref<10240x64xf32, #tpu.memory_space<vmem_shared>>)
    %dma_wait3A_403 = arith.constant 9984 : i32
    %dma_wait3A_404 = tpu.memref_slice %arg7[%dma_wait3A_403] : memref<10240xi32, #tpu.memory_space<vmem>> -> memref<128xi32, #tpu.memory_space<vmem>>
    %dma_wait3A_405 = arith.constant 0 : i32
    %dma_wait3A_406 = arith.constant 0 : i32
    %dma_wait3A_407 = tpu.memref_slice %arg16[%dma_wait3A_405, %dma_wait3A_406] : memref<10240x64xf32, #tpu.memory_space<vmem_shared>> -> memref<10240x64xf32, #tpu.memory_space<vmem_shared>>
    tpu.wait_indirect_dma semaphore(%arg31 : memref<!tpu.dma_semaphore, #tpu.memory_space<semaphore_mem>>) src(%arg14 : memref<128x64xf32, #tpu.memory_space<vmem>>) dst(%dma_wait3A_407 : memref<10240x64xf32, #tpu.memory_space<vmem_shared>>)
    %dma_wait3A_408 = arith.constant 10112 : i32
    %dma_wait3A_409 = tpu.memref_slice %arg7[%dma_wait3A_408] : memref<10240xi32, #tpu.memory_space<vmem>> -> memref<128xi32, #tpu.memory_space<vmem>>
    %dma_wait3A_410 = arith.constant 0 : i32
    %dma_wait3A_411 = arith.constant 0 : i32
    %dma_wait3A_412 = tpu.memref_slice %arg16[%dma_wait3A_410, %dma_wait3A_411] : memref<10240x64xf32, #tpu.memory_space<vmem_shared>> -> memref<10240x64xf32, #tpu.memory_space<vmem_shared>>
    tpu.wait_indirect_dma semaphore(%arg32 : memref<!tpu.dma_semaphore, #tpu.memory_space<semaphore_mem>>) src(%arg15 : memref<128x64xf32, #tpu.memory_space<vmem>>) dst(%dma_wait3A_412 : memref<10240x64xf32, #tpu.memory_space<vmem_shared>>)
    %barrier3A_413 = arith.constant 0 : index
    tpu.barrier barrier_id(%barrier3A_413)
    %eq3A_414 = arith.constant 0 : i32
    %eq3A_415 = arith.cmpi eq, %arg0, %eq3A_414 : i32
    %convert_element_type3A_416 = arith.extui %eq3A_415 : i1 to i32
    %cond3A_417 = arith.constant 0 : i32
    %cond3A_418 = arith.cmpi ne, %convert_element_type3A_416, %cond3A_417 : i32
    scf.if %cond3A_418 {
      %mul3A_424 = arith.constant 624 : i32
      %mul3A_425 = arith.muli %arg1, %mul3A_424 : i32
      %mul3A_426 = arith.constant 624 : i32
      %mul3A_427 = arith.muli %arg1, %mul3A_426 : i32
      "tpu.region"() ({
        %run_scoped3A_433 = tpu.sem_alloc : memref<!tpu.dma_semaphore, #tpu.memory_space<semaphore_mem>>
        %dma_start3A_434 = arith.constant 0 : i32
        %dma_start3A_435 = tpu.memref_slice %arg4[%mul3A_427, %dma_start3A_434] : memref<10000x64xf32, #tpu.memory_space<hbm>> -> memref<624x64xf32, #tpu.memory_space<hbm>>
        %dma_start3A_436 = arith.constant 0 : i32
        %dma_start3A_437 = tpu.memref_slice %arg16[%mul3A_425, %dma_start3A_436] : memref<10240x64xf32, #tpu.memory_space<vmem_shared>> -> memref<624x64xf32, #tpu.memory_space<vmem_shared>>
        tpu.enqueue_dma source(%dma_start3A_437 : memref<624x64xf32, #tpu.memory_space<vmem_shared>>) target(%dma_start3A_435 : memref<624x64xf32, #tpu.memory_space<hbm>>) target_semaphore(%run_scoped3A_433 : memref<!tpu.dma_semaphore, #tpu.memory_space<semaphore_mem>>)
        %dma_wait3A_438 = arith.constant 0 : i32
        %dma_wait3A_439 = tpu.memref_slice %arg4[%mul3A_427, %dma_wait3A_438] : memref<10000x64xf32, #tpu.memory_space<hbm>> -> memref<624x64xf32, #tpu.memory_space<hbm>>
        %dma_wait3A_440 = arith.constant 0 : i32
        %dma_wait3A_441 = tpu.memref_slice %arg16[%mul3A_425, %dma_wait3A_440] : memref<10240x64xf32, #tpu.memory_space<vmem_shared>> -> memref<624x64xf32, #tpu.memory_space<vmem_shared>>
        tpu.wait_dma2 semaphore(%run_scoped3A_433 : memref<!tpu.dma_semaphore, #tpu.memory_space<semaphore_mem>>) src(%dma_wait3A_441 : memref<624x64xf32, #tpu.memory_space<vmem_shared>>) dst(%dma_wait3A_439 : memref<624x64xf32, #tpu.memory_space<hbm>>)
        tpu.yield
      }) : () -> ()
      %eq3A_428 = arith.constant 15 : i32
      %eq3A_429 = arith.cmpi eq, %arg1, %eq3A_428 : i32
      %convert_element_type3A_430 = arith.extui %eq3A_429 : i1 to i32
      %cond3A_431 = arith.constant 0 : i32
      %cond3A_432 = arith.cmpi ne, %convert_element_type3A_430, %cond3A_431 : i32
      scf.if %cond3A_432 {
        "tpu.region"() ({
          %run_scoped3A_433 = tpu.sem_alloc : memref<!tpu.dma_semaphore, #tpu.memory_space<semaphore_mem>>
          %dma_start3A_434 = arith.constant 9984 : i32
          %dma_start3A_435 = arith.constant 0 : i32
          %dma_start3A_436 = tpu.memref_slice %arg4[%dma_start3A_434, %dma_start3A_435] : memref<10000x64xf32, #tpu.memory_space<hbm>> -> memref<16x64xf32, #tpu.memory_space<hbm>>
          %dma_start3A_437 = arith.constant 9984 : i32
          %dma_start3A_438 = arith.constant 0 : i32
          %dma_start3A_439 = tpu.memref_slice %arg16[%dma_start3A_437, %dma_start3A_438] : memref<10240x64xf32, #tpu.memory_space<vmem_shared>> -> memref<16x64xf32, #tpu.memory_space<vmem_shared>>
          tpu.enqueue_dma source(%dma_start3A_439 : memref<16x64xf32, #tpu.memory_space<vmem_shared>>) target(%dma_start3A_436 : memref<16x64xf32, #tpu.memory_space<hbm>>) target_semaphore(%run_scoped3A_433 : memref<!tpu.dma_semaphore, #tpu.memory_space<semaphore_mem>>)
          %dma_wait3A_440 = arith.constant 9984 : i32
          %dma_wait3A_441 = arith.constant 0 : i32
          %dma_wait3A_442 = tpu.memref_slice %arg4[%dma_wait3A_440, %dma_wait3A_441] : memref<10000x64xf32, #tpu.memory_space<hbm>> -> memref<16x64xf32, #tpu.memory_space<hbm>>
          %dma_wait3A_443 = arith.constant 9984 : i32
          %dma_wait3A_444 = arith.constant 0 : i32
          %dma_wait3A_445 = tpu.memref_slice %arg16[%dma_wait3A_443, %dma_wait3A_444] : memref<10240x64xf32, #tpu.memory_space<vmem_shared>> -> memref<16x64xf32, #tpu.memory_space<vmem_shared>>
          tpu.wait_dma2 semaphore(%run_scoped3A_433 : memref<!tpu.dma_semaphore, #tpu.memory_space<semaphore_mem>>) src(%dma_wait3A_445 : memref<16x64xf32, #tpu.memory_space<vmem_shared>>) dst(%dma_wait3A_442 : memref<16x64xf32, #tpu.memory_space<hbm>>)
          tpu.yield
        }) : () -> ()
      } else {
      }
    } else {
    }
    %eq3A_419 = arith.constant 1 : i32
    %eq3A_420 = arith.cmpi eq, %arg0, %eq3A_419 : i32
    %convert_element_type3A_421 = arith.extui %eq3A_420 : i1 to i32
    %cond3A_422 = arith.constant 0 : i32
    %cond3A_423 = arith.cmpi ne, %convert_element_type3A_421, %cond3A_422 : i32
    scf.if %cond3A_423 {
      %mul3A_424 = arith.constant 624 : i32
      %mul3A_425 = arith.muli %arg1, %mul3A_424 : i32
      %mul3A_426 = arith.constant 624 : i32
      %mul3A_427 = arith.muli %arg1, %mul3A_426 : i32
      "tpu.region"() ({
        %run_scoped3A_433 = tpu.sem_alloc : memref<!tpu.dma_semaphore, #tpu.memory_space<semaphore_mem>>
        %dma_start3A_434 = arith.constant 0 : i32
        %dma_start3A_435 = tpu.memref_slice %arg5[%mul3A_427, %dma_start3A_434] : memref<10000x64xf32, #tpu.memory_space<hbm>> -> memref<624x64xf32, #tpu.memory_space<hbm>>
        %dma_start3A_436 = arith.constant 0 : i32
        %dma_start3A_437 = tpu.memref_slice %arg16[%mul3A_425, %dma_start3A_436] : memref<10240x64xf32, #tpu.memory_space<vmem_shared>> -> memref<624x64xf32, #tpu.memory_space<vmem_shared>>
        tpu.enqueue_dma source(%dma_start3A_437 : memref<624x64xf32, #tpu.memory_space<vmem_shared>>) target(%dma_start3A_435 : memref<624x64xf32, #tpu.memory_space<hbm>>) target_semaphore(%run_scoped3A_433 : memref<!tpu.dma_semaphore, #tpu.memory_space<semaphore_mem>>)
        %dma_wait3A_438 = arith.constant 0 : i32
        %dma_wait3A_439 = tpu.memref_slice %arg5[%mul3A_427, %dma_wait3A_438] : memref<10000x64xf32, #tpu.memory_space<hbm>> -> memref<624x64xf32, #tpu.memory_space<hbm>>
        %dma_wait3A_440 = arith.constant 0 : i32
        %dma_wait3A_441 = tpu.memref_slice %arg16[%mul3A_425, %dma_wait3A_440] : memref<10240x64xf32, #tpu.memory_space<vmem_shared>> -> memref<624x64xf32, #tpu.memory_space<vmem_shared>>
        tpu.wait_dma2 semaphore(%run_scoped3A_433 : memref<!tpu.dma_semaphore, #tpu.memory_space<semaphore_mem>>) src(%dma_wait3A_441 : memref<624x64xf32, #tpu.memory_space<vmem_shared>>) dst(%dma_wait3A_439 : memref<624x64xf32, #tpu.memory_space<hbm>>)
        tpu.yield
      }) : () -> ()
      %eq3A_428 = arith.constant 15 : i32
      %eq3A_429 = arith.cmpi eq, %arg1, %eq3A_428 : i32
      %convert_element_type3A_430 = arith.extui %eq3A_429 : i1 to i32
      %cond3A_431 = arith.constant 0 : i32
      %cond3A_432 = arith.cmpi ne, %convert_element_type3A_430, %cond3A_431 : i32
      scf.if %cond3A_432 {
        "tpu.region"() ({
          %run_scoped3A_433 = tpu.sem_alloc : memref<!tpu.dma_semaphore, #tpu.memory_space<semaphore_mem>>
          %dma_start3A_434 = arith.constant 9984 : i32
          %dma_start3A_435 = arith.constant 0 : i32
          %dma_start3A_436 = tpu.memref_slice %arg5[%dma_start3A_434, %dma_start3A_435] : memref<10000x64xf32, #tpu.memory_space<hbm>> -> memref<16x64xf32, #tpu.memory_space<hbm>>
          %dma_start3A_437 = arith.constant 9984 : i32
          %dma_start3A_438 = arith.constant 0 : i32
          %dma_start3A_439 = tpu.memref_slice %arg16[%dma_start3A_437, %dma_start3A_438] : memref<10240x64xf32, #tpu.memory_space<vmem_shared>> -> memref<16x64xf32, #tpu.memory_space<vmem_shared>>
          tpu.enqueue_dma source(%dma_start3A_439 : memref<16x64xf32, #tpu.memory_space<vmem_shared>>) target(%dma_start3A_436 : memref<16x64xf32, #tpu.memory_space<hbm>>) target_semaphore(%run_scoped3A_433 : memref<!tpu.dma_semaphore, #tpu.memory_space<semaphore_mem>>)
          %dma_wait3A_440 = arith.constant 9984 : i32
          %dma_wait3A_441 = arith.constant 0 : i32
          %dma_wait3A_442 = tpu.memref_slice %arg5[%dma_wait3A_440, %dma_wait3A_441] : memref<10000x64xf32, #tpu.memory_space<hbm>> -> memref<16x64xf32, #tpu.memory_space<hbm>>
          %dma_wait3A_443 = arith.constant 9984 : i32
          %dma_wait3A_444 = arith.constant 0 : i32
          %dma_wait3A_445 = tpu.memref_slice %arg16[%dma_wait3A_443, %dma_wait3A_444] : memref<10240x64xf32, #tpu.memory_space<vmem_shared>> -> memref<16x64xf32, #tpu.memory_space<vmem_shared>>
          tpu.wait_dma2 semaphore(%run_scoped3A_433 : memref<!tpu.dma_semaphore, #tpu.memory_space<semaphore_mem>>) src(%dma_wait3A_445 : memref<16x64xf32, #tpu.memory_space<vmem_shared>>) dst(%dma_wait3A_442 : memref<16x64xf32, #tpu.memory_space<hbm>>)
          tpu.yield
        }) : () -> ()
      } else {
      }
    } else {
    }
    return
  }
}

#map = affine_map<(d0, d1) -> (0, 0)>
module attributes {stable_mosaic.version = 14 : i64} {
  func.func @edge_kernel(%arg0: i32, %arg1: i32, %arg2: memref<10000x32xf32, #tpu.memory_space<hbm>>, %arg3: memref<2x320000xi32, #tpu.memory_space<hbm>>, %arg4: memref<10000x32xf32, #tpu.memory_space<hbm>>, %arg5: memref<10000x32xf32, #tpu.memory_space<hbm>>, %arg6: memref<10240xi32, #tpu.memory_space<vmem>>, %arg7: memref<10240xi32, #tpu.memory_space<vmem>>, %arg8: memref<128x32xf32, #tpu.memory_space<vmem>>, %arg9: memref<128x32xf32, #tpu.memory_space<vmem>>, %arg10: memref<128x32xf32, #tpu.memory_space<vmem>>, %arg11: memref<128x32xf32, #tpu.memory_space<vmem>>, %arg12: memref<128x32xf32, #tpu.memory_space<vmem>>, %arg13: memref<128x32xf32, #tpu.memory_space<vmem>>, %arg14: memref<128x32xf32, #tpu.memory_space<vmem>>, %arg15: memref<128x32xf32, #tpu.memory_space<vmem>>, %arg16: memref<10240x32xf32, #tpu.memory_space<vmem_shared>>, %arg17: memref<!tpu.dma_semaphore, #tpu.memory_space<semaphore_mem>>, %arg18: memref<!tpu.dma_semaphore, #tpu.memory_space<semaphore_mem>>, %arg19: memref<!tpu.dma_semaphore, #tpu.memory_space<semaphore_mem>>, %arg20: memref<!tpu.dma_semaphore, #tpu.memory_space<semaphore_mem>>, %arg21: memref<!tpu.dma_semaphore, #tpu.memory_space<semaphore_mem>>, %arg22: memref<!tpu.dma_semaphore, #tpu.memory_space<semaphore_mem>>, %arg23: memref<!tpu.dma_semaphore, #tpu.memory_space<semaphore_mem>>, %arg24: memref<!tpu.dma_semaphore, #tpu.memory_space<semaphore_mem>>, %arg25: memref<!tpu.dma_semaphore, #tpu.memory_space<semaphore_mem>>, %arg26: memref<!tpu.dma_semaphore, #tpu.memory_space<semaphore_mem>>, %arg27: memref<!tpu.dma_semaphore, #tpu.memory_space<semaphore_mem>>, %arg28: memref<!tpu.dma_semaphore, #tpu.memory_space<semaphore_mem>>, %arg29: memref<!tpu.dma_semaphore, #tpu.memory_space<semaphore_mem>>, %arg30: memref<!tpu.dma_semaphore, #tpu.memory_space<semaphore_mem>>, %arg31: memref<!tpu.dma_semaphore, #tpu.memory_space<semaphore_mem>>, %arg32: memref<!tpu.dma_semaphore, #tpu.memory_space<semaphore_mem>>) attributes {dimension_semantics = [#tpu.dimension_semantics<core_parallel>, #tpu.dimension_semantics<subcore_parallel>], iteration_bounds = array<i64: 2, 16>, scalar_prefetch = 0 : i64, scratch_operands = 27 : i64, tpu.core_type = #tpu.core_type<sc_vector_subcore>, window_params = [{transform_indices = #map}, {transform_indices = #map}, {transform_indices = #map}, {transform_indices = #map}]} {
    %mul3A = arith.constant 2 : i32
    %mul3A_0 = arith.muli %arg1, %mul3A : i32
    %add3A = arith.addi %mul3A_0, %arg0 : i32
    %mul3A_1 = arith.constant 10000 : i32
    %mul3A_2 = arith.muli %add3A, %mul3A_1 : i32
    %run_scoped3A = arith.constant 0 : i32
    "tpu.region"() ({
      %run_scoped3A_424 = tpu.sem_alloc : memref<!tpu.dma_semaphore, #tpu.memory_space<semaphore_mem>>
      %dma_start3A_425 = arith.constant 0 : i32
      %dma_start3A_426 = tpu.memref_slice %arg6[%dma_start3A_425] : memref<10240xi32, #tpu.memory_space<vmem>> -> memref<10000xi32, #tpu.memory_space<vmem>>
      %dma_start3A_427 = tpu.memref_slice %arg3[%run_scoped3A, %mul3A_2] : memref<2x320000xi32, #tpu.memory_space<hbm>> -> memref<1x10000xi32, #tpu.memory_space<hbm>>
      %dma_start3A_428 = tpu.memref_squeeze %dma_start3A_427 : memref<1x10000xi32, #tpu.memory_space<hbm>> -> memref<10000xi32, #tpu.memory_space<hbm>>
      %dma_start3A_429 = arith.constant 0 : i32
      %dma_start3A_430 = tpu.memref_slice %arg6[%dma_start3A_429] : memref<10240xi32, #tpu.memory_space<vmem>> -> memref<10000xi32, #tpu.memory_space<vmem>>
      %dma_start3A_431 = tpu.memref_slice %arg3[%run_scoped3A, %mul3A_2] : memref<2x320000xi32, #tpu.memory_space<hbm>> -> memref<1x10000xi32, #tpu.memory_space<hbm>>
      %dma_start3A_432 = tpu.memref_squeeze %dma_start3A_431 : memref<1x10000xi32, #tpu.memory_space<hbm>> -> memref<10000xi32, #tpu.memory_space<hbm>>
      tpu.enqueue_dma source(%dma_start3A_432 : memref<10000xi32, #tpu.memory_space<hbm>>) target(%dma_start3A_430 : memref<10000xi32, #tpu.memory_space<vmem>>) target_semaphore(%run_scoped3A_424 : memref<!tpu.dma_semaphore, #tpu.memory_space<semaphore_mem>>)
      %dma_wait3A_433 = arith.constant 0 : i32
      %dma_wait3A_434 = tpu.memref_slice %arg6[%dma_wait3A_433] : memref<10240xi32, #tpu.memory_space<vmem>> -> memref<10000xi32, #tpu.memory_space<vmem>>
      %dma_wait3A_435 = tpu.memref_slice %arg3[%run_scoped3A, %mul3A_2] : memref<2x320000xi32, #tpu.memory_space<hbm>> -> memref<1x10000xi32, #tpu.memory_space<hbm>>
      %dma_wait3A_436 = tpu.memref_squeeze %dma_wait3A_435 : memref<1x10000xi32, #tpu.memory_space<hbm>> -> memref<10000xi32, #tpu.memory_space<hbm>>
      %dma_wait3A_437 = arith.constant 0 : i32
      %dma_wait3A_438 = tpu.memref_slice %arg6[%dma_wait3A_437] : memref<10240xi32, #tpu.memory_space<vmem>> -> memref<10000xi32, #tpu.memory_space<vmem>>
      %dma_wait3A_439 = tpu.memref_slice %arg3[%run_scoped3A, %mul3A_2] : memref<2x320000xi32, #tpu.memory_space<hbm>> -> memref<1x10000xi32, #tpu.memory_space<hbm>>
      %dma_wait3A_440 = tpu.memref_squeeze %dma_wait3A_439 : memref<1x10000xi32, #tpu.memory_space<hbm>> -> memref<10000xi32, #tpu.memory_space<hbm>>
      tpu.wait_dma2 semaphore(%run_scoped3A_424 : memref<!tpu.dma_semaphore, #tpu.memory_space<semaphore_mem>>) src(%dma_wait3A_440 : memref<10000xi32, #tpu.memory_space<hbm>>) dst(%dma_wait3A_438 : memref<10000xi32, #tpu.memory_space<vmem>>)
      tpu.yield
    }) : () -> ()
    %mul3A_3 = arith.constant 10000 : i32
    %mul3A_4 = arith.muli %add3A, %mul3A_3 : i32
    %run_scoped3A_5 = arith.constant 1 : i32
    "tpu.region"() ({
      %run_scoped3A_424 = tpu.sem_alloc : memref<!tpu.dma_semaphore, #tpu.memory_space<semaphore_mem>>
      %dma_start3A_425 = arith.constant 0 : i32
      %dma_start3A_426 = tpu.memref_slice %arg7[%dma_start3A_425] : memref<10240xi32, #tpu.memory_space<vmem>> -> memref<10000xi32, #tpu.memory_space<vmem>>
      %dma_start3A_427 = tpu.memref_slice %arg3[%run_scoped3A_5, %mul3A_4] : memref<2x320000xi32, #tpu.memory_space<hbm>> -> memref<1x10000xi32, #tpu.memory_space<hbm>>
      %dma_start3A_428 = tpu.memref_squeeze %dma_start3A_427 : memref<1x10000xi32, #tpu.memory_space<hbm>> -> memref<10000xi32, #tpu.memory_space<hbm>>
      %dma_start3A_429 = arith.constant 0 : i32
      %dma_start3A_430 = tpu.memref_slice %arg7[%dma_start3A_429] : memref<10240xi32, #tpu.memory_space<vmem>> -> memref<10000xi32, #tpu.memory_space<vmem>>
      %dma_start3A_431 = tpu.memref_slice %arg3[%run_scoped3A_5, %mul3A_4] : memref<2x320000xi32, #tpu.memory_space<hbm>> -> memref<1x10000xi32, #tpu.memory_space<hbm>>
      %dma_start3A_432 = tpu.memref_squeeze %dma_start3A_431 : memref<1x10000xi32, #tpu.memory_space<hbm>> -> memref<10000xi32, #tpu.memory_space<hbm>>
      tpu.enqueue_dma source(%dma_start3A_432 : memref<10000xi32, #tpu.memory_space<hbm>>) target(%dma_start3A_430 : memref<10000xi32, #tpu.memory_space<vmem>>) target_semaphore(%run_scoped3A_424 : memref<!tpu.dma_semaphore, #tpu.memory_space<semaphore_mem>>)
      %dma_wait3A_433 = arith.constant 0 : i32
      %dma_wait3A_434 = tpu.memref_slice %arg7[%dma_wait3A_433] : memref<10240xi32, #tpu.memory_space<vmem>> -> memref<10000xi32, #tpu.memory_space<vmem>>
      %dma_wait3A_435 = tpu.memref_slice %arg3[%run_scoped3A_5, %mul3A_4] : memref<2x320000xi32, #tpu.memory_space<hbm>> -> memref<1x10000xi32, #tpu.memory_space<hbm>>
      %dma_wait3A_436 = tpu.memref_squeeze %dma_wait3A_435 : memref<1x10000xi32, #tpu.memory_space<hbm>> -> memref<10000xi32, #tpu.memory_space<hbm>>
      %dma_wait3A_437 = arith.constant 0 : i32
      %dma_wait3A_438 = tpu.memref_slice %arg7[%dma_wait3A_437] : memref<10240xi32, #tpu.memory_space<vmem>> -> memref<10000xi32, #tpu.memory_space<vmem>>
      %dma_wait3A_439 = tpu.memref_slice %arg3[%run_scoped3A_5, %mul3A_4] : memref<2x320000xi32, #tpu.memory_space<hbm>> -> memref<1x10000xi32, #tpu.memory_space<hbm>>
      %dma_wait3A_440 = tpu.memref_squeeze %dma_wait3A_439 : memref<1x10000xi32, #tpu.memory_space<hbm>> -> memref<10000xi32, #tpu.memory_space<hbm>>
      tpu.wait_dma2 semaphore(%run_scoped3A_424 : memref<!tpu.dma_semaphore, #tpu.memory_space<semaphore_mem>>) src(%dma_wait3A_440 : memref<10000xi32, #tpu.memory_space<hbm>>) dst(%dma_wait3A_438 : memref<10000xi32, #tpu.memory_space<vmem>>)
      tpu.yield
    }) : () -> ()
    %iota3A = tpu.iota {dimensions = array<i32: 0>} : vector<16xi32>
    %add3A_6 = arith.constant 0 : i32
    %add3A_7 = vector.broadcast %add3A_6 : i32 to vector<16xi32>
    %add3A_8 = arith.addi %iota3A, %add3A_7 : vector<16xi32>
    %swap3A = arith.constant 10000 : index
    %swap3A_9 = tpu.vector_load %arg6[%swap3A] {strides = array<i32>} : memref<10240xi32, #tpu.memory_space<vmem>>, vector<16xi32>,
    %swap3A_10 = vector.shape_cast %swap3A_9 : vector<16xi32> to vector<16xi32>
    %swap3A_11 = vector.shape_cast %add3A_8 : vector<16xi32> to vector<16xi32>
    tpu.vector_store %arg6[%swap3A], %swap3A_11 {strides = array<i32>} : memref<10240xi32, #tpu.memory_space<vmem>>, vector<16xi32>,
    %iota3A_12 = tpu.iota {dimensions = array<i32: 0>} : vector<16xi32>
    %add3A_13 = arith.constant 16 : i32
    %add3A_14 = vector.broadcast %add3A_13 : i32 to vector<16xi32>
    %add3A_15 = arith.addi %iota3A_12, %add3A_14 : vector<16xi32>
    %swap3A_16 = arith.constant 10016 : index
    %swap3A_17 = tpu.vector_load %arg6[%swap3A_16] {strides = array<i32>} : memref<10240xi32, #tpu.memory_space<vmem>>, vector<16xi32>,
    %swap3A_18 = vector.shape_cast %swap3A_17 : vector<16xi32> to vector<16xi32>
    %swap3A_19 = vector.shape_cast %add3A_15 : vector<16xi32> to vector<16xi32>
    tpu.vector_store %arg6[%swap3A_16], %swap3A_19 {strides = array<i32>} : memref<10240xi32, #tpu.memory_space<vmem>>, vector<16xi32>,
    %iota3A_20 = tpu.iota {dimensions = array<i32: 0>} : vector<16xi32>
    %add3A_21 = arith.constant 32 : i32
    %add3A_22 = vector.broadcast %add3A_21 : i32 to vector<16xi32>
    %add3A_23 = arith.addi %iota3A_20, %add3A_22 : vector<16xi32>
    %swap3A_24 = arith.constant 10032 : index
    %swap3A_25 = tpu.vector_load %arg6[%swap3A_24] {strides = array<i32>} : memref<10240xi32, #tpu.memory_space<vmem>>, vector<16xi32>,
    %swap3A_26 = vector.shape_cast %swap3A_25 : vector<16xi32> to vector<16xi32>
    %swap3A_27 = vector.shape_cast %add3A_23 : vector<16xi32> to vector<16xi32>
    tpu.vector_store %arg6[%swap3A_24], %swap3A_27 {strides = array<i32>} : memref<10240xi32, #tpu.memory_space<vmem>>, vector<16xi32>,
    %iota3A_28 = tpu.iota {dimensions = array<i32: 0>} : vector<16xi32>
    %add3A_29 = arith.constant 48 : i32
    %add3A_30 = vector.broadcast %add3A_29 : i32 to vector<16xi32>
    %add3A_31 = arith.addi %iota3A_28, %add3A_30 : vector<16xi32>
    %swap3A_32 = arith.constant 10048 : index
    %swap3A_33 = tpu.vector_load %arg6[%swap3A_32] {strides = array<i32>} : memref<10240xi32, #tpu.memory_space<vmem>>, vector<16xi32>,
    %swap3A_34 = vector.shape_cast %swap3A_33 : vector<16xi32> to vector<16xi32>
    %swap3A_35 = vector.shape_cast %add3A_31 : vector<16xi32> to vector<16xi32>
    tpu.vector_store %arg6[%swap3A_32], %swap3A_35 {strides = array<i32>} : memref<10240xi32, #tpu.memory_space<vmem>>, vector<16xi32>,
    %iota3A_36 = tpu.iota {dimensions = array<i32: 0>} : vector<16xi32>
    %add3A_37 = arith.constant 64 : i32
    %add3A_38 = vector.broadcast %add3A_37 : i32 to vector<16xi32>
    %add3A_39 = arith.addi %iota3A_36, %add3A_38 : vector<16xi32>
    %swap3A_40 = arith.constant 10064 : index
    %swap3A_41 = tpu.vector_load %arg6[%swap3A_40] {strides = array<i32>} : memref<10240xi32, #tpu.memory_space<vmem>>, vector<16xi32>,
    %swap3A_42 = vector.shape_cast %swap3A_41 : vector<16xi32> to vector<16xi32>
    %swap3A_43 = vector.shape_cast %add3A_39 : vector<16xi32> to vector<16xi32>
    tpu.vector_store %arg6[%swap3A_40], %swap3A_43 {strides = array<i32>} : memref<10240xi32, #tpu.memory_space<vmem>>, vector<16xi32>,
    %iota3A_44 = tpu.iota {dimensions = array<i32: 0>} : vector<16xi32>
    %add3A_45 = arith.constant 80 : i32
    %add3A_46 = vector.broadcast %add3A_45 : i32 to vector<16xi32>
    %add3A_47 = arith.addi %iota3A_44, %add3A_46 : vector<16xi32>
    %swap3A_48 = arith.constant 10080 : index
    %swap3A_49 = tpu.vector_load %arg6[%swap3A_48] {strides = array<i32>} : memref<10240xi32, #tpu.memory_space<vmem>>, vector<16xi32>,
    %swap3A_50 = vector.shape_cast %swap3A_49 : vector<16xi32> to vector<16xi32>
    %swap3A_51 = vector.shape_cast %add3A_47 : vector<16xi32> to vector<16xi32>
    tpu.vector_store %arg6[%swap3A_48], %swap3A_51 {strides = array<i32>} : memref<10240xi32, #tpu.memory_space<vmem>>, vector<16xi32>,
    %iota3A_52 = tpu.iota {dimensions = array<i32: 0>} : vector<16xi32>
    %add3A_53 = arith.constant 96 : i32
    %add3A_54 = vector.broadcast %add3A_53 : i32 to vector<16xi32>
    %add3A_55 = arith.addi %iota3A_52, %add3A_54 : vector<16xi32>
    %swap3A_56 = arith.constant 10096 : index
    %swap3A_57 = tpu.vector_load %arg6[%swap3A_56] {strides = array<i32>} : memref<10240xi32, #tpu.memory_space<vmem>>, vector<16xi32>,
    %swap3A_58 = vector.shape_cast %swap3A_57 : vector<16xi32> to vector<16xi32>
    %swap3A_59 = vector.shape_cast %add3A_55 : vector<16xi32> to vector<16xi32>
    tpu.vector_store %arg6[%swap3A_56], %swap3A_59 {strides = array<i32>} : memref<10240xi32, #tpu.memory_space<vmem>>, vector<16xi32>,
    %iota3A_60 = tpu.iota {dimensions = array<i32: 0>} : vector<16xi32>
    %add3A_61 = arith.constant 112 : i32
    %add3A_62 = vector.broadcast %add3A_61 : i32 to vector<16xi32>
    %add3A_63 = arith.addi %iota3A_60, %add3A_62 : vector<16xi32>
    %swap3A_64 = arith.constant 10112 : index
    %swap3A_65 = tpu.vector_load %arg6[%swap3A_64] {strides = array<i32>} : memref<10240xi32, #tpu.memory_space<vmem>>, vector<16xi32>,
    %swap3A_66 = vector.shape_cast %swap3A_65 : vector<16xi32> to vector<16xi32>
    %swap3A_67 = vector.shape_cast %add3A_63 : vector<16xi32> to vector<16xi32>
    tpu.vector_store %arg6[%swap3A_64], %swap3A_67 {strides = array<i32>} : memref<10240xi32, #tpu.memory_space<vmem>>, vector<16xi32>,
    %iota3A_68 = tpu.iota {dimensions = array<i32: 0>} : vector<16xi32>
    %add3A_69 = arith.constant 128 : i32
    %add3A_70 = vector.broadcast %add3A_69 : i32 to vector<16xi32>
    %add3A_71 = arith.addi %iota3A_68, %add3A_70 : vector<16xi32>
    %swap3A_72 = arith.constant 10128 : index
    %swap3A_73 = tpu.vector_load %arg6[%swap3A_72] {strides = array<i32>} : memref<10240xi32, #tpu.memory_space<vmem>>, vector<16xi32>,
    %swap3A_74 = vector.shape_cast %swap3A_73 : vector<16xi32> to vector<16xi32>
    %swap3A_75 = vector.shape_cast %add3A_71 : vector<16xi32> to vector<16xi32>
    tpu.vector_store %arg6[%swap3A_72], %swap3A_75 {strides = array<i32>} : memref<10240xi32, #tpu.memory_space<vmem>>, vector<16xi32>,
    %iota3A_76 = tpu.iota {dimensions = array<i32: 0>} : vector<16xi32>
    %add3A_77 = arith.constant 144 : i32
    %add3A_78 = vector.broadcast %add3A_77 : i32 to vector<16xi32>
    %add3A_79 = arith.addi %iota3A_76, %add3A_78 : vector<16xi32>
    %swap3A_80 = arith.constant 10144 : index
    %swap3A_81 = tpu.vector_load %arg6[%swap3A_80] {strides = array<i32>} : memref<10240xi32, #tpu.memory_space<vmem>>, vector<16xi32>,
    %swap3A_82 = vector.shape_cast %swap3A_81 : vector<16xi32> to vector<16xi32>
    %swap3A_83 = vector.shape_cast %add3A_79 : vector<16xi32> to vector<16xi32>
    tpu.vector_store %arg6[%swap3A_80], %swap3A_83 {strides = array<i32>} : memref<10240xi32, #tpu.memory_space<vmem>>, vector<16xi32>,
    %iota3A_84 = tpu.iota {dimensions = array<i32: 0>} : vector<16xi32>
    %add3A_85 = arith.constant 160 : i32
    %add3A_86 = vector.broadcast %add3A_85 : i32 to vector<16xi32>
    %add3A_87 = arith.addi %iota3A_84, %add3A_86 : vector<16xi32>
    %swap3A_88 = arith.constant 10160 : index
    %swap3A_89 = tpu.vector_load %arg6[%swap3A_88] {strides = array<i32>} : memref<10240xi32, #tpu.memory_space<vmem>>, vector<16xi32>,
    %swap3A_90 = vector.shape_cast %swap3A_89 : vector<16xi32> to vector<16xi32>
    %swap3A_91 = vector.shape_cast %add3A_87 : vector<16xi32> to vector<16xi32>
    tpu.vector_store %arg6[%swap3A_88], %swap3A_91 {strides = array<i32>} : memref<10240xi32, #tpu.memory_space<vmem>>, vector<16xi32>,
    %iota3A_92 = tpu.iota {dimensions = array<i32: 0>} : vector<16xi32>
    %add3A_93 = arith.constant 176 : i32
    %add3A_94 = vector.broadcast %add3A_93 : i32 to vector<16xi32>
    %add3A_95 = arith.addi %iota3A_92, %add3A_94 : vector<16xi32>
    %swap3A_96 = arith.constant 10176 : index
    %swap3A_97 = tpu.vector_load %arg6[%swap3A_96] {strides = array<i32>} : memref<10240xi32, #tpu.memory_space<vmem>>, vector<16xi32>,
    %swap3A_98 = vector.shape_cast %swap3A_97 : vector<16xi32> to vector<16xi32>
    %swap3A_99 = vector.shape_cast %add3A_95 : vector<16xi32> to vector<16xi32>
    tpu.vector_store %arg6[%swap3A_96], %swap3A_99 {strides = array<i32>} : memref<10240xi32, #tpu.memory_space<vmem>>, vector<16xi32>,
    %iota3A_100 = tpu.iota {dimensions = array<i32: 0>} : vector<16xi32>
    %add3A_101 = arith.constant 192 : i32
    %add3A_102 = vector.broadcast %add3A_101 : i32 to vector<16xi32>
    %add3A_103 = arith.addi %iota3A_100, %add3A_102 : vector<16xi32>
    %swap3A_104 = arith.constant 10192 : index
    %swap3A_105 = tpu.vector_load %arg6[%swap3A_104] {strides = array<i32>} : memref<10240xi32, #tpu.memory_space<vmem>>, vector<16xi32>,
    %swap3A_106 = vector.shape_cast %swap3A_105 : vector<16xi32> to vector<16xi32>
    %swap3A_107 = vector.shape_cast %add3A_103 : vector<16xi32> to vector<16xi32>
    tpu.vector_store %arg6[%swap3A_104], %swap3A_107 {strides = array<i32>} : memref<10240xi32, #tpu.memory_space<vmem>>, vector<16xi32>,
    %iota3A_108 = tpu.iota {dimensions = array<i32: 0>} : vector<16xi32>
    %add3A_109 = arith.constant 208 : i32
    %add3A_110 = vector.broadcast %add3A_109 : i32 to vector<16xi32>
    %add3A_111 = arith.addi %iota3A_108, %add3A_110 : vector<16xi32>
    %swap3A_112 = arith.constant 10208 : index
    %swap3A_113 = tpu.vector_load %arg6[%swap3A_112] {strides = array<i32>} : memref<10240xi32, #tpu.memory_space<vmem>>, vector<16xi32>,
    %swap3A_114 = vector.shape_cast %swap3A_113 : vector<16xi32> to vector<16xi32>
    %swap3A_115 = vector.shape_cast %add3A_111 : vector<16xi32> to vector<16xi32>
    tpu.vector_store %arg6[%swap3A_112], %swap3A_115 {strides = array<i32>} : memref<10240xi32, #tpu.memory_space<vmem>>, vector<16xi32>,
    %iota3A_116 = tpu.iota {dimensions = array<i32: 0>} : vector<16xi32>
    %add3A_117 = arith.constant 224 : i32
    %add3A_118 = vector.broadcast %add3A_117 : i32 to vector<16xi32>
    %add3A_119 = arith.addi %iota3A_116, %add3A_118 : vector<16xi32>
    %swap3A_120 = arith.constant 10224 : index
    %swap3A_121 = tpu.vector_load %arg6[%swap3A_120] {strides = array<i32>} : memref<10240xi32, #tpu.memory_space<vmem>>, vector<16xi32>,
    %swap3A_122 = vector.shape_cast %swap3A_121 : vector<16xi32> to vector<16xi32>
    %swap3A_123 = vector.shape_cast %add3A_119 : vector<16xi32> to vector<16xi32>
    tpu.vector_store %arg6[%swap3A_120], %swap3A_123 {strides = array<i32>} : memref<10240xi32, #tpu.memory_space<vmem>>, vector<16xi32>,
    %iota3A_124 = tpu.iota {dimensions = array<i32: 0>} : vector<16xi32>
    %add3A_125 = arith.constant 10000 : i32
    %add3A_126 = vector.broadcast %add3A_125 : i32 to vector<16xi32>
    %add3A_127 = arith.addi %iota3A_124, %add3A_126 : vector<16xi32>
    %swap3A_128 = arith.constant 10000 : index
    %swap3A_129 = tpu.vector_load %arg7[%swap3A_128] {strides = array<i32>} : memref<10240xi32, #tpu.memory_space<vmem>>, vector<16xi32>,
    %swap3A_130 = vector.shape_cast %swap3A_129 : vector<16xi32> to vector<16xi32>
    %swap3A_131 = vector.shape_cast %add3A_127 : vector<16xi32> to vector<16xi32>
    tpu.vector_store %arg7[%swap3A_128], %swap3A_131 {strides = array<i32>} : memref<10240xi32, #tpu.memory_space<vmem>>, vector<16xi32>,
    %iota3A_132 = tpu.iota {dimensions = array<i32: 0>} : vector<16xi32>
    %add3A_133 = arith.constant 10016 : i32
    %add3A_134 = vector.broadcast %add3A_133 : i32 to vector<16xi32>
    %add3A_135 = arith.addi %iota3A_132, %add3A_134 : vector<16xi32>
    %swap3A_136 = arith.constant 10016 : index
    %swap3A_137 = tpu.vector_load %arg7[%swap3A_136] {strides = array<i32>} : memref<10240xi32, #tpu.memory_space<vmem>>, vector<16xi32>,
    %swap3A_138 = vector.shape_cast %swap3A_137 : vector<16xi32> to vector<16xi32>
    %swap3A_139 = vector.shape_cast %add3A_135 : vector<16xi32> to vector<16xi32>
    tpu.vector_store %arg7[%swap3A_136], %swap3A_139 {strides = array<i32>} : memref<10240xi32, #tpu.memory_space<vmem>>, vector<16xi32>,
    %iota3A_140 = tpu.iota {dimensions = array<i32: 0>} : vector<16xi32>
    %add3A_141 = arith.constant 10032 : i32
    %add3A_142 = vector.broadcast %add3A_141 : i32 to vector<16xi32>
    %add3A_143 = arith.addi %iota3A_140, %add3A_142 : vector<16xi32>
    %swap3A_144 = arith.constant 10032 : index
    %swap3A_145 = tpu.vector_load %arg7[%swap3A_144] {strides = array<i32>} : memref<10240xi32, #tpu.memory_space<vmem>>, vector<16xi32>,
    %swap3A_146 = vector.shape_cast %swap3A_145 : vector<16xi32> to vector<16xi32>
    %swap3A_147 = vector.shape_cast %add3A_143 : vector<16xi32> to vector<16xi32>
    tpu.vector_store %arg7[%swap3A_144], %swap3A_147 {strides = array<i32>} : memref<10240xi32, #tpu.memory_space<vmem>>, vector<16xi32>,
    %iota3A_148 = tpu.iota {dimensions = array<i32: 0>} : vector<16xi32>
    %add3A_149 = arith.constant 10048 : i32
    %add3A_150 = vector.broadcast %add3A_149 : i32 to vector<16xi32>
    %add3A_151 = arith.addi %iota3A_148, %add3A_150 : vector<16xi32>
    %swap3A_152 = arith.constant 10048 : index
    %swap3A_153 = tpu.vector_load %arg7[%swap3A_152] {strides = array<i32>} : memref<10240xi32, #tpu.memory_space<vmem>>, vector<16xi32>,
    %swap3A_154 = vector.shape_cast %swap3A_153 : vector<16xi32> to vector<16xi32>
    %swap3A_155 = vector.shape_cast %add3A_151 : vector<16xi32> to vector<16xi32>
    tpu.vector_store %arg7[%swap3A_152], %swap3A_155 {strides = array<i32>} : memref<10240xi32, #tpu.memory_space<vmem>>, vector<16xi32>,
    %iota3A_156 = tpu.iota {dimensions = array<i32: 0>} : vector<16xi32>
    %add3A_157 = arith.constant 10064 : i32
    %add3A_158 = vector.broadcast %add3A_157 : i32 to vector<16xi32>
    %add3A_159 = arith.addi %iota3A_156, %add3A_158 : vector<16xi32>
    %swap3A_160 = arith.constant 10064 : index
    %swap3A_161 = tpu.vector_load %arg7[%swap3A_160] {strides = array<i32>} : memref<10240xi32, #tpu.memory_space<vmem>>, vector<16xi32>,
    %swap3A_162 = vector.shape_cast %swap3A_161 : vector<16xi32> to vector<16xi32>
    %swap3A_163 = vector.shape_cast %add3A_159 : vector<16xi32> to vector<16xi32>
    tpu.vector_store %arg7[%swap3A_160], %swap3A_163 {strides = array<i32>} : memref<10240xi32, #tpu.memory_space<vmem>>, vector<16xi32>,
    %iota3A_164 = tpu.iota {dimensions = array<i32: 0>} : vector<16xi32>
    %add3A_165 = arith.constant 10080 : i32
    %add3A_166 = vector.broadcast %add3A_165 : i32 to vector<16xi32>
    %add3A_167 = arith.addi %iota3A_164, %add3A_166 : vector<16xi32>
    %swap3A_168 = arith.constant 10080 : index
    %swap3A_169 = tpu.vector_load %arg7[%swap3A_168] {strides = array<i32>} : memref<10240xi32, #tpu.memory_space<vmem>>, vector<16xi32>,
    %swap3A_170 = vector.shape_cast %swap3A_169 : vector<16xi32> to vector<16xi32>
    %swap3A_171 = vector.shape_cast %add3A_167 : vector<16xi32> to vector<16xi32>
    tpu.vector_store %arg7[%swap3A_168], %swap3A_171 {strides = array<i32>} : memref<10240xi32, #tpu.memory_space<vmem>>, vector<16xi32>,
    %iota3A_172 = tpu.iota {dimensions = array<i32: 0>} : vector<16xi32>
    %add3A_173 = arith.constant 10096 : i32
    %add3A_174 = vector.broadcast %add3A_173 : i32 to vector<16xi32>
    %add3A_175 = arith.addi %iota3A_172, %add3A_174 : vector<16xi32>
    %swap3A_176 = arith.constant 10096 : index
    %swap3A_177 = tpu.vector_load %arg7[%swap3A_176] {strides = array<i32>} : memref<10240xi32, #tpu.memory_space<vmem>>, vector<16xi32>,
    %swap3A_178 = vector.shape_cast %swap3A_177 : vector<16xi32> to vector<16xi32>
    %swap3A_179 = vector.shape_cast %add3A_175 : vector<16xi32> to vector<16xi32>
    tpu.vector_store %arg7[%swap3A_176], %swap3A_179 {strides = array<i32>} : memref<10240xi32, #tpu.memory_space<vmem>>, vector<16xi32>,
    %iota3A_180 = tpu.iota {dimensions = array<i32: 0>} : vector<16xi32>
    %add3A_181 = arith.constant 10112 : i32
    %add3A_182 = vector.broadcast %add3A_181 : i32 to vector<16xi32>
    %add3A_183 = arith.addi %iota3A_180, %add3A_182 : vector<16xi32>
    %swap3A_184 = arith.constant 10112 : index
    %swap3A_185 = tpu.vector_load %arg7[%swap3A_184] {strides = array<i32>} : memref<10240xi32, #tpu.memory_space<vmem>>, vector<16xi32>,
    %swap3A_186 = vector.shape_cast %swap3A_185 : vector<16xi32> to vector<16xi32>
    %swap3A_187 = vector.shape_cast %add3A_183 : vector<16xi32> to vector<16xi32>
    tpu.vector_store %arg7[%swap3A_184], %swap3A_187 {strides = array<i32>} : memref<10240xi32, #tpu.memory_space<vmem>>, vector<16xi32>,
    %iota3A_188 = tpu.iota {dimensions = array<i32: 0>} : vector<16xi32>
    %add3A_189 = arith.constant 10128 : i32
    %add3A_190 = vector.broadcast %add3A_189 : i32 to vector<16xi32>
    %add3A_191 = arith.addi %iota3A_188, %add3A_190 : vector<16xi32>
    %swap3A_192 = arith.constant 10128 : index
    %swap3A_193 = tpu.vector_load %arg7[%swap3A_192] {strides = array<i32>} : memref<10240xi32, #tpu.memory_space<vmem>>, vector<16xi32>,
    %swap3A_194 = vector.shape_cast %swap3A_193 : vector<16xi32> to vector<16xi32>
    %swap3A_195 = vector.shape_cast %add3A_191 : vector<16xi32> to vector<16xi32>
    tpu.vector_store %arg7[%swap3A_192], %swap3A_195 {strides = array<i32>} : memref<10240xi32, #tpu.memory_space<vmem>>, vector<16xi32>,
    %iota3A_196 = tpu.iota {dimensions = array<i32: 0>} : vector<16xi32>
    %add3A_197 = arith.constant 10144 : i32
    %add3A_198 = vector.broadcast %add3A_197 : i32 to vector<16xi32>
    %add3A_199 = arith.addi %iota3A_196, %add3A_198 : vector<16xi32>
    %swap3A_200 = arith.constant 10144 : index
    %swap3A_201 = tpu.vector_load %arg7[%swap3A_200] {strides = array<i32>} : memref<10240xi32, #tpu.memory_space<vmem>>, vector<16xi32>,
    %swap3A_202 = vector.shape_cast %swap3A_201 : vector<16xi32> to vector<16xi32>
    %swap3A_203 = vector.shape_cast %add3A_199 : vector<16xi32> to vector<16xi32>
    tpu.vector_store %arg7[%swap3A_200], %swap3A_203 {strides = array<i32>} : memref<10240xi32, #tpu.memory_space<vmem>>, vector<16xi32>,
    %iota3A_204 = tpu.iota {dimensions = array<i32: 0>} : vector<16xi32>
    %add3A_205 = arith.constant 10160 : i32
    %add3A_206 = vector.broadcast %add3A_205 : i32 to vector<16xi32>
    %add3A_207 = arith.addi %iota3A_204, %add3A_206 : vector<16xi32>
    %swap3A_208 = arith.constant 10160 : index
    %swap3A_209 = tpu.vector_load %arg7[%swap3A_208] {strides = array<i32>} : memref<10240xi32, #tpu.memory_space<vmem>>, vector<16xi32>,
    %swap3A_210 = vector.shape_cast %swap3A_209 : vector<16xi32> to vector<16xi32>
    %swap3A_211 = vector.shape_cast %add3A_207 : vector<16xi32> to vector<16xi32>
    tpu.vector_store %arg7[%swap3A_208], %swap3A_211 {strides = array<i32>} : memref<10240xi32, #tpu.memory_space<vmem>>, vector<16xi32>,
    %iota3A_212 = tpu.iota {dimensions = array<i32: 0>} : vector<16xi32>
    %add3A_213 = arith.constant 10176 : i32
    %add3A_214 = vector.broadcast %add3A_213 : i32 to vector<16xi32>
    %add3A_215 = arith.addi %iota3A_212, %add3A_214 : vector<16xi32>
    %swap3A_216 = arith.constant 10176 : index
    %swap3A_217 = tpu.vector_load %arg7[%swap3A_216] {strides = array<i32>} : memref<10240xi32, #tpu.memory_space<vmem>>, vector<16xi32>,
    %swap3A_218 = vector.shape_cast %swap3A_217 : vector<16xi32> to vector<16xi32>
    %swap3A_219 = vector.shape_cast %add3A_215 : vector<16xi32> to vector<16xi32>
    tpu.vector_store %arg7[%swap3A_216], %swap3A_219 {strides = array<i32>} : memref<10240xi32, #tpu.memory_space<vmem>>, vector<16xi32>,
    %iota3A_220 = tpu.iota {dimensions = array<i32: 0>} : vector<16xi32>
    %add3A_221 = arith.constant 10192 : i32
    %add3A_222 = vector.broadcast %add3A_221 : i32 to vector<16xi32>
    %add3A_223 = arith.addi %iota3A_220, %add3A_222 : vector<16xi32>
    %swap3A_224 = arith.constant 10192 : index
    %swap3A_225 = tpu.vector_load %arg7[%swap3A_224] {strides = array<i32>} : memref<10240xi32, #tpu.memory_space<vmem>>, vector<16xi32>,
    %swap3A_226 = vector.shape_cast %swap3A_225 : vector<16xi32> to vector<16xi32>
    %swap3A_227 = vector.shape_cast %add3A_223 : vector<16xi32> to vector<16xi32>
    tpu.vector_store %arg7[%swap3A_224], %swap3A_227 {strides = array<i32>} : memref<10240xi32, #tpu.memory_space<vmem>>, vector<16xi32>,
    %iota3A_228 = tpu.iota {dimensions = array<i32: 0>} : vector<16xi32>
    %add3A_229 = arith.constant 10208 : i32
    %add3A_230 = vector.broadcast %add3A_229 : i32 to vector<16xi32>
    %add3A_231 = arith.addi %iota3A_228, %add3A_230 : vector<16xi32>
    %swap3A_232 = arith.constant 10208 : index
    %swap3A_233 = tpu.vector_load %arg7[%swap3A_232] {strides = array<i32>} : memref<10240xi32, #tpu.memory_space<vmem>>, vector<16xi32>,
    %swap3A_234 = vector.shape_cast %swap3A_233 : vector<16xi32> to vector<16xi32>
    %swap3A_235 = vector.shape_cast %add3A_231 : vector<16xi32> to vector<16xi32>
    tpu.vector_store %arg7[%swap3A_232], %swap3A_235 {strides = array<i32>} : memref<10240xi32, #tpu.memory_space<vmem>>, vector<16xi32>,
    %iota3A_236 = tpu.iota {dimensions = array<i32: 0>} : vector<16xi32>
    %add3A_237 = arith.constant 10224 : i32
    %add3A_238 = vector.broadcast %add3A_237 : i32 to vector<16xi32>
    %add3A_239 = arith.addi %iota3A_236, %add3A_238 : vector<16xi32>
    %swap3A_240 = arith.constant 10224 : index
    %swap3A_241 = tpu.vector_load %arg7[%swap3A_240] {strides = array<i32>} : memref<10240xi32, #tpu.memory_space<vmem>>, vector<16xi32>,
    %swap3A_242 = vector.shape_cast %swap3A_241 : vector<16xi32> to vector<16xi32>
    %swap3A_243 = vector.shape_cast %add3A_239 : vector<16xi32> to vector<16xi32>
    tpu.vector_store %arg7[%swap3A_240], %swap3A_243 {strides = array<i32>} : memref<10240xi32, #tpu.memory_space<vmem>>, vector<16xi32>,
    %mul3A_244 = arith.constant 624 : i32
    %mul3A_245 = arith.muli %arg1, %mul3A_244 : i32
    %mul3A_246 = arith.constant 624 : i32
    %mul3A_247 = arith.muli %arg1, %mul3A_246 : i32
    "tpu.region"() ({
      %run_scoped3A_424 = tpu.sem_alloc : memref<!tpu.dma_semaphore, #tpu.memory_space<semaphore_mem>>
      %dma_start3A_425 = arith.constant 0 : i32
      %dma_start3A_426 = tpu.memref_slice %arg16[%mul3A_247, %dma_start3A_425] : memref<10240x32xf32, #tpu.memory_space<vmem_shared>> -> memref<624x32xf32, #tpu.memory_space<vmem_shared>>
      %dma_start3A_427 = arith.constant 0 : i32
      %dma_start3A_428 = tpu.memref_slice %arg2[%mul3A_245, %dma_start3A_427] : memref<10000x32xf32, #tpu.memory_space<hbm>> -> memref<624x32xf32, #tpu.memory_space<hbm>>
      tpu.enqueue_dma source(%dma_start3A_428 : memref<624x32xf32, #tpu.memory_space<hbm>>) target(%dma_start3A_426 : memref<624x32xf32, #tpu.memory_space<vmem_shared>>) target_semaphore(%run_scoped3A_424 : memref<!tpu.dma_semaphore, #tpu.memory_space<semaphore_mem>>)
      %dma_wait3A_429 = arith.constant 0 : i32
      %dma_wait3A_430 = tpu.memref_slice %arg16[%mul3A_247, %dma_wait3A_429] : memref<10240x32xf32, #tpu.memory_space<vmem_shared>> -> memref<624x32xf32, #tpu.memory_space<vmem_shared>>
      %dma_wait3A_431 = arith.constant 0 : i32
      %dma_wait3A_432 = tpu.memref_slice %arg2[%mul3A_245, %dma_wait3A_431] : memref<10000x32xf32, #tpu.memory_space<hbm>> -> memref<624x32xf32, #tpu.memory_space<hbm>>
      tpu.wait_dma2 semaphore(%run_scoped3A_424 : memref<!tpu.dma_semaphore, #tpu.memory_space<semaphore_mem>>) src(%dma_wait3A_432 : memref<624x32xf32, #tpu.memory_space<hbm>>) dst(%dma_wait3A_430 : memref<624x32xf32, #tpu.memory_space<vmem_shared>>)
      tpu.yield
    }) : () -> ()
    %eq3A = arith.constant 15 : i32
    %eq3A_248 = arith.cmpi eq, %arg1, %eq3A : i32
    %convert_element_type3A = arith.extui %eq3A_248 : i1 to i32
    %cond3A = arith.constant 0 : i32
    %cond3A_249 = arith.cmpi ne, %convert_element_type3A, %cond3A : i32
    scf.if %cond3A_249 {
      "tpu.region"() ({
        %run_scoped3A_424 = tpu.sem_alloc : memref<!tpu.dma_semaphore, #tpu.memory_space<semaphore_mem>>
        %dma_start3A_425 = arith.constant 9984 : i32
        %dma_start3A_426 = arith.constant 0 : i32
        %dma_start3A_427 = tpu.memref_slice %arg16[%dma_start3A_425, %dma_start3A_426] : memref<10240x32xf32, #tpu.memory_space<vmem_shared>> -> memref<16x32xf32, #tpu.memory_space<vmem_shared>>
        %dma_start3A_428 = arith.constant 9984 : i32
        %dma_start3A_429 = arith.constant 0 : i32
        %dma_start3A_430 = tpu.memref_slice %arg2[%dma_start3A_428, %dma_start3A_429] : memref<10000x32xf32, #tpu.memory_space<hbm>> -> memref<16x32xf32, #tpu.memory_space<hbm>>
        tpu.enqueue_dma source(%dma_start3A_430 : memref<16x32xf32, #tpu.memory_space<hbm>>) target(%dma_start3A_427 : memref<16x32xf32, #tpu.memory_space<vmem_shared>>) target_semaphore(%run_scoped3A_424 : memref<!tpu.dma_semaphore, #tpu.memory_space<semaphore_mem>>)
        %dma_wait3A_431 = arith.constant 9984 : i32
        %dma_wait3A_432 = arith.constant 0 : i32
        %dma_wait3A_433 = tpu.memref_slice %arg16[%dma_wait3A_431, %dma_wait3A_432] : memref<10240x32xf32, #tpu.memory_space<vmem_shared>> -> memref<16x32xf32, #tpu.memory_space<vmem_shared>>
        %dma_wait3A_434 = arith.constant 9984 : i32
        %dma_wait3A_435 = arith.constant 0 : i32
        %dma_wait3A_436 = tpu.memref_slice %arg2[%dma_wait3A_434, %dma_wait3A_435] : memref<10000x32xf32, #tpu.memory_space<hbm>> -> memref<16x32xf32, #tpu.memory_space<hbm>>
        tpu.wait_dma2 semaphore(%run_scoped3A_424 : memref<!tpu.dma_semaphore, #tpu.memory_space<semaphore_mem>>) src(%dma_wait3A_436 : memref<16x32xf32, #tpu.memory_space<hbm>>) dst(%dma_wait3A_433 : memref<16x32xf32, #tpu.memory_space<vmem_shared>>)
        tpu.yield
      }) : () -> ()
    } else {
    }
    %barrier3A = arith.constant 0 : index
    tpu.barrier barrier_id(%barrier3A)
    %dma_start3A = arith.constant 0 : i32
    %dma_start3A_250 = tpu.memref_slice %arg6[%dma_start3A] : memref<10240xi32, #tpu.memory_space<vmem>> -> memref<128xi32, #tpu.memory_space<vmem>>
    %dma_start3A_251 = arith.constant 0 : i32
    %dma_start3A_252 = arith.constant 0 : i32
    %dma_start3A_253 = tpu.memref_slice %arg2[%dma_start3A_251, %dma_start3A_252] : memref<10000x32xf32, #tpu.memory_space<hbm>> -> memref<10000x32xf32, #tpu.memory_space<hbm>>
    tpu.enqueue_indirect_dma source(%dma_start3A_253 : memref<10000x32xf32, #tpu.memory_space<hbm>>) target(%arg8 : memref<128x32xf32, #tpu.memory_space<vmem>>) offsets(%dma_start3A_250 : memref<128xi32, #tpu.memory_space<vmem>>) semaphore(%arg17 : memref<!tpu.dma_semaphore, #tpu.memory_space<semaphore_mem>>)
    %dma_start3A_254 = arith.constant 128 : i32
    %dma_start3A_255 = tpu.memref_slice %arg6[%dma_start3A_254] : memref<10240xi32, #tpu.memory_space<vmem>> -> memref<128xi32, #tpu.memory_space<vmem>>
    %dma_start3A_256 = arith.constant 0 : i32
    %dma_start3A_257 = arith.constant 0 : i32
    %dma_start3A_258 = tpu.memref_slice %arg2[%dma_start3A_256, %dma_start3A_257] : memref<10000x32xf32, #tpu.memory_space<hbm>> -> memref<10000x32xf32, #tpu.memory_space<hbm>>
    tpu.enqueue_indirect_dma source(%dma_start3A_258 : memref<10000x32xf32, #tpu.memory_space<hbm>>) target(%arg9 : memref<128x32xf32, #tpu.memory_space<vmem>>) offsets(%dma_start3A_255 : memref<128xi32, #tpu.memory_space<vmem>>) semaphore(%arg18 : memref<!tpu.dma_semaphore, #tpu.memory_space<semaphore_mem>>)
    %dma_start3A_259 = arith.constant 256 : i32
    %dma_start3A_260 = tpu.memref_slice %arg6[%dma_start3A_259] : memref<10240xi32, #tpu.memory_space<vmem>> -> memref<128xi32, #tpu.memory_space<vmem>>
    %dma_start3A_261 = arith.constant 0 : i32
    %dma_start3A_262 = arith.constant 0 : i32
    %dma_start3A_263 = tpu.memref_slice %arg2[%dma_start3A_261, %dma_start3A_262] : memref<10000x32xf32, #tpu.memory_space<hbm>> -> memref<10000x32xf32, #tpu.memory_space<hbm>>
    tpu.enqueue_indirect_dma source(%dma_start3A_263 : memref<10000x32xf32, #tpu.memory_space<hbm>>) target(%arg10 : memref<128x32xf32, #tpu.memory_space<vmem>>) offsets(%dma_start3A_260 : memref<128xi32, #tpu.memory_space<vmem>>) semaphore(%arg19 : memref<!tpu.dma_semaphore, #tpu.memory_space<semaphore_mem>>)
    %dma_start3A_264 = arith.constant 384 : i32
    %dma_start3A_265 = tpu.memref_slice %arg6[%dma_start3A_264] : memref<10240xi32, #tpu.memory_space<vmem>> -> memref<128xi32, #tpu.memory_space<vmem>>
    %dma_start3A_266 = arith.constant 0 : i32
    %dma_start3A_267 = arith.constant 0 : i32
    %dma_start3A_268 = tpu.memref_slice %arg2[%dma_start3A_266, %dma_start3A_267] : memref<10000x32xf32, #tpu.memory_space<hbm>> -> memref<10000x32xf32, #tpu.memory_space<hbm>>
    tpu.enqueue_indirect_dma source(%dma_start3A_268 : memref<10000x32xf32, #tpu.memory_space<hbm>>) target(%arg11 : memref<128x32xf32, #tpu.memory_space<vmem>>) offsets(%dma_start3A_265 : memref<128xi32, #tpu.memory_space<vmem>>) semaphore(%arg20 : memref<!tpu.dma_semaphore, #tpu.memory_space<semaphore_mem>>)
    %dma_wait3A = arith.constant 0 : i32
    %dma_wait3A_269 = tpu.memref_slice %arg6[%dma_wait3A] : memref<10240xi32, #tpu.memory_space<vmem>> -> memref<128xi32, #tpu.memory_space<vmem>>
    %dma_wait3A_270 = arith.constant 0 : i32
    %dma_wait3A_271 = arith.constant 0 : i32
    %dma_wait3A_272 = tpu.memref_slice %arg2[%dma_wait3A_270, %dma_wait3A_271] : memref<10000x32xf32, #tpu.memory_space<hbm>> -> memref<10000x32xf32, #tpu.memory_space<hbm>>
    tpu.wait_indirect_dma semaphore(%arg17 : memref<!tpu.dma_semaphore, #tpu.memory_space<semaphore_mem>>) src(%dma_wait3A_272 : memref<10000x32xf32, #tpu.memory_space<hbm>>) dst(%arg8 : memref<128x32xf32, #tpu.memory_space<vmem>>)
    %dma_start3A_273 = arith.constant 0 : i32
    %dma_start3A_274 = tpu.memref_slice %arg7[%dma_start3A_273] : memref<10240xi32, #tpu.memory_space<vmem>> -> memref<128xi32, #tpu.memory_space<vmem>>
    %dma_start3A_275 = arith.constant 0 : i32
    %dma_start3A_276 = arith.constant 0 : i32
    %dma_start3A_277 = tpu.memref_slice %arg16[%dma_start3A_275, %dma_start3A_276] : memref<10240x32xf32, #tpu.memory_space<vmem_shared>> -> memref<10240x32xf32, #tpu.memory_space<vmem_shared>>
    tpu.enqueue_indirect_dma source(%arg8 : memref<128x32xf32, #tpu.memory_space<vmem>>) target(%dma_start3A_277 : memref<10240x32xf32, #tpu.memory_space<vmem_shared>>) offsets(%dma_start3A_274 : memref<128xi32, #tpu.memory_space<vmem>>) semaphore(%arg25 : memref<!tpu.dma_semaphore, #tpu.memory_space<semaphore_mem>>) {add = true}
    %dma_start3A_278 = arith.constant 512 : i32
    %dma_start3A_279 = tpu.memref_slice %arg6[%dma_start3A_278] : memref<10240xi32, #tpu.memory_space<vmem>> -> memref<128xi32, #tpu.memory_space<vmem>>
    %dma_start3A_280 = arith.constant 0 : i32
    %dma_start3A_281 = arith.constant 0 : i32
    %dma_start3A_282 = tpu.memref_slice %arg2[%dma_start3A_280, %dma_start3A_281] : memref<10000x32xf32, #tpu.memory_space<hbm>> -> memref<10000x32xf32, #tpu.memory_space<hbm>>
    tpu.enqueue_indirect_dma source(%dma_start3A_282 : memref<10000x32xf32, #tpu.memory_space<hbm>>) target(%arg12 : memref<128x32xf32, #tpu.memory_space<vmem>>) offsets(%dma_start3A_279 : memref<128xi32, #tpu.memory_space<vmem>>) semaphore(%arg21 : memref<!tpu.dma_semaphore, #tpu.memory_space<semaphore_mem>>)
    %dma_wait3A_283 = arith.constant 128 : i32
    %dma_wait3A_284 = tpu.memref_slice %arg6[%dma_wait3A_283] : memref<10240xi32, #tpu.memory_space<vmem>> -> memref<128xi32, #tpu.memory_space<vmem>>
    %dma_wait3A_285 = arith.constant 0 : i32
    %dma_wait3A_286 = arith.constant 0 : i32
    %dma_wait3A_287 = tpu.memref_slice %arg2[%dma_wait3A_285, %dma_wait3A_286] : memref<10000x32xf32, #tpu.memory_space<hbm>> -> memref<10000x32xf32, #tpu.memory_space<hbm>>
    tpu.wait_indirect_dma semaphore(%arg18 : memref<!tpu.dma_semaphore, #tpu.memory_space<semaphore_mem>>) src(%dma_wait3A_287 : memref<10000x32xf32, #tpu.memory_space<hbm>>) dst(%arg9 : memref<128x32xf32, #tpu.memory_space<vmem>>)
    %dma_start3A_288 = arith.constant 128 : i32
    %dma_start3A_289 = tpu.memref_slice %arg7[%dma_start3A_288] : memref<10240xi32, #tpu.memory_space<vmem>> -> memref<128xi32, #tpu.memory_space<vmem>>
    %dma_start3A_290 = arith.constant 0 : i32
    %dma_start3A_291 = arith.constant 0 : i32
    %dma_start3A_292 = tpu.memref_slice %arg16[%dma_start3A_290, %dma_start3A_291] : memref<10240x32xf32, #tpu.memory_space<vmem_shared>> -> memref<10240x32xf32, #tpu.memory_space<vmem_shared>>
    tpu.enqueue_indirect_dma source(%arg9 : memref<128x32xf32, #tpu.memory_space<vmem>>) target(%dma_start3A_292 : memref<10240x32xf32, #tpu.memory_space<vmem_shared>>) offsets(%dma_start3A_289 : memref<128xi32, #tpu.memory_space<vmem>>) semaphore(%arg26 : memref<!tpu.dma_semaphore, #tpu.memory_space<semaphore_mem>>) {add = true}
    %dma_start3A_293 = arith.constant 640 : i32
    %dma_start3A_294 = tpu.memref_slice %arg6[%dma_start3A_293] : memref<10240xi32, #tpu.memory_space<vmem>> -> memref<128xi32, #tpu.memory_space<vmem>>
    %dma_start3A_295 = arith.constant 0 : i32
    %dma_start3A_296 = arith.constant 0 : i32
    %dma_start3A_297 = tpu.memref_slice %arg2[%dma_start3A_295, %dma_start3A_296] : memref<10000x32xf32, #tpu.memory_space<hbm>> -> memref<10000x32xf32, #tpu.memory_space<hbm>>
    tpu.enqueue_indirect_dma source(%dma_start3A_297 : memref<10000x32xf32, #tpu.memory_space<hbm>>) target(%arg13 : memref<128x32xf32, #tpu.memory_space<vmem>>) offsets(%dma_start3A_294 : memref<128xi32, #tpu.memory_space<vmem>>) semaphore(%arg22 : memref<!tpu.dma_semaphore, #tpu.memory_space<semaphore_mem>>)
    %dma_wait3A_298 = arith.constant 256 : i32
    %dma_wait3A_299 = tpu.memref_slice %arg6[%dma_wait3A_298] : memref<10240xi32, #tpu.memory_space<vmem>> -> memref<128xi32, #tpu.memory_space<vmem>>
    %dma_wait3A_300 = arith.constant 0 : i32
    %dma_wait3A_301 = arith.constant 0 : i32
    %dma_wait3A_302 = tpu.memref_slice %arg2[%dma_wait3A_300, %dma_wait3A_301] : memref<10000x32xf32, #tpu.memory_space<hbm>> -> memref<10000x32xf32, #tpu.memory_space<hbm>>
    tpu.wait_indirect_dma semaphore(%arg19 : memref<!tpu.dma_semaphore, #tpu.memory_space<semaphore_mem>>) src(%dma_wait3A_302 : memref<10000x32xf32, #tpu.memory_space<hbm>>) dst(%arg10 : memref<128x32xf32, #tpu.memory_space<vmem>>)
    %dma_start3A_303 = arith.constant 256 : i32
    %dma_start3A_304 = tpu.memref_slice %arg7[%dma_start3A_303] : memref<10240xi32, #tpu.memory_space<vmem>> -> memref<128xi32, #tpu.memory_space<vmem>>
    %dma_start3A_305 = arith.constant 0 : i32
    %dma_start3A_306 = arith.constant 0 : i32
    %dma_start3A_307 = tpu.memref_slice %arg16[%dma_start3A_305, %dma_start3A_306] : memref<10240x32xf32, #tpu.memory_space<vmem_shared>> -> memref<10240x32xf32, #tpu.memory_space<vmem_shared>>
    tpu.enqueue_indirect_dma source(%arg10 : memref<128x32xf32, #tpu.memory_space<vmem>>) target(%dma_start3A_307 : memref<10240x32xf32, #tpu.memory_space<vmem_shared>>) offsets(%dma_start3A_304 : memref<128xi32, #tpu.memory_space<vmem>>) semaphore(%arg27 : memref<!tpu.dma_semaphore, #tpu.memory_space<semaphore_mem>>) {add = true}
    %dma_start3A_308 = arith.constant 768 : i32
    %dma_start3A_309 = tpu.memref_slice %arg6[%dma_start3A_308] : memref<10240xi32, #tpu.memory_space<vmem>> -> memref<128xi32, #tpu.memory_space<vmem>>
    %dma_start3A_310 = arith.constant 0 : i32
    %dma_start3A_311 = arith.constant 0 : i32
    %dma_start3A_312 = tpu.memref_slice %arg2[%dma_start3A_310, %dma_start3A_311] : memref<10000x32xf32, #tpu.memory_space<hbm>> -> memref<10000x32xf32, #tpu.memory_space<hbm>>
    tpu.enqueue_indirect_dma source(%dma_start3A_312 : memref<10000x32xf32, #tpu.memory_space<hbm>>) target(%arg14 : memref<128x32xf32, #tpu.memory_space<vmem>>) offsets(%dma_start3A_309 : memref<128xi32, #tpu.memory_space<vmem>>) semaphore(%arg23 : memref<!tpu.dma_semaphore, #tpu.memory_space<semaphore_mem>>)
    %dma_wait3A_313 = arith.constant 384 : i32
    %dma_wait3A_314 = tpu.memref_slice %arg6[%dma_wait3A_313] : memref<10240xi32, #tpu.memory_space<vmem>> -> memref<128xi32, #tpu.memory_space<vmem>>
    %dma_wait3A_315 = arith.constant 0 : i32
    %dma_wait3A_316 = arith.constant 0 : i32
    %dma_wait3A_317 = tpu.memref_slice %arg2[%dma_wait3A_315, %dma_wait3A_316] : memref<10000x32xf32, #tpu.memory_space<hbm>> -> memref<10000x32xf32, #tpu.memory_space<hbm>>
    tpu.wait_indirect_dma semaphore(%arg20 : memref<!tpu.dma_semaphore, #tpu.memory_space<semaphore_mem>>) src(%dma_wait3A_317 : memref<10000x32xf32, #tpu.memory_space<hbm>>) dst(%arg11 : memref<128x32xf32, #tpu.memory_space<vmem>>)
    %dma_start3A_318 = arith.constant 384 : i32
    %dma_start3A_319 = tpu.memref_slice %arg7[%dma_start3A_318] : memref<10240xi32, #tpu.memory_space<vmem>> -> memref<128xi32, #tpu.memory_space<vmem>>
    %dma_start3A_320 = arith.constant 0 : i32
    %dma_start3A_321 = arith.constant 0 : i32
    %dma_start3A_322 = tpu.memref_slice %arg16[%dma_start3A_320, %dma_start3A_321] : memref<10240x32xf32, #tpu.memory_space<vmem_shared>> -> memref<10240x32xf32, #tpu.memory_space<vmem_shared>>
    tpu.enqueue_indirect_dma source(%arg11 : memref<128x32xf32, #tpu.memory_space<vmem>>) target(%dma_start3A_322 : memref<10240x32xf32, #tpu.memory_space<vmem_shared>>) offsets(%dma_start3A_319 : memref<128xi32, #tpu.memory_space<vmem>>) semaphore(%arg28 : memref<!tpu.dma_semaphore, #tpu.memory_space<semaphore_mem>>) {add = true}
    %dma_start3A_323 = arith.constant 896 : i32
    %dma_start3A_324 = tpu.memref_slice %arg6[%dma_start3A_323] : memref<10240xi32, #tpu.memory_space<vmem>> -> memref<128xi32, #tpu.memory_space<vmem>>
    %dma_start3A_325 = arith.constant 0 : i32
    %dma_start3A_326 = arith.constant 0 : i32
    %dma_start3A_327 = tpu.memref_slice %arg2[%dma_start3A_325, %dma_start3A_326] : memref<10000x32xf32, #tpu.memory_space<hbm>> -> memref<10000x32xf32, #tpu.memory_space<hbm>>
    tpu.enqueue_indirect_dma source(%dma_start3A_327 : memref<10000x32xf32, #tpu.memory_space<hbm>>) target(%arg15 : memref<128x32xf32, #tpu.memory_space<vmem>>) offsets(%dma_start3A_324 : memref<128xi32, #tpu.memory_space<vmem>>) semaphore(%arg24 : memref<!tpu.dma_semaphore, #tpu.memory_space<semaphore_mem>>)
    %scan3A = arith.constant 0 : i32
    %scan3A_328 = arith.constant 0 : i32
    %scan3A_329 = arith.constant 9 : i32
    %scan3A_330 = arith.addi %scan3A_328, %scan3A_329 : i32
    %scan3A_331 = arith.constant 1 : i32
    scf.for %scan3A_424 = %scan3A_328 to %scan3A_330 step %scan3A_331  : i32 {
      %mul3A_425 = arith.constant 8 : i32
      %mul3A_426 = arith.muli %mul3A_425, %scan3A_424 : i32
      %add3A_427 = arith.constant 4 : i32
      %add3A_428 = arith.addi %mul3A_426, %add3A_427 : i32
      %add3A_429 = arith.constant 0 : i32
      %add3A_430 = arith.addi %add3A_428, %add3A_429 : i32
      %mul3A_431 = arith.constant 128 : i32
      %mul3A_432 = arith.muli %add3A_430, %mul3A_431 : i32
      %dma_wait3A_433 = tpu.memref_slice %arg6[%mul3A_432] : memref<10240xi32, #tpu.memory_space<vmem>> -> memref<128xi32, #tpu.memory_space<vmem>>
      %dma_wait3A_434 = arith.constant 0 : i32
      %dma_wait3A_435 = arith.constant 0 : i32
      %dma_wait3A_436 = tpu.memref_slice %arg2[%dma_wait3A_434, %dma_wait3A_435] : memref<10000x32xf32, #tpu.memory_space<hbm>> -> memref<10000x32xf32, #tpu.memory_space<hbm>>
      tpu.wait_indirect_dma semaphore(%arg21 : memref<!tpu.dma_semaphore, #tpu.memory_space<semaphore_mem>>) src(%dma_wait3A_436 : memref<10000x32xf32, #tpu.memory_space<hbm>>) dst(%arg12 : memref<128x32xf32, #tpu.memory_space<vmem>>)
      %mul3A_437 = arith.constant 128 : i32
      %mul3A_438 = arith.muli %add3A_430, %mul3A_437 : i32
      %dma_start3A_439 = tpu.memref_slice %arg7[%mul3A_438] : memref<10240xi32, #tpu.memory_space<vmem>> -> memref<128xi32, #tpu.memory_space<vmem>>
      %dma_start3A_440 = arith.constant 0 : i32
      %dma_start3A_441 = arith.constant 0 : i32
      %dma_start3A_442 = tpu.memref_slice %arg16[%dma_start3A_440, %dma_start3A_441] : memref<10240x32xf32, #tpu.memory_space<vmem_shared>> -> memref<10240x32xf32, #tpu.memory_space<vmem_shared>>
      tpu.enqueue_indirect_dma source(%arg12 : memref<128x32xf32, #tpu.memory_space<vmem>>) target(%dma_start3A_442 : memref<10240x32xf32, #tpu.memory_space<vmem_shared>>) offsets(%dma_start3A_439 : memref<128xi32, #tpu.memory_space<vmem>>) semaphore(%arg29 : memref<!tpu.dma_semaphore, #tpu.memory_space<semaphore_mem>>) {add = true}
      %sub3A = arith.constant 4 : i32
      %sub3A_443 = arith.subi %add3A_430, %sub3A : i32
      %mul3A_444 = arith.constant 128 : i32
      %mul3A_445 = arith.muli %sub3A_443, %mul3A_444 : i32
      %dma_wait3A_446 = tpu.memref_slice %arg7[%mul3A_445] : memref<10240xi32, #tpu.memory_space<vmem>> -> memref<128xi32, #tpu.memory_space<vmem>>
      %dma_wait3A_447 = arith.constant 0 : i32
      %dma_wait3A_448 = arith.constant 0 : i32
      %dma_wait3A_449 = tpu.memref_slice %arg16[%dma_wait3A_447, %dma_wait3A_448] : memref<10240x32xf32, #tpu.memory_space<vmem_shared>> -> memref<10240x32xf32, #tpu.memory_space<vmem_shared>>
      tpu.wait_indirect_dma semaphore(%arg25 : memref<!tpu.dma_semaphore, #tpu.memory_space<semaphore_mem>>) src(%arg8 : memref<128x32xf32, #tpu.memory_space<vmem>>) dst(%dma_wait3A_449 : memref<10240x32xf32, #tpu.memory_space<vmem_shared>>)
      %add3A_450 = arith.constant 4 : i32
      %add3A_451 = arith.addi %add3A_430, %add3A_450 : i32
      %mul3A_452 = arith.constant 128 : i32
      %mul3A_453 = arith.muli %add3A_451, %mul3A_452 : i32
      %dma_start3A_454 = tpu.memref_slice %arg6[%mul3A_453] : memref<10240xi32, #tpu.memory_space<vmem>> -> memref<128xi32, #tpu.memory_space<vmem>>
      %dma_start3A_455 = arith.constant 0 : i32
      %dma_start3A_456 = arith.constant 0 : i32
      %dma_start3A_457 = tpu.memref_slice %arg2[%dma_start3A_455, %dma_start3A_456] : memref<10000x32xf32, #tpu.memory_space<hbm>> -> memref<10000x32xf32, #tpu.memory_space<hbm>>
      tpu.enqueue_indirect_dma source(%dma_start3A_457 : memref<10000x32xf32, #tpu.memory_space<hbm>>) target(%arg8 : memref<128x32xf32, #tpu.memory_space<vmem>>) offsets(%dma_start3A_454 : memref<128xi32, #tpu.memory_space<vmem>>) semaphore(%arg17 : memref<!tpu.dma_semaphore, #tpu.memory_space<semaphore_mem>>)
      %mul3A_458 = arith.constant 8 : i32
      %mul3A_459 = arith.muli %mul3A_458, %scan3A_424 : i32
      %add3A_460 = arith.constant 4 : i32
      %add3A_461 = arith.addi %mul3A_459, %add3A_460 : i32
      %add3A_462 = arith.constant 1 : i32
      %add3A_463 = arith.addi %add3A_461, %add3A_462 : i32
      %mul3A_464 = arith.constant 128 : i32
      %mul3A_465 = arith.muli %add3A_463, %mul3A_464 : i32
      %dma_wait3A_466 = tpu.memref_slice %arg6[%mul3A_465] : memref<10240xi32, #tpu.memory_space<vmem>> -> memref<128xi32, #tpu.memory_space<vmem>>
      %dma_wait3A_467 = arith.constant 0 : i32
      %dma_wait3A_468 = arith.constant 0 : i32
      %dma_wait3A_469 = tpu.memref_slice %arg2[%dma_wait3A_467, %dma_wait3A_468] : memref<10000x32xf32, #tpu.memory_space<hbm>> -> memref<10000x32xf32, #tpu.memory_space<hbm>>
      tpu.wait_indirect_dma semaphore(%arg22 : memref<!tpu.dma_semaphore, #tpu.memory_space<semaphore_mem>>) src(%dma_wait3A_469 : memref<10000x32xf32, #tpu.memory_space<hbm>>) dst(%arg13 : memref<128x32xf32, #tpu.memory_space<vmem>>)
      %mul3A_470 = arith.constant 128 : i32
      %mul3A_471 = arith.muli %add3A_463, %mul3A_470 : i32
      %dma_start3A_472 = tpu.memref_slice %arg7[%mul3A_471] : memref<10240xi32, #tpu.memory_space<vmem>> -> memref<128xi32, #tpu.memory_space<vmem>>
      %dma_start3A_473 = arith.constant 0 : i32
      %dma_start3A_474 = arith.constant 0 : i32
      %dma_start3A_475 = tpu.memref_slice %arg16[%dma_start3A_473, %dma_start3A_474] : memref<10240x32xf32, #tpu.memory_space<vmem_shared>> -> memref<10240x32xf32, #tpu.memory_space<vmem_shared>>
      tpu.enqueue_indirect_dma source(%arg13 : memref<128x32xf32, #tpu.memory_space<vmem>>) target(%dma_start3A_475 : memref<10240x32xf32, #tpu.memory_space<vmem_shared>>) offsets(%dma_start3A_472 : memref<128xi32, #tpu.memory_space<vmem>>) semaphore(%arg30 : memref<!tpu.dma_semaphore, #tpu.memory_space<semaphore_mem>>) {add = true}
      %sub3A_476 = arith.constant 4 : i32
      %sub3A_477 = arith.subi %add3A_463, %sub3A_476 : i32
      %mul3A_478 = arith.constant 128 : i32
      %mul3A_479 = arith.muli %sub3A_477, %mul3A_478 : i32
      %dma_wait3A_480 = tpu.memref_slice %arg7[%mul3A_479] : memref<10240xi32, #tpu.memory_space<vmem>> -> memref<128xi32, #tpu.memory_space<vmem>>
      %dma_wait3A_481 = arith.constant 0 : i32
      %dma_wait3A_482 = arith.constant 0 : i32
      %dma_wait3A_483 = tpu.memref_slice %arg16[%dma_wait3A_481, %dma_wait3A_482] : memref<10240x32xf32, #tpu.memory_space<vmem_shared>> -> memref<10240x32xf32, #tpu.memory_space<vmem_shared>>
      tpu.wait_indirect_dma semaphore(%arg26 : memref<!tpu.dma_semaphore, #tpu.memory_space<semaphore_mem>>) src(%arg9 : memref<128x32xf32, #tpu.memory_space<vmem>>) dst(%dma_wait3A_483 : memref<10240x32xf32, #tpu.memory_space<vmem_shared>>)
      %add3A_484 = arith.constant 4 : i32
      %add3A_485 = arith.addi %add3A_463, %add3A_484 : i32
      %mul3A_486 = arith.constant 128 : i32
      %mul3A_487 = arith.muli %add3A_485, %mul3A_486 : i32
      %dma_start3A_488 = tpu.memref_slice %arg6[%mul3A_487] : memref<10240xi32, #tpu.memory_space<vmem>> -> memref<128xi32, #tpu.memory_space<vmem>>
      %dma_start3A_489 = arith.constant 0 : i32
      %dma_start3A_490 = arith.constant 0 : i32
      %dma_start3A_491 = tpu.memref_slice %arg2[%dma_start3A_489, %dma_start3A_490] : memref<10000x32xf32, #tpu.memory_space<hbm>> -> memref<10000x32xf32, #tpu.memory_space<hbm>>
      tpu.enqueue_indirect_dma source(%dma_start3A_491 : memref<10000x32xf32, #tpu.memory_space<hbm>>) target(%arg9 : memref<128x32xf32, #tpu.memory_space<vmem>>) offsets(%dma_start3A_488 : memref<128xi32, #tpu.memory_space<vmem>>) semaphore(%arg18 : memref<!tpu.dma_semaphore, #tpu.memory_space<semaphore_mem>>)
      %mul3A_492 = arith.constant 8 : i32
      %mul3A_493 = arith.muli %mul3A_492, %scan3A_424 : i32
      %add3A_494 = arith.constant 4 : i32
      %add3A_495 = arith.addi %mul3A_493, %add3A_494 : i32
      %add3A_496 = arith.constant 2 : i32
      %add3A_497 = arith.addi %add3A_495, %add3A_496 : i32
      %mul3A_498 = arith.constant 128 : i32
      %mul3A_499 = arith.muli %add3A_497, %mul3A_498 : i32
      %dma_wait3A_500 = tpu.memref_slice %arg6[%mul3A_499] : memref<10240xi32, #tpu.memory_space<vmem>> -> memref<128xi32, #tpu.memory_space<vmem>>
      %dma_wait3A_501 = arith.constant 0 : i32
      %dma_wait3A_502 = arith.constant 0 : i32
      %dma_wait3A_503 = tpu.memref_slice %arg2[%dma_wait3A_501, %dma_wait3A_502] : memref<10000x32xf32, #tpu.memory_space<hbm>> -> memref<10000x32xf32, #tpu.memory_space<hbm>>
      tpu.wait_indirect_dma semaphore(%arg23 : memref<!tpu.dma_semaphore, #tpu.memory_space<semaphore_mem>>) src(%dma_wait3A_503 : memref<10000x32xf32, #tpu.memory_space<hbm>>) dst(%arg14 : memref<128x32xf32, #tpu.memory_space<vmem>>)
      %mul3A_504 = arith.constant 128 : i32
      %mul3A_505 = arith.muli %add3A_497, %mul3A_504 : i32
      %dma_start3A_506 = tpu.memref_slice %arg7[%mul3A_505] : memref<10240xi32, #tpu.memory_space<vmem>> -> memref<128xi32, #tpu.memory_space<vmem>>
      %dma_start3A_507 = arith.constant 0 : i32
      %dma_start3A_508 = arith.constant 0 : i32
      %dma_start3A_509 = tpu.memref_slice %arg16[%dma_start3A_507, %dma_start3A_508] : memref<10240x32xf32, #tpu.memory_space<vmem_shared>> -> memref<10240x32xf32, #tpu.memory_space<vmem_shared>>
      tpu.enqueue_indirect_dma source(%arg14 : memref<128x32xf32, #tpu.memory_space<vmem>>) target(%dma_start3A_509 : memref<10240x32xf32, #tpu.memory_space<vmem_shared>>) offsets(%dma_start3A_506 : memref<128xi32, #tpu.memory_space<vmem>>) semaphore(%arg31 : memref<!tpu.dma_semaphore, #tpu.memory_space<semaphore_mem>>) {add = true}
      %sub3A_510 = arith.constant 4 : i32
      %sub3A_511 = arith.subi %add3A_497, %sub3A_510 : i32
      %mul3A_512 = arith.constant 128 : i32
      %mul3A_513 = arith.muli %sub3A_511, %mul3A_512 : i32
      %dma_wait3A_514 = tpu.memref_slice %arg7[%mul3A_513] : memref<10240xi32, #tpu.memory_space<vmem>> -> memref<128xi32, #tpu.memory_space<vmem>>
      %dma_wait3A_515 = arith.constant 0 : i32
      %dma_wait3A_516 = arith.constant 0 : i32
      %dma_wait3A_517 = tpu.memref_slice %arg16[%dma_wait3A_515, %dma_wait3A_516] : memref<10240x32xf32, #tpu.memory_space<vmem_shared>> -> memref<10240x32xf32, #tpu.memory_space<vmem_shared>>
      tpu.wait_indirect_dma semaphore(%arg27 : memref<!tpu.dma_semaphore, #tpu.memory_space<semaphore_mem>>) src(%arg10 : memref<128x32xf32, #tpu.memory_space<vmem>>) dst(%dma_wait3A_517 : memref<10240x32xf32, #tpu.memory_space<vmem_shared>>)
      %add3A_518 = arith.constant 4 : i32
      %add3A_519 = arith.addi %add3A_497, %add3A_518 : i32
      %mul3A_520 = arith.constant 128 : i32
      %mul3A_521 = arith.muli %add3A_519, %mul3A_520 : i32
      %dma_start3A_522 = tpu.memref_slice %arg6[%mul3A_521] : memref<10240xi32, #tpu.memory_space<vmem>> -> memref<128xi32, #tpu.memory_space<vmem>>
      %dma_start3A_523 = arith.constant 0 : i32
      %dma_start3A_524 = arith.constant 0 : i32
      %dma_start3A_525 = tpu.memref_slice %arg2[%dma_start3A_523, %dma_start3A_524] : memref<10000x32xf32, #tpu.memory_space<hbm>> -> memref<10000x32xf32, #tpu.memory_space<hbm>>
      tpu.enqueue_indirect_dma source(%dma_start3A_525 : memref<10000x32xf32, #tpu.memory_space<hbm>>) target(%arg10 : memref<128x32xf32, #tpu.memory_space<vmem>>) offsets(%dma_start3A_522 : memref<128xi32, #tpu.memory_space<vmem>>) semaphore(%arg19 : memref<!tpu.dma_semaphore, #tpu.memory_space<semaphore_mem>>)
      %mul3A_526 = arith.constant 8 : i32
      %mul3A_527 = arith.muli %mul3A_526, %scan3A_424 : i32
      %add3A_528 = arith.constant 4 : i32
      %add3A_529 = arith.addi %mul3A_527, %add3A_528 : i32
      %add3A_530 = arith.constant 3 : i32
      %add3A_531 = arith.addi %add3A_529, %add3A_530 : i32
      %mul3A_532 = arith.constant 128 : i32
      %mul3A_533 = arith.muli %add3A_531, %mul3A_532 : i32
      %dma_wait3A_534 = tpu.memref_slice %arg6[%mul3A_533] : memref<10240xi32, #tpu.memory_space<vmem>> -> memref<128xi32, #tpu.memory_space<vmem>>
      %dma_wait3A_535 = arith.constant 0 : i32
      %dma_wait3A_536 = arith.constant 0 : i32
      %dma_wait3A_537 = tpu.memref_slice %arg2[%dma_wait3A_535, %dma_wait3A_536] : memref<10000x32xf32, #tpu.memory_space<hbm>> -> memref<10000x32xf32, #tpu.memory_space<hbm>>
      tpu.wait_indirect_dma semaphore(%arg24 : memref<!tpu.dma_semaphore, #tpu.memory_space<semaphore_mem>>) src(%dma_wait3A_537 : memref<10000x32xf32, #tpu.memory_space<hbm>>) dst(%arg15 : memref<128x32xf32, #tpu.memory_space<vmem>>)
      %mul3A_538 = arith.constant 128 : i32
      %mul3A_539 = arith.muli %add3A_531, %mul3A_538 : i32
      %dma_start3A_540 = tpu.memref_slice %arg7[%mul3A_539] : memref<10240xi32, #tpu.memory_space<vmem>> -> memref<128xi32, #tpu.memory_space<vmem>>
      %dma_start3A_541 = arith.constant 0 : i32
      %dma_start3A_542 = arith.constant 0 : i32
      %dma_start3A_543 = tpu.memref_slice %arg16[%dma_start3A_541, %dma_start3A_542] : memref<10240x32xf32, #tpu.memory_space<vmem_shared>> -> memref<10240x32xf32, #tpu.memory_space<vmem_shared>>
      tpu.enqueue_indirect_dma source(%arg15 : memref<128x32xf32, #tpu.memory_space<vmem>>) target(%dma_start3A_543 : memref<10240x32xf32, #tpu.memory_space<vmem_shared>>) offsets(%dma_start3A_540 : memref<128xi32, #tpu.memory_space<vmem>>) semaphore(%arg32 : memref<!tpu.dma_semaphore, #tpu.memory_space<semaphore_mem>>) {add = true}
      %sub3A_544 = arith.constant 4 : i32
      %sub3A_545 = arith.subi %add3A_531, %sub3A_544 : i32
      %mul3A_546 = arith.constant 128 : i32
      %mul3A_547 = arith.muli %sub3A_545, %mul3A_546 : i32
      %dma_wait3A_548 = tpu.memref_slice %arg7[%mul3A_547] : memref<10240xi32, #tpu.memory_space<vmem>> -> memref<128xi32, #tpu.memory_space<vmem>>
      %dma_wait3A_549 = arith.constant 0 : i32
      %dma_wait3A_550 = arith.constant 0 : i32
      %dma_wait3A_551 = tpu.memref_slice %arg16[%dma_wait3A_549, %dma_wait3A_550] : memref<10240x32xf32, #tpu.memory_space<vmem_shared>> -> memref<10240x32xf32, #tpu.memory_space<vmem_shared>>
      tpu.wait_indirect_dma semaphore(%arg28 : memref<!tpu.dma_semaphore, #tpu.memory_space<semaphore_mem>>) src(%arg11 : memref<128x32xf32, #tpu.memory_space<vmem>>) dst(%dma_wait3A_551 : memref<10240x32xf32, #tpu.memory_space<vmem_shared>>)
      %add3A_552 = arith.constant 4 : i32
      %add3A_553 = arith.addi %add3A_531, %add3A_552 : i32
      %mul3A_554 = arith.constant 128 : i32
      %mul3A_555 = arith.muli %add3A_553, %mul3A_554 : i32
      %dma_start3A_556 = tpu.memref_slice %arg6[%mul3A_555] : memref<10240xi32, #tpu.memory_space<vmem>> -> memref<128xi32, #tpu.memory_space<vmem>>
      %dma_start3A_557 = arith.constant 0 : i32
      %dma_start3A_558 = arith.constant 0 : i32
      %dma_start3A_559 = tpu.memref_slice %arg2[%dma_start3A_557, %dma_start3A_558] : memref<10000x32xf32, #tpu.memory_space<hbm>> -> memref<10000x32xf32, #tpu.memory_space<hbm>>
      tpu.enqueue_indirect_dma source(%dma_start3A_559 : memref<10000x32xf32, #tpu.memory_space<hbm>>) target(%arg11 : memref<128x32xf32, #tpu.memory_space<vmem>>) offsets(%dma_start3A_556 : memref<128xi32, #tpu.memory_space<vmem>>) semaphore(%arg20 : memref<!tpu.dma_semaphore, #tpu.memory_space<semaphore_mem>>)
      %mul3A_560 = arith.constant 8 : i32
      %mul3A_561 = arith.muli %mul3A_560, %scan3A_424 : i32
      %add3A_562 = arith.constant 4 : i32
      %add3A_563 = arith.addi %mul3A_561, %add3A_562 : i32
      %add3A_564 = arith.constant 4 : i32
      %add3A_565 = arith.addi %add3A_563, %add3A_564 : i32
      %mul3A_566 = arith.constant 128 : i32
      %mul3A_567 = arith.muli %add3A_565, %mul3A_566 : i32
      %dma_wait3A_568 = tpu.memref_slice %arg6[%mul3A_567] : memref<10240xi32, #tpu.memory_space<vmem>> -> memref<128xi32, #tpu.memory_space<vmem>>
      %dma_wait3A_569 = arith.constant 0 : i32
      %dma_wait3A_570 = arith.constant 0 : i32
      %dma_wait3A_571 = tpu.memref_slice %arg2[%dma_wait3A_569, %dma_wait3A_570] : memref<10000x32xf32, #tpu.memory_space<hbm>> -> memref<10000x32xf32, #tpu.memory_space<hbm>>
      tpu.wait_indirect_dma semaphore(%arg17 : memref<!tpu.dma_semaphore, #tpu.memory_space<semaphore_mem>>) src(%dma_wait3A_571 : memref<10000x32xf32, #tpu.memory_space<hbm>>) dst(%arg8 : memref<128x32xf32, #tpu.memory_space<vmem>>)
      %mul3A_572 = arith.constant 128 : i32
      %mul3A_573 = arith.muli %add3A_565, %mul3A_572 : i32
      %dma_start3A_574 = tpu.memref_slice %arg7[%mul3A_573] : memref<10240xi32, #tpu.memory_space<vmem>> -> memref<128xi32, #tpu.memory_space<vmem>>
      %dma_start3A_575 = arith.constant 0 : i32
      %dma_start3A_576 = arith.constant 0 : i32
      %dma_start3A_577 = tpu.memref_slice %arg16[%dma_start3A_575, %dma_start3A_576] : memref<10240x32xf32, #tpu.memory_space<vmem_shared>> -> memref<10240x32xf32, #tpu.memory_space<vmem_shared>>
      tpu.enqueue_indirect_dma source(%arg8 : memref<128x32xf32, #tpu.memory_space<vmem>>) target(%dma_start3A_577 : memref<10240x32xf32, #tpu.memory_space<vmem_shared>>) offsets(%dma_start3A_574 : memref<128xi32, #tpu.memory_space<vmem>>) semaphore(%arg25 : memref<!tpu.dma_semaphore, #tpu.memory_space<semaphore_mem>>) {add = true}
      %sub3A_578 = arith.constant 4 : i32
      %sub3A_579 = arith.subi %add3A_565, %sub3A_578 : i32
      %mul3A_580 = arith.constant 128 : i32
      %mul3A_581 = arith.muli %sub3A_579, %mul3A_580 : i32
      %dma_wait3A_582 = tpu.memref_slice %arg7[%mul3A_581] : memref<10240xi32, #tpu.memory_space<vmem>> -> memref<128xi32, #tpu.memory_space<vmem>>
      %dma_wait3A_583 = arith.constant 0 : i32
      %dma_wait3A_584 = arith.constant 0 : i32
      %dma_wait3A_585 = tpu.memref_slice %arg16[%dma_wait3A_583, %dma_wait3A_584] : memref<10240x32xf32, #tpu.memory_space<vmem_shared>> -> memref<10240x32xf32, #tpu.memory_space<vmem_shared>>
      tpu.wait_indirect_dma semaphore(%arg29 : memref<!tpu.dma_semaphore, #tpu.memory_space<semaphore_mem>>) src(%arg12 : memref<128x32xf32, #tpu.memory_space<vmem>>) dst(%dma_wait3A_585 : memref<10240x32xf32, #tpu.memory_space<vmem_shared>>)
      %add3A_586 = arith.constant 4 : i32
      %add3A_587 = arith.addi %add3A_565, %add3A_586 : i32
      %mul3A_588 = arith.constant 128 : i32
      %mul3A_589 = arith.muli %add3A_587, %mul3A_588 : i32
      %dma_start3A_590 = tpu.memref_slice %arg6[%mul3A_589] : memref<10240xi32, #tpu.memory_space<vmem>> -> memref<128xi32, #tpu.memory_space<vmem>>
      %dma_start3A_591 = arith.constant 0 : i32
      %dma_start3A_592 = arith.constant 0 : i32
      %dma_start3A_593 = tpu.memref_slice %arg2[%dma_start3A_591, %dma_start3A_592] : memref<10000x32xf32, #tpu.memory_space<hbm>> -> memref<10000x32xf32, #tpu.memory_space<hbm>>
      tpu.enqueue_indirect_dma source(%dma_start3A_593 : memref<10000x32xf32, #tpu.memory_space<hbm>>) target(%arg12 : memref<128x32xf32, #tpu.memory_space<vmem>>) offsets(%dma_start3A_590 : memref<128xi32, #tpu.memory_space<vmem>>) semaphore(%arg21 : memref<!tpu.dma_semaphore, #tpu.memory_space<semaphore_mem>>)
      %mul3A_594 = arith.constant 8 : i32
      %mul3A_595 = arith.muli %mul3A_594, %scan3A_424 : i32
      %add3A_596 = arith.constant 4 : i32
      %add3A_597 = arith.addi %mul3A_595, %add3A_596 : i32
      %add3A_598 = arith.constant 5 : i32
      %add3A_599 = arith.addi %add3A_597, %add3A_598 : i32
      %mul3A_600 = arith.constant 128 : i32
      %mul3A_601 = arith.muli %add3A_599, %mul3A_600 : i32
      %dma_wait3A_602 = tpu.memref_slice %arg6[%mul3A_601] : memref<10240xi32, #tpu.memory_space<vmem>> -> memref<128xi32, #tpu.memory_space<vmem>>
      %dma_wait3A_603 = arith.constant 0 : i32
      %dma_wait3A_604 = arith.constant 0 : i32
      %dma_wait3A_605 = tpu.memref_slice %arg2[%dma_wait3A_603, %dma_wait3A_604] : memref<10000x32xf32, #tpu.memory_space<hbm>> -> memref<10000x32xf32, #tpu.memory_space<hbm>>
      tpu.wait_indirect_dma semaphore(%arg18 : memref<!tpu.dma_semaphore, #tpu.memory_space<semaphore_mem>>) src(%dma_wait3A_605 : memref<10000x32xf32, #tpu.memory_space<hbm>>) dst(%arg9 : memref<128x32xf32, #tpu.memory_space<vmem>>)
      %mul3A_606 = arith.constant 128 : i32
      %mul3A_607 = arith.muli %add3A_599, %mul3A_606 : i32
      %dma_start3A_608 = tpu.memref_slice %arg7[%mul3A_607] : memref<10240xi32, #tpu.memory_space<vmem>> -> memref<128xi32, #tpu.memory_space<vmem>>
      %dma_start3A_609 = arith.constant 0 : i32
      %dma_start3A_610 = arith.constant 0 : i32
      %dma_start3A_611 = tpu.memref_slice %arg16[%dma_start3A_609, %dma_start3A_610] : memref<10240x32xf32, #tpu.memory_space<vmem_shared>> -> memref<10240x32xf32, #tpu.memory_space<vmem_shared>>
      tpu.enqueue_indirect_dma source(%arg9 : memref<128x32xf32, #tpu.memory_space<vmem>>) target(%dma_start3A_611 : memref<10240x32xf32, #tpu.memory_space<vmem_shared>>) offsets(%dma_start3A_608 : memref<128xi32, #tpu.memory_space<vmem>>) semaphore(%arg26 : memref<!tpu.dma_semaphore, #tpu.memory_space<semaphore_mem>>) {add = true}
      %sub3A_612 = arith.constant 4 : i32
      %sub3A_613 = arith.subi %add3A_599, %sub3A_612 : i32
      %mul3A_614 = arith.constant 128 : i32
      %mul3A_615 = arith.muli %sub3A_613, %mul3A_614 : i32
      %dma_wait3A_616 = tpu.memref_slice %arg7[%mul3A_615] : memref<10240xi32, #tpu.memory_space<vmem>> -> memref<128xi32, #tpu.memory_space<vmem>>
      %dma_wait3A_617 = arith.constant 0 : i32
      %dma_wait3A_618 = arith.constant 0 : i32
      %dma_wait3A_619 = tpu.memref_slice %arg16[%dma_wait3A_617, %dma_wait3A_618] : memref<10240x32xf32, #tpu.memory_space<vmem_shared>> -> memref<10240x32xf32, #tpu.memory_space<vmem_shared>>
      tpu.wait_indirect_dma semaphore(%arg30 : memref<!tpu.dma_semaphore, #tpu.memory_space<semaphore_mem>>) src(%arg13 : memref<128x32xf32, #tpu.memory_space<vmem>>) dst(%dma_wait3A_619 : memref<10240x32xf32, #tpu.memory_space<vmem_shared>>)
      %add3A_620 = arith.constant 4 : i32
      %add3A_621 = arith.addi %add3A_599, %add3A_620 : i32
      %mul3A_622 = arith.constant 128 : i32
      %mul3A_623 = arith.muli %add3A_621, %mul3A_622 : i32
      %dma_start3A_624 = tpu.memref_slice %arg6[%mul3A_623] : memref<10240xi32, #tpu.memory_space<vmem>> -> memref<128xi32, #tpu.memory_space<vmem>>
      %dma_start3A_625 = arith.constant 0 : i32
      %dma_start3A_626 = arith.constant 0 : i32
      %dma_start3A_627 = tpu.memref_slice %arg2[%dma_start3A_625, %dma_start3A_626] : memref<10000x32xf32, #tpu.memory_space<hbm>> -> memref<10000x32xf32, #tpu.memory_space<hbm>>
      tpu.enqueue_indirect_dma source(%dma_start3A_627 : memref<10000x32xf32, #tpu.memory_space<hbm>>) target(%arg13 : memref<128x32xf32, #tpu.memory_space<vmem>>) offsets(%dma_start3A_624 : memref<128xi32, #tpu.memory_space<vmem>>) semaphore(%arg22 : memref<!tpu.dma_semaphore, #tpu.memory_space<semaphore_mem>>)
      %mul3A_628 = arith.constant 8 : i32
      %mul3A_629 = arith.muli %mul3A_628, %scan3A_424 : i32
      %add3A_630 = arith.constant 4 : i32
      %add3A_631 = arith.addi %mul3A_629, %add3A_630 : i32
      %add3A_632 = arith.constant 6 : i32
      %add3A_633 = arith.addi %add3A_631, %add3A_632 : i32
      %mul3A_634 = arith.constant 128 : i32
      %mul3A_635 = arith.muli %add3A_633, %mul3A_634 : i32
      %dma_wait3A_636 = tpu.memref_slice %arg6[%mul3A_635] : memref<10240xi32, #tpu.memory_space<vmem>> -> memref<128xi32, #tpu.memory_space<vmem>>
      %dma_wait3A_637 = arith.constant 0 : i32
      %dma_wait3A_638 = arith.constant 0 : i32
      %dma_wait3A_639 = tpu.memref_slice %arg2[%dma_wait3A_637, %dma_wait3A_638] : memref<10000x32xf32, #tpu.memory_space<hbm>> -> memref<10000x32xf32, #tpu.memory_space<hbm>>
      tpu.wait_indirect_dma semaphore(%arg19 : memref<!tpu.dma_semaphore, #tpu.memory_space<semaphore_mem>>) src(%dma_wait3A_639 : memref<10000x32xf32, #tpu.memory_space<hbm>>) dst(%arg10 : memref<128x32xf32, #tpu.memory_space<vmem>>)
      %mul3A_640 = arith.constant 128 : i32
      %mul3A_641 = arith.muli %add3A_633, %mul3A_640 : i32
      %dma_start3A_642 = tpu.memref_slice %arg7[%mul3A_641] : memref<10240xi32, #tpu.memory_space<vmem>> -> memref<128xi32, #tpu.memory_space<vmem>>
      %dma_start3A_643 = arith.constant 0 : i32
      %dma_start3A_644 = arith.constant 0 : i32
      %dma_start3A_645 = tpu.memref_slice %arg16[%dma_start3A_643, %dma_start3A_644] : memref<10240x32xf32, #tpu.memory_space<vmem_shared>> -> memref<10240x32xf32, #tpu.memory_space<vmem_shared>>
      tpu.enqueue_indirect_dma source(%arg10 : memref<128x32xf32, #tpu.memory_space<vmem>>) target(%dma_start3A_645 : memref<10240x32xf32, #tpu.memory_space<vmem_shared>>) offsets(%dma_start3A_642 : memref<128xi32, #tpu.memory_space<vmem>>) semaphore(%arg27 : memref<!tpu.dma_semaphore, #tpu.memory_space<semaphore_mem>>) {add = true}
      %sub3A_646 = arith.constant 4 : i32
      %sub3A_647 = arith.subi %add3A_633, %sub3A_646 : i32
      %mul3A_648 = arith.constant 128 : i32
      %mul3A_649 = arith.muli %sub3A_647, %mul3A_648 : i32
      %dma_wait3A_650 = tpu.memref_slice %arg7[%mul3A_649] : memref<10240xi32, #tpu.memory_space<vmem>> -> memref<128xi32, #tpu.memory_space<vmem>>
      %dma_wait3A_651 = arith.constant 0 : i32
      %dma_wait3A_652 = arith.constant 0 : i32
      %dma_wait3A_653 = tpu.memref_slice %arg16[%dma_wait3A_651, %dma_wait3A_652] : memref<10240x32xf32, #tpu.memory_space<vmem_shared>> -> memref<10240x32xf32, #tpu.memory_space<vmem_shared>>
      tpu.wait_indirect_dma semaphore(%arg31 : memref<!tpu.dma_semaphore, #tpu.memory_space<semaphore_mem>>) src(%arg14 : memref<128x32xf32, #tpu.memory_space<vmem>>) dst(%dma_wait3A_653 : memref<10240x32xf32, #tpu.memory_space<vmem_shared>>)
      %add3A_654 = arith.constant 4 : i32
      %add3A_655 = arith.addi %add3A_633, %add3A_654 : i32
      %mul3A_656 = arith.constant 128 : i32
      %mul3A_657 = arith.muli %add3A_655, %mul3A_656 : i32
      %dma_start3A_658 = tpu.memref_slice %arg6[%mul3A_657] : memref<10240xi32, #tpu.memory_space<vmem>> -> memref<128xi32, #tpu.memory_space<vmem>>
      %dma_start3A_659 = arith.constant 0 : i32
      %dma_start3A_660 = arith.constant 0 : i32
      %dma_start3A_661 = tpu.memref_slice %arg2[%dma_start3A_659, %dma_start3A_660] : memref<10000x32xf32, #tpu.memory_space<hbm>> -> memref<10000x32xf32, #tpu.memory_space<hbm>>
      tpu.enqueue_indirect_dma source(%dma_start3A_661 : memref<10000x32xf32, #tpu.memory_space<hbm>>) target(%arg14 : memref<128x32xf32, #tpu.memory_space<vmem>>) offsets(%dma_start3A_658 : memref<128xi32, #tpu.memory_space<vmem>>) semaphore(%arg23 : memref<!tpu.dma_semaphore, #tpu.memory_space<semaphore_mem>>)
      %mul3A_662 = arith.constant 8 : i32
      %mul3A_663 = arith.muli %mul3A_662, %scan3A_424 : i32
      %add3A_664 = arith.constant 4 : i32
      %add3A_665 = arith.addi %mul3A_663, %add3A_664 : i32
      %add3A_666 = arith.constant 7 : i32
      %add3A_667 = arith.addi %add3A_665, %add3A_666 : i32
      %mul3A_668 = arith.constant 128 : i32
      %mul3A_669 = arith.muli %add3A_667, %mul3A_668 : i32
      %dma_wait3A_670 = tpu.memref_slice %arg6[%mul3A_669] : memref<10240xi32, #tpu.memory_space<vmem>> -> memref<128xi32, #tpu.memory_space<vmem>>
      %dma_wait3A_671 = arith.constant 0 : i32
      %dma_wait3A_672 = arith.constant 0 : i32
      %dma_wait3A_673 = tpu.memref_slice %arg2[%dma_wait3A_671, %dma_wait3A_672] : memref<10000x32xf32, #tpu.memory_space<hbm>> -> memref<10000x32xf32, #tpu.memory_space<hbm>>
      tpu.wait_indirect_dma semaphore(%arg20 : memref<!tpu.dma_semaphore, #tpu.memory_space<semaphore_mem>>) src(%dma_wait3A_673 : memref<10000x32xf32, #tpu.memory_space<hbm>>) dst(%arg11 : memref<128x32xf32, #tpu.memory_space<vmem>>)
      %mul3A_674 = arith.constant 128 : i32
      %mul3A_675 = arith.muli %add3A_667, %mul3A_674 : i32
      %dma_start3A_676 = tpu.memref_slice %arg7[%mul3A_675] : memref<10240xi32, #tpu.memory_space<vmem>> -> memref<128xi32, #tpu.memory_space<vmem>>
      %dma_start3A_677 = arith.constant 0 : i32
      %dma_start3A_678 = arith.constant 0 : i32
      %dma_start3A_679 = tpu.memref_slice %arg16[%dma_start3A_677, %dma_start3A_678] : memref<10240x32xf32, #tpu.memory_space<vmem_shared>> -> memref<10240x32xf32, #tpu.memory_space<vmem_shared>>
      tpu.enqueue_indirect_dma source(%arg11 : memref<128x32xf32, #tpu.memory_space<vmem>>) target(%dma_start3A_679 : memref<10240x32xf32, #tpu.memory_space<vmem_shared>>) offsets(%dma_start3A_676 : memref<128xi32, #tpu.memory_space<vmem>>) semaphore(%arg28 : memref<!tpu.dma_semaphore, #tpu.memory_space<semaphore_mem>>) {add = true}
      %sub3A_680 = arith.constant 4 : i32
      %sub3A_681 = arith.subi %add3A_667, %sub3A_680 : i32
      %mul3A_682 = arith.constant 128 : i32
      %mul3A_683 = arith.muli %sub3A_681, %mul3A_682 : i32
      %dma_wait3A_684 = tpu.memref_slice %arg7[%mul3A_683] : memref<10240xi32, #tpu.memory_space<vmem>> -> memref<128xi32, #tpu.memory_space<vmem>>
      %dma_wait3A_685 = arith.constant 0 : i32
      %dma_wait3A_686 = arith.constant 0 : i32
      %dma_wait3A_687 = tpu.memref_slice %arg16[%dma_wait3A_685, %dma_wait3A_686] : memref<10240x32xf32, #tpu.memory_space<vmem_shared>> -> memref<10240x32xf32, #tpu.memory_space<vmem_shared>>
      tpu.wait_indirect_dma semaphore(%arg32 : memref<!tpu.dma_semaphore, #tpu.memory_space<semaphore_mem>>) src(%arg15 : memref<128x32xf32, #tpu.memory_space<vmem>>) dst(%dma_wait3A_687 : memref<10240x32xf32, #tpu.memory_space<vmem_shared>>)
      %add3A_688 = arith.constant 4 : i32
      %add3A_689 = arith.addi %add3A_667, %add3A_688 : i32
      %mul3A_690 = arith.constant 128 : i32
      %mul3A_691 = arith.muli %add3A_689, %mul3A_690 : i32
      %dma_start3A_692 = tpu.memref_slice %arg6[%mul3A_691] : memref<10240xi32, #tpu.memory_space<vmem>> -> memref<128xi32, #tpu.memory_space<vmem>>
      %dma_start3A_693 = arith.constant 0 : i32
      %dma_start3A_694 = arith.constant 0 : i32
      %dma_start3A_695 = tpu.memref_slice %arg2[%dma_start3A_693, %dma_start3A_694] : memref<10000x32xf32, #tpu.memory_space<hbm>> -> memref<10000x32xf32, #tpu.memory_space<hbm>>
      tpu.enqueue_indirect_dma source(%dma_start3A_695 : memref<10000x32xf32, #tpu.memory_space<hbm>>) target(%arg15 : memref<128x32xf32, #tpu.memory_space<vmem>>) offsets(%dma_start3A_692 : memref<128xi32, #tpu.memory_space<vmem>>) semaphore(%arg24 : memref<!tpu.dma_semaphore, #tpu.memory_space<semaphore_mem>>)
    }
    %scan3A_332 = arith.constant 9 : i32
    %dma_wait3A_333 = arith.constant 9728 : i32
    %dma_wait3A_334 = tpu.memref_slice %arg6[%dma_wait3A_333] : memref<10240xi32, #tpu.memory_space<vmem>> -> memref<128xi32, #tpu.memory_space<vmem>>
    %dma_wait3A_335 = arith.constant 0 : i32
    %dma_wait3A_336 = arith.constant 0 : i32
    %dma_wait3A_337 = tpu.memref_slice %arg2[%dma_wait3A_335, %dma_wait3A_336] : memref<10000x32xf32, #tpu.memory_space<hbm>> -> memref<10000x32xf32, #tpu.memory_space<hbm>>
    tpu.wait_indirect_dma semaphore(%arg21 : memref<!tpu.dma_semaphore, #tpu.memory_space<semaphore_mem>>) src(%dma_wait3A_337 : memref<10000x32xf32, #tpu.memory_space<hbm>>) dst(%arg12 : memref<128x32xf32, #tpu.memory_space<vmem>>)
    %dma_start3A_338 = arith.constant 9728 : i32
    %dma_start3A_339 = tpu.memref_slice %arg7[%dma_start3A_338] : memref<10240xi32, #tpu.memory_space<vmem>> -> memref<128xi32, #tpu.memory_space<vmem>>
    %dma_start3A_340 = arith.constant 0 : i32
    %dma_start3A_341 = arith.constant 0 : i32
    %dma_start3A_342 = tpu.memref_slice %arg16[%dma_start3A_340, %dma_start3A_341] : memref<10240x32xf32, #tpu.memory_space<vmem_shared>> -> memref<10240x32xf32, #tpu.memory_space<vmem_shared>>
    tpu.enqueue_indirect_dma source(%arg12 : memref<128x32xf32, #tpu.memory_space<vmem>>) target(%dma_start3A_342 : memref<10240x32xf32, #tpu.memory_space<vmem_shared>>) offsets(%dma_start3A_339 : memref<128xi32, #tpu.memory_space<vmem>>) semaphore(%arg29 : memref<!tpu.dma_semaphore, #tpu.memory_space<semaphore_mem>>) {add = true}
    %dma_wait3A_343 = arith.constant 9856 : i32
    %dma_wait3A_344 = tpu.memref_slice %arg6[%dma_wait3A_343] : memref<10240xi32, #tpu.memory_space<vmem>> -> memref<128xi32, #tpu.memory_space<vmem>>
    %dma_wait3A_345 = arith.constant 0 : i32
    %dma_wait3A_346 = arith.constant 0 : i32
    %dma_wait3A_347 = tpu.memref_slice %arg2[%dma_wait3A_345, %dma_wait3A_346] : memref<10000x32xf32, #tpu.memory_space<hbm>> -> memref<10000x32xf32, #tpu.memory_space<hbm>>
    tpu.wait_indirect_dma semaphore(%arg22 : memref<!tpu.dma_semaphore, #tpu.memory_space<semaphore_mem>>) src(%dma_wait3A_347 : memref<10000x32xf32, #tpu.memory_space<hbm>>) dst(%arg13 : memref<128x32xf32, #tpu.memory_space<vmem>>)
    %dma_start3A_348 = arith.constant 9856 : i32
    %dma_start3A_349 = tpu.memref_slice %arg7[%dma_start3A_348] : memref<10240xi32, #tpu.memory_space<vmem>> -> memref<128xi32, #tpu.memory_space<vmem>>
    %dma_start3A_350 = arith.constant 0 : i32
    %dma_start3A_351 = arith.constant 0 : i32
    %dma_start3A_352 = tpu.memref_slice %arg16[%dma_start3A_350, %dma_start3A_351] : memref<10240x32xf32, #tpu.memory_space<vmem_shared>> -> memref<10240x32xf32, #tpu.memory_space<vmem_shared>>
    tpu.enqueue_indirect_dma source(%arg13 : memref<128x32xf32, #tpu.memory_space<vmem>>) target(%dma_start3A_352 : memref<10240x32xf32, #tpu.memory_space<vmem_shared>>) offsets(%dma_start3A_349 : memref<128xi32, #tpu.memory_space<vmem>>) semaphore(%arg30 : memref<!tpu.dma_semaphore, #tpu.memory_space<semaphore_mem>>) {add = true}
    %dma_wait3A_353 = arith.constant 9984 : i32
    %dma_wait3A_354 = tpu.memref_slice %arg6[%dma_wait3A_353] : memref<10240xi32, #tpu.memory_space<vmem>> -> memref<128xi32, #tpu.memory_space<vmem>>
    %dma_wait3A_355 = arith.constant 0 : i32
    %dma_wait3A_356 = arith.constant 0 : i32
    %dma_wait3A_357 = tpu.memref_slice %arg2[%dma_wait3A_355, %dma_wait3A_356] : memref<10000x32xf32, #tpu.memory_space<hbm>> -> memref<10000x32xf32, #tpu.memory_space<hbm>>
    tpu.wait_indirect_dma semaphore(%arg23 : memref<!tpu.dma_semaphore, #tpu.memory_space<semaphore_mem>>) src(%dma_wait3A_357 : memref<10000x32xf32, #tpu.memory_space<hbm>>) dst(%arg14 : memref<128x32xf32, #tpu.memory_space<vmem>>)
    %dma_start3A_358 = arith.constant 9984 : i32
    %dma_start3A_359 = tpu.memref_slice %arg7[%dma_start3A_358] : memref<10240xi32, #tpu.memory_space<vmem>> -> memref<128xi32, #tpu.memory_space<vmem>>
    %dma_start3A_360 = arith.constant 0 : i32
    %dma_start3A_361 = arith.constant 0 : i32
    %dma_start3A_362 = tpu.memref_slice %arg16[%dma_start3A_360, %dma_start3A_361] : memref<10240x32xf32, #tpu.memory_space<vmem_shared>> -> memref<10240x32xf32, #tpu.memory_space<vmem_shared>>
    tpu.enqueue_indirect_dma source(%arg14 : memref<128x32xf32, #tpu.memory_space<vmem>>) target(%dma_start3A_362 : memref<10240x32xf32, #tpu.memory_space<vmem_shared>>) offsets(%dma_start3A_359 : memref<128xi32, #tpu.memory_space<vmem>>) semaphore(%arg31 : memref<!tpu.dma_semaphore, #tpu.memory_space<semaphore_mem>>) {add = true}
    %dma_wait3A_363 = arith.constant 10112 : i32
    %dma_wait3A_364 = tpu.memref_slice %arg6[%dma_wait3A_363] : memref<10240xi32, #tpu.memory_space<vmem>> -> memref<128xi32, #tpu.memory_space<vmem>>
    %dma_wait3A_365 = arith.constant 0 : i32
    %dma_wait3A_366 = arith.constant 0 : i32
    %dma_wait3A_367 = tpu.memref_slice %arg2[%dma_wait3A_365, %dma_wait3A_366] : memref<10000x32xf32, #tpu.memory_space<hbm>> -> memref<10000x32xf32, #tpu.memory_space<hbm>>
    tpu.wait_indirect_dma semaphore(%arg24 : memref<!tpu.dma_semaphore, #tpu.memory_space<semaphore_mem>>) src(%dma_wait3A_367 : memref<10000x32xf32, #tpu.memory_space<hbm>>) dst(%arg15 : memref<128x32xf32, #tpu.memory_space<vmem>>)
    %dma_start3A_368 = arith.constant 10112 : i32
    %dma_start3A_369 = tpu.memref_slice %arg7[%dma_start3A_368] : memref<10240xi32, #tpu.memory_space<vmem>> -> memref<128xi32, #tpu.memory_space<vmem>>
    %dma_start3A_370 = arith.constant 0 : i32
    %dma_start3A_371 = arith.constant 0 : i32
    %dma_start3A_372 = tpu.memref_slice %arg16[%dma_start3A_370, %dma_start3A_371] : memref<10240x32xf32, #tpu.memory_space<vmem_shared>> -> memref<10240x32xf32, #tpu.memory_space<vmem_shared>>
    tpu.enqueue_indirect_dma source(%arg15 : memref<128x32xf32, #tpu.memory_space<vmem>>) target(%dma_start3A_372 : memref<10240x32xf32, #tpu.memory_space<vmem_shared>>) offsets(%dma_start3A_369 : memref<128xi32, #tpu.memory_space<vmem>>) semaphore(%arg32 : memref<!tpu.dma_semaphore, #tpu.memory_space<semaphore_mem>>) {add = true}
    %dma_wait3A_373 = arith.constant 9216 : i32
    %dma_wait3A_374 = tpu.memref_slice %arg7[%dma_wait3A_373] : memref<10240xi32, #tpu.memory_space<vmem>> -> memref<128xi32, #tpu.memory_space<vmem>>
    %dma_wait3A_375 = arith.constant 0 : i32
    %dma_wait3A_376 = arith.constant 0 : i32
    %dma_wait3A_377 = tpu.memref_slice %arg16[%dma_wait3A_375, %dma_wait3A_376] : memref<10240x32xf32, #tpu.memory_space<vmem_shared>> -> memref<10240x32xf32, #tpu.memory_space<vmem_shared>>
    tpu.wait_indirect_dma semaphore(%arg25 : memref<!tpu.dma_semaphore, #tpu.memory_space<semaphore_mem>>) src(%arg8 : memref<128x32xf32, #tpu.memory_space<vmem>>) dst(%dma_wait3A_377 : memref<10240x32xf32, #tpu.memory_space<vmem_shared>>)
    %dma_wait3A_378 = arith.constant 9344 : i32
    %dma_wait3A_379 = tpu.memref_slice %arg7[%dma_wait3A_378] : memref<10240xi32, #tpu.memory_space<vmem>> -> memref<128xi32, #tpu.memory_space<vmem>>
    %dma_wait3A_380 = arith.constant 0 : i32
    %dma_wait3A_381 = arith.constant 0 : i32
    %dma_wait3A_382 = tpu.memref_slice %arg16[%dma_wait3A_380, %dma_wait3A_381] : memref<10240x32xf32, #tpu.memory_space<vmem_shared>> -> memref<10240x32xf32, #tpu.memory_space<vmem_shared>>
    tpu.wait_indirect_dma semaphore(%arg26 : memref<!tpu.dma_semaphore, #tpu.memory_space<semaphore_mem>>) src(%arg9 : memref<128x32xf32, #tpu.memory_space<vmem>>) dst(%dma_wait3A_382 : memref<10240x32xf32, #tpu.memory_space<vmem_shared>>)
    %dma_wait3A_383 = arith.constant 9472 : i32
    %dma_wait3A_384 = tpu.memref_slice %arg7[%dma_wait3A_383] : memref<10240xi32, #tpu.memory_space<vmem>> -> memref<128xi32, #tpu.memory_space<vmem>>
    %dma_wait3A_385 = arith.constant 0 : i32
    %dma_wait3A_386 = arith.constant 0 : i32
    %dma_wait3A_387 = tpu.memref_slice %arg16[%dma_wait3A_385, %dma_wait3A_386] : memref<10240x32xf32, #tpu.memory_space<vmem_shared>> -> memref<10240x32xf32, #tpu.memory_space<vmem_shared>>
    tpu.wait_indirect_dma semaphore(%arg27 : memref<!tpu.dma_semaphore, #tpu.memory_space<semaphore_mem>>) src(%arg10 : memref<128x32xf32, #tpu.memory_space<vmem>>) dst(%dma_wait3A_387 : memref<10240x32xf32, #tpu.memory_space<vmem_shared>>)
    %dma_wait3A_388 = arith.constant 9600 : i32
    %dma_wait3A_389 = tpu.memref_slice %arg7[%dma_wait3A_388] : memref<10240xi32, #tpu.memory_space<vmem>> -> memref<128xi32, #tpu.memory_space<vmem>>
    %dma_wait3A_390 = arith.constant 0 : i32
    %dma_wait3A_391 = arith.constant 0 : i32
    %dma_wait3A_392 = tpu.memref_slice %arg16[%dma_wait3A_390, %dma_wait3A_391] : memref<10240x32xf32, #tpu.memory_space<vmem_shared>> -> memref<10240x32xf32, #tpu.memory_space<vmem_shared>>
    tpu.wait_indirect_dma semaphore(%arg28 : memref<!tpu.dma_semaphore, #tpu.memory_space<semaphore_mem>>) src(%arg11 : memref<128x32xf32, #tpu.memory_space<vmem>>) dst(%dma_wait3A_392 : memref<10240x32xf32, #tpu.memory_space<vmem_shared>>)
    %dma_wait3A_393 = arith.constant 9728 : i32
    %dma_wait3A_394 = tpu.memref_slice %arg7[%dma_wait3A_393] : memref<10240xi32, #tpu.memory_space<vmem>> -> memref<128xi32, #tpu.memory_space<vmem>>
    %dma_wait3A_395 = arith.constant 0 : i32
    %dma_wait3A_396 = arith.constant 0 : i32
    %dma_wait3A_397 = tpu.memref_slice %arg16[%dma_wait3A_395, %dma_wait3A_396] : memref<10240x32xf32, #tpu.memory_space<vmem_shared>> -> memref<10240x32xf32, #tpu.memory_space<vmem_shared>>
    tpu.wait_indirect_dma semaphore(%arg29 : memref<!tpu.dma_semaphore, #tpu.memory_space<semaphore_mem>>) src(%arg12 : memref<128x32xf32, #tpu.memory_space<vmem>>) dst(%dma_wait3A_397 : memref<10240x32xf32, #tpu.memory_space<vmem_shared>>)
    %dma_wait3A_398 = arith.constant 9856 : i32
    %dma_wait3A_399 = tpu.memref_slice %arg7[%dma_wait3A_398] : memref<10240xi32, #tpu.memory_space<vmem>> -> memref<128xi32, #tpu.memory_space<vmem>>
    %dma_wait3A_400 = arith.constant 0 : i32
    %dma_wait3A_401 = arith.constant 0 : i32
    %dma_wait3A_402 = tpu.memref_slice %arg16[%dma_wait3A_400, %dma_wait3A_401] : memref<10240x32xf32, #tpu.memory_space<vmem_shared>> -> memref<10240x32xf32, #tpu.memory_space<vmem_shared>>
    tpu.wait_indirect_dma semaphore(%arg30 : memref<!tpu.dma_semaphore, #tpu.memory_space<semaphore_mem>>) src(%arg13 : memref<128x32xf32, #tpu.memory_space<vmem>>) dst(%dma_wait3A_402 : memref<10240x32xf32, #tpu.memory_space<vmem_shared>>)
    %dma_wait3A_403 = arith.constant 9984 : i32
    %dma_wait3A_404 = tpu.memref_slice %arg7[%dma_wait3A_403] : memref<10240xi32, #tpu.memory_space<vmem>> -> memref<128xi32, #tpu.memory_space<vmem>>
    %dma_wait3A_405 = arith.constant 0 : i32
    %dma_wait3A_406 = arith.constant 0 : i32
    %dma_wait3A_407 = tpu.memref_slice %arg16[%dma_wait3A_405, %dma_wait3A_406] : memref<10240x32xf32, #tpu.memory_space<vmem_shared>> -> memref<10240x32xf32, #tpu.memory_space<vmem_shared>>
    tpu.wait_indirect_dma semaphore(%arg31 : memref<!tpu.dma_semaphore, #tpu.memory_space<semaphore_mem>>) src(%arg14 : memref<128x32xf32, #tpu.memory_space<vmem>>) dst(%dma_wait3A_407 : memref<10240x32xf32, #tpu.memory_space<vmem_shared>>)
    %dma_wait3A_408 = arith.constant 10112 : i32
    %dma_wait3A_409 = tpu.memref_slice %arg7[%dma_wait3A_408] : memref<10240xi32, #tpu.memory_space<vmem>> -> memref<128xi32, #tpu.memory_space<vmem>>
    %dma_wait3A_410 = arith.constant 0 : i32
    %dma_wait3A_411 = arith.constant 0 : i32
    %dma_wait3A_412 = tpu.memref_slice %arg16[%dma_wait3A_410, %dma_wait3A_411] : memref<10240x32xf32, #tpu.memory_space<vmem_shared>> -> memref<10240x32xf32, #tpu.memory_space<vmem_shared>>
    tpu.wait_indirect_dma semaphore(%arg32 : memref<!tpu.dma_semaphore, #tpu.memory_space<semaphore_mem>>) src(%arg15 : memref<128x32xf32, #tpu.memory_space<vmem>>) dst(%dma_wait3A_412 : memref<10240x32xf32, #tpu.memory_space<vmem_shared>>)
    %barrier3A_413 = arith.constant 0 : index
    tpu.barrier barrier_id(%barrier3A_413)
    %eq3A_414 = arith.constant 0 : i32
    %eq3A_415 = arith.cmpi eq, %arg0, %eq3A_414 : i32
    %convert_element_type3A_416 = arith.extui %eq3A_415 : i1 to i32
    %cond3A_417 = arith.constant 0 : i32
    %cond3A_418 = arith.cmpi ne, %convert_element_type3A_416, %cond3A_417 : i32
    scf.if %cond3A_418 {
      %mul3A_424 = arith.constant 624 : i32
      %mul3A_425 = arith.muli %arg1, %mul3A_424 : i32
      %mul3A_426 = arith.constant 624 : i32
      %mul3A_427 = arith.muli %arg1, %mul3A_426 : i32
      "tpu.region"() ({
        %run_scoped3A_433 = tpu.sem_alloc : memref<!tpu.dma_semaphore, #tpu.memory_space<semaphore_mem>>
        %dma_start3A_434 = arith.constant 0 : i32
        %dma_start3A_435 = tpu.memref_slice %arg4[%mul3A_427, %dma_start3A_434] : memref<10000x32xf32, #tpu.memory_space<hbm>> -> memref<624x32xf32, #tpu.memory_space<hbm>>
        %dma_start3A_436 = arith.constant 0 : i32
        %dma_start3A_437 = tpu.memref_slice %arg16[%mul3A_425, %dma_start3A_436] : memref<10240x32xf32, #tpu.memory_space<vmem_shared>> -> memref<624x32xf32, #tpu.memory_space<vmem_shared>>
        tpu.enqueue_dma source(%dma_start3A_437 : memref<624x32xf32, #tpu.memory_space<vmem_shared>>) target(%dma_start3A_435 : memref<624x32xf32, #tpu.memory_space<hbm>>) target_semaphore(%run_scoped3A_433 : memref<!tpu.dma_semaphore, #tpu.memory_space<semaphore_mem>>)
        %dma_wait3A_438 = arith.constant 0 : i32
        %dma_wait3A_439 = tpu.memref_slice %arg4[%mul3A_427, %dma_wait3A_438] : memref<10000x32xf32, #tpu.memory_space<hbm>> -> memref<624x32xf32, #tpu.memory_space<hbm>>
        %dma_wait3A_440 = arith.constant 0 : i32
        %dma_wait3A_441 = tpu.memref_slice %arg16[%mul3A_425, %dma_wait3A_440] : memref<10240x32xf32, #tpu.memory_space<vmem_shared>> -> memref<624x32xf32, #tpu.memory_space<vmem_shared>>
        tpu.wait_dma2 semaphore(%run_scoped3A_433 : memref<!tpu.dma_semaphore, #tpu.memory_space<semaphore_mem>>) src(%dma_wait3A_441 : memref<624x32xf32, #tpu.memory_space<vmem_shared>>) dst(%dma_wait3A_439 : memref<624x32xf32, #tpu.memory_space<hbm>>)
        tpu.yield
      }) : () -> ()
      %eq3A_428 = arith.constant 15 : i32
      %eq3A_429 = arith.cmpi eq, %arg1, %eq3A_428 : i32
      %convert_element_type3A_430 = arith.extui %eq3A_429 : i1 to i32
      %cond3A_431 = arith.constant 0 : i32
      %cond3A_432 = arith.cmpi ne, %convert_element_type3A_430, %cond3A_431 : i32
      scf.if %cond3A_432 {
        "tpu.region"() ({
          %run_scoped3A_433 = tpu.sem_alloc : memref<!tpu.dma_semaphore, #tpu.memory_space<semaphore_mem>>
          %dma_start3A_434 = arith.constant 9984 : i32
          %dma_start3A_435 = arith.constant 0 : i32
          %dma_start3A_436 = tpu.memref_slice %arg4[%dma_start3A_434, %dma_start3A_435] : memref<10000x32xf32, #tpu.memory_space<hbm>> -> memref<16x32xf32, #tpu.memory_space<hbm>>
          %dma_start3A_437 = arith.constant 9984 : i32
          %dma_start3A_438 = arith.constant 0 : i32
          %dma_start3A_439 = tpu.memref_slice %arg16[%dma_start3A_437, %dma_start3A_438] : memref<10240x32xf32, #tpu.memory_space<vmem_shared>> -> memref<16x32xf32, #tpu.memory_space<vmem_shared>>
          tpu.enqueue_dma source(%dma_start3A_439 : memref<16x32xf32, #tpu.memory_space<vmem_shared>>) target(%dma_start3A_436 : memref<16x32xf32, #tpu.memory_space<hbm>>) target_semaphore(%run_scoped3A_433 : memref<!tpu.dma_semaphore, #tpu.memory_space<semaphore_mem>>)
          %dma_wait3A_440 = arith.constant 9984 : i32
          %dma_wait3A_441 = arith.constant 0 : i32
          %dma_wait3A_442 = tpu.memref_slice %arg4[%dma_wait3A_440, %dma_wait3A_441] : memref<10000x32xf32, #tpu.memory_space<hbm>> -> memref<16x32xf32, #tpu.memory_space<hbm>>
          %dma_wait3A_443 = arith.constant 9984 : i32
          %dma_wait3A_444 = arith.constant 0 : i32
          %dma_wait3A_445 = tpu.memref_slice %arg16[%dma_wait3A_443, %dma_wait3A_444] : memref<10240x32xf32, #tpu.memory_space<vmem_shared>> -> memref<16x32xf32, #tpu.memory_space<vmem_shared>>
          tpu.wait_dma2 semaphore(%run_scoped3A_433 : memref<!tpu.dma_semaphore, #tpu.memory_space<semaphore_mem>>) src(%dma_wait3A_445 : memref<16x32xf32, #tpu.memory_space<vmem_shared>>) dst(%dma_wait3A_442 : memref<16x32xf32, #tpu.memory_space<hbm>>)
          tpu.yield
        }) : () -> ()
      } else {
      }
    } else {
    }
    %eq3A_419 = arith.constant 1 : i32
    %eq3A_420 = arith.cmpi eq, %arg0, %eq3A_419 : i32
    %convert_element_type3A_421 = arith.extui %eq3A_420 : i1 to i32
    %cond3A_422 = arith.constant 0 : i32
    %cond3A_423 = arith.cmpi ne, %convert_element_type3A_421, %cond3A_422 : i32
    scf.if %cond3A_423 {
      %mul3A_424 = arith.constant 624 : i32
      %mul3A_425 = arith.muli %arg1, %mul3A_424 : i32
      %mul3A_426 = arith.constant 624 : i32
      %mul3A_427 = arith.muli %arg1, %mul3A_426 : i32
      "tpu.region"() ({
        %run_scoped3A_433 = tpu.sem_alloc : memref<!tpu.dma_semaphore, #tpu.memory_space<semaphore_mem>>
        %dma_start3A_434 = arith.constant 0 : i32
        %dma_start3A_435 = tpu.memref_slice %arg5[%mul3A_427, %dma_start3A_434] : memref<10000x32xf32, #tpu.memory_space<hbm>> -> memref<624x32xf32, #tpu.memory_space<hbm>>
        %dma_start3A_436 = arith.constant 0 : i32
        %dma_start3A_437 = tpu.memref_slice %arg16[%mul3A_425, %dma_start3A_436] : memref<10240x32xf32, #tpu.memory_space<vmem_shared>> -> memref<624x32xf32, #tpu.memory_space<vmem_shared>>
        tpu.enqueue_dma source(%dma_start3A_437 : memref<624x32xf32, #tpu.memory_space<vmem_shared>>) target(%dma_start3A_435 : memref<624x32xf32, #tpu.memory_space<hbm>>) target_semaphore(%run_scoped3A_433 : memref<!tpu.dma_semaphore, #tpu.memory_space<semaphore_mem>>)
        %dma_wait3A_438 = arith.constant 0 : i32
        %dma_wait3A_439 = tpu.memref_slice %arg5[%mul3A_427, %dma_wait3A_438] : memref<10000x32xf32, #tpu.memory_space<hbm>> -> memref<624x32xf32, #tpu.memory_space<hbm>>
        %dma_wait3A_440 = arith.constant 0 : i32
        %dma_wait3A_441 = tpu.memref_slice %arg16[%mul3A_425, %dma_wait3A_440] : memref<10240x32xf32, #tpu.memory_space<vmem_shared>> -> memref<624x32xf32, #tpu.memory_space<vmem_shared>>
        tpu.wait_dma2 semaphore(%run_scoped3A_433 : memref<!tpu.dma_semaphore, #tpu.memory_space<semaphore_mem>>) src(%dma_wait3A_441 : memref<624x32xf32, #tpu.memory_space<vmem_shared>>) dst(%dma_wait3A_439 : memref<624x32xf32, #tpu.memory_space<hbm>>)
        tpu.yield
      }) : () -> ()
      %eq3A_428 = arith.constant 15 : i32
      %eq3A_429 = arith.cmpi eq, %arg1, %eq3A_428 : i32
      %convert_element_type3A_430 = arith.extui %eq3A_429 : i1 to i32
      %cond3A_431 = arith.constant 0 : i32
      %cond3A_432 = arith.cmpi ne, %convert_element_type3A_430, %cond3A_431 : i32
      scf.if %cond3A_432 {
        "tpu.region"() ({
          %run_scoped3A_433 = tpu.sem_alloc : memref<!tpu.dma_semaphore, #tpu.memory_space<semaphore_mem>>
          %dma_start3A_434 = arith.constant 9984 : i32
          %dma_start3A_435 = arith.constant 0 : i32
          %dma_start3A_436 = tpu.memref_slice %arg5[%dma_start3A_434, %dma_start3A_435] : memref<10000x32xf32, #tpu.memory_space<hbm>> -> memref<16x32xf32, #tpu.memory_space<hbm>>
          %dma_start3A_437 = arith.constant 9984 : i32
          %dma_start3A_438 = arith.constant 0 : i32
          %dma_start3A_439 = tpu.memref_slice %arg16[%dma_start3A_437, %dma_start3A_438] : memref<10240x32xf32, #tpu.memory_space<vmem_shared>> -> memref<16x32xf32, #tpu.memory_space<vmem_shared>>
          tpu.enqueue_dma source(%dma_start3A_439 : memref<16x32xf32, #tpu.memory_space<vmem_shared>>) target(%dma_start3A_436 : memref<16x32xf32, #tpu.memory_space<hbm>>) target_semaphore(%run_scoped3A_433 : memref<!tpu.dma_semaphore, #tpu.memory_space<semaphore_mem>>)
          %dma_wait3A_440 = arith.constant 9984 : i32
          %dma_wait3A_441 = arith.constant 0 : i32
          %dma_wait3A_442 = tpu.memref_slice %arg5[%dma_wait3A_440, %dma_wait3A_441] : memref<10000x32xf32, #tpu.memory_space<hbm>> -> memref<16x32xf32, #tpu.memory_space<hbm>>
          %dma_wait3A_443 = arith.constant 9984 : i32
          %dma_wait3A_444 = arith.constant 0 : i32
          %dma_wait3A_445 = tpu.memref_slice %arg16[%dma_wait3A_443, %dma_wait3A_444] : memref<10240x32xf32, #tpu.memory_space<vmem_shared>> -> memref<16x32xf32, #tpu.memory_space<vmem_shared>>
          tpu.wait_dma2 semaphore(%run_scoped3A_433 : memref<!tpu.dma_semaphore, #tpu.memory_space<semaphore_mem>>) src(%dma_wait3A_445 : memref<16x32xf32, #tpu.memory_space<vmem_shared>>) dst(%dma_wait3A_442 : memref<16x32xf32, #tpu.memory_space<hbm>>)
          tpu.yield
        }) : () -> ()
      } else {
      }
    } else {
    }
    return
  }
}

#map = affine_map<(d0, d1) -> (0, 0)>
module attributes {stable_mosaic.version = 14 : i64} {
  func.func @edge_kernel(%arg0: i32, %arg1: i32, %arg2: memref<10000x32xf32, #tpu.memory_space<hbm>>, %arg3: memref<2x320000xi32, #tpu.memory_space<hbm>>, %arg4: memref<10000x32xf32, #tpu.memory_space<hbm>>, %arg5: memref<10000x32xf32, #tpu.memory_space<hbm>>, %arg6: memref<10240xi32, #tpu.memory_space<vmem>>, %arg7: memref<10240xi32, #tpu.memory_space<vmem>>, %arg8: memref<128x32xf32, #tpu.memory_space<vmem>>, %arg9: memref<128x32xf32, #tpu.memory_space<vmem>>, %arg10: memref<128x32xf32, #tpu.memory_space<vmem>>, %arg11: memref<128x32xf32, #tpu.memory_space<vmem>>, %arg12: memref<128x32xf32, #tpu.memory_space<vmem>>, %arg13: memref<128x32xf32, #tpu.memory_space<vmem>>, %arg14: memref<128x32xf32, #tpu.memory_space<vmem>>, %arg15: memref<128x32xf32, #tpu.memory_space<vmem>>, %arg16: memref<10240x32xf32, #tpu.memory_space<vmem_shared>>, %arg17: memref<!tpu.dma_semaphore, #tpu.memory_space<semaphore_mem>>, %arg18: memref<!tpu.dma_semaphore, #tpu.memory_space<semaphore_mem>>, %arg19: memref<!tpu.dma_semaphore, #tpu.memory_space<semaphore_mem>>, %arg20: memref<!tpu.dma_semaphore, #tpu.memory_space<semaphore_mem>>, %arg21: memref<!tpu.dma_semaphore, #tpu.memory_space<semaphore_mem>>, %arg22: memref<!tpu.dma_semaphore, #tpu.memory_space<semaphore_mem>>, %arg23: memref<!tpu.dma_semaphore, #tpu.memory_space<semaphore_mem>>, %arg24: memref<!tpu.dma_semaphore, #tpu.memory_space<semaphore_mem>>, %arg25: memref<!tpu.dma_semaphore, #tpu.memory_space<semaphore_mem>>, %arg26: memref<!tpu.dma_semaphore, #tpu.memory_space<semaphore_mem>>, %arg27: memref<!tpu.dma_semaphore, #tpu.memory_space<semaphore_mem>>, %arg28: memref<!tpu.dma_semaphore, #tpu.memory_space<semaphore_mem>>, %arg29: memref<!tpu.dma_semaphore, #tpu.memory_space<semaphore_mem>>, %arg30: memref<!tpu.dma_semaphore, #tpu.memory_space<semaphore_mem>>, %arg31: memref<!tpu.dma_semaphore, #tpu.memory_space<semaphore_mem>>, %arg32: memref<!tpu.dma_semaphore, #tpu.memory_space<semaphore_mem>>) attributes {dimension_semantics = [#tpu.dimension_semantics<core_parallel>, #tpu.dimension_semantics<subcore_parallel>], iteration_bounds = array<i64: 2, 16>, scalar_prefetch = 0 : i64, scratch_operands = 27 : i64, tpu.core_type = #tpu.core_type<sc_vector_subcore>, window_params = [{transform_indices = #map}, {transform_indices = #map}, {transform_indices = #map}, {transform_indices = #map}]} {
    %mul3A = arith.constant 2 : i32
    %mul3A_0 = arith.muli %arg1, %mul3A : i32
    %add3A = arith.addi %mul3A_0, %arg0 : i32
    %mul3A_1 = arith.constant 10000 : i32
    %mul3A_2 = arith.muli %add3A, %mul3A_1 : i32
    %run_scoped3A = arith.constant 0 : i32
    "tpu.region"() ({
      %run_scoped3A_424 = tpu.sem_alloc : memref<!tpu.dma_semaphore, #tpu.memory_space<semaphore_mem>>
      %dma_start3A_425 = arith.constant 0 : i32
      %dma_start3A_426 = tpu.memref_slice %arg6[%dma_start3A_425] : memref<10240xi32, #tpu.memory_space<vmem>> -> memref<10000xi32, #tpu.memory_space<vmem>>
      %dma_start3A_427 = tpu.memref_slice %arg3[%run_scoped3A, %mul3A_2] : memref<2x320000xi32, #tpu.memory_space<hbm>> -> memref<1x10000xi32, #tpu.memory_space<hbm>>
      %dma_start3A_428 = tpu.memref_squeeze %dma_start3A_427 : memref<1x10000xi32, #tpu.memory_space<hbm>> -> memref<10000xi32, #tpu.memory_space<hbm>>
      %dma_start3A_429 = arith.constant 0 : i32
      %dma_start3A_430 = tpu.memref_slice %arg6[%dma_start3A_429] : memref<10240xi32, #tpu.memory_space<vmem>> -> memref<10000xi32, #tpu.memory_space<vmem>>
      %dma_start3A_431 = tpu.memref_slice %arg3[%run_scoped3A, %mul3A_2] : memref<2x320000xi32, #tpu.memory_space<hbm>> -> memref<1x10000xi32, #tpu.memory_space<hbm>>
      %dma_start3A_432 = tpu.memref_squeeze %dma_start3A_431 : memref<1x10000xi32, #tpu.memory_space<hbm>> -> memref<10000xi32, #tpu.memory_space<hbm>>
      tpu.enqueue_dma source(%dma_start3A_432 : memref<10000xi32, #tpu.memory_space<hbm>>) target(%dma_start3A_430 : memref<10000xi32, #tpu.memory_space<vmem>>) target_semaphore(%run_scoped3A_424 : memref<!tpu.dma_semaphore, #tpu.memory_space<semaphore_mem>>)
      %dma_wait3A_433 = arith.constant 0 : i32
      %dma_wait3A_434 = tpu.memref_slice %arg6[%dma_wait3A_433] : memref<10240xi32, #tpu.memory_space<vmem>> -> memref<10000xi32, #tpu.memory_space<vmem>>
      %dma_wait3A_435 = tpu.memref_slice %arg3[%run_scoped3A, %mul3A_2] : memref<2x320000xi32, #tpu.memory_space<hbm>> -> memref<1x10000xi32, #tpu.memory_space<hbm>>
      %dma_wait3A_436 = tpu.memref_squeeze %dma_wait3A_435 : memref<1x10000xi32, #tpu.memory_space<hbm>> -> memref<10000xi32, #tpu.memory_space<hbm>>
      %dma_wait3A_437 = arith.constant 0 : i32
      %dma_wait3A_438 = tpu.memref_slice %arg6[%dma_wait3A_437] : memref<10240xi32, #tpu.memory_space<vmem>> -> memref<10000xi32, #tpu.memory_space<vmem>>
      %dma_wait3A_439 = tpu.memref_slice %arg3[%run_scoped3A, %mul3A_2] : memref<2x320000xi32, #tpu.memory_space<hbm>> -> memref<1x10000xi32, #tpu.memory_space<hbm>>
      %dma_wait3A_440 = tpu.memref_squeeze %dma_wait3A_439 : memref<1x10000xi32, #tpu.memory_space<hbm>> -> memref<10000xi32, #tpu.memory_space<hbm>>
      tpu.wait_dma2 semaphore(%run_scoped3A_424 : memref<!tpu.dma_semaphore, #tpu.memory_space<semaphore_mem>>) src(%dma_wait3A_440 : memref<10000xi32, #tpu.memory_space<hbm>>) dst(%dma_wait3A_438 : memref<10000xi32, #tpu.memory_space<vmem>>)
      tpu.yield
    }) : () -> ()
    %mul3A_3 = arith.constant 10000 : i32
    %mul3A_4 = arith.muli %add3A, %mul3A_3 : i32
    %run_scoped3A_5 = arith.constant 1 : i32
    "tpu.region"() ({
      %run_scoped3A_424 = tpu.sem_alloc : memref<!tpu.dma_semaphore, #tpu.memory_space<semaphore_mem>>
      %dma_start3A_425 = arith.constant 0 : i32
      %dma_start3A_426 = tpu.memref_slice %arg7[%dma_start3A_425] : memref<10240xi32, #tpu.memory_space<vmem>> -> memref<10000xi32, #tpu.memory_space<vmem>>
      %dma_start3A_427 = tpu.memref_slice %arg3[%run_scoped3A_5, %mul3A_4] : memref<2x320000xi32, #tpu.memory_space<hbm>> -> memref<1x10000xi32, #tpu.memory_space<hbm>>
      %dma_start3A_428 = tpu.memref_squeeze %dma_start3A_427 : memref<1x10000xi32, #tpu.memory_space<hbm>> -> memref<10000xi32, #tpu.memory_space<hbm>>
      %dma_start3A_429 = arith.constant 0 : i32
      %dma_start3A_430 = tpu.memref_slice %arg7[%dma_start3A_429] : memref<10240xi32, #tpu.memory_space<vmem>> -> memref<10000xi32, #tpu.memory_space<vmem>>
      %dma_start3A_431 = tpu.memref_slice %arg3[%run_scoped3A_5, %mul3A_4] : memref<2x320000xi32, #tpu.memory_space<hbm>> -> memref<1x10000xi32, #tpu.memory_space<hbm>>
      %dma_start3A_432 = tpu.memref_squeeze %dma_start3A_431 : memref<1x10000xi32, #tpu.memory_space<hbm>> -> memref<10000xi32, #tpu.memory_space<hbm>>
      tpu.enqueue_dma source(%dma_start3A_432 : memref<10000xi32, #tpu.memory_space<hbm>>) target(%dma_start3A_430 : memref<10000xi32, #tpu.memory_space<vmem>>) target_semaphore(%run_scoped3A_424 : memref<!tpu.dma_semaphore, #tpu.memory_space<semaphore_mem>>)
      %dma_wait3A_433 = arith.constant 0 : i32
      %dma_wait3A_434 = tpu.memref_slice %arg7[%dma_wait3A_433] : memref<10240xi32, #tpu.memory_space<vmem>> -> memref<10000xi32, #tpu.memory_space<vmem>>
      %dma_wait3A_435 = tpu.memref_slice %arg3[%run_scoped3A_5, %mul3A_4] : memref<2x320000xi32, #tpu.memory_space<hbm>> -> memref<1x10000xi32, #tpu.memory_space<hbm>>
      %dma_wait3A_436 = tpu.memref_squeeze %dma_wait3A_435 : memref<1x10000xi32, #tpu.memory_space<hbm>> -> memref<10000xi32, #tpu.memory_space<hbm>>
      %dma_wait3A_437 = arith.constant 0 : i32
      %dma_wait3A_438 = tpu.memref_slice %arg7[%dma_wait3A_437] : memref<10240xi32, #tpu.memory_space<vmem>> -> memref<10000xi32, #tpu.memory_space<vmem>>
      %dma_wait3A_439 = tpu.memref_slice %arg3[%run_scoped3A_5, %mul3A_4] : memref<2x320000xi32, #tpu.memory_space<hbm>> -> memref<1x10000xi32, #tpu.memory_space<hbm>>
      %dma_wait3A_440 = tpu.memref_squeeze %dma_wait3A_439 : memref<1x10000xi32, #tpu.memory_space<hbm>> -> memref<10000xi32, #tpu.memory_space<hbm>>
      tpu.wait_dma2 semaphore(%run_scoped3A_424 : memref<!tpu.dma_semaphore, #tpu.memory_space<semaphore_mem>>) src(%dma_wait3A_440 : memref<10000xi32, #tpu.memory_space<hbm>>) dst(%dma_wait3A_438 : memref<10000xi32, #tpu.memory_space<vmem>>)
      tpu.yield
    }) : () -> ()
    %iota3A = tpu.iota {dimensions = array<i32: 0>} : vector<16xi32>
    %add3A_6 = arith.constant 0 : i32
    %add3A_7 = vector.broadcast %add3A_6 : i32 to vector<16xi32>
    %add3A_8 = arith.addi %iota3A, %add3A_7 : vector<16xi32>
    %swap3A = arith.constant 10000 : index
    %swap3A_9 = tpu.vector_load %arg6[%swap3A] {strides = array<i32>} : memref<10240xi32, #tpu.memory_space<vmem>>, vector<16xi32>,
    %swap3A_10 = vector.shape_cast %swap3A_9 : vector<16xi32> to vector<16xi32>
    %swap3A_11 = vector.shape_cast %add3A_8 : vector<16xi32> to vector<16xi32>
    tpu.vector_store %arg6[%swap3A], %swap3A_11 {strides = array<i32>} : memref<10240xi32, #tpu.memory_space<vmem>>, vector<16xi32>,
    %iota3A_12 = tpu.iota {dimensions = array<i32: 0>} : vector<16xi32>
    %add3A_13 = arith.constant 16 : i32
    %add3A_14 = vector.broadcast %add3A_13 : i32 to vector<16xi32>
    %add3A_15 = arith.addi %iota3A_12, %add3A_14 : vector<16xi32>
    %swap3A_16 = arith.constant 10016 : index
    %swap3A_17 = tpu.vector_load %arg6[%swap3A_16] {strides = array<i32>} : memref<10240xi32, #tpu.memory_space<vmem>>, vector<16xi32>,
    %swap3A_18 = vector.shape_cast %swap3A_17 : vector<16xi32> to vector<16xi32>
    %swap3A_19 = vector.shape_cast %add3A_15 : vector<16xi32> to vector<16xi32>
    tpu.vector_store %arg6[%swap3A_16], %swap3A_19 {strides = array<i32>} : memref<10240xi32, #tpu.memory_space<vmem>>, vector<16xi32>,
    %iota3A_20 = tpu.iota {dimensions = array<i32: 0>} : vector<16xi32>
    %add3A_21 = arith.constant 32 : i32
    %add3A_22 = vector.broadcast %add3A_21 : i32 to vector<16xi32>
    %add3A_23 = arith.addi %iota3A_20, %add3A_22 : vector<16xi32>
    %swap3A_24 = arith.constant 10032 : index
    %swap3A_25 = tpu.vector_load %arg6[%swap3A_24] {strides = array<i32>} : memref<10240xi32, #tpu.memory_space<vmem>>, vector<16xi32>,
    %swap3A_26 = vector.shape_cast %swap3A_25 : vector<16xi32> to vector<16xi32>
    %swap3A_27 = vector.shape_cast %add3A_23 : vector<16xi32> to vector<16xi32>
    tpu.vector_store %arg6[%swap3A_24], %swap3A_27 {strides = array<i32>} : memref<10240xi32, #tpu.memory_space<vmem>>, vector<16xi32>,
    %iota3A_28 = tpu.iota {dimensions = array<i32: 0>} : vector<16xi32>
    %add3A_29 = arith.constant 48 : i32
    %add3A_30 = vector.broadcast %add3A_29 : i32 to vector<16xi32>
    %add3A_31 = arith.addi %iota3A_28, %add3A_30 : vector<16xi32>
    %swap3A_32 = arith.constant 10048 : index
    %swap3A_33 = tpu.vector_load %arg6[%swap3A_32] {strides = array<i32>} : memref<10240xi32, #tpu.memory_space<vmem>>, vector<16xi32>,
    %swap3A_34 = vector.shape_cast %swap3A_33 : vector<16xi32> to vector<16xi32>
    %swap3A_35 = vector.shape_cast %add3A_31 : vector<16xi32> to vector<16xi32>
    tpu.vector_store %arg6[%swap3A_32], %swap3A_35 {strides = array<i32>} : memref<10240xi32, #tpu.memory_space<vmem>>, vector<16xi32>,
    %iota3A_36 = tpu.iota {dimensions = array<i32: 0>} : vector<16xi32>
    %add3A_37 = arith.constant 64 : i32
    %add3A_38 = vector.broadcast %add3A_37 : i32 to vector<16xi32>
    %add3A_39 = arith.addi %iota3A_36, %add3A_38 : vector<16xi32>
    %swap3A_40 = arith.constant 10064 : index
    %swap3A_41 = tpu.vector_load %arg6[%swap3A_40] {strides = array<i32>} : memref<10240xi32, #tpu.memory_space<vmem>>, vector<16xi32>,
    %swap3A_42 = vector.shape_cast %swap3A_41 : vector<16xi32> to vector<16xi32>
    %swap3A_43 = vector.shape_cast %add3A_39 : vector<16xi32> to vector<16xi32>
    tpu.vector_store %arg6[%swap3A_40], %swap3A_43 {strides = array<i32>} : memref<10240xi32, #tpu.memory_space<vmem>>, vector<16xi32>,
    %iota3A_44 = tpu.iota {dimensions = array<i32: 0>} : vector<16xi32>
    %add3A_45 = arith.constant 80 : i32
    %add3A_46 = vector.broadcast %add3A_45 : i32 to vector<16xi32>
    %add3A_47 = arith.addi %iota3A_44, %add3A_46 : vector<16xi32>
    %swap3A_48 = arith.constant 10080 : index
    %swap3A_49 = tpu.vector_load %arg6[%swap3A_48] {strides = array<i32>} : memref<10240xi32, #tpu.memory_space<vmem>>, vector<16xi32>,
    %swap3A_50 = vector.shape_cast %swap3A_49 : vector<16xi32> to vector<16xi32>
    %swap3A_51 = vector.shape_cast %add3A_47 : vector<16xi32> to vector<16xi32>
    tpu.vector_store %arg6[%swap3A_48], %swap3A_51 {strides = array<i32>} : memref<10240xi32, #tpu.memory_space<vmem>>, vector<16xi32>,
    %iota3A_52 = tpu.iota {dimensions = array<i32: 0>} : vector<16xi32>
    %add3A_53 = arith.constant 96 : i32
    %add3A_54 = vector.broadcast %add3A_53 : i32 to vector<16xi32>
    %add3A_55 = arith.addi %iota3A_52, %add3A_54 : vector<16xi32>
    %swap3A_56 = arith.constant 10096 : index
    %swap3A_57 = tpu.vector_load %arg6[%swap3A_56] {strides = array<i32>} : memref<10240xi32, #tpu.memory_space<vmem>>, vector<16xi32>,
    %swap3A_58 = vector.shape_cast %swap3A_57 : vector<16xi32> to vector<16xi32>
    %swap3A_59 = vector.shape_cast %add3A_55 : vector<16xi32> to vector<16xi32>
    tpu.vector_store %arg6[%swap3A_56], %swap3A_59 {strides = array<i32>} : memref<10240xi32, #tpu.memory_space<vmem>>, vector<16xi32>,
    %iota3A_60 = tpu.iota {dimensions = array<i32: 0>} : vector<16xi32>
    %add3A_61 = arith.constant 112 : i32
    %add3A_62 = vector.broadcast %add3A_61 : i32 to vector<16xi32>
    %add3A_63 = arith.addi %iota3A_60, %add3A_62 : vector<16xi32>
    %swap3A_64 = arith.constant 10112 : index
    %swap3A_65 = tpu.vector_load %arg6[%swap3A_64] {strides = array<i32>} : memref<10240xi32, #tpu.memory_space<vmem>>, vector<16xi32>,
    %swap3A_66 = vector.shape_cast %swap3A_65 : vector<16xi32> to vector<16xi32>
    %swap3A_67 = vector.shape_cast %add3A_63 : vector<16xi32> to vector<16xi32>
    tpu.vector_store %arg6[%swap3A_64], %swap3A_67 {strides = array<i32>} : memref<10240xi32, #tpu.memory_space<vmem>>, vector<16xi32>,
    %iota3A_68 = tpu.iota {dimensions = array<i32: 0>} : vector<16xi32>
    %add3A_69 = arith.constant 128 : i32
    %add3A_70 = vector.broadcast %add3A_69 : i32 to vector<16xi32>
    %add3A_71 = arith.addi %iota3A_68, %add3A_70 : vector<16xi32>
    %swap3A_72 = arith.constant 10128 : index
    %swap3A_73 = tpu.vector_load %arg6[%swap3A_72] {strides = array<i32>} : memref<10240xi32, #tpu.memory_space<vmem>>, vector<16xi32>,
    %swap3A_74 = vector.shape_cast %swap3A_73 : vector<16xi32> to vector<16xi32>
    %swap3A_75 = vector.shape_cast %add3A_71 : vector<16xi32> to vector<16xi32>
    tpu.vector_store %arg6[%swap3A_72], %swap3A_75 {strides = array<i32>} : memref<10240xi32, #tpu.memory_space<vmem>>, vector<16xi32>,
    %iota3A_76 = tpu.iota {dimensions = array<i32: 0>} : vector<16xi32>
    %add3A_77 = arith.constant 144 : i32
    %add3A_78 = vector.broadcast %add3A_77 : i32 to vector<16xi32>
    %add3A_79 = arith.addi %iota3A_76, %add3A_78 : vector<16xi32>
    %swap3A_80 = arith.constant 10144 : index
    %swap3A_81 = tpu.vector_load %arg6[%swap3A_80] {strides = array<i32>} : memref<10240xi32, #tpu.memory_space<vmem>>, vector<16xi32>,
    %swap3A_82 = vector.shape_cast %swap3A_81 : vector<16xi32> to vector<16xi32>
    %swap3A_83 = vector.shape_cast %add3A_79 : vector<16xi32> to vector<16xi32>
    tpu.vector_store %arg6[%swap3A_80], %swap3A_83 {strides = array<i32>} : memref<10240xi32, #tpu.memory_space<vmem>>, vector<16xi32>,
    %iota3A_84 = tpu.iota {dimensions = array<i32: 0>} : vector<16xi32>
    %add3A_85 = arith.constant 160 : i32
    %add3A_86 = vector.broadcast %add3A_85 : i32 to vector<16xi32>
    %add3A_87 = arith.addi %iota3A_84, %add3A_86 : vector<16xi32>
    %swap3A_88 = arith.constant 10160 : index
    %swap3A_89 = tpu.vector_load %arg6[%swap3A_88] {strides = array<i32>} : memref<10240xi32, #tpu.memory_space<vmem>>, vector<16xi32>,
    %swap3A_90 = vector.shape_cast %swap3A_89 : vector<16xi32> to vector<16xi32>
    %swap3A_91 = vector.shape_cast %add3A_87 : vector<16xi32> to vector<16xi32>
    tpu.vector_store %arg6[%swap3A_88], %swap3A_91 {strides = array<i32>} : memref<10240xi32, #tpu.memory_space<vmem>>, vector<16xi32>,
    %iota3A_92 = tpu.iota {dimensions = array<i32: 0>} : vector<16xi32>
    %add3A_93 = arith.constant 176 : i32
    %add3A_94 = vector.broadcast %add3A_93 : i32 to vector<16xi32>
    %add3A_95 = arith.addi %iota3A_92, %add3A_94 : vector<16xi32>
    %swap3A_96 = arith.constant 10176 : index
    %swap3A_97 = tpu.vector_load %arg6[%swap3A_96] {strides = array<i32>} : memref<10240xi32, #tpu.memory_space<vmem>>, vector<16xi32>,
    %swap3A_98 = vector.shape_cast %swap3A_97 : vector<16xi32> to vector<16xi32>
    %swap3A_99 = vector.shape_cast %add3A_95 : vector<16xi32> to vector<16xi32>
    tpu.vector_store %arg6[%swap3A_96], %swap3A_99 {strides = array<i32>} : memref<10240xi32, #tpu.memory_space<vmem>>, vector<16xi32>,
    %iota3A_100 = tpu.iota {dimensions = array<i32: 0>} : vector<16xi32>
    %add3A_101 = arith.constant 192 : i32
    %add3A_102 = vector.broadcast %add3A_101 : i32 to vector<16xi32>
    %add3A_103 = arith.addi %iota3A_100, %add3A_102 : vector<16xi32>
    %swap3A_104 = arith.constant 10192 : index
    %swap3A_105 = tpu.vector_load %arg6[%swap3A_104] {strides = array<i32>} : memref<10240xi32, #tpu.memory_space<vmem>>, vector<16xi32>,
    %swap3A_106 = vector.shape_cast %swap3A_105 : vector<16xi32> to vector<16xi32>
    %swap3A_107 = vector.shape_cast %add3A_103 : vector<16xi32> to vector<16xi32>
    tpu.vector_store %arg6[%swap3A_104], %swap3A_107 {strides = array<i32>} : memref<10240xi32, #tpu.memory_space<vmem>>, vector<16xi32>,
    %iota3A_108 = tpu.iota {dimensions = array<i32: 0>} : vector<16xi32>
    %add3A_109 = arith.constant 208 : i32
    %add3A_110 = vector.broadcast %add3A_109 : i32 to vector<16xi32>
    %add3A_111 = arith.addi %iota3A_108, %add3A_110 : vector<16xi32>
    %swap3A_112 = arith.constant 10208 : index
    %swap3A_113 = tpu.vector_load %arg6[%swap3A_112] {strides = array<i32>} : memref<10240xi32, #tpu.memory_space<vmem>>, vector<16xi32>,
    %swap3A_114 = vector.shape_cast %swap3A_113 : vector<16xi32> to vector<16xi32>
    %swap3A_115 = vector.shape_cast %add3A_111 : vector<16xi32> to vector<16xi32>
    tpu.vector_store %arg6[%swap3A_112], %swap3A_115 {strides = array<i32>} : memref<10240xi32, #tpu.memory_space<vmem>>, vector<16xi32>,
    %iota3A_116 = tpu.iota {dimensions = array<i32: 0>} : vector<16xi32>
    %add3A_117 = arith.constant 224 : i32
    %add3A_118 = vector.broadcast %add3A_117 : i32 to vector<16xi32>
    %add3A_119 = arith.addi %iota3A_116, %add3A_118 : vector<16xi32>
    %swap3A_120 = arith.constant 10224 : index
    %swap3A_121 = tpu.vector_load %arg6[%swap3A_120] {strides = array<i32>} : memref<10240xi32, #tpu.memory_space<vmem>>, vector<16xi32>,
    %swap3A_122 = vector.shape_cast %swap3A_121 : vector<16xi32> to vector<16xi32>
    %swap3A_123 = vector.shape_cast %add3A_119 : vector<16xi32> to vector<16xi32>
    tpu.vector_store %arg6[%swap3A_120], %swap3A_123 {strides = array<i32>} : memref<10240xi32, #tpu.memory_space<vmem>>, vector<16xi32>,
    %iota3A_124 = tpu.iota {dimensions = array<i32: 0>} : vector<16xi32>
    %add3A_125 = arith.constant 10000 : i32
    %add3A_126 = vector.broadcast %add3A_125 : i32 to vector<16xi32>
    %add3A_127 = arith.addi %iota3A_124, %add3A_126 : vector<16xi32>
    %swap3A_128 = arith.constant 10000 : index
    %swap3A_129 = tpu.vector_load %arg7[%swap3A_128] {strides = array<i32>} : memref<10240xi32, #tpu.memory_space<vmem>>, vector<16xi32>,
    %swap3A_130 = vector.shape_cast %swap3A_129 : vector<16xi32> to vector<16xi32>
    %swap3A_131 = vector.shape_cast %add3A_127 : vector<16xi32> to vector<16xi32>
    tpu.vector_store %arg7[%swap3A_128], %swap3A_131 {strides = array<i32>} : memref<10240xi32, #tpu.memory_space<vmem>>, vector<16xi32>,
    %iota3A_132 = tpu.iota {dimensions = array<i32: 0>} : vector<16xi32>
    %add3A_133 = arith.constant 10016 : i32
    %add3A_134 = vector.broadcast %add3A_133 : i32 to vector<16xi32>
    %add3A_135 = arith.addi %iota3A_132, %add3A_134 : vector<16xi32>
    %swap3A_136 = arith.constant 10016 : index
    %swap3A_137 = tpu.vector_load %arg7[%swap3A_136] {strides = array<i32>} : memref<10240xi32, #tpu.memory_space<vmem>>, vector<16xi32>,
    %swap3A_138 = vector.shape_cast %swap3A_137 : vector<16xi32> to vector<16xi32>
    %swap3A_139 = vector.shape_cast %add3A_135 : vector<16xi32> to vector<16xi32>
    tpu.vector_store %arg7[%swap3A_136], %swap3A_139 {strides = array<i32>} : memref<10240xi32, #tpu.memory_space<vmem>>, vector<16xi32>,
    %iota3A_140 = tpu.iota {dimensions = array<i32: 0>} : vector<16xi32>
    %add3A_141 = arith.constant 10032 : i32
    %add3A_142 = vector.broadcast %add3A_141 : i32 to vector<16xi32>
    %add3A_143 = arith.addi %iota3A_140, %add3A_142 : vector<16xi32>
    %swap3A_144 = arith.constant 10032 : index
    %swap3A_145 = tpu.vector_load %arg7[%swap3A_144] {strides = array<i32>} : memref<10240xi32, #tpu.memory_space<vmem>>, vector<16xi32>,
    %swap3A_146 = vector.shape_cast %swap3A_145 : vector<16xi32> to vector<16xi32>
    %swap3A_147 = vector.shape_cast %add3A_143 : vector<16xi32> to vector<16xi32>
    tpu.vector_store %arg7[%swap3A_144], %swap3A_147 {strides = array<i32>} : memref<10240xi32, #tpu.memory_space<vmem>>, vector<16xi32>,
    %iota3A_148 = tpu.iota {dimensions = array<i32: 0>} : vector<16xi32>
    %add3A_149 = arith.constant 10048 : i32
    %add3A_150 = vector.broadcast %add3A_149 : i32 to vector<16xi32>
    %add3A_151 = arith.addi %iota3A_148, %add3A_150 : vector<16xi32>
    %swap3A_152 = arith.constant 10048 : index
    %swap3A_153 = tpu.vector_load %arg7[%swap3A_152] {strides = array<i32>} : memref<10240xi32, #tpu.memory_space<vmem>>, vector<16xi32>,
    %swap3A_154 = vector.shape_cast %swap3A_153 : vector<16xi32> to vector<16xi32>
    %swap3A_155 = vector.shape_cast %add3A_151 : vector<16xi32> to vector<16xi32>
    tpu.vector_store %arg7[%swap3A_152], %swap3A_155 {strides = array<i32>} : memref<10240xi32, #tpu.memory_space<vmem>>, vector<16xi32>,
    %iota3A_156 = tpu.iota {dimensions = array<i32: 0>} : vector<16xi32>
    %add3A_157 = arith.constant 10064 : i32
    %add3A_158 = vector.broadcast %add3A_157 : i32 to vector<16xi32>
    %add3A_159 = arith.addi %iota3A_156, %add3A_158 : vector<16xi32>
    %swap3A_160 = arith.constant 10064 : index
    %swap3A_161 = tpu.vector_load %arg7[%swap3A_160] {strides = array<i32>} : memref<10240xi32, #tpu.memory_space<vmem>>, vector<16xi32>,
    %swap3A_162 = vector.shape_cast %swap3A_161 : vector<16xi32> to vector<16xi32>
    %swap3A_163 = vector.shape_cast %add3A_159 : vector<16xi32> to vector<16xi32>
    tpu.vector_store %arg7[%swap3A_160], %swap3A_163 {strides = array<i32>} : memref<10240xi32, #tpu.memory_space<vmem>>, vector<16xi32>,
    %iota3A_164 = tpu.iota {dimensions = array<i32: 0>} : vector<16xi32>
    %add3A_165 = arith.constant 10080 : i32
    %add3A_166 = vector.broadcast %add3A_165 : i32 to vector<16xi32>
    %add3A_167 = arith.addi %iota3A_164, %add3A_166 : vector<16xi32>
    %swap3A_168 = arith.constant 10080 : index
    %swap3A_169 = tpu.vector_load %arg7[%swap3A_168] {strides = array<i32>} : memref<10240xi32, #tpu.memory_space<vmem>>, vector<16xi32>,
    %swap3A_170 = vector.shape_cast %swap3A_169 : vector<16xi32> to vector<16xi32>
    %swap3A_171 = vector.shape_cast %add3A_167 : vector<16xi32> to vector<16xi32>
    tpu.vector_store %arg7[%swap3A_168], %swap3A_171 {strides = array<i32>} : memref<10240xi32, #tpu.memory_space<vmem>>, vector<16xi32>,
    %iota3A_172 = tpu.iota {dimensions = array<i32: 0>} : vector<16xi32>
    %add3A_173 = arith.constant 10096 : i32
    %add3A_174 = vector.broadcast %add3A_173 : i32 to vector<16xi32>
    %add3A_175 = arith.addi %iota3A_172, %add3A_174 : vector<16xi32>
    %swap3A_176 = arith.constant 10096 : index
    %swap3A_177 = tpu.vector_load %arg7[%swap3A_176] {strides = array<i32>} : memref<10240xi32, #tpu.memory_space<vmem>>, vector<16xi32>,
    %swap3A_178 = vector.shape_cast %swap3A_177 : vector<16xi32> to vector<16xi32>
    %swap3A_179 = vector.shape_cast %add3A_175 : vector<16xi32> to vector<16xi32>
    tpu.vector_store %arg7[%swap3A_176], %swap3A_179 {strides = array<i32>} : memref<10240xi32, #tpu.memory_space<vmem>>, vector<16xi32>,
    %iota3A_180 = tpu.iota {dimensions = array<i32: 0>} : vector<16xi32>
    %add3A_181 = arith.constant 10112 : i32
    %add3A_182 = vector.broadcast %add3A_181 : i32 to vector<16xi32>
    %add3A_183 = arith.addi %iota3A_180, %add3A_182 : vector<16xi32>
    %swap3A_184 = arith.constant 10112 : index
    %swap3A_185 = tpu.vector_load %arg7[%swap3A_184] {strides = array<i32>} : memref<10240xi32, #tpu.memory_space<vmem>>, vector<16xi32>,
    %swap3A_186 = vector.shape_cast %swap3A_185 : vector<16xi32> to vector<16xi32>
    %swap3A_187 = vector.shape_cast %add3A_183 : vector<16xi32> to vector<16xi32>
    tpu.vector_store %arg7[%swap3A_184], %swap3A_187 {strides = array<i32>} : memref<10240xi32, #tpu.memory_space<vmem>>, vector<16xi32>,
    %iota3A_188 = tpu.iota {dimensions = array<i32: 0>} : vector<16xi32>
    %add3A_189 = arith.constant 10128 : i32
    %add3A_190 = vector.broadcast %add3A_189 : i32 to vector<16xi32>
    %add3A_191 = arith.addi %iota3A_188, %add3A_190 : vector<16xi32>
    %swap3A_192 = arith.constant 10128 : index
    %swap3A_193 = tpu.vector_load %arg7[%swap3A_192] {strides = array<i32>} : memref<10240xi32, #tpu.memory_space<vmem>>, vector<16xi32>,
    %swap3A_194 = vector.shape_cast %swap3A_193 : vector<16xi32> to vector<16xi32>
    %swap3A_195 = vector.shape_cast %add3A_191 : vector<16xi32> to vector<16xi32>
    tpu.vector_store %arg7[%swap3A_192], %swap3A_195 {strides = array<i32>} : memref<10240xi32, #tpu.memory_space<vmem>>, vector<16xi32>,
    %iota3A_196 = tpu.iota {dimensions = array<i32: 0>} : vector<16xi32>
    %add3A_197 = arith.constant 10144 : i32
    %add3A_198 = vector.broadcast %add3A_197 : i32 to vector<16xi32>
    %add3A_199 = arith.addi %iota3A_196, %add3A_198 : vector<16xi32>
    %swap3A_200 = arith.constant 10144 : index
    %swap3A_201 = tpu.vector_load %arg7[%swap3A_200] {strides = array<i32>} : memref<10240xi32, #tpu.memory_space<vmem>>, vector<16xi32>,
    %swap3A_202 = vector.shape_cast %swap3A_201 : vector<16xi32> to vector<16xi32>
    %swap3A_203 = vector.shape_cast %add3A_199 : vector<16xi32> to vector<16xi32>
    tpu.vector_store %arg7[%swap3A_200], %swap3A_203 {strides = array<i32>} : memref<10240xi32, #tpu.memory_space<vmem>>, vector<16xi32>,
    %iota3A_204 = tpu.iota {dimensions = array<i32: 0>} : vector<16xi32>
    %add3A_205 = arith.constant 10160 : i32
    %add3A_206 = vector.broadcast %add3A_205 : i32 to vector<16xi32>
    %add3A_207 = arith.addi %iota3A_204, %add3A_206 : vector<16xi32>
    %swap3A_208 = arith.constant 10160 : index
    %swap3A_209 = tpu.vector_load %arg7[%swap3A_208] {strides = array<i32>} : memref<10240xi32, #tpu.memory_space<vmem>>, vector<16xi32>,
    %swap3A_210 = vector.shape_cast %swap3A_209 : vector<16xi32> to vector<16xi32>
    %swap3A_211 = vector.shape_cast %add3A_207 : vector<16xi32> to vector<16xi32>
    tpu.vector_store %arg7[%swap3A_208], %swap3A_211 {strides = array<i32>} : memref<10240xi32, #tpu.memory_space<vmem>>, vector<16xi32>,
    %iota3A_212 = tpu.iota {dimensions = array<i32: 0>} : vector<16xi32>
    %add3A_213 = arith.constant 10176 : i32
    %add3A_214 = vector.broadcast %add3A_213 : i32 to vector<16xi32>
    %add3A_215 = arith.addi %iota3A_212, %add3A_214 : vector<16xi32>
    %swap3A_216 = arith.constant 10176 : index
    %swap3A_217 = tpu.vector_load %arg7[%swap3A_216] {strides = array<i32>} : memref<10240xi32, #tpu.memory_space<vmem>>, vector<16xi32>,
    %swap3A_218 = vector.shape_cast %swap3A_217 : vector<16xi32> to vector<16xi32>
    %swap3A_219 = vector.shape_cast %add3A_215 : vector<16xi32> to vector<16xi32>
    tpu.vector_store %arg7[%swap3A_216], %swap3A_219 {strides = array<i32>} : memref<10240xi32, #tpu.memory_space<vmem>>, vector<16xi32>,
    %iota3A_220 = tpu.iota {dimensions = array<i32: 0>} : vector<16xi32>
    %add3A_221 = arith.constant 10192 : i32
    %add3A_222 = vector.broadcast %add3A_221 : i32 to vector<16xi32>
    %add3A_223 = arith.addi %iota3A_220, %add3A_222 : vector<16xi32>
    %swap3A_224 = arith.constant 10192 : index
    %swap3A_225 = tpu.vector_load %arg7[%swap3A_224] {strides = array<i32>} : memref<10240xi32, #tpu.memory_space<vmem>>, vector<16xi32>,
    %swap3A_226 = vector.shape_cast %swap3A_225 : vector<16xi32> to vector<16xi32>
    %swap3A_227 = vector.shape_cast %add3A_223 : vector<16xi32> to vector<16xi32>
    tpu.vector_store %arg7[%swap3A_224], %swap3A_227 {strides = array<i32>} : memref<10240xi32, #tpu.memory_space<vmem>>, vector<16xi32>,
    %iota3A_228 = tpu.iota {dimensions = array<i32: 0>} : vector<16xi32>
    %add3A_229 = arith.constant 10208 : i32
    %add3A_230 = vector.broadcast %add3A_229 : i32 to vector<16xi32>
    %add3A_231 = arith.addi %iota3A_228, %add3A_230 : vector<16xi32>
    %swap3A_232 = arith.constant 10208 : index
    %swap3A_233 = tpu.vector_load %arg7[%swap3A_232] {strides = array<i32>} : memref<10240xi32, #tpu.memory_space<vmem>>, vector<16xi32>,
    %swap3A_234 = vector.shape_cast %swap3A_233 : vector<16xi32> to vector<16xi32>
    %swap3A_235 = vector.shape_cast %add3A_231 : vector<16xi32> to vector<16xi32>
    tpu.vector_store %arg7[%swap3A_232], %swap3A_235 {strides = array<i32>} : memref<10240xi32, #tpu.memory_space<vmem>>, vector<16xi32>,
    %iota3A_236 = tpu.iota {dimensions = array<i32: 0>} : vector<16xi32>
    %add3A_237 = arith.constant 10224 : i32
    %add3A_238 = vector.broadcast %add3A_237 : i32 to vector<16xi32>
    %add3A_239 = arith.addi %iota3A_236, %add3A_238 : vector<16xi32>
    %swap3A_240 = arith.constant 10224 : index
    %swap3A_241 = tpu.vector_load %arg7[%swap3A_240] {strides = array<i32>} : memref<10240xi32, #tpu.memory_space<vmem>>, vector<16xi32>,
    %swap3A_242 = vector.shape_cast %swap3A_241 : vector<16xi32> to vector<16xi32>
    %swap3A_243 = vector.shape_cast %add3A_239 : vector<16xi32> to vector<16xi32>
    tpu.vector_store %arg7[%swap3A_240], %swap3A_243 {strides = array<i32>} : memref<10240xi32, #tpu.memory_space<vmem>>, vector<16xi32>,
    %mul3A_244 = arith.constant 624 : i32
    %mul3A_245 = arith.muli %arg1, %mul3A_244 : i32
    %mul3A_246 = arith.constant 624 : i32
    %mul3A_247 = arith.muli %arg1, %mul3A_246 : i32
    "tpu.region"() ({
      %run_scoped3A_424 = tpu.sem_alloc : memref<!tpu.dma_semaphore, #tpu.memory_space<semaphore_mem>>
      %dma_start3A_425 = arith.constant 0 : i32
      %dma_start3A_426 = tpu.memref_slice %arg16[%mul3A_247, %dma_start3A_425] : memref<10240x32xf32, #tpu.memory_space<vmem_shared>> -> memref<624x32xf32, #tpu.memory_space<vmem_shared>>
      %dma_start3A_427 = arith.constant 0 : i32
      %dma_start3A_428 = tpu.memref_slice %arg2[%mul3A_245, %dma_start3A_427] : memref<10000x32xf32, #tpu.memory_space<hbm>> -> memref<624x32xf32, #tpu.memory_space<hbm>>
      tpu.enqueue_dma source(%dma_start3A_428 : memref<624x32xf32, #tpu.memory_space<hbm>>) target(%dma_start3A_426 : memref<624x32xf32, #tpu.memory_space<vmem_shared>>) target_semaphore(%run_scoped3A_424 : memref<!tpu.dma_semaphore, #tpu.memory_space<semaphore_mem>>)
      %dma_wait3A_429 = arith.constant 0 : i32
      %dma_wait3A_430 = tpu.memref_slice %arg16[%mul3A_247, %dma_wait3A_429] : memref<10240x32xf32, #tpu.memory_space<vmem_shared>> -> memref<624x32xf32, #tpu.memory_space<vmem_shared>>
      %dma_wait3A_431 = arith.constant 0 : i32
      %dma_wait3A_432 = tpu.memref_slice %arg2[%mul3A_245, %dma_wait3A_431] : memref<10000x32xf32, #tpu.memory_space<hbm>> -> memref<624x32xf32, #tpu.memory_space<hbm>>
      tpu.wait_dma2 semaphore(%run_scoped3A_424 : memref<!tpu.dma_semaphore, #tpu.memory_space<semaphore_mem>>) src(%dma_wait3A_432 : memref<624x32xf32, #tpu.memory_space<hbm>>) dst(%dma_wait3A_430 : memref<624x32xf32, #tpu.memory_space<vmem_shared>>)
      tpu.yield
    }) : () -> ()
    %eq3A = arith.constant 15 : i32
    %eq3A_248 = arith.cmpi eq, %arg1, %eq3A : i32
    %convert_element_type3A = arith.extui %eq3A_248 : i1 to i32
    %cond3A = arith.constant 0 : i32
    %cond3A_249 = arith.cmpi ne, %convert_element_type3A, %cond3A : i32
    scf.if %cond3A_249 {
      "tpu.region"() ({
        %run_scoped3A_424 = tpu.sem_alloc : memref<!tpu.dma_semaphore, #tpu.memory_space<semaphore_mem>>
        %dma_start3A_425 = arith.constant 9984 : i32
        %dma_start3A_426 = arith.constant 0 : i32
        %dma_start3A_427 = tpu.memref_slice %arg16[%dma_start3A_425, %dma_start3A_426] : memref<10240x32xf32, #tpu.memory_space<vmem_shared>> -> memref<16x32xf32, #tpu.memory_space<vmem_shared>>
        %dma_start3A_428 = arith.constant 9984 : i32
        %dma_start3A_429 = arith.constant 0 : i32
        %dma_start3A_430 = tpu.memref_slice %arg2[%dma_start3A_428, %dma_start3A_429] : memref<10000x32xf32, #tpu.memory_space<hbm>> -> memref<16x32xf32, #tpu.memory_space<hbm>>
        tpu.enqueue_dma source(%dma_start3A_430 : memref<16x32xf32, #tpu.memory_space<hbm>>) target(%dma_start3A_427 : memref<16x32xf32, #tpu.memory_space<vmem_shared>>) target_semaphore(%run_scoped3A_424 : memref<!tpu.dma_semaphore, #tpu.memory_space<semaphore_mem>>)
        %dma_wait3A_431 = arith.constant 9984 : i32
        %dma_wait3A_432 = arith.constant 0 : i32
        %dma_wait3A_433 = tpu.memref_slice %arg16[%dma_wait3A_431, %dma_wait3A_432] : memref<10240x32xf32, #tpu.memory_space<vmem_shared>> -> memref<16x32xf32, #tpu.memory_space<vmem_shared>>
        %dma_wait3A_434 = arith.constant 9984 : i32
        %dma_wait3A_435 = arith.constant 0 : i32
        %dma_wait3A_436 = tpu.memref_slice %arg2[%dma_wait3A_434, %dma_wait3A_435] : memref<10000x32xf32, #tpu.memory_space<hbm>> -> memref<16x32xf32, #tpu.memory_space<hbm>>
        tpu.wait_dma2 semaphore(%run_scoped3A_424 : memref<!tpu.dma_semaphore, #tpu.memory_space<semaphore_mem>>) src(%dma_wait3A_436 : memref<16x32xf32, #tpu.memory_space<hbm>>) dst(%dma_wait3A_433 : memref<16x32xf32, #tpu.memory_space<vmem_shared>>)
        tpu.yield
      }) : () -> ()
    } else {
    }
    %barrier3A = arith.constant 0 : index
    tpu.barrier barrier_id(%barrier3A)
    %dma_start3A = arith.constant 0 : i32
    %dma_start3A_250 = tpu.memref_slice %arg6[%dma_start3A] : memref<10240xi32, #tpu.memory_space<vmem>> -> memref<128xi32, #tpu.memory_space<vmem>>
    %dma_start3A_251 = arith.constant 0 : i32
    %dma_start3A_252 = arith.constant 0 : i32
    %dma_start3A_253 = tpu.memref_slice %arg2[%dma_start3A_251, %dma_start3A_252] : memref<10000x32xf32, #tpu.memory_space<hbm>> -> memref<10000x32xf32, #tpu.memory_space<hbm>>
    tpu.enqueue_indirect_dma source(%dma_start3A_253 : memref<10000x32xf32, #tpu.memory_space<hbm>>) target(%arg8 : memref<128x32xf32, #tpu.memory_space<vmem>>) offsets(%dma_start3A_250 : memref<128xi32, #tpu.memory_space<vmem>>) semaphore(%arg17 : memref<!tpu.dma_semaphore, #tpu.memory_space<semaphore_mem>>)
    %dma_start3A_254 = arith.constant 128 : i32
    %dma_start3A_255 = tpu.memref_slice %arg6[%dma_start3A_254] : memref<10240xi32, #tpu.memory_space<vmem>> -> memref<128xi32, #tpu.memory_space<vmem>>
    %dma_start3A_256 = arith.constant 0 : i32
    %dma_start3A_257 = arith.constant 0 : i32
    %dma_start3A_258 = tpu.memref_slice %arg2[%dma_start3A_256, %dma_start3A_257] : memref<10000x32xf32, #tpu.memory_space<hbm>> -> memref<10000x32xf32, #tpu.memory_space<hbm>>
    tpu.enqueue_indirect_dma source(%dma_start3A_258 : memref<10000x32xf32, #tpu.memory_space<hbm>>) target(%arg9 : memref<128x32xf32, #tpu.memory_space<vmem>>) offsets(%dma_start3A_255 : memref<128xi32, #tpu.memory_space<vmem>>) semaphore(%arg18 : memref<!tpu.dma_semaphore, #tpu.memory_space<semaphore_mem>>)
    %dma_start3A_259 = arith.constant 256 : i32
    %dma_start3A_260 = tpu.memref_slice %arg6[%dma_start3A_259] : memref<10240xi32, #tpu.memory_space<vmem>> -> memref<128xi32, #tpu.memory_space<vmem>>
    %dma_start3A_261 = arith.constant 0 : i32
    %dma_start3A_262 = arith.constant 0 : i32
    %dma_start3A_263 = tpu.memref_slice %arg2[%dma_start3A_261, %dma_start3A_262] : memref<10000x32xf32, #tpu.memory_space<hbm>> -> memref<10000x32xf32, #tpu.memory_space<hbm>>
    tpu.enqueue_indirect_dma source(%dma_start3A_263 : memref<10000x32xf32, #tpu.memory_space<hbm>>) target(%arg10 : memref<128x32xf32, #tpu.memory_space<vmem>>) offsets(%dma_start3A_260 : memref<128xi32, #tpu.memory_space<vmem>>) semaphore(%arg19 : memref<!tpu.dma_semaphore, #tpu.memory_space<semaphore_mem>>)
    %dma_start3A_264 = arith.constant 384 : i32
    %dma_start3A_265 = tpu.memref_slice %arg6[%dma_start3A_264] : memref<10240xi32, #tpu.memory_space<vmem>> -> memref<128xi32, #tpu.memory_space<vmem>>
    %dma_start3A_266 = arith.constant 0 : i32
    %dma_start3A_267 = arith.constant 0 : i32
    %dma_start3A_268 = tpu.memref_slice %arg2[%dma_start3A_266, %dma_start3A_267] : memref<10000x32xf32, #tpu.memory_space<hbm>> -> memref<10000x32xf32, #tpu.memory_space<hbm>>
    tpu.enqueue_indirect_dma source(%dma_start3A_268 : memref<10000x32xf32, #tpu.memory_space<hbm>>) target(%arg11 : memref<128x32xf32, #tpu.memory_space<vmem>>) offsets(%dma_start3A_265 : memref<128xi32, #tpu.memory_space<vmem>>) semaphore(%arg20 : memref<!tpu.dma_semaphore, #tpu.memory_space<semaphore_mem>>)
    %dma_wait3A = arith.constant 0 : i32
    %dma_wait3A_269 = tpu.memref_slice %arg6[%dma_wait3A] : memref<10240xi32, #tpu.memory_space<vmem>> -> memref<128xi32, #tpu.memory_space<vmem>>
    %dma_wait3A_270 = arith.constant 0 : i32
    %dma_wait3A_271 = arith.constant 0 : i32
    %dma_wait3A_272 = tpu.memref_slice %arg2[%dma_wait3A_270, %dma_wait3A_271] : memref<10000x32xf32, #tpu.memory_space<hbm>> -> memref<10000x32xf32, #tpu.memory_space<hbm>>
    tpu.wait_indirect_dma semaphore(%arg17 : memref<!tpu.dma_semaphore, #tpu.memory_space<semaphore_mem>>) src(%dma_wait3A_272 : memref<10000x32xf32, #tpu.memory_space<hbm>>) dst(%arg8 : memref<128x32xf32, #tpu.memory_space<vmem>>)
    %dma_start3A_273 = arith.constant 0 : i32
    %dma_start3A_274 = tpu.memref_slice %arg7[%dma_start3A_273] : memref<10240xi32, #tpu.memory_space<vmem>> -> memref<128xi32, #tpu.memory_space<vmem>>
    %dma_start3A_275 = arith.constant 0 : i32
    %dma_start3A_276 = arith.constant 0 : i32
    %dma_start3A_277 = tpu.memref_slice %arg16[%dma_start3A_275, %dma_start3A_276] : memref<10240x32xf32, #tpu.memory_space<vmem_shared>> -> memref<10240x32xf32, #tpu.memory_space<vmem_shared>>
    tpu.enqueue_indirect_dma source(%arg8 : memref<128x32xf32, #tpu.memory_space<vmem>>) target(%dma_start3A_277 : memref<10240x32xf32, #tpu.memory_space<vmem_shared>>) offsets(%dma_start3A_274 : memref<128xi32, #tpu.memory_space<vmem>>) semaphore(%arg25 : memref<!tpu.dma_semaphore, #tpu.memory_space<semaphore_mem>>) {add = true}
    %dma_start3A_278 = arith.constant 512 : i32
    %dma_start3A_279 = tpu.memref_slice %arg6[%dma_start3A_278] : memref<10240xi32, #tpu.memory_space<vmem>> -> memref<128xi32, #tpu.memory_space<vmem>>
    %dma_start3A_280 = arith.constant 0 : i32
    %dma_start3A_281 = arith.constant 0 : i32
    %dma_start3A_282 = tpu.memref_slice %arg2[%dma_start3A_280, %dma_start3A_281] : memref<10000x32xf32, #tpu.memory_space<hbm>> -> memref<10000x32xf32, #tpu.memory_space<hbm>>
    tpu.enqueue_indirect_dma source(%dma_start3A_282 : memref<10000x32xf32, #tpu.memory_space<hbm>>) target(%arg12 : memref<128x32xf32, #tpu.memory_space<vmem>>) offsets(%dma_start3A_279 : memref<128xi32, #tpu.memory_space<vmem>>) semaphore(%arg21 : memref<!tpu.dma_semaphore, #tpu.memory_space<semaphore_mem>>)
    %dma_wait3A_283 = arith.constant 128 : i32
    %dma_wait3A_284 = tpu.memref_slice %arg6[%dma_wait3A_283] : memref<10240xi32, #tpu.memory_space<vmem>> -> memref<128xi32, #tpu.memory_space<vmem>>
    %dma_wait3A_285 = arith.constant 0 : i32
    %dma_wait3A_286 = arith.constant 0 : i32
    %dma_wait3A_287 = tpu.memref_slice %arg2[%dma_wait3A_285, %dma_wait3A_286] : memref<10000x32xf32, #tpu.memory_space<hbm>> -> memref<10000x32xf32, #tpu.memory_space<hbm>>
    tpu.wait_indirect_dma semaphore(%arg18 : memref<!tpu.dma_semaphore, #tpu.memory_space<semaphore_mem>>) src(%dma_wait3A_287 : memref<10000x32xf32, #tpu.memory_space<hbm>>) dst(%arg9 : memref<128x32xf32, #tpu.memory_space<vmem>>)
    %dma_start3A_288 = arith.constant 128 : i32
    %dma_start3A_289 = tpu.memref_slice %arg7[%dma_start3A_288] : memref<10240xi32, #tpu.memory_space<vmem>> -> memref<128xi32, #tpu.memory_space<vmem>>
    %dma_start3A_290 = arith.constant 0 : i32
    %dma_start3A_291 = arith.constant 0 : i32
    %dma_start3A_292 = tpu.memref_slice %arg16[%dma_start3A_290, %dma_start3A_291] : memref<10240x32xf32, #tpu.memory_space<vmem_shared>> -> memref<10240x32xf32, #tpu.memory_space<vmem_shared>>
    tpu.enqueue_indirect_dma source(%arg9 : memref<128x32xf32, #tpu.memory_space<vmem>>) target(%dma_start3A_292 : memref<10240x32xf32, #tpu.memory_space<vmem_shared>>) offsets(%dma_start3A_289 : memref<128xi32, #tpu.memory_space<vmem>>) semaphore(%arg26 : memref<!tpu.dma_semaphore, #tpu.memory_space<semaphore_mem>>) {add = true}
    %dma_start3A_293 = arith.constant 640 : i32
    %dma_start3A_294 = tpu.memref_slice %arg6[%dma_start3A_293] : memref<10240xi32, #tpu.memory_space<vmem>> -> memref<128xi32, #tpu.memory_space<vmem>>
    %dma_start3A_295 = arith.constant 0 : i32
    %dma_start3A_296 = arith.constant 0 : i32
    %dma_start3A_297 = tpu.memref_slice %arg2[%dma_start3A_295, %dma_start3A_296] : memref<10000x32xf32, #tpu.memory_space<hbm>> -> memref<10000x32xf32, #tpu.memory_space<hbm>>
    tpu.enqueue_indirect_dma source(%dma_start3A_297 : memref<10000x32xf32, #tpu.memory_space<hbm>>) target(%arg13 : memref<128x32xf32, #tpu.memory_space<vmem>>) offsets(%dma_start3A_294 : memref<128xi32, #tpu.memory_space<vmem>>) semaphore(%arg22 : memref<!tpu.dma_semaphore, #tpu.memory_space<semaphore_mem>>)
    %dma_wait3A_298 = arith.constant 256 : i32
    %dma_wait3A_299 = tpu.memref_slice %arg6[%dma_wait3A_298] : memref<10240xi32, #tpu.memory_space<vmem>> -> memref<128xi32, #tpu.memory_space<vmem>>
    %dma_wait3A_300 = arith.constant 0 : i32
    %dma_wait3A_301 = arith.constant 0 : i32
    %dma_wait3A_302 = tpu.memref_slice %arg2[%dma_wait3A_300, %dma_wait3A_301] : memref<10000x32xf32, #tpu.memory_space<hbm>> -> memref<10000x32xf32, #tpu.memory_space<hbm>>
    tpu.wait_indirect_dma semaphore(%arg19 : memref<!tpu.dma_semaphore, #tpu.memory_space<semaphore_mem>>) src(%dma_wait3A_302 : memref<10000x32xf32, #tpu.memory_space<hbm>>) dst(%arg10 : memref<128x32xf32, #tpu.memory_space<vmem>>)
    %dma_start3A_303 = arith.constant 256 : i32
    %dma_start3A_304 = tpu.memref_slice %arg7[%dma_start3A_303] : memref<10240xi32, #tpu.memory_space<vmem>> -> memref<128xi32, #tpu.memory_space<vmem>>
    %dma_start3A_305 = arith.constant 0 : i32
    %dma_start3A_306 = arith.constant 0 : i32
    %dma_start3A_307 = tpu.memref_slice %arg16[%dma_start3A_305, %dma_start3A_306] : memref<10240x32xf32, #tpu.memory_space<vmem_shared>> -> memref<10240x32xf32, #tpu.memory_space<vmem_shared>>
    tpu.enqueue_indirect_dma source(%arg10 : memref<128x32xf32, #tpu.memory_space<vmem>>) target(%dma_start3A_307 : memref<10240x32xf32, #tpu.memory_space<vmem_shared>>) offsets(%dma_start3A_304 : memref<128xi32, #tpu.memory_space<vmem>>) semaphore(%arg27 : memref<!tpu.dma_semaphore, #tpu.memory_space<semaphore_mem>>) {add = true}
    %dma_start3A_308 = arith.constant 768 : i32
    %dma_start3A_309 = tpu.memref_slice %arg6[%dma_start3A_308] : memref<10240xi32, #tpu.memory_space<vmem>> -> memref<128xi32, #tpu.memory_space<vmem>>
    %dma_start3A_310 = arith.constant 0 : i32
    %dma_start3A_311 = arith.constant 0 : i32
    %dma_start3A_312 = tpu.memref_slice %arg2[%dma_start3A_310, %dma_start3A_311] : memref<10000x32xf32, #tpu.memory_space<hbm>> -> memref<10000x32xf32, #tpu.memory_space<hbm>>
    tpu.enqueue_indirect_dma source(%dma_start3A_312 : memref<10000x32xf32, #tpu.memory_space<hbm>>) target(%arg14 : memref<128x32xf32, #tpu.memory_space<vmem>>) offsets(%dma_start3A_309 : memref<128xi32, #tpu.memory_space<vmem>>) semaphore(%arg23 : memref<!tpu.dma_semaphore, #tpu.memory_space<semaphore_mem>>)
    %dma_wait3A_313 = arith.constant 384 : i32
    %dma_wait3A_314 = tpu.memref_slice %arg6[%dma_wait3A_313] : memref<10240xi32, #tpu.memory_space<vmem>> -> memref<128xi32, #tpu.memory_space<vmem>>
    %dma_wait3A_315 = arith.constant 0 : i32
    %dma_wait3A_316 = arith.constant 0 : i32
    %dma_wait3A_317 = tpu.memref_slice %arg2[%dma_wait3A_315, %dma_wait3A_316] : memref<10000x32xf32, #tpu.memory_space<hbm>> -> memref<10000x32xf32, #tpu.memory_space<hbm>>
    tpu.wait_indirect_dma semaphore(%arg20 : memref<!tpu.dma_semaphore, #tpu.memory_space<semaphore_mem>>) src(%dma_wait3A_317 : memref<10000x32xf32, #tpu.memory_space<hbm>>) dst(%arg11 : memref<128x32xf32, #tpu.memory_space<vmem>>)
    %dma_start3A_318 = arith.constant 384 : i32
    %dma_start3A_319 = tpu.memref_slice %arg7[%dma_start3A_318] : memref<10240xi32, #tpu.memory_space<vmem>> -> memref<128xi32, #tpu.memory_space<vmem>>
    %dma_start3A_320 = arith.constant 0 : i32
    %dma_start3A_321 = arith.constant 0 : i32
    %dma_start3A_322 = tpu.memref_slice %arg16[%dma_start3A_320, %dma_start3A_321] : memref<10240x32xf32, #tpu.memory_space<vmem_shared>> -> memref<10240x32xf32, #tpu.memory_space<vmem_shared>>
    tpu.enqueue_indirect_dma source(%arg11 : memref<128x32xf32, #tpu.memory_space<vmem>>) target(%dma_start3A_322 : memref<10240x32xf32, #tpu.memory_space<vmem_shared>>) offsets(%dma_start3A_319 : memref<128xi32, #tpu.memory_space<vmem>>) semaphore(%arg28 : memref<!tpu.dma_semaphore, #tpu.memory_space<semaphore_mem>>) {add = true}
    %dma_start3A_323 = arith.constant 896 : i32
    %dma_start3A_324 = tpu.memref_slice %arg6[%dma_start3A_323] : memref<10240xi32, #tpu.memory_space<vmem>> -> memref<128xi32, #tpu.memory_space<vmem>>
    %dma_start3A_325 = arith.constant 0 : i32
    %dma_start3A_326 = arith.constant 0 : i32
    %dma_start3A_327 = tpu.memref_slice %arg2[%dma_start3A_325, %dma_start3A_326] : memref<10000x32xf32, #tpu.memory_space<hbm>> -> memref<10000x32xf32, #tpu.memory_space<hbm>>
    tpu.enqueue_indirect_dma source(%dma_start3A_327 : memref<10000x32xf32, #tpu.memory_space<hbm>>) target(%arg15 : memref<128x32xf32, #tpu.memory_space<vmem>>) offsets(%dma_start3A_324 : memref<128xi32, #tpu.memory_space<vmem>>) semaphore(%arg24 : memref<!tpu.dma_semaphore, #tpu.memory_space<semaphore_mem>>)
    %scan3A = arith.constant 0 : i32
    %scan3A_328 = arith.constant 0 : i32
    %scan3A_329 = arith.constant 9 : i32
    %scan3A_330 = arith.addi %scan3A_328, %scan3A_329 : i32
    %scan3A_331 = arith.constant 1 : i32
    scf.for %scan3A_424 = %scan3A_328 to %scan3A_330 step %scan3A_331  : i32 {
      %mul3A_425 = arith.constant 8 : i32
      %mul3A_426 = arith.muli %mul3A_425, %scan3A_424 : i32
      %add3A_427 = arith.constant 4 : i32
      %add3A_428 = arith.addi %mul3A_426, %add3A_427 : i32
      %add3A_429 = arith.constant 0 : i32
      %add3A_430 = arith.addi %add3A_428, %add3A_429 : i32
      %mul3A_431 = arith.constant 128 : i32
      %mul3A_432 = arith.muli %add3A_430, %mul3A_431 : i32
      %dma_wait3A_433 = tpu.memref_slice %arg6[%mul3A_432] : memref<10240xi32, #tpu.memory_space<vmem>> -> memref<128xi32, #tpu.memory_space<vmem>>
      %dma_wait3A_434 = arith.constant 0 : i32
      %dma_wait3A_435 = arith.constant 0 : i32
      %dma_wait3A_436 = tpu.memref_slice %arg2[%dma_wait3A_434, %dma_wait3A_435] : memref<10000x32xf32, #tpu.memory_space<hbm>> -> memref<10000x32xf32, #tpu.memory_space<hbm>>
      tpu.wait_indirect_dma semaphore(%arg21 : memref<!tpu.dma_semaphore, #tpu.memory_space<semaphore_mem>>) src(%dma_wait3A_436 : memref<10000x32xf32, #tpu.memory_space<hbm>>) dst(%arg12 : memref<128x32xf32, #tpu.memory_space<vmem>>)
      %mul3A_437 = arith.constant 128 : i32
      %mul3A_438 = arith.muli %add3A_430, %mul3A_437 : i32
      %dma_start3A_439 = tpu.memref_slice %arg7[%mul3A_438] : memref<10240xi32, #tpu.memory_space<vmem>> -> memref<128xi32, #tpu.memory_space<vmem>>
      %dma_start3A_440 = arith.constant 0 : i32
      %dma_start3A_441 = arith.constant 0 : i32
      %dma_start3A_442 = tpu.memref_slice %arg16[%dma_start3A_440, %dma_start3A_441] : memref<10240x32xf32, #tpu.memory_space<vmem_shared>> -> memref<10240x32xf32, #tpu.memory_space<vmem_shared>>
      tpu.enqueue_indirect_dma source(%arg12 : memref<128x32xf32, #tpu.memory_space<vmem>>) target(%dma_start3A_442 : memref<10240x32xf32, #tpu.memory_space<vmem_shared>>) offsets(%dma_start3A_439 : memref<128xi32, #tpu.memory_space<vmem>>) semaphore(%arg29 : memref<!tpu.dma_semaphore, #tpu.memory_space<semaphore_mem>>) {add = true}
      %sub3A = arith.constant 4 : i32
      %sub3A_443 = arith.subi %add3A_430, %sub3A : i32
      %mul3A_444 = arith.constant 128 : i32
      %mul3A_445 = arith.muli %sub3A_443, %mul3A_444 : i32
      %dma_wait3A_446 = tpu.memref_slice %arg7[%mul3A_445] : memref<10240xi32, #tpu.memory_space<vmem>> -> memref<128xi32, #tpu.memory_space<vmem>>
      %dma_wait3A_447 = arith.constant 0 : i32
      %dma_wait3A_448 = arith.constant 0 : i32
      %dma_wait3A_449 = tpu.memref_slice %arg16[%dma_wait3A_447, %dma_wait3A_448] : memref<10240x32xf32, #tpu.memory_space<vmem_shared>> -> memref<10240x32xf32, #tpu.memory_space<vmem_shared>>
      tpu.wait_indirect_dma semaphore(%arg25 : memref<!tpu.dma_semaphore, #tpu.memory_space<semaphore_mem>>) src(%arg8 : memref<128x32xf32, #tpu.memory_space<vmem>>) dst(%dma_wait3A_449 : memref<10240x32xf32, #tpu.memory_space<vmem_shared>>)
      %add3A_450 = arith.constant 4 : i32
      %add3A_451 = arith.addi %add3A_430, %add3A_450 : i32
      %mul3A_452 = arith.constant 128 : i32
      %mul3A_453 = arith.muli %add3A_451, %mul3A_452 : i32
      %dma_start3A_454 = tpu.memref_slice %arg6[%mul3A_453] : memref<10240xi32, #tpu.memory_space<vmem>> -> memref<128xi32, #tpu.memory_space<vmem>>
      %dma_start3A_455 = arith.constant 0 : i32
      %dma_start3A_456 = arith.constant 0 : i32
      %dma_start3A_457 = tpu.memref_slice %arg2[%dma_start3A_455, %dma_start3A_456] : memref<10000x32xf32, #tpu.memory_space<hbm>> -> memref<10000x32xf32, #tpu.memory_space<hbm>>
      tpu.enqueue_indirect_dma source(%dma_start3A_457 : memref<10000x32xf32, #tpu.memory_space<hbm>>) target(%arg8 : memref<128x32xf32, #tpu.memory_space<vmem>>) offsets(%dma_start3A_454 : memref<128xi32, #tpu.memory_space<vmem>>) semaphore(%arg17 : memref<!tpu.dma_semaphore, #tpu.memory_space<semaphore_mem>>)
      %mul3A_458 = arith.constant 8 : i32
      %mul3A_459 = arith.muli %mul3A_458, %scan3A_424 : i32
      %add3A_460 = arith.constant 4 : i32
      %add3A_461 = arith.addi %mul3A_459, %add3A_460 : i32
      %add3A_462 = arith.constant 1 : i32
      %add3A_463 = arith.addi %add3A_461, %add3A_462 : i32
      %mul3A_464 = arith.constant 128 : i32
      %mul3A_465 = arith.muli %add3A_463, %mul3A_464 : i32
      %dma_wait3A_466 = tpu.memref_slice %arg6[%mul3A_465] : memref<10240xi32, #tpu.memory_space<vmem>> -> memref<128xi32, #tpu.memory_space<vmem>>
      %dma_wait3A_467 = arith.constant 0 : i32
      %dma_wait3A_468 = arith.constant 0 : i32
      %dma_wait3A_469 = tpu.memref_slice %arg2[%dma_wait3A_467, %dma_wait3A_468] : memref<10000x32xf32, #tpu.memory_space<hbm>> -> memref<10000x32xf32, #tpu.memory_space<hbm>>
      tpu.wait_indirect_dma semaphore(%arg22 : memref<!tpu.dma_semaphore, #tpu.memory_space<semaphore_mem>>) src(%dma_wait3A_469 : memref<10000x32xf32, #tpu.memory_space<hbm>>) dst(%arg13 : memref<128x32xf32, #tpu.memory_space<vmem>>)
      %mul3A_470 = arith.constant 128 : i32
      %mul3A_471 = arith.muli %add3A_463, %mul3A_470 : i32
      %dma_start3A_472 = tpu.memref_slice %arg7[%mul3A_471] : memref<10240xi32, #tpu.memory_space<vmem>> -> memref<128xi32, #tpu.memory_space<vmem>>
      %dma_start3A_473 = arith.constant 0 : i32
      %dma_start3A_474 = arith.constant 0 : i32
      %dma_start3A_475 = tpu.memref_slice %arg16[%dma_start3A_473, %dma_start3A_474] : memref<10240x32xf32, #tpu.memory_space<vmem_shared>> -> memref<10240x32xf32, #tpu.memory_space<vmem_shared>>
      tpu.enqueue_indirect_dma source(%arg13 : memref<128x32xf32, #tpu.memory_space<vmem>>) target(%dma_start3A_475 : memref<10240x32xf32, #tpu.memory_space<vmem_shared>>) offsets(%dma_start3A_472 : memref<128xi32, #tpu.memory_space<vmem>>) semaphore(%arg30 : memref<!tpu.dma_semaphore, #tpu.memory_space<semaphore_mem>>) {add = true}
      %sub3A_476 = arith.constant 4 : i32
      %sub3A_477 = arith.subi %add3A_463, %sub3A_476 : i32
      %mul3A_478 = arith.constant 128 : i32
      %mul3A_479 = arith.muli %sub3A_477, %mul3A_478 : i32
      %dma_wait3A_480 = tpu.memref_slice %arg7[%mul3A_479] : memref<10240xi32, #tpu.memory_space<vmem>> -> memref<128xi32, #tpu.memory_space<vmem>>
      %dma_wait3A_481 = arith.constant 0 : i32
      %dma_wait3A_482 = arith.constant 0 : i32
      %dma_wait3A_483 = tpu.memref_slice %arg16[%dma_wait3A_481, %dma_wait3A_482] : memref<10240x32xf32, #tpu.memory_space<vmem_shared>> -> memref<10240x32xf32, #tpu.memory_space<vmem_shared>>
      tpu.wait_indirect_dma semaphore(%arg26 : memref<!tpu.dma_semaphore, #tpu.memory_space<semaphore_mem>>) src(%arg9 : memref<128x32xf32, #tpu.memory_space<vmem>>) dst(%dma_wait3A_483 : memref<10240x32xf32, #tpu.memory_space<vmem_shared>>)
      %add3A_484 = arith.constant 4 : i32
      %add3A_485 = arith.addi %add3A_463, %add3A_484 : i32
      %mul3A_486 = arith.constant 128 : i32
      %mul3A_487 = arith.muli %add3A_485, %mul3A_486 : i32
      %dma_start3A_488 = tpu.memref_slice %arg6[%mul3A_487] : memref<10240xi32, #tpu.memory_space<vmem>> -> memref<128xi32, #tpu.memory_space<vmem>>
      %dma_start3A_489 = arith.constant 0 : i32
      %dma_start3A_490 = arith.constant 0 : i32
      %dma_start3A_491 = tpu.memref_slice %arg2[%dma_start3A_489, %dma_start3A_490] : memref<10000x32xf32, #tpu.memory_space<hbm>> -> memref<10000x32xf32, #tpu.memory_space<hbm>>
      tpu.enqueue_indirect_dma source(%dma_start3A_491 : memref<10000x32xf32, #tpu.memory_space<hbm>>) target(%arg9 : memref<128x32xf32, #tpu.memory_space<vmem>>) offsets(%dma_start3A_488 : memref<128xi32, #tpu.memory_space<vmem>>) semaphore(%arg18 : memref<!tpu.dma_semaphore, #tpu.memory_space<semaphore_mem>>)
      %mul3A_492 = arith.constant 8 : i32
      %mul3A_493 = arith.muli %mul3A_492, %scan3A_424 : i32
      %add3A_494 = arith.constant 4 : i32
      %add3A_495 = arith.addi %mul3A_493, %add3A_494 : i32
      %add3A_496 = arith.constant 2 : i32
      %add3A_497 = arith.addi %add3A_495, %add3A_496 : i32
      %mul3A_498 = arith.constant 128 : i32
      %mul3A_499 = arith.muli %add3A_497, %mul3A_498 : i32
      %dma_wait3A_500 = tpu.memref_slice %arg6[%mul3A_499] : memref<10240xi32, #tpu.memory_space<vmem>> -> memref<128xi32, #tpu.memory_space<vmem>>
      %dma_wait3A_501 = arith.constant 0 : i32
      %dma_wait3A_502 = arith.constant 0 : i32
      %dma_wait3A_503 = tpu.memref_slice %arg2[%dma_wait3A_501, %dma_wait3A_502] : memref<10000x32xf32, #tpu.memory_space<hbm>> -> memref<10000x32xf32, #tpu.memory_space<hbm>>
      tpu.wait_indirect_dma semaphore(%arg23 : memref<!tpu.dma_semaphore, #tpu.memory_space<semaphore_mem>>) src(%dma_wait3A_503 : memref<10000x32xf32, #tpu.memory_space<hbm>>) dst(%arg14 : memref<128x32xf32, #tpu.memory_space<vmem>>)
      %mul3A_504 = arith.constant 128 : i32
      %mul3A_505 = arith.muli %add3A_497, %mul3A_504 : i32
      %dma_start3A_506 = tpu.memref_slice %arg7[%mul3A_505] : memref<10240xi32, #tpu.memory_space<vmem>> -> memref<128xi32, #tpu.memory_space<vmem>>
      %dma_start3A_507 = arith.constant 0 : i32
      %dma_start3A_508 = arith.constant 0 : i32
      %dma_start3A_509 = tpu.memref_slice %arg16[%dma_start3A_507, %dma_start3A_508] : memref<10240x32xf32, #tpu.memory_space<vmem_shared>> -> memref<10240x32xf32, #tpu.memory_space<vmem_shared>>
      tpu.enqueue_indirect_dma source(%arg14 : memref<128x32xf32, #tpu.memory_space<vmem>>) target(%dma_start3A_509 : memref<10240x32xf32, #tpu.memory_space<vmem_shared>>) offsets(%dma_start3A_506 : memref<128xi32, #tpu.memory_space<vmem>>) semaphore(%arg31 : memref<!tpu.dma_semaphore, #tpu.memory_space<semaphore_mem>>) {add = true}
      %sub3A_510 = arith.constant 4 : i32
      %sub3A_511 = arith.subi %add3A_497, %sub3A_510 : i32
      %mul3A_512 = arith.constant 128 : i32
      %mul3A_513 = arith.muli %sub3A_511, %mul3A_512 : i32
      %dma_wait3A_514 = tpu.memref_slice %arg7[%mul3A_513] : memref<10240xi32, #tpu.memory_space<vmem>> -> memref<128xi32, #tpu.memory_space<vmem>>
      %dma_wait3A_515 = arith.constant 0 : i32
      %dma_wait3A_516 = arith.constant 0 : i32
      %dma_wait3A_517 = tpu.memref_slice %arg16[%dma_wait3A_515, %dma_wait3A_516] : memref<10240x32xf32, #tpu.memory_space<vmem_shared>> -> memref<10240x32xf32, #tpu.memory_space<vmem_shared>>
      tpu.wait_indirect_dma semaphore(%arg27 : memref<!tpu.dma_semaphore, #tpu.memory_space<semaphore_mem>>) src(%arg10 : memref<128x32xf32, #tpu.memory_space<vmem>>) dst(%dma_wait3A_517 : memref<10240x32xf32, #tpu.memory_space<vmem_shared>>)
      %add3A_518 = arith.constant 4 : i32
      %add3A_519 = arith.addi %add3A_497, %add3A_518 : i32
      %mul3A_520 = arith.constant 128 : i32
      %mul3A_521 = arith.muli %add3A_519, %mul3A_520 : i32
      %dma_start3A_522 = tpu.memref_slice %arg6[%mul3A_521] : memref<10240xi32, #tpu.memory_space<vmem>> -> memref<128xi32, #tpu.memory_space<vmem>>
      %dma_start3A_523 = arith.constant 0 : i32
      %dma_start3A_524 = arith.constant 0 : i32
      %dma_start3A_525 = tpu.memref_slice %arg2[%dma_start3A_523, %dma_start3A_524] : memref<10000x32xf32, #tpu.memory_space<hbm>> -> memref<10000x32xf32, #tpu.memory_space<hbm>>
      tpu.enqueue_indirect_dma source(%dma_start3A_525 : memref<10000x32xf32, #tpu.memory_space<hbm>>) target(%arg10 : memref<128x32xf32, #tpu.memory_space<vmem>>) offsets(%dma_start3A_522 : memref<128xi32, #tpu.memory_space<vmem>>) semaphore(%arg19 : memref<!tpu.dma_semaphore, #tpu.memory_space<semaphore_mem>>)
      %mul3A_526 = arith.constant 8 : i32
      %mul3A_527 = arith.muli %mul3A_526, %scan3A_424 : i32
      %add3A_528 = arith.constant 4 : i32
      %add3A_529 = arith.addi %mul3A_527, %add3A_528 : i32
      %add3A_530 = arith.constant 3 : i32
      %add3A_531 = arith.addi %add3A_529, %add3A_530 : i32
      %mul3A_532 = arith.constant 128 : i32
      %mul3A_533 = arith.muli %add3A_531, %mul3A_532 : i32
      %dma_wait3A_534 = tpu.memref_slice %arg6[%mul3A_533] : memref<10240xi32, #tpu.memory_space<vmem>> -> memref<128xi32, #tpu.memory_space<vmem>>
      %dma_wait3A_535 = arith.constant 0 : i32
      %dma_wait3A_536 = arith.constant 0 : i32
      %dma_wait3A_537 = tpu.memref_slice %arg2[%dma_wait3A_535, %dma_wait3A_536] : memref<10000x32xf32, #tpu.memory_space<hbm>> -> memref<10000x32xf32, #tpu.memory_space<hbm>>
      tpu.wait_indirect_dma semaphore(%arg24 : memref<!tpu.dma_semaphore, #tpu.memory_space<semaphore_mem>>) src(%dma_wait3A_537 : memref<10000x32xf32, #tpu.memory_space<hbm>>) dst(%arg15 : memref<128x32xf32, #tpu.memory_space<vmem>>)
      %mul3A_538 = arith.constant 128 : i32
      %mul3A_539 = arith.muli %add3A_531, %mul3A_538 : i32
      %dma_start3A_540 = tpu.memref_slice %arg7[%mul3A_539] : memref<10240xi32, #tpu.memory_space<vmem>> -> memref<128xi32, #tpu.memory_space<vmem>>
      %dma_start3A_541 = arith.constant 0 : i32
      %dma_start3A_542 = arith.constant 0 : i32
      %dma_start3A_543 = tpu.memref_slice %arg16[%dma_start3A_541, %dma_start3A_542] : memref<10240x32xf32, #tpu.memory_space<vmem_shared>> -> memref<10240x32xf32, #tpu.memory_space<vmem_shared>>
      tpu.enqueue_indirect_dma source(%arg15 : memref<128x32xf32, #tpu.memory_space<vmem>>) target(%dma_start3A_543 : memref<10240x32xf32, #tpu.memory_space<vmem_shared>>) offsets(%dma_start3A_540 : memref<128xi32, #tpu.memory_space<vmem>>) semaphore(%arg32 : memref<!tpu.dma_semaphore, #tpu.memory_space<semaphore_mem>>) {add = true}
      %sub3A_544 = arith.constant 4 : i32
      %sub3A_545 = arith.subi %add3A_531, %sub3A_544 : i32
      %mul3A_546 = arith.constant 128 : i32
      %mul3A_547 = arith.muli %sub3A_545, %mul3A_546 : i32
      %dma_wait3A_548 = tpu.memref_slice %arg7[%mul3A_547] : memref<10240xi32, #tpu.memory_space<vmem>> -> memref<128xi32, #tpu.memory_space<vmem>>
      %dma_wait3A_549 = arith.constant 0 : i32
      %dma_wait3A_550 = arith.constant 0 : i32
      %dma_wait3A_551 = tpu.memref_slice %arg16[%dma_wait3A_549, %dma_wait3A_550] : memref<10240x32xf32, #tpu.memory_space<vmem_shared>> -> memref<10240x32xf32, #tpu.memory_space<vmem_shared>>
      tpu.wait_indirect_dma semaphore(%arg28 : memref<!tpu.dma_semaphore, #tpu.memory_space<semaphore_mem>>) src(%arg11 : memref<128x32xf32, #tpu.memory_space<vmem>>) dst(%dma_wait3A_551 : memref<10240x32xf32, #tpu.memory_space<vmem_shared>>)
      %add3A_552 = arith.constant 4 : i32
      %add3A_553 = arith.addi %add3A_531, %add3A_552 : i32
      %mul3A_554 = arith.constant 128 : i32
      %mul3A_555 = arith.muli %add3A_553, %mul3A_554 : i32
      %dma_start3A_556 = tpu.memref_slice %arg6[%mul3A_555] : memref<10240xi32, #tpu.memory_space<vmem>> -> memref<128xi32, #tpu.memory_space<vmem>>
      %dma_start3A_557 = arith.constant 0 : i32
      %dma_start3A_558 = arith.constant 0 : i32
      %dma_start3A_559 = tpu.memref_slice %arg2[%dma_start3A_557, %dma_start3A_558] : memref<10000x32xf32, #tpu.memory_space<hbm>> -> memref<10000x32xf32, #tpu.memory_space<hbm>>
      tpu.enqueue_indirect_dma source(%dma_start3A_559 : memref<10000x32xf32, #tpu.memory_space<hbm>>) target(%arg11 : memref<128x32xf32, #tpu.memory_space<vmem>>) offsets(%dma_start3A_556 : memref<128xi32, #tpu.memory_space<vmem>>) semaphore(%arg20 : memref<!tpu.dma_semaphore, #tpu.memory_space<semaphore_mem>>)
      %mul3A_560 = arith.constant 8 : i32
      %mul3A_561 = arith.muli %mul3A_560, %scan3A_424 : i32
      %add3A_562 = arith.constant 4 : i32
      %add3A_563 = arith.addi %mul3A_561, %add3A_562 : i32
      %add3A_564 = arith.constant 4 : i32
      %add3A_565 = arith.addi %add3A_563, %add3A_564 : i32
      %mul3A_566 = arith.constant 128 : i32
      %mul3A_567 = arith.muli %add3A_565, %mul3A_566 : i32
      %dma_wait3A_568 = tpu.memref_slice %arg6[%mul3A_567] : memref<10240xi32, #tpu.memory_space<vmem>> -> memref<128xi32, #tpu.memory_space<vmem>>
      %dma_wait3A_569 = arith.constant 0 : i32
      %dma_wait3A_570 = arith.constant 0 : i32
      %dma_wait3A_571 = tpu.memref_slice %arg2[%dma_wait3A_569, %dma_wait3A_570] : memref<10000x32xf32, #tpu.memory_space<hbm>> -> memref<10000x32xf32, #tpu.memory_space<hbm>>
      tpu.wait_indirect_dma semaphore(%arg17 : memref<!tpu.dma_semaphore, #tpu.memory_space<semaphore_mem>>) src(%dma_wait3A_571 : memref<10000x32xf32, #tpu.memory_space<hbm>>) dst(%arg8 : memref<128x32xf32, #tpu.memory_space<vmem>>)
      %mul3A_572 = arith.constant 128 : i32
      %mul3A_573 = arith.muli %add3A_565, %mul3A_572 : i32
      %dma_start3A_574 = tpu.memref_slice %arg7[%mul3A_573] : memref<10240xi32, #tpu.memory_space<vmem>> -> memref<128xi32, #tpu.memory_space<vmem>>
      %dma_start3A_575 = arith.constant 0 : i32
      %dma_start3A_576 = arith.constant 0 : i32
      %dma_start3A_577 = tpu.memref_slice %arg16[%dma_start3A_575, %dma_start3A_576] : memref<10240x32xf32, #tpu.memory_space<vmem_shared>> -> memref<10240x32xf32, #tpu.memory_space<vmem_shared>>
      tpu.enqueue_indirect_dma source(%arg8 : memref<128x32xf32, #tpu.memory_space<vmem>>) target(%dma_start3A_577 : memref<10240x32xf32, #tpu.memory_space<vmem_shared>>) offsets(%dma_start3A_574 : memref<128xi32, #tpu.memory_space<vmem>>) semaphore(%arg25 : memref<!tpu.dma_semaphore, #tpu.memory_space<semaphore_mem>>) {add = true}
      %sub3A_578 = arith.constant 4 : i32
      %sub3A_579 = arith.subi %add3A_565, %sub3A_578 : i32
      %mul3A_580 = arith.constant 128 : i32
      %mul3A_581 = arith.muli %sub3A_579, %mul3A_580 : i32
      %dma_wait3A_582 = tpu.memref_slice %arg7[%mul3A_581] : memref<10240xi32, #tpu.memory_space<vmem>> -> memref<128xi32, #tpu.memory_space<vmem>>
      %dma_wait3A_583 = arith.constant 0 : i32
      %dma_wait3A_584 = arith.constant 0 : i32
      %dma_wait3A_585 = tpu.memref_slice %arg16[%dma_wait3A_583, %dma_wait3A_584] : memref<10240x32xf32, #tpu.memory_space<vmem_shared>> -> memref<10240x32xf32, #tpu.memory_space<vmem_shared>>
      tpu.wait_indirect_dma semaphore(%arg29 : memref<!tpu.dma_semaphore, #tpu.memory_space<semaphore_mem>>) src(%arg12 : memref<128x32xf32, #tpu.memory_space<vmem>>) dst(%dma_wait3A_585 : memref<10240x32xf32, #tpu.memory_space<vmem_shared>>)
      %add3A_586 = arith.constant 4 : i32
      %add3A_587 = arith.addi %add3A_565, %add3A_586 : i32
      %mul3A_588 = arith.constant 128 : i32
      %mul3A_589 = arith.muli %add3A_587, %mul3A_588 : i32
      %dma_start3A_590 = tpu.memref_slice %arg6[%mul3A_589] : memref<10240xi32, #tpu.memory_space<vmem>> -> memref<128xi32, #tpu.memory_space<vmem>>
      %dma_start3A_591 = arith.constant 0 : i32
      %dma_start3A_592 = arith.constant 0 : i32
      %dma_start3A_593 = tpu.memref_slice %arg2[%dma_start3A_591, %dma_start3A_592] : memref<10000x32xf32, #tpu.memory_space<hbm>> -> memref<10000x32xf32, #tpu.memory_space<hbm>>
      tpu.enqueue_indirect_dma source(%dma_start3A_593 : memref<10000x32xf32, #tpu.memory_space<hbm>>) target(%arg12 : memref<128x32xf32, #tpu.memory_space<vmem>>) offsets(%dma_start3A_590 : memref<128xi32, #tpu.memory_space<vmem>>) semaphore(%arg21 : memref<!tpu.dma_semaphore, #tpu.memory_space<semaphore_mem>>)
      %mul3A_594 = arith.constant 8 : i32
      %mul3A_595 = arith.muli %mul3A_594, %scan3A_424 : i32
      %add3A_596 = arith.constant 4 : i32
      %add3A_597 = arith.addi %mul3A_595, %add3A_596 : i32
      %add3A_598 = arith.constant 5 : i32
      %add3A_599 = arith.addi %add3A_597, %add3A_598 : i32
      %mul3A_600 = arith.constant 128 : i32
      %mul3A_601 = arith.muli %add3A_599, %mul3A_600 : i32
      %dma_wait3A_602 = tpu.memref_slice %arg6[%mul3A_601] : memref<10240xi32, #tpu.memory_space<vmem>> -> memref<128xi32, #tpu.memory_space<vmem>>
      %dma_wait3A_603 = arith.constant 0 : i32
      %dma_wait3A_604 = arith.constant 0 : i32
      %dma_wait3A_605 = tpu.memref_slice %arg2[%dma_wait3A_603, %dma_wait3A_604] : memref<10000x32xf32, #tpu.memory_space<hbm>> -> memref<10000x32xf32, #tpu.memory_space<hbm>>
      tpu.wait_indirect_dma semaphore(%arg18 : memref<!tpu.dma_semaphore, #tpu.memory_space<semaphore_mem>>) src(%dma_wait3A_605 : memref<10000x32xf32, #tpu.memory_space<hbm>>) dst(%arg9 : memref<128x32xf32, #tpu.memory_space<vmem>>)
      %mul3A_606 = arith.constant 128 : i32
      %mul3A_607 = arith.muli %add3A_599, %mul3A_606 : i32
      %dma_start3A_608 = tpu.memref_slice %arg7[%mul3A_607] : memref<10240xi32, #tpu.memory_space<vmem>> -> memref<128xi32, #tpu.memory_space<vmem>>
      %dma_start3A_609 = arith.constant 0 : i32
      %dma_start3A_610 = arith.constant 0 : i32
      %dma_start3A_611 = tpu.memref_slice %arg16[%dma_start3A_609, %dma_start3A_610] : memref<10240x32xf32, #tpu.memory_space<vmem_shared>> -> memref<10240x32xf32, #tpu.memory_space<vmem_shared>>
      tpu.enqueue_indirect_dma source(%arg9 : memref<128x32xf32, #tpu.memory_space<vmem>>) target(%dma_start3A_611 : memref<10240x32xf32, #tpu.memory_space<vmem_shared>>) offsets(%dma_start3A_608 : memref<128xi32, #tpu.memory_space<vmem>>) semaphore(%arg26 : memref<!tpu.dma_semaphore, #tpu.memory_space<semaphore_mem>>) {add = true}
      %sub3A_612 = arith.constant 4 : i32
      %sub3A_613 = arith.subi %add3A_599, %sub3A_612 : i32
      %mul3A_614 = arith.constant 128 : i32
      %mul3A_615 = arith.muli %sub3A_613, %mul3A_614 : i32
      %dma_wait3A_616 = tpu.memref_slice %arg7[%mul3A_615] : memref<10240xi32, #tpu.memory_space<vmem>> -> memref<128xi32, #tpu.memory_space<vmem>>
      %dma_wait3A_617 = arith.constant 0 : i32
      %dma_wait3A_618 = arith.constant 0 : i32
      %dma_wait3A_619 = tpu.memref_slice %arg16[%dma_wait3A_617, %dma_wait3A_618] : memref<10240x32xf32, #tpu.memory_space<vmem_shared>> -> memref<10240x32xf32, #tpu.memory_space<vmem_shared>>
      tpu.wait_indirect_dma semaphore(%arg30 : memref<!tpu.dma_semaphore, #tpu.memory_space<semaphore_mem>>) src(%arg13 : memref<128x32xf32, #tpu.memory_space<vmem>>) dst(%dma_wait3A_619 : memref<10240x32xf32, #tpu.memory_space<vmem_shared>>)
      %add3A_620 = arith.constant 4 : i32
      %add3A_621 = arith.addi %add3A_599, %add3A_620 : i32
      %mul3A_622 = arith.constant 128 : i32
      %mul3A_623 = arith.muli %add3A_621, %mul3A_622 : i32
      %dma_start3A_624 = tpu.memref_slice %arg6[%mul3A_623] : memref<10240xi32, #tpu.memory_space<vmem>> -> memref<128xi32, #tpu.memory_space<vmem>>
      %dma_start3A_625 = arith.constant 0 : i32
      %dma_start3A_626 = arith.constant 0 : i32
      %dma_start3A_627 = tpu.memref_slice %arg2[%dma_start3A_625, %dma_start3A_626] : memref<10000x32xf32, #tpu.memory_space<hbm>> -> memref<10000x32xf32, #tpu.memory_space<hbm>>
      tpu.enqueue_indirect_dma source(%dma_start3A_627 : memref<10000x32xf32, #tpu.memory_space<hbm>>) target(%arg13 : memref<128x32xf32, #tpu.memory_space<vmem>>) offsets(%dma_start3A_624 : memref<128xi32, #tpu.memory_space<vmem>>) semaphore(%arg22 : memref<!tpu.dma_semaphore, #tpu.memory_space<semaphore_mem>>)
      %mul3A_628 = arith.constant 8 : i32
      %mul3A_629 = arith.muli %mul3A_628, %scan3A_424 : i32
      %add3A_630 = arith.constant 4 : i32
      %add3A_631 = arith.addi %mul3A_629, %add3A_630 : i32
      %add3A_632 = arith.constant 6 : i32
      %add3A_633 = arith.addi %add3A_631, %add3A_632 : i32
      %mul3A_634 = arith.constant 128 : i32
      %mul3A_635 = arith.muli %add3A_633, %mul3A_634 : i32
      %dma_wait3A_636 = tpu.memref_slice %arg6[%mul3A_635] : memref<10240xi32, #tpu.memory_space<vmem>> -> memref<128xi32, #tpu.memory_space<vmem>>
      %dma_wait3A_637 = arith.constant 0 : i32
      %dma_wait3A_638 = arith.constant 0 : i32
      %dma_wait3A_639 = tpu.memref_slice %arg2[%dma_wait3A_637, %dma_wait3A_638] : memref<10000x32xf32, #tpu.memory_space<hbm>> -> memref<10000x32xf32, #tpu.memory_space<hbm>>
      tpu.wait_indirect_dma semaphore(%arg19 : memref<!tpu.dma_semaphore, #tpu.memory_space<semaphore_mem>>) src(%dma_wait3A_639 : memref<10000x32xf32, #tpu.memory_space<hbm>>) dst(%arg10 : memref<128x32xf32, #tpu.memory_space<vmem>>)
      %mul3A_640 = arith.constant 128 : i32
      %mul3A_641 = arith.muli %add3A_633, %mul3A_640 : i32
      %dma_start3A_642 = tpu.memref_slice %arg7[%mul3A_641] : memref<10240xi32, #tpu.memory_space<vmem>> -> memref<128xi32, #tpu.memory_space<vmem>>
      %dma_start3A_643 = arith.constant 0 : i32
      %dma_start3A_644 = arith.constant 0 : i32
      %dma_start3A_645 = tpu.memref_slice %arg16[%dma_start3A_643, %dma_start3A_644] : memref<10240x32xf32, #tpu.memory_space<vmem_shared>> -> memref<10240x32xf32, #tpu.memory_space<vmem_shared>>
      tpu.enqueue_indirect_dma source(%arg10 : memref<128x32xf32, #tpu.memory_space<vmem>>) target(%dma_start3A_645 : memref<10240x32xf32, #tpu.memory_space<vmem_shared>>) offsets(%dma_start3A_642 : memref<128xi32, #tpu.memory_space<vmem>>) semaphore(%arg27 : memref<!tpu.dma_semaphore, #tpu.memory_space<semaphore_mem>>) {add = true}
      %sub3A_646 = arith.constant 4 : i32
      %sub3A_647 = arith.subi %add3A_633, %sub3A_646 : i32
      %mul3A_648 = arith.constant 128 : i32
      %mul3A_649 = arith.muli %sub3A_647, %mul3A_648 : i32
      %dma_wait3A_650 = tpu.memref_slice %arg7[%mul3A_649] : memref<10240xi32, #tpu.memory_space<vmem>> -> memref<128xi32, #tpu.memory_space<vmem>>
      %dma_wait3A_651 = arith.constant 0 : i32
      %dma_wait3A_652 = arith.constant 0 : i32
      %dma_wait3A_653 = tpu.memref_slice %arg16[%dma_wait3A_651, %dma_wait3A_652] : memref<10240x32xf32, #tpu.memory_space<vmem_shared>> -> memref<10240x32xf32, #tpu.memory_space<vmem_shared>>
      tpu.wait_indirect_dma semaphore(%arg31 : memref<!tpu.dma_semaphore, #tpu.memory_space<semaphore_mem>>) src(%arg14 : memref<128x32xf32, #tpu.memory_space<vmem>>) dst(%dma_wait3A_653 : memref<10240x32xf32, #tpu.memory_space<vmem_shared>>)
      %add3A_654 = arith.constant 4 : i32
      %add3A_655 = arith.addi %add3A_633, %add3A_654 : i32
      %mul3A_656 = arith.constant 128 : i32
      %mul3A_657 = arith.muli %add3A_655, %mul3A_656 : i32
      %dma_start3A_658 = tpu.memref_slice %arg6[%mul3A_657] : memref<10240xi32, #tpu.memory_space<vmem>> -> memref<128xi32, #tpu.memory_space<vmem>>
      %dma_start3A_659 = arith.constant 0 : i32
      %dma_start3A_660 = arith.constant 0 : i32
      %dma_start3A_661 = tpu.memref_slice %arg2[%dma_start3A_659, %dma_start3A_660] : memref<10000x32xf32, #tpu.memory_space<hbm>> -> memref<10000x32xf32, #tpu.memory_space<hbm>>
      tpu.enqueue_indirect_dma source(%dma_start3A_661 : memref<10000x32xf32, #tpu.memory_space<hbm>>) target(%arg14 : memref<128x32xf32, #tpu.memory_space<vmem>>) offsets(%dma_start3A_658 : memref<128xi32, #tpu.memory_space<vmem>>) semaphore(%arg23 : memref<!tpu.dma_semaphore, #tpu.memory_space<semaphore_mem>>)
      %mul3A_662 = arith.constant 8 : i32
      %mul3A_663 = arith.muli %mul3A_662, %scan3A_424 : i32
      %add3A_664 = arith.constant 4 : i32
      %add3A_665 = arith.addi %mul3A_663, %add3A_664 : i32
      %add3A_666 = arith.constant 7 : i32
      %add3A_667 = arith.addi %add3A_665, %add3A_666 : i32
      %mul3A_668 = arith.constant 128 : i32
      %mul3A_669 = arith.muli %add3A_667, %mul3A_668 : i32
      %dma_wait3A_670 = tpu.memref_slice %arg6[%mul3A_669] : memref<10240xi32, #tpu.memory_space<vmem>> -> memref<128xi32, #tpu.memory_space<vmem>>
      %dma_wait3A_671 = arith.constant 0 : i32
      %dma_wait3A_672 = arith.constant 0 : i32
      %dma_wait3A_673 = tpu.memref_slice %arg2[%dma_wait3A_671, %dma_wait3A_672] : memref<10000x32xf32, #tpu.memory_space<hbm>> -> memref<10000x32xf32, #tpu.memory_space<hbm>>
      tpu.wait_indirect_dma semaphore(%arg20 : memref<!tpu.dma_semaphore, #tpu.memory_space<semaphore_mem>>) src(%dma_wait3A_673 : memref<10000x32xf32, #tpu.memory_space<hbm>>) dst(%arg11 : memref<128x32xf32, #tpu.memory_space<vmem>>)
      %mul3A_674 = arith.constant 128 : i32
      %mul3A_675 = arith.muli %add3A_667, %mul3A_674 : i32
      %dma_start3A_676 = tpu.memref_slice %arg7[%mul3A_675] : memref<10240xi32, #tpu.memory_space<vmem>> -> memref<128xi32, #tpu.memory_space<vmem>>
      %dma_start3A_677 = arith.constant 0 : i32
      %dma_start3A_678 = arith.constant 0 : i32
      %dma_start3A_679 = tpu.memref_slice %arg16[%dma_start3A_677, %dma_start3A_678] : memref<10240x32xf32, #tpu.memory_space<vmem_shared>> -> memref<10240x32xf32, #tpu.memory_space<vmem_shared>>
      tpu.enqueue_indirect_dma source(%arg11 : memref<128x32xf32, #tpu.memory_space<vmem>>) target(%dma_start3A_679 : memref<10240x32xf32, #tpu.memory_space<vmem_shared>>) offsets(%dma_start3A_676 : memref<128xi32, #tpu.memory_space<vmem>>) semaphore(%arg28 : memref<!tpu.dma_semaphore, #tpu.memory_space<semaphore_mem>>) {add = true}
      %sub3A_680 = arith.constant 4 : i32
      %sub3A_681 = arith.subi %add3A_667, %sub3A_680 : i32
      %mul3A_682 = arith.constant 128 : i32
      %mul3A_683 = arith.muli %sub3A_681, %mul3A_682 : i32
      %dma_wait3A_684 = tpu.memref_slice %arg7[%mul3A_683] : memref<10240xi32, #tpu.memory_space<vmem>> -> memref<128xi32, #tpu.memory_space<vmem>>
      %dma_wait3A_685 = arith.constant 0 : i32
      %dma_wait3A_686 = arith.constant 0 : i32
      %dma_wait3A_687 = tpu.memref_slice %arg16[%dma_wait3A_685, %dma_wait3A_686] : memref<10240x32xf32, #tpu.memory_space<vmem_shared>> -> memref<10240x32xf32, #tpu.memory_space<vmem_shared>>
      tpu.wait_indirect_dma semaphore(%arg32 : memref<!tpu.dma_semaphore, #tpu.memory_space<semaphore_mem>>) src(%arg15 : memref<128x32xf32, #tpu.memory_space<vmem>>) dst(%dma_wait3A_687 : memref<10240x32xf32, #tpu.memory_space<vmem_shared>>)
      %add3A_688 = arith.constant 4 : i32
      %add3A_689 = arith.addi %add3A_667, %add3A_688 : i32
      %mul3A_690 = arith.constant 128 : i32
      %mul3A_691 = arith.muli %add3A_689, %mul3A_690 : i32
      %dma_start3A_692 = tpu.memref_slice %arg6[%mul3A_691] : memref<10240xi32, #tpu.memory_space<vmem>> -> memref<128xi32, #tpu.memory_space<vmem>>
      %dma_start3A_693 = arith.constant 0 : i32
      %dma_start3A_694 = arith.constant 0 : i32
      %dma_start3A_695 = tpu.memref_slice %arg2[%dma_start3A_693, %dma_start3A_694] : memref<10000x32xf32, #tpu.memory_space<hbm>> -> memref<10000x32xf32, #tpu.memory_space<hbm>>
      tpu.enqueue_indirect_dma source(%dma_start3A_695 : memref<10000x32xf32, #tpu.memory_space<hbm>>) target(%arg15 : memref<128x32xf32, #tpu.memory_space<vmem>>) offsets(%dma_start3A_692 : memref<128xi32, #tpu.memory_space<vmem>>) semaphore(%arg24 : memref<!tpu.dma_semaphore, #tpu.memory_space<semaphore_mem>>)
    }
    %scan3A_332 = arith.constant 9 : i32
    %dma_wait3A_333 = arith.constant 9728 : i32
    %dma_wait3A_334 = tpu.memref_slice %arg6[%dma_wait3A_333] : memref<10240xi32, #tpu.memory_space<vmem>> -> memref<128xi32, #tpu.memory_space<vmem>>
    %dma_wait3A_335 = arith.constant 0 : i32
    %dma_wait3A_336 = arith.constant 0 : i32
    %dma_wait3A_337 = tpu.memref_slice %arg2[%dma_wait3A_335, %dma_wait3A_336] : memref<10000x32xf32, #tpu.memory_space<hbm>> -> memref<10000x32xf32, #tpu.memory_space<hbm>>
    tpu.wait_indirect_dma semaphore(%arg21 : memref<!tpu.dma_semaphore, #tpu.memory_space<semaphore_mem>>) src(%dma_wait3A_337 : memref<10000x32xf32, #tpu.memory_space<hbm>>) dst(%arg12 : memref<128x32xf32, #tpu.memory_space<vmem>>)
    %dma_start3A_338 = arith.constant 9728 : i32
    %dma_start3A_339 = tpu.memref_slice %arg7[%dma_start3A_338] : memref<10240xi32, #tpu.memory_space<vmem>> -> memref<128xi32, #tpu.memory_space<vmem>>
    %dma_start3A_340 = arith.constant 0 : i32
    %dma_start3A_341 = arith.constant 0 : i32
    %dma_start3A_342 = tpu.memref_slice %arg16[%dma_start3A_340, %dma_start3A_341] : memref<10240x32xf32, #tpu.memory_space<vmem_shared>> -> memref<10240x32xf32, #tpu.memory_space<vmem_shared>>
    tpu.enqueue_indirect_dma source(%arg12 : memref<128x32xf32, #tpu.memory_space<vmem>>) target(%dma_start3A_342 : memref<10240x32xf32, #tpu.memory_space<vmem_shared>>) offsets(%dma_start3A_339 : memref<128xi32, #tpu.memory_space<vmem>>) semaphore(%arg29 : memref<!tpu.dma_semaphore, #tpu.memory_space<semaphore_mem>>) {add = true}
    %dma_wait3A_343 = arith.constant 9856 : i32
    %dma_wait3A_344 = tpu.memref_slice %arg6[%dma_wait3A_343] : memref<10240xi32, #tpu.memory_space<vmem>> -> memref<128xi32, #tpu.memory_space<vmem>>
    %dma_wait3A_345 = arith.constant 0 : i32
    %dma_wait3A_346 = arith.constant 0 : i32
    %dma_wait3A_347 = tpu.memref_slice %arg2[%dma_wait3A_345, %dma_wait3A_346] : memref<10000x32xf32, #tpu.memory_space<hbm>> -> memref<10000x32xf32, #tpu.memory_space<hbm>>
    tpu.wait_indirect_dma semaphore(%arg22 : memref<!tpu.dma_semaphore, #tpu.memory_space<semaphore_mem>>) src(%dma_wait3A_347 : memref<10000x32xf32, #tpu.memory_space<hbm>>) dst(%arg13 : memref<128x32xf32, #tpu.memory_space<vmem>>)
    %dma_start3A_348 = arith.constant 9856 : i32
    %dma_start3A_349 = tpu.memref_slice %arg7[%dma_start3A_348] : memref<10240xi32, #tpu.memory_space<vmem>> -> memref<128xi32, #tpu.memory_space<vmem>>
    %dma_start3A_350 = arith.constant 0 : i32
    %dma_start3A_351 = arith.constant 0 : i32
    %dma_start3A_352 = tpu.memref_slice %arg16[%dma_start3A_350, %dma_start3A_351] : memref<10240x32xf32, #tpu.memory_space<vmem_shared>> -> memref<10240x32xf32, #tpu.memory_space<vmem_shared>>
    tpu.enqueue_indirect_dma source(%arg13 : memref<128x32xf32, #tpu.memory_space<vmem>>) target(%dma_start3A_352 : memref<10240x32xf32, #tpu.memory_space<vmem_shared>>) offsets(%dma_start3A_349 : memref<128xi32, #tpu.memory_space<vmem>>) semaphore(%arg30 : memref<!tpu.dma_semaphore, #tpu.memory_space<semaphore_mem>>) {add = true}
    %dma_wait3A_353 = arith.constant 9984 : i32
    %dma_wait3A_354 = tpu.memref_slice %arg6[%dma_wait3A_353] : memref<10240xi32, #tpu.memory_space<vmem>> -> memref<128xi32, #tpu.memory_space<vmem>>
    %dma_wait3A_355 = arith.constant 0 : i32
    %dma_wait3A_356 = arith.constant 0 : i32
    %dma_wait3A_357 = tpu.memref_slice %arg2[%dma_wait3A_355, %dma_wait3A_356] : memref<10000x32xf32, #tpu.memory_space<hbm>> -> memref<10000x32xf32, #tpu.memory_space<hbm>>
    tpu.wait_indirect_dma semaphore(%arg23 : memref<!tpu.dma_semaphore, #tpu.memory_space<semaphore_mem>>) src(%dma_wait3A_357 : memref<10000x32xf32, #tpu.memory_space<hbm>>) dst(%arg14 : memref<128x32xf32, #tpu.memory_space<vmem>>)
    %dma_start3A_358 = arith.constant 9984 : i32
    %dma_start3A_359 = tpu.memref_slice %arg7[%dma_start3A_358] : memref<10240xi32, #tpu.memory_space<vmem>> -> memref<128xi32, #tpu.memory_space<vmem>>
    %dma_start3A_360 = arith.constant 0 : i32
    %dma_start3A_361 = arith.constant 0 : i32
    %dma_start3A_362 = tpu.memref_slice %arg16[%dma_start3A_360, %dma_start3A_361] : memref<10240x32xf32, #tpu.memory_space<vmem_shared>> -> memref<10240x32xf32, #tpu.memory_space<vmem_shared>>
    tpu.enqueue_indirect_dma source(%arg14 : memref<128x32xf32, #tpu.memory_space<vmem>>) target(%dma_start3A_362 : memref<10240x32xf32, #tpu.memory_space<vmem_shared>>) offsets(%dma_start3A_359 : memref<128xi32, #tpu.memory_space<vmem>>) semaphore(%arg31 : memref<!tpu.dma_semaphore, #tpu.memory_space<semaphore_mem>>) {add = true}
    %dma_wait3A_363 = arith.constant 10112 : i32
    %dma_wait3A_364 = tpu.memref_slice %arg6[%dma_wait3A_363] : memref<10240xi32, #tpu.memory_space<vmem>> -> memref<128xi32, #tpu.memory_space<vmem>>
    %dma_wait3A_365 = arith.constant 0 : i32
    %dma_wait3A_366 = arith.constant 0 : i32
    %dma_wait3A_367 = tpu.memref_slice %arg2[%dma_wait3A_365, %dma_wait3A_366] : memref<10000x32xf32, #tpu.memory_space<hbm>> -> memref<10000x32xf32, #tpu.memory_space<hbm>>
    tpu.wait_indirect_dma semaphore(%arg24 : memref<!tpu.dma_semaphore, #tpu.memory_space<semaphore_mem>>) src(%dma_wait3A_367 : memref<10000x32xf32, #tpu.memory_space<hbm>>) dst(%arg15 : memref<128x32xf32, #tpu.memory_space<vmem>>)
    %dma_start3A_368 = arith.constant 10112 : i32
    %dma_start3A_369 = tpu.memref_slice %arg7[%dma_start3A_368] : memref<10240xi32, #tpu.memory_space<vmem>> -> memref<128xi32, #tpu.memory_space<vmem>>
    %dma_start3A_370 = arith.constant 0 : i32
    %dma_start3A_371 = arith.constant 0 : i32
    %dma_start3A_372 = tpu.memref_slice %arg16[%dma_start3A_370, %dma_start3A_371] : memref<10240x32xf32, #tpu.memory_space<vmem_shared>> -> memref<10240x32xf32, #tpu.memory_space<vmem_shared>>
    tpu.enqueue_indirect_dma source(%arg15 : memref<128x32xf32, #tpu.memory_space<vmem>>) target(%dma_start3A_372 : memref<10240x32xf32, #tpu.memory_space<vmem_shared>>) offsets(%dma_start3A_369 : memref<128xi32, #tpu.memory_space<vmem>>) semaphore(%arg32 : memref<!tpu.dma_semaphore, #tpu.memory_space<semaphore_mem>>) {add = true}
    %dma_wait3A_373 = arith.constant 9216 : i32
    %dma_wait3A_374 = tpu.memref_slice %arg7[%dma_wait3A_373] : memref<10240xi32, #tpu.memory_space<vmem>> -> memref<128xi32, #tpu.memory_space<vmem>>
    %dma_wait3A_375 = arith.constant 0 : i32
    %dma_wait3A_376 = arith.constant 0 : i32
    %dma_wait3A_377 = tpu.memref_slice %arg16[%dma_wait3A_375, %dma_wait3A_376] : memref<10240x32xf32, #tpu.memory_space<vmem_shared>> -> memref<10240x32xf32, #tpu.memory_space<vmem_shared>>
    tpu.wait_indirect_dma semaphore(%arg25 : memref<!tpu.dma_semaphore, #tpu.memory_space<semaphore_mem>>) src(%arg8 : memref<128x32xf32, #tpu.memory_space<vmem>>) dst(%dma_wait3A_377 : memref<10240x32xf32, #tpu.memory_space<vmem_shared>>)
    %dma_wait3A_378 = arith.constant 9344 : i32
    %dma_wait3A_379 = tpu.memref_slice %arg7[%dma_wait3A_378] : memref<10240xi32, #tpu.memory_space<vmem>> -> memref<128xi32, #tpu.memory_space<vmem>>
    %dma_wait3A_380 = arith.constant 0 : i32
    %dma_wait3A_381 = arith.constant 0 : i32
    %dma_wait3A_382 = tpu.memref_slice %arg16[%dma_wait3A_380, %dma_wait3A_381] : memref<10240x32xf32, #tpu.memory_space<vmem_shared>> -> memref<10240x32xf32, #tpu.memory_space<vmem_shared>>
    tpu.wait_indirect_dma semaphore(%arg26 : memref<!tpu.dma_semaphore, #tpu.memory_space<semaphore_mem>>) src(%arg9 : memref<128x32xf32, #tpu.memory_space<vmem>>) dst(%dma_wait3A_382 : memref<10240x32xf32, #tpu.memory_space<vmem_shared>>)
    %dma_wait3A_383 = arith.constant 9472 : i32
    %dma_wait3A_384 = tpu.memref_slice %arg7[%dma_wait3A_383] : memref<10240xi32, #tpu.memory_space<vmem>> -> memref<128xi32, #tpu.memory_space<vmem>>
    %dma_wait3A_385 = arith.constant 0 : i32
    %dma_wait3A_386 = arith.constant 0 : i32
    %dma_wait3A_387 = tpu.memref_slice %arg16[%dma_wait3A_385, %dma_wait3A_386] : memref<10240x32xf32, #tpu.memory_space<vmem_shared>> -> memref<10240x32xf32, #tpu.memory_space<vmem_shared>>
    tpu.wait_indirect_dma semaphore(%arg27 : memref<!tpu.dma_semaphore, #tpu.memory_space<semaphore_mem>>) src(%arg10 : memref<128x32xf32, #tpu.memory_space<vmem>>) dst(%dma_wait3A_387 : memref<10240x32xf32, #tpu.memory_space<vmem_shared>>)
    %dma_wait3A_388 = arith.constant 9600 : i32
    %dma_wait3A_389 = tpu.memref_slice %arg7[%dma_wait3A_388] : memref<10240xi32, #tpu.memory_space<vmem>> -> memref<128xi32, #tpu.memory_space<vmem>>
    %dma_wait3A_390 = arith.constant 0 : i32
    %dma_wait3A_391 = arith.constant 0 : i32
    %dma_wait3A_392 = tpu.memref_slice %arg16[%dma_wait3A_390, %dma_wait3A_391] : memref<10240x32xf32, #tpu.memory_space<vmem_shared>> -> memref<10240x32xf32, #tpu.memory_space<vmem_shared>>
    tpu.wait_indirect_dma semaphore(%arg28 : memref<!tpu.dma_semaphore, #tpu.memory_space<semaphore_mem>>) src(%arg11 : memref<128x32xf32, #tpu.memory_space<vmem>>) dst(%dma_wait3A_392 : memref<10240x32xf32, #tpu.memory_space<vmem_shared>>)
    %dma_wait3A_393 = arith.constant 9728 : i32
    %dma_wait3A_394 = tpu.memref_slice %arg7[%dma_wait3A_393] : memref<10240xi32, #tpu.memory_space<vmem>> -> memref<128xi32, #tpu.memory_space<vmem>>
    %dma_wait3A_395 = arith.constant 0 : i32
    %dma_wait3A_396 = arith.constant 0 : i32
    %dma_wait3A_397 = tpu.memref_slice %arg16[%dma_wait3A_395, %dma_wait3A_396] : memref<10240x32xf32, #tpu.memory_space<vmem_shared>> -> memref<10240x32xf32, #tpu.memory_space<vmem_shared>>
    tpu.wait_indirect_dma semaphore(%arg29 : memref<!tpu.dma_semaphore, #tpu.memory_space<semaphore_mem>>) src(%arg12 : memref<128x32xf32, #tpu.memory_space<vmem>>) dst(%dma_wait3A_397 : memref<10240x32xf32, #tpu.memory_space<vmem_shared>>)
    %dma_wait3A_398 = arith.constant 9856 : i32
    %dma_wait3A_399 = tpu.memref_slice %arg7[%dma_wait3A_398] : memref<10240xi32, #tpu.memory_space<vmem>> -> memref<128xi32, #tpu.memory_space<vmem>>
    %dma_wait3A_400 = arith.constant 0 : i32
    %dma_wait3A_401 = arith.constant 0 : i32
    %dma_wait3A_402 = tpu.memref_slice %arg16[%dma_wait3A_400, %dma_wait3A_401] : memref<10240x32xf32, #tpu.memory_space<vmem_shared>> -> memref<10240x32xf32, #tpu.memory_space<vmem_shared>>
    tpu.wait_indirect_dma semaphore(%arg30 : memref<!tpu.dma_semaphore, #tpu.memory_space<semaphore_mem>>) src(%arg13 : memref<128x32xf32, #tpu.memory_space<vmem>>) dst(%dma_wait3A_402 : memref<10240x32xf32, #tpu.memory_space<vmem_shared>>)
    %dma_wait3A_403 = arith.constant 9984 : i32
    %dma_wait3A_404 = tpu.memref_slice %arg7[%dma_wait3A_403] : memref<10240xi32, #tpu.memory_space<vmem>> -> memref<128xi32, #tpu.memory_space<vmem>>
    %dma_wait3A_405 = arith.constant 0 : i32
    %dma_wait3A_406 = arith.constant 0 : i32
    %dma_wait3A_407 = tpu.memref_slice %arg16[%dma_wait3A_405, %dma_wait3A_406] : memref<10240x32xf32, #tpu.memory_space<vmem_shared>> -> memref<10240x32xf32, #tpu.memory_space<vmem_shared>>
    tpu.wait_indirect_dma semaphore(%arg31 : memref<!tpu.dma_semaphore, #tpu.memory_space<semaphore_mem>>) src(%arg14 : memref<128x32xf32, #tpu.memory_space<vmem>>) dst(%dma_wait3A_407 : memref<10240x32xf32, #tpu.memory_space<vmem_shared>>)
    %dma_wait3A_408 = arith.constant 10112 : i32
    %dma_wait3A_409 = tpu.memref_slice %arg7[%dma_wait3A_408] : memref<10240xi32, #tpu.memory_space<vmem>> -> memref<128xi32, #tpu.memory_space<vmem>>
    %dma_wait3A_410 = arith.constant 0 : i32
    %dma_wait3A_411 = arith.constant 0 : i32
    %dma_wait3A_412 = tpu.memref_slice %arg16[%dma_wait3A_410, %dma_wait3A_411] : memref<10240x32xf32, #tpu.memory_space<vmem_shared>> -> memref<10240x32xf32, #tpu.memory_space<vmem_shared>>
    tpu.wait_indirect_dma semaphore(%arg32 : memref<!tpu.dma_semaphore, #tpu.memory_space<semaphore_mem>>) src(%arg15 : memref<128x32xf32, #tpu.memory_space<vmem>>) dst(%dma_wait3A_412 : memref<10240x32xf32, #tpu.memory_space<vmem_shared>>)
    %barrier3A_413 = arith.constant 0 : index
    tpu.barrier barrier_id(%barrier3A_413)
    %eq3A_414 = arith.constant 0 : i32
    %eq3A_415 = arith.cmpi eq, %arg0, %eq3A_414 : i32
    %convert_element_type3A_416 = arith.extui %eq3A_415 : i1 to i32
    %cond3A_417 = arith.constant 0 : i32
    %cond3A_418 = arith.cmpi ne, %convert_element_type3A_416, %cond3A_417 : i32
    scf.if %cond3A_418 {
      %mul3A_424 = arith.constant 624 : i32
      %mul3A_425 = arith.muli %arg1, %mul3A_424 : i32
      %mul3A_426 = arith.constant 624 : i32
      %mul3A_427 = arith.muli %arg1, %mul3A_426 : i32
      "tpu.region"() ({
        %run_scoped3A_433 = tpu.sem_alloc : memref<!tpu.dma_semaphore, #tpu.memory_space<semaphore_mem>>
        %dma_start3A_434 = arith.constant 0 : i32
        %dma_start3A_435 = tpu.memref_slice %arg4[%mul3A_427, %dma_start3A_434] : memref<10000x32xf32, #tpu.memory_space<hbm>> -> memref<624x32xf32, #tpu.memory_space<hbm>>
        %dma_start3A_436 = arith.constant 0 : i32
        %dma_start3A_437 = tpu.memref_slice %arg16[%mul3A_425, %dma_start3A_436] : memref<10240x32xf32, #tpu.memory_space<vmem_shared>> -> memref<624x32xf32, #tpu.memory_space<vmem_shared>>
        tpu.enqueue_dma source(%dma_start3A_437 : memref<624x32xf32, #tpu.memory_space<vmem_shared>>) target(%dma_start3A_435 : memref<624x32xf32, #tpu.memory_space<hbm>>) target_semaphore(%run_scoped3A_433 : memref<!tpu.dma_semaphore, #tpu.memory_space<semaphore_mem>>)
        %dma_wait3A_438 = arith.constant 0 : i32
        %dma_wait3A_439 = tpu.memref_slice %arg4[%mul3A_427, %dma_wait3A_438] : memref<10000x32xf32, #tpu.memory_space<hbm>> -> memref<624x32xf32, #tpu.memory_space<hbm>>
        %dma_wait3A_440 = arith.constant 0 : i32
        %dma_wait3A_441 = tpu.memref_slice %arg16[%mul3A_425, %dma_wait3A_440] : memref<10240x32xf32, #tpu.memory_space<vmem_shared>> -> memref<624x32xf32, #tpu.memory_space<vmem_shared>>
        tpu.wait_dma2 semaphore(%run_scoped3A_433 : memref<!tpu.dma_semaphore, #tpu.memory_space<semaphore_mem>>) src(%dma_wait3A_441 : memref<624x32xf32, #tpu.memory_space<vmem_shared>>) dst(%dma_wait3A_439 : memref<624x32xf32, #tpu.memory_space<hbm>>)
        tpu.yield
      }) : () -> ()
      %eq3A_428 = arith.constant 15 : i32
      %eq3A_429 = arith.cmpi eq, %arg1, %eq3A_428 : i32
      %convert_element_type3A_430 = arith.extui %eq3A_429 : i1 to i32
      %cond3A_431 = arith.constant 0 : i32
      %cond3A_432 = arith.cmpi ne, %convert_element_type3A_430, %cond3A_431 : i32
      scf.if %cond3A_432 {
        "tpu.region"() ({
          %run_scoped3A_433 = tpu.sem_alloc : memref<!tpu.dma_semaphore, #tpu.memory_space<semaphore_mem>>
          %dma_start3A_434 = arith.constant 9984 : i32
          %dma_start3A_435 = arith.constant 0 : i32
          %dma_start3A_436 = tpu.memref_slice %arg4[%dma_start3A_434, %dma_start3A_435] : memref<10000x32xf32, #tpu.memory_space<hbm>> -> memref<16x32xf32, #tpu.memory_space<hbm>>
          %dma_start3A_437 = arith.constant 9984 : i32
          %dma_start3A_438 = arith.constant 0 : i32
          %dma_start3A_439 = tpu.memref_slice %arg16[%dma_start3A_437, %dma_start3A_438] : memref<10240x32xf32, #tpu.memory_space<vmem_shared>> -> memref<16x32xf32, #tpu.memory_space<vmem_shared>>
          tpu.enqueue_dma source(%dma_start3A_439 : memref<16x32xf32, #tpu.memory_space<vmem_shared>>) target(%dma_start3A_436 : memref<16x32xf32, #tpu.memory_space<hbm>>) target_semaphore(%run_scoped3A_433 : memref<!tpu.dma_semaphore, #tpu.memory_space<semaphore_mem>>)
          %dma_wait3A_440 = arith.constant 9984 : i32
          %dma_wait3A_441 = arith.constant 0 : i32
          %dma_wait3A_442 = tpu.memref_slice %arg4[%dma_wait3A_440, %dma_wait3A_441] : memref<10000x32xf32, #tpu.memory_space<hbm>> -> memref<16x32xf32, #tpu.memory_space<hbm>>
          %dma_wait3A_443 = arith.constant 9984 : i32
          %dma_wait3A_444 = arith.constant 0 : i32
          %dma_wait3A_445 = tpu.memref_slice %arg16[%dma_wait3A_443, %dma_wait3A_444] : memref<10240x32xf32, #tpu.memory_space<vmem_shared>> -> memref<16x32xf32, #tpu.memory_space<vmem_shared>>
          tpu.wait_dma2 semaphore(%run_scoped3A_433 : memref<!tpu.dma_semaphore, #tpu.memory_space<semaphore_mem>>) src(%dma_wait3A_445 : memref<16x32xf32, #tpu.memory_space<vmem_shared>>) dst(%dma_wait3A_442 : memref<16x32xf32, #tpu.memory_space<hbm>>)
          tpu.yield
        }) : () -> ()
      } else {
      }
    } else {
    }
    %eq3A_419 = arith.constant 1 : i32
    %eq3A_420 = arith.cmpi eq, %arg0, %eq3A_419 : i32
    %convert_element_type3A_421 = arith.extui %eq3A_420 : i1 to i32
    %cond3A_422 = arith.constant 0 : i32
    %cond3A_423 = arith.cmpi ne, %convert_element_type3A_421, %cond3A_422 : i32
    scf.if %cond3A_423 {
      %mul3A_424 = arith.constant 624 : i32
      %mul3A_425 = arith.muli %arg1, %mul3A_424 : i32
      %mul3A_426 = arith.constant 624 : i32
      %mul3A_427 = arith.muli %arg1, %mul3A_426 : i32
      "tpu.region"() ({
        %run_scoped3A_433 = tpu.sem_alloc : memref<!tpu.dma_semaphore, #tpu.memory_space<semaphore_mem>>
        %dma_start3A_434 = arith.constant 0 : i32
        %dma_start3A_435 = tpu.memref_slice %arg5[%mul3A_427, %dma_start3A_434] : memref<10000x32xf32, #tpu.memory_space<hbm>> -> memref<624x32xf32, #tpu.memory_space<hbm>>
        %dma_start3A_436 = arith.constant 0 : i32
        %dma_start3A_437 = tpu.memref_slice %arg16[%mul3A_425, %dma_start3A_436] : memref<10240x32xf32, #tpu.memory_space<vmem_shared>> -> memref<624x32xf32, #tpu.memory_space<vmem_shared>>
        tpu.enqueue_dma source(%dma_start3A_437 : memref<624x32xf32, #tpu.memory_space<vmem_shared>>) target(%dma_start3A_435 : memref<624x32xf32, #tpu.memory_space<hbm>>) target_semaphore(%run_scoped3A_433 : memref<!tpu.dma_semaphore, #tpu.memory_space<semaphore_mem>>)
        %dma_wait3A_438 = arith.constant 0 : i32
        %dma_wait3A_439 = tpu.memref_slice %arg5[%mul3A_427, %dma_wait3A_438] : memref<10000x32xf32, #tpu.memory_space<hbm>> -> memref<624x32xf32, #tpu.memory_space<hbm>>
        %dma_wait3A_440 = arith.constant 0 : i32
        %dma_wait3A_441 = tpu.memref_slice %arg16[%mul3A_425, %dma_wait3A_440] : memref<10240x32xf32, #tpu.memory_space<vmem_shared>> -> memref<624x32xf32, #tpu.memory_space<vmem_shared>>
        tpu.wait_dma2 semaphore(%run_scoped3A_433 : memref<!tpu.dma_semaphore, #tpu.memory_space<semaphore_mem>>) src(%dma_wait3A_441 : memref<624x32xf32, #tpu.memory_space<vmem_shared>>) dst(%dma_wait3A_439 : memref<624x32xf32, #tpu.memory_space<hbm>>)
        tpu.yield
      }) : () -> ()
      %eq3A_428 = arith.constant 15 : i32
      %eq3A_429 = arith.cmpi eq, %arg1, %eq3A_428 : i32
      %convert_element_type3A_430 = arith.extui %eq3A_429 : i1 to i32
      %cond3A_431 = arith.constant 0 : i32
      %cond3A_432 = arith.cmpi ne, %convert_element_type3A_430, %cond3A_431 : i32
      scf.if %cond3A_432 {
        "tpu.region"() ({
          %run_scoped3A_433 = tpu.sem_alloc : memref<!tpu.dma_semaphore, #tpu.memory_space<semaphore_mem>>
          %dma_start3A_434 = arith.constant 9984 : i32
          %dma_start3A_435 = arith.constant 0 : i32
          %dma_start3A_436 = tpu.memref_slice %arg5[%dma_start3A_434, %dma_start3A_435] : memref<10000x32xf32, #tpu.memory_space<hbm>> -> memref<16x32xf32, #tpu.memory_space<hbm>>
          %dma_start3A_437 = arith.constant 9984 : i32
          %dma_start3A_438 = arith.constant 0 : i32
          %dma_start3A_439 = tpu.memref_slice %arg16[%dma_start3A_437, %dma_start3A_438] : memref<10240x32xf32, #tpu.memory_space<vmem_shared>> -> memref<16x32xf32, #tpu.memory_space<vmem_shared>>
          tpu.enqueue_dma source(%dma_start3A_439 : memref<16x32xf32, #tpu.memory_space<vmem_shared>>) target(%dma_start3A_436 : memref<16x32xf32, #tpu.memory_space<hbm>>) target_semaphore(%run_scoped3A_433 : memref<!tpu.dma_semaphore, #tpu.memory_space<semaphore_mem>>)
          %dma_wait3A_440 = arith.constant 9984 : i32
          %dma_wait3A_441 = arith.constant 0 : i32
          %dma_wait3A_442 = tpu.memref_slice %arg5[%dma_wait3A_440, %dma_wait3A_441] : memref<10000x32xf32, #tpu.memory_space<hbm>> -> memref<16x32xf32, #tpu.memory_space<hbm>>
          %dma_wait3A_443 = arith.constant 9984 : i32
          %dma_wait3A_444 = arith.constant 0 : i32
          %dma_wait3A_445 = tpu.memref_slice %arg16[%dma_wait3A_443, %dma_wait3A_444] : memref<10240x32xf32, #tpu.memory_space<vmem_shared>> -> memref<16x32xf32, #tpu.memory_space<vmem_shared>>
          tpu.wait_dma2 semaphore(%run_scoped3A_433 : memref<!tpu.dma_semaphore, #tpu.memory_space<semaphore_mem>>) src(%dma_wait3A_445 : memref<16x32xf32, #tpu.memory_space<vmem_shared>>) dst(%dma_wait3A_442 : memref<16x32xf32, #tpu.memory_space<hbm>>)
          tpu.yield
        }) : () -> ()
      } else {
      }
    } else {
    }
    return
  }
}

module attributes {stable_mosaic.version = 14 : i64} {
  func.func @body(%arg0: i32, %arg1: memref<2000x128xf32, #tpu.memory_space<vmem>>, %arg2: memref<128x64xf32, #tpu.memory_space<vmem>>, %arg3: memref<2000x64xf32, #tpu.memory_space<vmem>>) attributes {dimension_semantics = [#tpu.dimension_semantics<arbitrary>], iteration_bounds = array<i64: 5>, scalar_prefetch = 0 : i64, scratch_operands = 0 : i64, tpu.core_type = #tpu.core_type<tc>, window_params = [{transform_indices = @transform_0, window_bounds = array<i64: 2000, 128>}, {pipeline_mode = #tpu.pipeline_mode<synchronous>, transform_indices = @transform_1, window_bounds = array<i64: 128, 64>}, {transform_indices = @transform_2, window_bounds = array<i64: 2000, 64>}]} {
    %get3A = arith.constant 0 : index
    %get3A_0 = arith.constant 0 : index
    %get3A_1 = vector.load %arg1[%get3A, %get3A_0] : memref<2000x128xf32, #tpu.memory_space<vmem>>, vector<2000x128xf32>
    %get3A_2 = arith.constant 0 : index
    %get3A_3 = arith.constant 0 : index
    %get3A_4 = vector.load %arg2[%get3A_2, %get3A_3] : memref<128x64xf32, #tpu.memory_space<vmem>>, vector<128x64xf32>
    %dot_general3A = arith.constant dense<0.000000e+00> : vector<2000x64xf32>
    %dot_general3A_5 = tpu.matmul %get3A_1, %get3A_4, %dot_general3A {dimension_numbers = #tpu.dot_dimension_numbers<[1], [0], [0], [1], [0, 0, 1, 1], [], []>, transpose_lhs_hint = false} : vector<2000x128xf32>, vector<128x64xf32>, vector<2000x64xf32> -> vector<2000x64xf32>
    %swap3A = arith.constant 0 : index
    %swap3A_6 = arith.constant 0 : index
    %swap3A_7 = vector.load %arg3[%swap3A, %swap3A_6] : memref<2000x64xf32, #tpu.memory_space<vmem>>, vector<2000x64xf32>
    tpu.vector_store %arg3[%swap3A, %swap3A_6], %dot_general3A_5 {strides = array<i32>} : memref<2000x64xf32, #tpu.memory_space<vmem>>, vector<2000x64xf32>,
    return
  }
  func.func @transform_0(%arg0: i32) -> (i32, i32) {
    %c0_i32 = arith.constant 0 : i32
    %c0_i32_0 = arith.constant 0 : i32
    return %arg0, %c0_i32 : i32, i32
  }
  func.func @transform_1(%arg0: i32) -> (i32, i32) {
    %c0_i32 = arith.constant 0 : i32
    %c0_i32_0 = arith.constant 0 : i32
    %c0_i32_1 = arith.constant 0 : i32
    return %c0_i32, %c0_i32_0 : i32, i32
  }
  func.func @transform_2(%arg0: i32) -> (i32, i32) {
    %c0_i32 = arith.constant 0 : i32
    %c0_i32_0 = arith.constant 0 : i32
    return %arg0, %c0_i32 : i32, i32
  }
}

module attributes {stable_mosaic.version = 14 : i64} {
  func.func @body(%arg0: i32, %arg1: memref<2000x8xf32, #tpu.memory_space<vmem>>, %arg2: memref<2000x8xf32, #tpu.memory_space<vmem>>, %arg3: memref<2000x64xf32, #tpu.memory_space<vmem>>, %arg4: memref<2000x64xf32, #tpu.memory_space<vmem>>) attributes {dimension_semantics = [#tpu.dimension_semantics<arbitrary>], iteration_bounds = array<i64: 5>, scalar_prefetch = 0 : i64, scratch_operands = 0 : i64, tpu.core_type = #tpu.core_type<tc>, window_params = [{transform_indices = @transform_0, window_bounds = array<i64: 2000, 8>}, {transform_indices = @transform_1, window_bounds = array<i64: 2000, 8>}, {transform_indices = @transform_2, window_bounds = array<i64: 2000, 64>}, {transform_indices = @transform_3, window_bounds = array<i64: 2000, 64>}]} {
    %get3A = arith.constant 0 : index
    %get3A_0 = arith.constant 0 : index
    %get3A_1 = vector.load %arg1[%get3A, %get3A_0] : memref<2000x8xf32, #tpu.memory_space<vmem>>, vector<2000x1xf32>
    %get3A_2 = arith.constant 0 : index
    %get3A_3 = arith.constant 0 : index
    %get3A_4 = vector.load %arg2[%get3A_2, %get3A_3] : memref<2000x8xf32, #tpu.memory_space<vmem>>, vector<2000x1xf32>
    %add3A = arith.addf %get3A_1, %get3A_4 : vector<2000x1xf32>
    %sub3A = arith.constant 1.000000e+00 : f32
    %sub3A_5 = vector.broadcast %sub3A : f32 to vector<2000x1xf32>
    %sub3A_6 = arith.subf %add3A, %sub3A_5 : vector<2000x1xf32>
    %rsqrt3A = math.rsqrt %sub3A_6 : vector<2000x1xf32>
    %get3A_7 = arith.constant 0 : index
    %get3A_8 = arith.constant 0 : index
    %get3A_9 = vector.load %arg3[%get3A_7, %get3A_8] : memref<2000x64xf32, #tpu.memory_space<vmem>>, vector<2000x64xf32>
    %mul3A = vector.broadcast %rsqrt3A : vector<2000x1xf32> to vector<2000x64xf32>
    %mul3A_10 = arith.mulf %mul3A, %get3A_9 : vector<2000x64xf32>
    %swap3A = arith.constant 0 : index
    %swap3A_11 = arith.constant 0 : index
    %swap3A_12 = vector.load %arg4[%swap3A, %swap3A_11] : memref<2000x64xf32, #tpu.memory_space<vmem>>, vector<2000x64xf32>
    tpu.vector_store %arg4[%swap3A, %swap3A_11], %mul3A_10 {strides = array<i32>} : memref<2000x64xf32, #tpu.memory_space<vmem>>, vector<2000x64xf32>,
    return
  }
  func.func @transform_0(%arg0: i32) -> (i32, i32) {
    %c0_i32 = arith.constant 0 : i32
    %c0_i32_0 = arith.constant 0 : i32
    return %arg0, %c0_i32 : i32, i32
  }
  func.func @transform_1(%arg0: i32) -> (i32, i32) {
    %c0_i32 = arith.constant 0 : i32
    %c0_i32_0 = arith.constant 0 : i32
    return %arg0, %c0_i32 : i32, i32
  }
  func.func @transform_2(%arg0: i32) -> (i32, i32) {
    %c0_i32 = arith.constant 0 : i32
    %c0_i32_0 = arith.constant 0 : i32
    return %arg0, %c0_i32 : i32, i32
  }
  func.func @transform_3(%arg0: i32) -> (i32, i32) {
    %c0_i32 = arith.constant 0 : i32
    %c0_i32_0 = arith.constant 0 : i32
    return %arg0, %c0_i32 : i32, i32
  }
}

module attributes {stable_mosaic.version = 14 : i64} {
  func.func @body(%arg0: i32, %arg1: memref<2000x8xf32, #tpu.memory_space<vmem>>, %arg2: memref<2000x8xf32, #tpu.memory_space<vmem>>, %arg3: memref<2000x64xf32, #tpu.memory_space<vmem>>, %arg4: memref<2000x64xf32, #tpu.memory_space<vmem>>, %arg5: memref<2000x64xf32, #tpu.memory_space<vmem>>, %arg6: memref<64x32xf32, #tpu.memory_space<vmem>>, %arg7: memref<1x64xf32, #tpu.memory_space<vmem>>, %arg8: memref<2000x32xf32, #tpu.memory_space<vmem>>) attributes {dimension_semantics = [#tpu.dimension_semantics<arbitrary>], iteration_bounds = array<i64: 5>, scalar_prefetch = 0 : i64, scratch_operands = 0 : i64, tpu.core_type = #tpu.core_type<tc>, window_params = [{transform_indices = @transform_0, window_bounds = array<i64: 2000, 8>}, {transform_indices = @transform_1, window_bounds = array<i64: 2000, 8>}, {transform_indices = @transform_2, window_bounds = array<i64: 2000, 64>}, {transform_indices = @transform_3, window_bounds = array<i64: 2000, 64>}, {transform_indices = @transform_4, window_bounds = array<i64: 2000, 64>}, {pipeline_mode = #tpu.pipeline_mode<synchronous>, transform_indices = @transform_5, window_bounds = array<i64: 64, 32>}, {pipeline_mode = #tpu.pipeline_mode<synchronous>, transform_indices = @transform_6, window_bounds = array<i64: 1, 64>}, {transform_indices = @transform_7, window_bounds = array<i64: 2000, 32>}]} {
    %get3A = arith.constant 0 : index
    %get3A_0 = arith.constant 0 : index
    %get3A_1 = vector.load %arg1[%get3A, %get3A_0] : memref<2000x8xf32, #tpu.memory_space<vmem>>, vector<2000x1xf32>
    %get3A_2 = arith.constant 0 : index
    %get3A_3 = arith.constant 0 : index
    %get3A_4 = vector.load %arg2[%get3A_2, %get3A_3] : memref<2000x8xf32, #tpu.memory_space<vmem>>, vector<2000x1xf32>
    %add3A = arith.addf %get3A_1, %get3A_4 : vector<2000x1xf32>
    %sub3A = arith.constant 1.000000e+00 : f32
    %sub3A_5 = vector.broadcast %sub3A : f32 to vector<2000x1xf32>
    %sub3A_6 = arith.subf %add3A, %sub3A_5 : vector<2000x1xf32>
    %rsqrt3A = math.rsqrt %sub3A_6 : vector<2000x1xf32>
    %get3A_7 = arith.constant 0 : index
    %get3A_8 = arith.constant 0 : index
    %get3A_9 = vector.load %arg3[%get3A_7, %get3A_8] : memref<2000x64xf32, #tpu.memory_space<vmem>>, vector<2000x64xf32>
    %get3A_10 = arith.constant 0 : index
    %get3A_11 = arith.constant 0 : index
    %get3A_12 = vector.load %arg4[%get3A_10, %get3A_11] : memref<2000x64xf32, #tpu.memory_space<vmem>>, vector<2000x64xf32>
    %add3A_13 = arith.addf %get3A_9, %get3A_12 : vector<2000x64xf32>
    %get3A_14 = arith.constant 0 : index
    %get3A_15 = arith.constant 0 : index
    %get3A_16 = vector.load %arg5[%get3A_14, %get3A_15] : memref<2000x64xf32, #tpu.memory_space<vmem>>, vector<2000x64xf32>
    %sub3A_17 = arith.subf %add3A_13, %get3A_16 : vector<2000x64xf32>
    %mul3A = vector.broadcast %rsqrt3A : vector<2000x1xf32> to vector<2000x64xf32>
    %mul3A_18 = arith.mulf %mul3A, %sub3A_17 : vector<2000x64xf32>
    %get3A_19 = arith.constant 0 : index
    %get3A_20 = arith.constant 0 : index
    %get3A_21 = vector.load %arg7[%get3A_19, %get3A_20] : memref<1x64xf32, #tpu.memory_space<vmem>>, vector<1x64xf32>
    %add3A_22 = vector.broadcast %get3A_21 : vector<1x64xf32> to vector<2000x64xf32>
    %add3A_23 = arith.addf %mul3A_18, %add3A_22 : vector<2000x64xf32>
    %max3A = arith.constant 0.000000e+00 : f32
    %max3A_24 = vector.broadcast %max3A : f32 to vector<2000x64xf32>
    %max3A_25 = arith.maximumf %add3A_23, %max3A_24 : vector<2000x64xf32>
    %get3A_26 = arith.constant 0 : index
    %get3A_27 = arith.constant 0 : index
    %get3A_28 = vector.load %arg6[%get3A_26, %get3A_27] : memref<64x32xf32, #tpu.memory_space<vmem>>, vector<64x32xf32>
    %dot_general3A = arith.constant dense<0.000000e+00> : vector<2000x32xf32>
    %dot_general3A_29 = tpu.matmul %max3A_25, %get3A_28, %dot_general3A {dimension_numbers = #tpu.dot_dimension_numbers<[1], [0], [0], [1], [0, 0, 1, 1], [], []>, transpose_lhs_hint = false} : vector<2000x64xf32>, vector<64x32xf32>, vector<2000x32xf32> -> vector<2000x32xf32>
    %mul3A_30 = vector.broadcast %rsqrt3A : vector<2000x1xf32> to vector<2000x32xf32>
    %mul3A_31 = arith.mulf %mul3A_30, %dot_general3A_29 : vector<2000x32xf32>
    %swap3A = arith.constant 0 : index
    %swap3A_32 = arith.constant 0 : index
    %swap3A_33 = vector.load %arg8[%swap3A, %swap3A_32] : memref<2000x32xf32, #tpu.memory_space<vmem>>, vector<2000x32xf32>
    tpu.vector_store %arg8[%swap3A, %swap3A_32], %mul3A_31 {strides = array<i32>} : memref<2000x32xf32, #tpu.memory_space<vmem>>, vector<2000x32xf32>,
    return
  }
  func.func @transform_0(%arg0: i32) -> (i32, i32) {
    %c0_i32 = arith.constant 0 : i32
    %c0_i32_0 = arith.constant 0 : i32
    return %arg0, %c0_i32 : i32, i32
  }
  func.func @transform_1(%arg0: i32) -> (i32, i32) {
    %c0_i32 = arith.constant 0 : i32
    %c0_i32_0 = arith.constant 0 : i32
    return %arg0, %c0_i32 : i32, i32
  }
  func.func @transform_2(%arg0: i32) -> (i32, i32) {
    %c0_i32 = arith.constant 0 : i32
    %c0_i32_0 = arith.constant 0 : i32
    return %arg0, %c0_i32 : i32, i32
  }
  func.func @transform_3(%arg0: i32) -> (i32, i32) {
    %c0_i32 = arith.constant 0 : i32
    %c0_i32_0 = arith.constant 0 : i32
    return %arg0, %c0_i32 : i32, i32
  }
  func.func @transform_4(%arg0: i32) -> (i32, i32) {
    %c0_i32 = arith.constant 0 : i32
    %c0_i32_0 = arith.constant 0 : i32
    return %arg0, %c0_i32 : i32, i32
  }
  func.func @transform_5(%arg0: i32) -> (i32, i32) {
    %c0_i32 = arith.constant 0 : i32
    %c0_i32_0 = arith.constant 0 : i32
    %c0_i32_1 = arith.constant 0 : i32
    return %c0_i32, %c0_i32_0 : i32, i32
  }
  func.func @transform_6(%arg0: i32) -> (i32, i32) {
    %c0_i32 = arith.constant 0 : i32
    %c0_i32_0 = arith.constant 0 : i32
    %c0_i32_1 = arith.constant 0 : i32
    return %c0_i32, %c0_i32_0 : i32, i32
  }
  func.func @transform_7(%arg0: i32) -> (i32, i32) {
    %c0_i32 = arith.constant 0 : i32
    %c0_i32_0 = arith.constant 0 : i32
    return %arg0, %c0_i32 : i32, i32
  }
}

module attributes {stable_mosaic.version = 14 : i64} {
  func.func @body(%arg0: i32, %arg1: memref<2000x8xf32, #tpu.memory_space<vmem>>, %arg2: memref<2000x8xf32, #tpu.memory_space<vmem>>, %arg3: memref<2000x32xf32, #tpu.memory_space<vmem>>, %arg4: memref<2000x32xf32, #tpu.memory_space<vmem>>, %arg5: memref<2000x32xf32, #tpu.memory_space<vmem>>, %arg6: memref<32x32xf32, #tpu.memory_space<vmem>>, %arg7: memref<1x32xf32, #tpu.memory_space<vmem>>, %arg8: memref<2000x32xf32, #tpu.memory_space<vmem>>) attributes {dimension_semantics = [#tpu.dimension_semantics<arbitrary>], iteration_bounds = array<i64: 5>, scalar_prefetch = 0 : i64, scratch_operands = 0 : i64, tpu.core_type = #tpu.core_type<tc>, window_params = [{transform_indices = @transform_0, window_bounds = array<i64: 2000, 8>}, {transform_indices = @transform_1, window_bounds = array<i64: 2000, 8>}, {transform_indices = @transform_2, window_bounds = array<i64: 2000, 32>}, {transform_indices = @transform_3, window_bounds = array<i64: 2000, 32>}, {transform_indices = @transform_4, window_bounds = array<i64: 2000, 32>}, {pipeline_mode = #tpu.pipeline_mode<synchronous>, transform_indices = @transform_5, window_bounds = array<i64: 32, 32>}, {pipeline_mode = #tpu.pipeline_mode<synchronous>, transform_indices = @transform_6, window_bounds = array<i64: 1, 32>}, {transform_indices = @transform_7, window_bounds = array<i64: 2000, 32>}]} {
    %get3A = arith.constant 0 : index
    %get3A_0 = arith.constant 0 : index
    %get3A_1 = vector.load %arg1[%get3A, %get3A_0] : memref<2000x8xf32, #tpu.memory_space<vmem>>, vector<2000x1xf32>
    %get3A_2 = arith.constant 0 : index
    %get3A_3 = arith.constant 0 : index
    %get3A_4 = vector.load %arg2[%get3A_2, %get3A_3] : memref<2000x8xf32, #tpu.memory_space<vmem>>, vector<2000x1xf32>
    %add3A = arith.addf %get3A_1, %get3A_4 : vector<2000x1xf32>
    %sub3A = arith.constant 1.000000e+00 : f32
    %sub3A_5 = vector.broadcast %sub3A : f32 to vector<2000x1xf32>
    %sub3A_6 = arith.subf %add3A, %sub3A_5 : vector<2000x1xf32>
    %rsqrt3A = math.rsqrt %sub3A_6 : vector<2000x1xf32>
    %get3A_7 = arith.constant 0 : index
    %get3A_8 = arith.constant 0 : index
    %get3A_9 = vector.load %arg3[%get3A_7, %get3A_8] : memref<2000x32xf32, #tpu.memory_space<vmem>>, vector<2000x32xf32>
    %get3A_10 = arith.constant 0 : index
    %get3A_11 = arith.constant 0 : index
    %get3A_12 = vector.load %arg4[%get3A_10, %get3A_11] : memref<2000x32xf32, #tpu.memory_space<vmem>>, vector<2000x32xf32>
    %add3A_13 = arith.addf %get3A_9, %get3A_12 : vector<2000x32xf32>
    %get3A_14 = arith.constant 0 : index
    %get3A_15 = arith.constant 0 : index
    %get3A_16 = vector.load %arg5[%get3A_14, %get3A_15] : memref<2000x32xf32, #tpu.memory_space<vmem>>, vector<2000x32xf32>
    %sub3A_17 = arith.subf %add3A_13, %get3A_16 : vector<2000x32xf32>
    %mul3A = vector.broadcast %rsqrt3A : vector<2000x1xf32> to vector<2000x32xf32>
    %mul3A_18 = arith.mulf %mul3A, %sub3A_17 : vector<2000x32xf32>
    %get3A_19 = arith.constant 0 : index
    %get3A_20 = arith.constant 0 : index
    %get3A_21 = vector.load %arg7[%get3A_19, %get3A_20] : memref<1x32xf32, #tpu.memory_space<vmem>>, vector<1x32xf32>
    %add3A_22 = vector.broadcast %get3A_21 : vector<1x32xf32> to vector<2000x32xf32>
    %add3A_23 = arith.addf %mul3A_18, %add3A_22 : vector<2000x32xf32>
    %max3A = arith.constant 0.000000e+00 : f32
    %max3A_24 = vector.broadcast %max3A : f32 to vector<2000x32xf32>
    %max3A_25 = arith.maximumf %add3A_23, %max3A_24 : vector<2000x32xf32>
    %get3A_26 = arith.constant 0 : index
    %get3A_27 = arith.constant 0 : index
    %get3A_28 = vector.load %arg6[%get3A_26, %get3A_27] : memref<32x32xf32, #tpu.memory_space<vmem>>, vector<32x32xf32>
    %dot_general3A = arith.constant dense<0.000000e+00> : vector<2000x32xf32>
    %dot_general3A_29 = tpu.matmul %max3A_25, %get3A_28, %dot_general3A {dimension_numbers = #tpu.dot_dimension_numbers<[1], [0], [0], [1], [0, 0, 1, 1], [], []>, transpose_lhs_hint = false} : vector<2000x32xf32>, vector<32x32xf32>, vector<2000x32xf32> -> vector<2000x32xf32>
    %mul3A_30 = vector.broadcast %rsqrt3A : vector<2000x1xf32> to vector<2000x32xf32>
    %mul3A_31 = arith.mulf %mul3A_30, %dot_general3A_29 : vector<2000x32xf32>
    %swap3A = arith.constant 0 : index
    %swap3A_32 = arith.constant 0 : index
    %swap3A_33 = vector.load %arg8[%swap3A, %swap3A_32] : memref<2000x32xf32, #tpu.memory_space<vmem>>, vector<2000x32xf32>
    tpu.vector_store %arg8[%swap3A, %swap3A_32], %mul3A_31 {strides = array<i32>} : memref<2000x32xf32, #tpu.memory_space<vmem>>, vector<2000x32xf32>,
    return
  }
  func.func @transform_0(%arg0: i32) -> (i32, i32) {
    %c0_i32 = arith.constant 0 : i32
    %c0_i32_0 = arith.constant 0 : i32
    return %arg0, %c0_i32 : i32, i32
  }
  func.func @transform_1(%arg0: i32) -> (i32, i32) {
    %c0_i32 = arith.constant 0 : i32
    %c0_i32_0 = arith.constant 0 : i32
    return %arg0, %c0_i32 : i32, i32
  }
  func.func @transform_2(%arg0: i32) -> (i32, i32) {
    %c0_i32 = arith.constant 0 : i32
    %c0_i32_0 = arith.constant 0 : i32
    return %arg0, %c0_i32 : i32, i32
  }
  func.func @transform_3(%arg0: i32) -> (i32, i32) {
    %c0_i32 = arith.constant 0 : i32
    %c0_i32_0 = arith.constant 0 : i32
    return %arg0, %c0_i32 : i32, i32
  }
  func.func @transform_4(%arg0: i32) -> (i32, i32) {
    %c0_i32 = arith.constant 0 : i32
    %c0_i32_0 = arith.constant 0 : i32
    return %arg0, %c0_i32 : i32, i32
  }
  func.func @transform_5(%arg0: i32) -> (i32, i32) {
    %c0_i32 = arith.constant 0 : i32
    %c0_i32_0 = arith.constant 0 : i32
    %c0_i32_1 = arith.constant 0 : i32
    return %c0_i32, %c0_i32_0 : i32, i32
  }
  func.func @transform_6(%arg0: i32) -> (i32, i32) {
    %c0_i32 = arith.constant 0 : i32
    %c0_i32_0 = arith.constant 0 : i32
    %c0_i32_1 = arith.constant 0 : i32
    return %c0_i32, %c0_i32_0 : i32, i32
  }
  func.func @transform_7(%arg0: i32) -> (i32, i32) {
    %c0_i32 = arith.constant 0 : i32
    %c0_i32_0 = arith.constant 0 : i32
    return %arg0, %c0_i32 : i32, i32
  }
}

module attributes {stable_mosaic.version = 14 : i64} {
  func.func @body(%arg0: i32, %arg1: memref<2000x8xf32, #tpu.memory_space<vmem>>, %arg2: memref<2000x8xf32, #tpu.memory_space<vmem>>, %arg3: memref<2000x32xf32, #tpu.memory_space<vmem>>, %arg4: memref<2000x32xf32, #tpu.memory_space<vmem>>, %arg5: memref<2000x32xf32, #tpu.memory_space<vmem>>, %arg6: memref<1x32xf32, #tpu.memory_space<vmem>>, %arg7: memref<2000x32xf32, #tpu.memory_space<vmem>>) attributes {dimension_semantics = [#tpu.dimension_semantics<arbitrary>], iteration_bounds = array<i64: 5>, scalar_prefetch = 0 : i64, scratch_operands = 0 : i64, tpu.core_type = #tpu.core_type<tc>, window_params = [{transform_indices = @transform_0, window_bounds = array<i64: 2000, 8>}, {transform_indices = @transform_1, window_bounds = array<i64: 2000, 8>}, {transform_indices = @transform_2, window_bounds = array<i64: 2000, 32>}, {transform_indices = @transform_3, window_bounds = array<i64: 2000, 32>}, {transform_indices = @transform_4, window_bounds = array<i64: 2000, 32>}, {pipeline_mode = #tpu.pipeline_mode<synchronous>, transform_indices = @transform_5, window_bounds = array<i64: 1, 32>}, {transform_indices = @transform_6, window_bounds = array<i64: 2000, 32>}]} {
    %get3A = arith.constant 0 : index
    %get3A_0 = arith.constant 0 : index
    %get3A_1 = vector.load %arg1[%get3A, %get3A_0] : memref<2000x8xf32, #tpu.memory_space<vmem>>, vector<2000x1xf32>
    %get3A_2 = arith.constant 0 : index
    %get3A_3 = arith.constant 0 : index
    %get3A_4 = vector.load %arg2[%get3A_2, %get3A_3] : memref<2000x8xf32, #tpu.memory_space<vmem>>, vector<2000x1xf32>
    %add3A = arith.addf %get3A_1, %get3A_4 : vector<2000x1xf32>
    %sub3A = arith.constant 1.000000e+00 : f32
    %sub3A_5 = vector.broadcast %sub3A : f32 to vector<2000x1xf32>
    %sub3A_6 = arith.subf %add3A, %sub3A_5 : vector<2000x1xf32>
    %rsqrt3A = math.rsqrt %sub3A_6 : vector<2000x1xf32>
    %get3A_7 = arith.constant 0 : index
    %get3A_8 = arith.constant 0 : index
    %get3A_9 = vector.load %arg3[%get3A_7, %get3A_8] : memref<2000x32xf32, #tpu.memory_space<vmem>>, vector<2000x32xf32>
    %get3A_10 = arith.constant 0 : index
    %get3A_11 = arith.constant 0 : index
    %get3A_12 = vector.load %arg4[%get3A_10, %get3A_11] : memref<2000x32xf32, #tpu.memory_space<vmem>>, vector<2000x32xf32>
    %add3A_13 = arith.addf %get3A_9, %get3A_12 : vector<2000x32xf32>
    %get3A_14 = arith.constant 0 : index
    %get3A_15 = arith.constant 0 : index
    %get3A_16 = vector.load %arg5[%get3A_14, %get3A_15] : memref<2000x32xf32, #tpu.memory_space<vmem>>, vector<2000x32xf32>
    %sub3A_17 = arith.subf %add3A_13, %get3A_16 : vector<2000x32xf32>
    %mul3A = vector.broadcast %rsqrt3A : vector<2000x1xf32> to vector<2000x32xf32>
    %mul3A_18 = arith.mulf %mul3A, %sub3A_17 : vector<2000x32xf32>
    %get3A_19 = arith.constant 0 : index
    %get3A_20 = arith.constant 0 : index
    %get3A_21 = vector.load %arg6[%get3A_19, %get3A_20] : memref<1x32xf32, #tpu.memory_space<vmem>>, vector<1x32xf32>
    %add3A_22 = vector.broadcast %get3A_21 : vector<1x32xf32> to vector<2000x32xf32>
    %add3A_23 = arith.addf %mul3A_18, %add3A_22 : vector<2000x32xf32>
    %max3A = arith.constant 0.000000e+00 : f32
    %max3A_24 = vector.broadcast %max3A : f32 to vector<2000x32xf32>
    %max3A_25 = arith.maximumf %add3A_23, %max3A_24 : vector<2000x32xf32>
    %swap3A = arith.constant 0 : index
    %swap3A_26 = arith.constant 0 : index
    %swap3A_27 = vector.load %arg7[%swap3A, %swap3A_26] : memref<2000x32xf32, #tpu.memory_space<vmem>>, vector<2000x32xf32>
    tpu.vector_store %arg7[%swap3A, %swap3A_26], %max3A_25 {strides = array<i32>} : memref<2000x32xf32, #tpu.memory_space<vmem>>, vector<2000x32xf32>,
    return
  }
  func.func @transform_0(%arg0: i32) -> (i32, i32) {
    %c0_i32 = arith.constant 0 : i32
    %c0_i32_0 = arith.constant 0 : i32
    return %arg0, %c0_i32 : i32, i32
  }
  func.func @transform_1(%arg0: i32) -> (i32, i32) {
    %c0_i32 = arith.constant 0 : i32
    %c0_i32_0 = arith.constant 0 : i32
    return %arg0, %c0_i32 : i32, i32
  }
  func.func @transform_2(%arg0: i32) -> (i32, i32) {
    %c0_i32 = arith.constant 0 : i32
    %c0_i32_0 = arith.constant 0 : i32
    return %arg0, %c0_i32 : i32, i32
  }
  func.func @transform_3(%arg0: i32) -> (i32, i32) {
    %c0_i32 = arith.constant 0 : i32
    %c0_i32_0 = arith.constant 0 : i32
    return %arg0, %c0_i32 : i32, i32
  }
  func.func @transform_4(%arg0: i32) -> (i32, i32) {
    %c0_i32 = arith.constant 0 : i32
    %c0_i32_0 = arith.constant 0 : i32
    return %arg0, %c0_i32 : i32, i32
  }
  func.func @transform_5(%arg0: i32) -> (i32, i32) {
    %c0_i32 = arith.constant 0 : i32
    %c0_i32_0 = arith.constant 0 : i32
    %c0_i32_1 = arith.constant 0 : i32
    return %c0_i32, %c0_i32_0 : i32, i32
  }
  func.func @transform_6(%arg0: i32) -> (i32, i32) {
    %c0_i32 = arith.constant 0 : i32
    %c0_i32_0 = arith.constant 0 : i32
    return %arg0, %c0_i32 : i32, i32
  }
}

</mosaic_0001>

<sc_bundles>
// kernel: kernel.11.cloned.1.call-start
scs
__scs_entry_jumppad:
0x0: {  	(pc) =	sbr.rel $0x88, $3  }
0x1: {  	(tag) =	ssettag $0x0;
	lr =	simm.s32 $0x1  }
0x2: {  	[smem:$0x3F99] =	sst lr;
	_ =	strace $0xD0000000  }
0x3: {  	_ = 	snop  }
0x4: {  	_ = 	snop  }
0x5: {  	_ = 	snop  }
0x6: {  	_ = 	snop  }
0x7: {  	_ = 	snop  }
__scs_overlays_trampoline_lowered:
0x8: {  	[smem:$0x3FA8] =	sst s0  }
0x9: {  	[smem:$0x3FA9] =	sst s1  }
0xa: {  	[smem:$0x3FAA] =	sst s2  }
0xb: {  	[smem:$0x3FAB] =	sst s3  }
0xc: {  	[smem:$0x3FAC] =	sst s4  }
0xd: {  	[smem:$0x3FAD] =	sst s5  }
0xe: {  	[smem:$0x3FAE] =	sst s6  }
0xf: {  	[smem:$0x3FAF] =	sst s7  }
0x10: {  	[smem:$0x3FB0] =	sst s8  }
0x11: {  	[smem:$0x3FB1] =	sst s9;
	s0 =	simm.s32 @!p0 $0x0  }
0x12: {  	s1 =	sld [smem:$0x3F97];
	s0 =	simm.s32 @p0 $0x1  }
0x13: {  	[smem:$0x3FB2] =	sst s0;
	s0 =	simm.s32 @!p1 $0x0  }
0x14: {  	s2 =	sld [smem:$0x3F96];
	s0 =	simm.s32 @p1 $0x1  }
0x15: {  	[smem:$0x3FB3] =	sst s0;
	s0 =	simm.s32 @!p2 $0x0  }
0x16: {  	s3 =	sld [smem:$0x3FDB];
	s0 =	simm.s32 @p2 $0x1  }
0x17: {  	s4 =	simm.s32 $0x1BF5;
	[smem:$0x3FB5] =	sst s0  }
0x18: {  	s0 =	sld [smem:$0x3F98];
	_ =	swait.ge [sflag:s4], $0x0  }
0x19: {  	s7 =	sld [smem:$0x3F99]  }
0x1a: {  	s8 =	sadd.s32 $0xFFFFE003, lr  }
0x1b: {  	s9 =	sadd.s32 $0xFFFFFEF7, lr;
	s5 =	simm.s32 $0xFFFFFFFF;
	p2 =	slt.u32 s8, $0xFFFFF086  }
0x1c: {  	p1 =	slt.u32 s9, $0xF7A;
	s5 =	simm.s32 @!p2 $0x0  }
0x1d: {  	s5 =	simm.s32 @p1 $0x1;
	p0 =	seq.s32 s7, s2  }
0x1e: {  	s7 =	smul.u32 @!p0 $0xF7A, s2;
	p2 =	seq.s32 @!p0 s5, $0x0  }
0x1f: {  	s9 =	smul.u32 $0xF7A, s1;
	s8 =	simm.s32 @!p0 $0x1BF5;
	p2 =	por !p2, p0  }
0x20: {  	[sflag:s8] =	ssyncset.s32 @!p0 $0xFFFFF086;
	s6 =	sadd.s32 @!p0 s3, s7;
	s7 =	simm.s32 @!p0 $0x108  }
0x21: {  	s3 =	sadd.s32 s3, s9;
	s6 =	sadd.s32 @!p0 $0x88, s6;
	s7 =	simm.s32 @p2 $0x1082  }
0x22: {  	[simem:s7], [sflag:s8] =	dma.local @!p0 [hbm:s6], $0xF7A  }
0x23: {  	s9 =	sor.u32 $0xD0000000, s2;
	s6 =	simm.s32 $0x108;
	_ =	swait.ge @!p0 [sflag:s8], $0x0  }
0x24: {  	s3 =	sadd.s32 $0x88, s3;
	s6 =	simm.s32 @!p1 $0x1082;
	[sflag:s4] =	ssyncset.s32 $0xFFFFF086  }
0x25: {  	[simem:s6], [sflag:s4] =	dma.local [hbm:s3], $0xF7A  }
0x26: {  	[smem:$0x3F99] =	sst s1;
	(tag) =	ssettag s2;
	_ =	strace s9  }
0x27: {  	s1 =	sld [smem:$0x3FA9]  }
0x28: {  	s2 =	sld [smem:$0x3FAA]  }
0x29: {  	s4 =	sld [smem:$0x3FAC]  }
0x2a: {  	p0 =	seq.s32 s5, $0x0;
	s5 =	sld [smem:$0x3FAD]  }
0x2b: {  	s6 =	sld [smem:$0x3FAE]  }
0x2c: {  	s7 =	sld [smem:$0x3FAF]  }
0x2d: {  	s3 =	simm.s32 $0x108;
	s8 =	sld [smem:$0x3FB0]  }
0x2e: {  	s3 =	simm.s32 @!p0 $0x1082;
	s9 =	sld [smem:$0x3FB1]  }
0x2f: {  	lr =	sadd.s32 s0, s3;
	s0 =	sld [smem:$0x3FA8]  }
0x30: {  	s3 =	sld [smem:$0x3FAB]  }
0x31: {  	[smem:$0x3FB4] =	sst s10  }
0x32: {  	s10 =	sld [smem:$0x3FB2];
	_ =	sdelay $0x3  }
0x33: {  	p0 =	seq.s32 s10, $0x1;
	s10 =	sld [smem:$0x3FB4];
	_ =	sdelay $0x3  }
0x34: {  	[smem:$0x3FB4] =	sst s10  }
0x35: {  	s10 =	sld [smem:$0x3FB3];
	_ =	sdelay $0x3  }
0x36: {  	p1 =	seq.s32 s10, $0x1;
	s10 =	sld [smem:$0x3FB4];
	_ =	sdelay $0x3  }
0x37: {  	[smem:$0x3FB4] =	sst s10  }
0x38: {  	s10 =	sld [smem:$0x3FB5]  }
0x39: {  	_ = 	snop;
	(pc) =	sbr.ind lr, $3  }
0x3a: {  	_ = 	snop  }
0x3b: {  	_ = 	snop  }
0x3c: {  	p2 =	seq.s32 s10, $0x1;
	s10 =	sld [smem:$0x3FB4]  }
0x3d: {  	_ =	shalt  }
0x3e: {  	_ =	shalt  }
0x3f: {  	_ =	shalt  }
0x40: {  	_ =	shalt  }
0x41: {  	_ =	shalt  }
0x42: {  	_ =	shalt  }
0x43: {  	_ =	shalt  }
0x44: {  	_ =	shalt  }
0x45: {  	_ =	shalt  }
0x46: {  	_ =	shalt  }
0x47: {  	_ =	shalt  }
0x48: {  	_ =	shalt  }
0x49: {  	_ =	shalt  }
0x4a: {  	_ =	shalt  }
0x4b: {  	_ =	shalt  }
0x4c: {  	_ =	shalt  }
0x4d: {  	_ =	shalt  }
0x4e: {  	_ =	shalt  }
0x4f: {  	_ =	shalt  }
0x50: {  	_ =	shalt  }
0x51: {  	_ =	shalt  }
0x52: {  	_ =	shalt  }
0x53: {  	_ =	shalt  }
0x54: {  	_ =	shalt  }
0x55: {  	_ =	shalt  }
0x56: {  	_ =	shalt  }
0x57: {  	_ =	shalt  }
0x58: {  	_ =	shalt  }
0x59: {  	_ =	shalt  }
0x5a: {  	_ =	shalt  }
0x5b: {  	_ =	shalt  }
0x5c: {  	_ =	shalt  }
0x5d: {  	_ =	shalt  }
0x5e: {  	_ =	shalt  }
0x5f: {  	_ =	shalt  }
0x60: {  	_ =	shalt  }
0x61: {  	_ =	shalt  }
0x62: {  	_ =	shalt  }
0x63: {  	_ =	shalt  }
0x64: {  	_ =	shalt  }
0x65: {  	_ =	shalt  }
0x66: {  	_ =	shalt  }
0x67: {  	_ =	shalt  }
0x68: {  	_ =	shalt  }
0x69: {  	_ =	shalt  }
0x6a: {  	_ =	shalt  }
0x6b: {  	_ =	shalt  }
0x6c: {  	_ =	shalt  }
0x6d: {  	_ =	shalt  }
0x6e: {  	_ =	shalt  }
0x6f: {  	_ =	shalt  }
0x70: {  	_ =	shalt  }
0x71: {  	_ =	shalt  }
0x72: {  	_ =	shalt  }
0x73: {  	_ =	shalt  }
0x74: {  	_ =	shalt  }
0x75: {  	_ =	shalt  }
0x76: {  	_ =	shalt  }
0x77: {  	_ =	shalt  }
0x78: {  	_ =	shalt  }
0x79: {  	_ =	shalt  }
0x7a: {  	_ =	shalt  }
0x7b: {  	_ =	shalt  }
0x7c: {  	_ =	shalt  }
0x7d: {  	_ =	shalt  }
0x7e: {  	_ =	shalt  }
0x7f: {  	_ =	shalt  }
0x80: {  	_ =	shalt  }
0x81: {  	_ =	shalt  }
0x82: {  	_ =	shalt  }
0x83: {  	_ =	shalt  }
0x84: {  	_ =	shalt  }
0x85: {  	_ =	shalt  }
0x86: {  	_ =	shalt  }
0x87: {  	_ =	shalt  }
.Lfunc_end0:
.L_simem_size_0:
called_computation_lowered:
.L_overlay_start_0:
0x88: {  	s2 =	sld [smem:$0x3FD9]  }
0x89: {  	s3 =	sld [smem:$0x3FFE];
	_ =	sdelay $0x1  }
0x8a: {  	s1 =	srdreg.scid  }
0x8b: {  	s0 =	sand.u32 $0x1, s1  }
0x8c: {  	s17 =	sshll.u32 s0, $0xA;
	s2 =	sadd.s32 s3, s2  }
0x8d: {  	s2 =	sadd.s32 s2, s17  }
0x8e: {  	[smem:$0x3FC0] =	sst s2  }
0x8f: {  	_ = 	snop  }
0x90: {  	s2 =	sld [smem:$0x3FD0];
	(tm) =	ssettm $0x1  }
0x91: {  	s18 =	sld [smem:$0x3FFB];
	_ =	sdelay $0x3  }
0x92: {  	_ =	strace s18  }
0x93: {  	s3 =	sld [smem:$0x3FFC];
	_ =	sdelay $0x3  }
0x94: {  	_ =	strace s3  }
0x95: {  	s3 =	sld [smem:$0x3FFD];
	_ =	sdelay $0x3  }
0x96: {  	_ =	strace s3  }
0x97: {  	_ =	strace $0x8FFFFFFF  }
0x98: {  	s19 =	sld [smem:$0x3FDB];
	_ =	sdelay $0x1  }
0x99: {  	s4 =	simm.s32 $_scs_section_size  }
0x9a: {  	s5 =	simm.s32 $_size__tile_overlayer_lowered;
	s6 =	simm.s32 $_tile_overlayer_lowered  }
0x9b: {  	s22 =	simm.s32 $0x1BFF;
	s21 =	sshll.u32 s6, $0x1;
	s3 =	sadd.s32 s4, s19  }
0x9c: {  	s7 =	simm.s32 $0x0;
	s20 =	sshll.u32 s5, $0x1;
	s5 =	sadd.s32 s21, s3  }
0x9d: {  	[timem:s7], [sflag:s22] =	dma.local [hbm:s5], s20  }
0x9e: {  	_ =	swait.ge [sflag:s22], s20  }
0x9f: {  	s4 =	ssub.s32 $0x0, s20;
	[sflag:s22] =	ssyncset.done $0x0  }
0xa0: {  	[sflag:s22] =	ssyncadd.s32 s4;
	_ =	sdelay $0x1  }
0xa1: {  	s23 =	simm.s32 $0x1B8B  }
0xa2: {  	_ =	swait.ge [sflag:s23], $0x1  }
0xa3: {  	[sflag:s23] =	ssyncset.done $0x0  }
0xa4: {  	s25 =	simm.s32 $0x1B8E;
	s24 =	sld [smem:$0x3FFE];
	[sflag:s23] =	ssyncadd.s32 $0xFFFFFFFF  }
0xa5: {  	s26 =	simm.s32 $execute0_lowered;
	[smem:$0x3FD2] =	sst s25  }
0xa6: {  	s5 =	sshll.u32 s26, $0x1;
	_ =	strace $0x80000046;
	[dreg:$0x1] =	wrdreg $0xFFFFFFFF  }
0xa7: {  	s28 =	simm.s32 $_size_execute0_lowered;
	s3 =	sadd.s32 s3, s5;
	[dreg:$0x0] =	wrdreg $0x0  }
0xa8: {  	s5 =	sshll.u32 s28, $0x1;
	[dreg:$0x2] =	wrdreg s3  }
0xa9: {  	[dreg:$0x3] =	wrdreg s5  }
0xaa: {  	[dreg:$0x4] =	wrdreg $0xC0  }
0xab: {  	_ =	task [dreg:s7], $0x5FFFF  }
0xac: {  	[dreg:$0x1] =	wrdreg $0xFFFFFFFF  }
0xad: {  	[dreg:$0x0] =	wrdreg $0x60  }
0xae: {  	[dreg:$0x2] =	wrdreg s24  }
0xaf: {  	[dreg:$0x3] =	wrdreg s2  }
0xb0: {  	[dreg:$0x4] =	wrdreg $0x2C000  }
0xb1: {  	[dreg:$0x5] =	wrdreg $0x9  }
0xb2: {  	_ =	task.clear_ibuf [dreg:s7], $0x6FFFF;
	_ =	strace $0x90000046  }
0xb3: {  	s29 =	simm.s32 $0x9;
	_ =	strace $0x80000048  }
0xb4: {  	_ =	swait.ge [sflag:s29], $0x1  }
0xb5: {  	[sflag:s29] =	ssyncadd.s32 $0xFFFFFFFF  }
0xb6: {  	_ =	strace $0x90000048  }
0xb7: {  	_ =	sfence  }
0xb8: {  	s30 =	sld [smem:$0x0];
	_ =	sdelay $0x2  }
0xb9: {  	s31 =	sshll.u32 s1, $0xD;
	s1 =	sshrl.u32 s1, $0x2  }
0xba: {  	s3 =	sand.u32 $0x4000, s31;
	s1 =	sadd.s32 s1, s30  }
0xbb: {  	s0 =	sor.u32 s3, s0;
	s1 =	sshll.u32 s1, $0x11  }
0xbc: {  	s0 =	sor.u32 s1, s0  }
0xbd: {  	s0 =	sadd.s32 $0x8F2B, s0  }
0xbe: {  	[sflag:s0] =	ssyncadd.remote.s32 $0x1  }
0xbf: {  	_ =	sfence.sel $0xFFFF  }
0xc0: {  	[dreg:$0x0] =	wrdreg $0xFFFFFFFF;
	(pc) =	sbr.abs _section_cstart, $3  }
0xc1: {  	[dreg:$0x1] =	wrdreg $0xFFFFFFFF  }
0xc2: {  	_ =	task.clear_ibuf [dreg:s7], $0x2FFFF;
	_ =	strace $0x9FFFFFFF  }
0xc3: {  	(tm) =	ssettm $0x7FFFFFFF  }
tec
execute0_lowered:
.L_overlay_start_1:
0x0: {  	(tag) =	ssettag $0x1  }
0x1: {  	s7 =	rddreg [dreg:$0x0]  }
0x2: {  	s2 =	rddreg [dreg:$0x1];
	s1 =	srdreg.scid  }
0x3: {  	s0 =	stileid.u32;
	s3 =	rddreg [dreg:$0x2];
	s4 =	simm.s32 $0x0  }
0x4: {  	s10 =	simm.s32 $0x17A00;
	s13 =	simm.s32 $0x80;
	s14 =	simm.s32 $0x100  }
0x5: {  	s15 =	simm.s32 $0x180;
	s16 =	simm.s32 $0x1;
	s17 =	simm.s32 $0x2  }
0x6: {  	s18 =	simm.s32 $0x3;
	s19 =	simm.s32 $0x4;
	s20 =	simm.s32 $0x0  }
0x7: {  	s5 =	sand.u32 $0x1, s1;
	s6 =	sshll.u32 s0, $0x1;
	s1 =	rddreg [dreg:$0x3]  }
0x8: {  	[smem:$0x7FF] =	sst s4;
	s29 =	smul.u32 $0x1400, s0;
	s31 =	sshll.u32 s0, $0x6  }
0x9: {  	s6 =	sor.u32 s5, s6;
	s8 =	ssub.s32 $0x2, s5;
	_ =	strace $0x80000047  }
0xa: {  	v14 =	vlaneseq.u32;
	p0 =	seq.s32 s5, $0x1;
	s6 =	smul.u32 $0x2710, s6;
	s9 =	sshrl.u32 s8, $0x1  }
0xb: {  	v0 =	vor.u32 $0x2710, v14;
	v1 =	vor.u32 $0x2720, v14;
	v2 =	vor.u32 $0x2730, v14;
	s11 =	sshrl.u32 s29, $0x3;
	s10 =	simm.s32 @!p0 $0x1A200;
	s12 =	sadd.s32 s29, s3  }
0xc: {  	v3 =	vor.u32 $0x2740, v14;
	v4 =	vor.u32 $0x2750, v14;
	v5 =	vor.u32 $0x2760, v14;
	s8 =	ssub.s32 s8, s9;
	s30 =	sadd.s32 s10, s7;
	s9 =	simm.s32 $0x5  }
0xd: {  	v6 =	vor.u32 $0x2770, v14;
	v7 =	vor.u32 $0x2780, v14;
	v8 =	vor.u32 $0x2790, v14;
	s10 =	simm.s32 $0x2800;
	s12 =	sshrl.u32 s12, $0x3;
	s6 =	sshrl.u32 s6, $0x3  }
0xe: {  	v9 =	vor.u32 $0x27A0, v14;
	v10 =	vor.u32 $0x27B0, v14;
	v11 =	vor.u32 $0x27C0, v14;
	s6 =	sadd.s32 s7, s6;
	s7 =	smax.u32 s8, $0x1;
	s8 =	sadd.s32 s30, s11  }
0xf: {  	v12 =	vor.u32 $0x27D0, v14;
	v13 =	vor.u32 $0x27E0, v14;
	v14 =	vor.u32 $0x27F0, v14;
	s5 =	sadd.s32 $0xDC40, s6;
	s6 =	sadd.s32 s2, s11;
	s11 =	sor.u32 $0x1C05, s31  }
.LBB2_1:
0x10: {  	[tilespmem:s4], [sflag:$0x5] =	stream.linear.gather [hbm4b:s5+s4], $0x2710, $0x38;
	[tilespmem:$0x4000] =	vst v63  }
0x11: {  	_ =	swait.ge [sflag:s9], $0x2710  }
0x12: {  	[sflag:s9] =	ssyncset.done $0x0  }
0x13: {  	[sflag:s9] =	ssyncadd.s32 $0xFFFFD8F0  }
0x14: {  	[tilespmem:$0x2710] =	vst v0  }
0x15: {  	[tilespmem:$0x2720] =	vst v1  }
0x16: {  	[tilespmem:$0x2730] =	vst v2  }
0x17: {  	[tilespmem:$0x2740] =	vst v3  }
0x18: {  	[tilespmem:$0x2750] =	vst v4  }
0x19: {  	[tilespmem:$0x2760] =	vst v5  }
0x1a: {  	[tilespmem:$0x2770] =	vst v6  }
0x1b: {  	[tilespmem:$0x2780] =	vst v7  }
0x1c: {  	[tilespmem:$0x2790] =	vst v8  }
0x1d: {  	[tilespmem:$0x27A0] =	vst v9  }
0x1e: {  	[tilespmem:$0x27B0] =	vst v10  }
0x1f: {  	[tilespmem:$0x27C0] =	vst v11  }
0x20: {  	[tilespmem:$0x27D0] =	vst v12  }
0x21: {  	[tilespmem:$0x27E0] =	vst v13  }
0x22: {  	[tilespmem:$0x27F0] =	vst v14  }
0x23: {  	[tilespmem:s10], [sflag:$0x5] =	stream.linear.gather [hbm4b:s2+s4], $0x400, $0x38;
	[tilespmem:$0x4000] =	vst v63  }
0x24: {  	_ =	swait.ge [sflag:s9], $0x400  }
0x25: {  	[sflag:s9] =	ssyncset.done $0x0  }
0x26: {  	[sflag:s9] =	ssyncadd.s32 $0xFFFFFC00  }
0x27: {  	[spmem:s12], [sflag:s11] =	dma.local [hbm:s6], $0x280  }
0x28: {  	_ =	swait.ge [sflag:s9], $0x280  }
0x29: {  	[sflag:s9] =	ssyncset.done $0x0  }
0x2a: {  	[sflag:s9] =	ssyncadd.s32 $0xFFFFFD80  }
0x2b: {  	[bflag:$0x0] =	sbarrier.arrive $0xFFFF  }
0x2c: {  	[spmem:s3] =	stream.indirect.scatter.add.f32 [tilespmem:s10], [sflag:$0x1], $0x8, s4, s13, $0xb8;
	[tilespmem:$0x4000] =	vst v63  }
0x2d: {  	_ = 	snop  }
0x2e: {  	[spmem:s3] =	stream.indirect.scatter.add.f32 [tilespmem:s10], [sflag:$0x2], $0x8, s13, s13, $0xb8;
	[tilespmem:$0x4000] =	vst v63  }
0x2f: {  	_ = 	snop  }
0x30: {  	[spmem:s3] =	stream.indirect.scatter.add.f32 [tilespmem:s10], [sflag:$0x3], $0x8, s14, s13, $0xb8;
	[tilespmem:$0x4000] =	vst v63  }
0x31: {  	_ = 	snop  }
0x32: {  	[spmem:s3] =	stream.indirect.scatter.add.f32 [tilespmem:s10], [sflag:$0x4], $0x8, s15, s13, $0xb8;
	[tilespmem:$0x4000] =	vst v63  }
0x33: {  	_ =	swait.ge [sflag:s16], $0x400  }
0x34: {  	[sflag:s16] =	ssyncset.done $0x0  }
0x35: {  	s21 =	simm.s32 $0x200;
	[sflag:s16] =	ssyncadd.s32 $0xFFFFFC00  }
0x36: {  	[spmem:s3] =	stream.indirect.scatter.add.f32 [tilespmem:s10], [sflag:$0x1], $0x8, s21, s13, $0xb8;
	[tilespmem:$0x4000] =	vst v63  }
0x37: {  	_ =	swait.ge [sflag:s17], $0x400  }
0x38: {  	[sflag:s17] =	ssyncset.done $0x0  }
0x39: {  	s30 =	simm.s32 $0x280;
	[sflag:s17] =	ssyncadd.s32 $0xFFFFFC00  }
0x3a: {  	[spmem:s3] =	stream.indirect.scatter.add.f32 [tilespmem:s10], [sflag:$0x2], $0x8, s30, s13, $0xb8;
	[tilespmem:$0x4000] =	vst v63  }
0x3b: {  	_ =	swait.ge [sflag:s18], $0x400  }
0x3c: {  	[sflag:s18] =	ssyncset.done $0x0  }
0x3d: {  	s31 =	simm.s32 $0x300;
	[sflag:s18] =	ssyncadd.s32 $0xFFFFFC00  }
0x3e: {  	[spmem:s3] =	stream.indirect.scatter.add.f32 [tilespmem:s10], [sflag:$0x3], $0x8, s31, s13, $0xb8;
	[tilespmem:$0x4000] =	vst v63  }
0x3f: {  	_ =	swait.ge [sflag:s19], $0x400  }
0x40: {  	[sflag:s19] =	ssyncset.done $0x0  }
0x41: {  	s22 =	simm.s32 $0x380;
	s21 =	simm.s32 $0xFFFF7000;
	[sflag:s19] =	ssyncadd.s32 $0xFFFFFC00  }
.LBB2_2:
0x42: {  	[spmem:s3] =	stream.indirect.scatter.add.f32 [tilespmem:s10], [sflag:$0x4], $0x8, s22, s13, $0xb8;
	[tilespmem:$0x4000] =	vst v63  }
0x43: {  	s22 =	smov.u32 s21  }
0x44: {  	p0 =	sne.s32 s21, $0xFFFFF800;
	s21 =	sadd.s32 $0x800, s21;
	_ =	swait.ge [sflag:s16], $0x400  }
0x45: {  	s22 =	sshra.s32 s22, $0x2;
	[sflag:s16] =	ssyncset.done $0x0  }
0x46: {  	s23 =	sadd.s32 $0x2800, s22;
	[sflag:s16] =	ssyncadd.s32 $0xFFFFFC00  }
0x47: {  	[spmem:s3] =	stream.indirect.scatter.add.f32 [tilespmem:s10], [sflag:$0x1], $0x8, s23, s13, $0xb8;
	[tilespmem:$0x4000] =	vst v63  }
0x48: {  	_ =	swait.ge [sflag:s17], $0x400  }
0x49: {  	[sflag:s17] =	ssyncset.done $0x0  }
0x4a: {  	s23 =	sadd.s32 $0x2880, s22;
	[sflag:s17] =	ssyncadd.s32 $0xFFFFFC00  }
0x4b: {  	[spmem:s3] =	stream.indirect.scatter.add.f32 [tilespmem:s10], [sflag:$0x2], $0x8, s23, s13, $0xb8;
	[tilespmem:$0x4000] =	vst v63  }
0x4c: {  	_ =	swait.ge [sflag:s18], $0x400  }
0x4d: {  	[sflag:s18] =	ssyncset.done $0x0  }
.Ltmp0:
0x4e: {  	s23 =	sadd.s32 $0x2900, s22;
	[sflag:s18] =	ssyncadd.s32 $0xFFFFFC00;
	(pc) =	sbr.rel @p0 .LBB2_2-.Ltmp0, $4  }
0x4f: {  	[spmem:s3] =	stream.indirect.scatter.add.f32 [tilespmem:s10], [sflag:$0x3], $0x8, s23, s13, $0xb8;
	[tilespmem:$0x4000] =	vst v63  }
0x50: {  	_ =	swait.ge [sflag:s19], $0x400  }
0x51: {  	[sflag:s19] =	ssyncset.done $0x0  }
0x52: {  	s22 =	sadd.s32 $0x2980, s22;
	[sflag:s19] =	ssyncadd.s32 $0xFFFFFC00  }
0x53: {  	[spmem:s3] =	stream.indirect.scatter.add.f32 [tilespmem:s10], [sflag:$0x4], $0x8, s22, s13, $0xb8;
	[tilespmem:$0x4000] =	vst v63  }
0x54: {  	_ =	swait.ge [sflag:s16], $0x400  }
0x55: {  	[sflag:s16] =	ssyncset.done $0x0  }
0x56: {  	[sflag:s16] =	ssyncadd.s32 $0xFFFFFC00  }
0x57: {  	_ =	swait.ge [sflag:s17], $0x400  }
0x58: {  	[sflag:s17] =	ssyncset.done $0x0  }
0x59: {  	[sflag:s17] =	ssyncadd.s32 $0xFFFFFC00  }
0x5a: {  	_ =	swait.ge [sflag:s18], $0x400  }
0x5b: {  	[sflag:s18] =	ssyncset.done $0x0  }
0x5c: {  	[sflag:s18] =	ssyncadd.s32 $0xFFFFFC00  }
0x5d: {  	_ =	swait.ge [sflag:s19], $0x400  }
0x5e: {  	s20 =	sadd.s32 $0x1, s20;
	[sflag:s19] =	ssyncset.done $0x0  }
0x5f: {  	p0 =	sne.s32 s20, s7;
	[sflag:s19] =	ssyncadd.s32 $0xFFFFFC00  }
.Ltmp1:
0x60: {  	[bflag:$0x0] =	sbarrier.arrive $0xFFFF;
	(pc) =	sbr.rel @p0 .LBB2_1-.Ltmp1, $4  }
0x61: {  	[hbm:s8], [sflag:s11] =	dma.local [spmem:s12], $0x280  }
0x62: {  	_ =	swait.ge [sflag:s9], $0x280  }
0x63: {  	[sflag:s9] =	ssyncset.done $0x0  }
0x64: {  	[sflag:s9] =	ssyncadd.s32 $0xFFFFFD80  }
0x65: {  	_ =	sfence.sel $0x180000  }
0x66: {  	[bflag:$0x0] =	sbarrier.arrive $0xFFFF  }
0x67: {  	p0 =	sne.s32 s0, $0x0;
	_ =	strace $0x90000047  }
0x68: {  	s0 =	sadd.s32 @!p0 $0x100000, s1;
	[bflag:$0x2] =	sbarrier.arrive $0xFFFF  }
0x69: {  	[sflag:s0] =	ssyncadd.tile.s32 @!p0 $0x1;
	_ =	shalt  }
.Lfunc_end2:
_tile_overlayer_lowered:
.L_overlay_start_2:
0x6a: {  	(tag) =	ssettag $0x2  }
0x6b: {  	s0 =	rddreg [dreg:$0x0];
	s2 =	stileid.u32  }
0x6c: {  	s1 =	rddreg [dreg:$0x1];
	p0 =	sne.s32 s2, $0x0  }
0x6d: {  	s3 =	rddreg [dreg:$0x2];
	[bflag:$0x3] =	sbarrier.arrive $0xFFFF;
	s2 =	simm.s32 @!p0 $0x1C05  }
0x6e: {  	[timem:s3], [sflag:s2] =	dma.local @!p0 [hbm:s0], s1  }
0x6f: {  	s0 =	simm.s32 @!p0 $0x5  }
0x70: {  	_ =	swait.ge @!p0 [sflag:s0], s1  }
0x71: {  	s1 =	ssub.s32 @!p0 $0x0, s1;
	[sflag:s0] =	ssyncset.done @!p0 $0x0  }
0x72: {  	[sflag:s0] =	ssyncadd.s32 @!p0 s1  }
0x73: {  	[bflag:$0x3] =	sbarrier.arrive $0xFFFF  }
0x74: {  	_ =	shalt  }

// kernel: kernel.14.cloned.1.call-start
scs
__scs_entry_jumppad:
0x0: {  	(pc) =	sbr.rel $0x88, $3  }
0x1: {  	(tag) =	ssettag $0x0;
	lr =	simm.s32 $0x1  }
0x2: {  	[smem:$0x3F99] =	sst lr;
	_ =	strace $0xD0000000  }
0x3: {  	_ = 	snop  }
0x4: {  	_ = 	snop  }
0x5: {  	_ = 	snop  }
0x6: {  	_ = 	snop  }
0x7: {  	_ = 	snop  }
__scs_overlays_trampoline_lowered:
0x8: {  	[smem:$0x3FA8] =	sst s0  }
0x9: {  	[smem:$0x3FA9] =	sst s1  }
0xa: {  	[smem:$0x3FAA] =	sst s2  }
0xb: {  	[smem:$0x3FAB] =	sst s3  }
0xc: {  	[smem:$0x3FAC] =	sst s4  }
0xd: {  	[smem:$0x3FAD] =	sst s5  }
0xe: {  	[smem:$0x3FAE] =	sst s6  }
0xf: {  	[smem:$0x3FAF] =	sst s7  }
0x10: {  	[smem:$0x3FB0] =	sst s8  }
0x11: {  	[smem:$0x3FB1] =	sst s9;
	s0 =	simm.s32 @!p0 $0x0  }
0x12: {  	s1 =	sld [smem:$0x3F97];
	s0 =	simm.s32 @p0 $0x1  }
0x13: {  	[smem:$0x3FB2] =	sst s0;
	s0 =	simm.s32 @!p1 $0x0  }
0x14: {  	s2 =	sld [smem:$0x3F96];
	s0 =	simm.s32 @p1 $0x1  }
0x15: {  	[smem:$0x3FB3] =	sst s0;
	s0 =	simm.s32 @!p2 $0x0  }
0x16: {  	s3 =	sld [smem:$0x3FDB];
	s0 =	simm.s32 @p2 $0x1  }
0x17: {  	s4 =	simm.s32 $0x1BF5;
	[smem:$0x3FB5] =	sst s0  }
0x18: {  	s0 =	sld [smem:$0x3F98];
	_ =	swait.ge [sflag:s4], $0x0  }
0x19: {  	s7 =	sld [smem:$0x3F99]  }
0x1a: {  	s8 =	sadd.s32 $0xFFFFE003, lr  }
0x1b: {  	s9 =	sadd.s32 $0xFFFFFEF7, lr;
	s5 =	simm.s32 $0xFFFFFFFF;
	p2 =	slt.u32 s8, $0xFFFFF086  }
0x1c: {  	p1 =	slt.u32 s9, $0xF7A;
	s5 =	simm.s32 @!p2 $0x0  }
0x1d: {  	s5 =	simm.s32 @p1 $0x1;
	p0 =	seq.s32 s7, s2  }
0x1e: {  	s7 =	smul.u32 @!p0 $0xF7A, s2;
	p2 =	seq.s32 @!p0 s5, $0x0  }
0x1f: {  	s9 =	smul.u32 $0xF7A, s1;
	s8 =	simm.s32 @!p0 $0x1BF5;
	p2 =	por !p2, p0  }
0x20: {  	[sflag:s8] =	ssyncset.s32 @!p0 $0xFFFFF086;
	s6 =	sadd.s32 @!p0 s3, s7;
	s7 =	simm.s32 @!p0 $0x108  }
0x21: {  	s3 =	sadd.s32 s3, s9;
	s6 =	sadd.s32 @!p0 $0x88, s6;
	s7 =	simm.s32 @p2 $0x1082  }
0x22: {  	[simem:s7], [sflag:s8] =	dma.local @!p0 [hbm:s6], $0xF7A  }
0x23: {  	s9 =	sor.u32 $0xD0000000, s2;
	s6 =	simm.s32 $0x108;
	_ =	swait.ge @!p0 [sflag:s8], $0x0  }
0x24: {  	s3 =	sadd.s32 $0x88, s3;
	s6 =	simm.s32 @!p1 $0x1082;
	[sflag:s4] =	ssyncset.s32 $0xFFFFF086  }
0x25: {  	[simem:s6], [sflag:s4] =	dma.local [hbm:s3], $0xF7A  }
0x26: {  	[smem:$0x3F99] =	sst s1;
	(tag) =	ssettag s2;
	_ =	strace s9  }
0x27: {  	s1 =	sld [smem:$0x3FA9]  }
0x28: {  	s2 =	sld [smem:$0x3FAA]  }
0x29: {  	s4 =	sld [smem:$0x3FAC]  }
0x2a: {  	p0 =	seq.s32 s5, $0x0;
	s5 =	sld [smem:$0x3FAD]  }
0x2b: {  	s6 =	sld [smem:$0x3FAE]  }
0x2c: {  	s7 =	sld [smem:$0x3FAF]  }
0x2d: {  	s3 =	simm.s32 $0x108;
	s8 =	sld [smem:$0x3FB0]  }
0x2e: {  	s3 =	simm.s32 @!p0 $0x1082;
	s9 =	sld [smem:$0x3FB1]  }
0x2f: {  	lr =	sadd.s32 s0, s3;
	s0 =	sld [smem:$0x3FA8]  }
0x30: {  	s3 =	sld [smem:$0x3FAB]  }
0x31: {  	[smem:$0x3FB4] =	sst s10  }
0x32: {  	s10 =	sld [smem:$0x3FB2];
	_ =	sdelay $0x3  }
0x33: {  	p0 =	seq.s32 s10, $0x1;
	s10 =	sld [smem:$0x3FB4];
	_ =	sdelay $0x3  }
0x34: {  	[smem:$0x3FB4] =	sst s10  }
0x35: {  	s10 =	sld [smem:$0x3FB3];
	_ =	sdelay $0x3  }
0x36: {  	p1 =	seq.s32 s10, $0x1;
	s10 =	sld [smem:$0x3FB4];
	_ =	sdelay $0x3  }
0x37: {  	[smem:$0x3FB4] =	sst s10  }
0x38: {  	s10 =	sld [smem:$0x3FB5]  }
0x39: {  	_ = 	snop;
	(pc) =	sbr.ind lr, $3  }
0x3a: {  	_ = 	snop  }
0x3b: {  	_ = 	snop  }
0x3c: {  	p2 =	seq.s32 s10, $0x1;
	s10 =	sld [smem:$0x3FB4]  }
0x3d: {  	_ =	shalt  }
0x3e: {  	_ =	shalt  }
0x3f: {  	_ =	shalt  }
0x40: {  	_ =	shalt  }
0x41: {  	_ =	shalt  }
0x42: {  	_ =	shalt  }
0x43: {  	_ =	shalt  }
0x44: {  	_ =	shalt  }
0x45: {  	_ =	shalt  }
0x46: {  	_ =	shalt  }
0x47: {  	_ =	shalt  }
0x48: {  	_ =	shalt  }
0x49: {  	_ =	shalt  }
0x4a: {  	_ =	shalt  }
0x4b: {  	_ =	shalt  }
0x4c: {  	_ =	shalt  }
0x4d: {  	_ =	shalt  }
0x4e: {  	_ =	shalt  }
0x4f: {  	_ =	shalt  }
0x50: {  	_ =	shalt  }
0x51: {  	_ =	shalt  }
0x52: {  	_ =	shalt  }
0x53: {  	_ =	shalt  }
0x54: {  	_ =	shalt  }
0x55: {  	_ =	shalt  }
0x56: {  	_ =	shalt  }
0x57: {  	_ =	shalt  }
0x58: {  	_ =	shalt  }
0x59: {  	_ =	shalt  }
0x5a: {  	_ =	shalt  }
0x5b: {  	_ =	shalt  }
0x5c: {  	_ =	shalt  }
0x5d: {  	_ =	shalt  }
0x5e: {  	_ =	shalt  }
0x5f: {  	_ =	shalt  }
0x60: {  	_ =	shalt  }
0x61: {  	_ =	shalt  }
0x62: {  	_ =	shalt  }
0x63: {  	_ =	shalt  }
0x64: {  	_ =	shalt  }
0x65: {  	_ =	shalt  }
0x66: {  	_ =	shalt  }
0x67: {  	_ =	shalt  }
0x68: {  	_ =	shalt  }
0x69: {  	_ =	shalt  }
0x6a: {  	_ =	shalt  }
0x6b: {  	_ =	shalt  }
0x6c: {  	_ =	shalt  }
0x6d: {  	_ =	shalt  }
0x6e: {  	_ =	shalt  }
0x6f: {  	_ =	shalt  }
0x70: {  	_ =	shalt  }
0x71: {  	_ =	shalt  }
0x72: {  	_ =	shalt  }
0x73: {  	_ =	shalt  }
0x74: {  	_ =	shalt  }
0x75: {  	_ =	shalt  }
0x76: {  	_ =	shalt  }
0x77: {  	_ =	shalt  }
0x78: {  	_ =	shalt  }
0x79: {  	_ =	shalt  }
0x7a: {  	_ =	shalt  }
0x7b: {  	_ =	shalt  }
0x7c: {  	_ =	shalt  }
0x7d: {  	_ =	shalt  }
0x7e: {  	_ =	shalt  }
0x7f: {  	_ =	shalt  }
0x80: {  	_ =	shalt  }
0x81: {  	_ =	shalt  }
0x82: {  	_ =	shalt  }
0x83: {  	_ =	shalt  }
0x84: {  	_ =	shalt  }
0x85: {  	_ =	shalt  }
0x86: {  	_ =	shalt  }
0x87: {  	_ =	shalt  }
.Lfunc_end0:
.L_simem_size_0:
called_computation.1_lowered:
.L_overlay_start_0:
0x88: {  	s2 =	sld [smem:$0x3FD9]  }
0x89: {  	s3 =	sld [smem:$0x3FFE];
	_ =	sdelay $0x1  }
0x8a: {  	s1 =	srdreg.scid  }
0x8b: {  	s0 =	sand.u32 $0x1, s1  }
0x8c: {  	s16 =	sshll.u32 s0, $0xA;
	s2 =	sadd.s32 s3, s2  }
0x8d: {  	s2 =	sadd.s32 s2, s16  }
0x8e: {  	[smem:$0x3FC0] =	sst s2  }
0x8f: {  	_ = 	snop  }
0x90: {  	(tm) =	ssettm $0x1  }
0x91: {  	s17 =	sld [smem:$0x3FFB];
	_ =	sdelay $0x3  }
0x92: {  	_ =	strace s17  }
0x93: {  	s2 =	sld [smem:$0x3FFC];
	_ =	sdelay $0x3  }
0x94: {  	_ =	strace s2  }
0x95: {  	s2 =	sld [smem:$0x3FFD];
	_ =	sdelay $0x3  }
0x96: {  	_ =	strace s2  }
0x97: {  	_ =	strace $0x8FFFFFFF  }
0x98: {  	s18 =	sld [smem:$0x3FDB];
	_ =	sdelay $0x1  }
0x99: {  	s19 =	simm.s32 $_scs_section_size  }
0x9a: {  	s4 =	simm.s32 $_size__tile_overlayer_lowered;
	s5 =	simm.s32 $_tile_overlayer_lowered  }
0x9b: {  	s22 =	simm.s32 $0x1BFF;
	s21 =	sshll.u32 s5, $0x1;
	s2 =	sadd.s32 s19, s18  }
0x9c: {  	s6 =	simm.s32 $0x0;
	s20 =	sshll.u32 s4, $0x1;
	s4 =	sadd.s32 s21, s2  }
0x9d: {  	[timem:s6], [sflag:s22] =	dma.local [hbm:s4], s20  }
0x9e: {  	_ =	swait.ge [sflag:s22], s20  }
0x9f: {  	s3 =	ssub.s32 $0x0, s20;
	[sflag:s22] =	ssyncset.done $0x0  }
0xa0: {  	[sflag:s22] =	ssyncadd.s32 s3;
	_ =	sdelay $0x1  }
0xa1: {  	s23 =	simm.s32 $0x1B8B  }
0xa2: {  	_ =	swait.ge [sflag:s23], $0x1  }
0xa3: {  	[sflag:s23] =	ssyncset.done $0x0  }
0xa4: {  	s25 =	simm.s32 $0x1B8E;
	s24 =	sld [smem:$0x3FFE];
	[sflag:s23] =	ssyncadd.s32 $0xFFFFFFFF  }
0xa5: {  	s26 =	simm.s32 $execute0_lowered;
	[smem:$0x3FD2] =	sst s25  }
0xa6: {  	s4 =	sshll.u32 s26, $0x1;
	_ =	strace $0x80000049;
	[dreg:$0x1] =	wrdreg $0xFFFFFFFF  }
0xa7: {  	s28 =	simm.s32 $_size_execute0_lowered;
	s2 =	sadd.s32 s2, s4;
	[dreg:$0x0] =	wrdreg $0x0  }
0xa8: {  	s4 =	sshll.u32 s28, $0x1;
	[dreg:$0x2] =	wrdreg s2  }
0xa9: {  	[dreg:$0x3] =	wrdreg s4  }
0xaa: {  	[dreg:$0x4] =	wrdreg $0xC0  }
0xab: {  	_ =	task [dreg:s6], $0x5FFFF  }
0xac: {  	[dreg:$0x1] =	wrdreg $0xFFFFFFFF  }
0xad: {  	[dreg:$0x0] =	wrdreg $0x60  }
0xae: {  	[dreg:$0x2] =	wrdreg s24  }
0xaf: {  	[dreg:$0x3] =	wrdreg $0x150000  }
0xb0: {  	[dreg:$0x4] =	wrdreg $0x9  }
0xb1: {  	_ =	task.clear_ibuf [dreg:s6], $0x5FFFF;
	_ =	strace $0x90000049  }
0xb2: {  	s29 =	simm.s32 $0x9;
	_ =	strace $0x8000004B  }
0xb3: {  	_ =	swait.ge [sflag:s29], $0x1  }
0xb4: {  	[sflag:s29] =	ssyncadd.s32 $0xFFFFFFFF  }
0xb5: {  	_ =	strace $0x9000004B  }
0xb6: {  	_ =	sfence  }
0xb7: {  	s30 =	sld [smem:$0x0];
	_ =	sdelay $0x2  }
0xb8: {  	s31 =	sshll.u32 s1, $0xD;
	s1 =	sshrl.u32 s1, $0x2  }
0xb9: {  	s3 =	sand.u32 $0x4000, s31;
	s1 =	sadd.s32 s1, s30  }
0xba: {  	s0 =	sor.u32 s3, s0;
	s1 =	sshll.u32 s1, $0x11  }
0xbb: {  	s0 =	sor.u32 s1, s0  }
0xbc: {  	s0 =	sadd.s32 $0x8F2B, s0  }
0xbd: {  	[sflag:s0] =	ssyncadd.remote.s32 $0x1  }
0xbe: {  	_ =	sfence.sel $0xFFFF  }
0xbf: {  	[dreg:$0x0] =	wrdreg $0xFFFFFFFF;
	(pc) =	sbr.abs _section_cstart, $3  }
0xc0: {  	[dreg:$0x1] =	wrdreg $0xFFFFFFFF  }
0xc1: {  	_ =	task.clear_ibuf [dreg:s6], $0x2FFFF;
	_ =	strace $0x9FFFFFFF  }
0xc2: {  	(tm) =	ssettm $0x7FFFFFFF  }
0xc3: {  	_ =	shalt  }
tec
execute0_lowered:
.L_overlay_start_1:
0x0: {  	(tag) =	ssettag $0x1  }
0x1: {  	s0 =	srdreg.scid  }
0x2: {  	s8 =	stileid.u32;
	s1 =	rddreg [dreg:$0x0]  }
0x3: {  	s2 =	rddreg [dreg:$0x1];
	s4 =	simm.s32 $0x0;
	s28 =	simm.s32 $0x1  }
0x4: {  	s30 =	simm.s32 $0xD000;
	s31 =	simm.s32 $0x2;
	s12 =	simm.s32 $0x3  }
0x5: {  	s29 =	simm.s32 $0x11000;
	s13 =	simm.s32 $0x9;
	s11 =	simm.s32 $0xD  }
0x6: {  	s16 =	simm.s32 $0xE;
	s14 =	simm.s32 $0xF;
	s18 =	simm.s32 $0x0  }
0x7: {  	s0 =	sand.u32 $0x1, s0;
	s3 =	sshll.u32 s8, $0x1;
	[smem:$0x7FF] =	sst s4  }
0x8: {  	s4 =	sadd.s32 $0x6CA00, s1;
	s9 =	sadd.s32 $0x93E00, s1;
	s7 =	smul.u32 $0x9C00, s8  }
0x9: {  	s10 =	sadd.s32 $0x80400, s1;
	p1 =	sne.s32 s8, $0xF;
	s25 =	sshll.u32 s8, $0x6  }
0xa: {  	p2 =	seq.s32 s8, $0xF;
	s8 =	simm.s32 $0x8;
	s3 =	sor.u32 s0, s3  }
0xb: {  	_ =	strace $0x8000004A;
	s5 =	ssub.s32 $0x2, s0;
	[dreg:$0x3] =	wrdreg s9  }
0xc: {  	p0 =	seq.s32 s0, $0x1;
	[dreg:$0x4] =	wrdreg s10;
	s0 =	sor.u32 $0x1C11, s25  }
0xd: {  	s25 =	simm.s32 $0x13000;
	s3 =	smul.u32 $0x2710, s3;
	s6 =	sshrl.u32 s5, $0x1  }
0xe: {  	s20 =	sadd.s32 s7, s2;
	s21 =	sshrl.u32 s7, $0x3;
	[dreg:$0xd] =	wrdreg s0  }
0xf: {  	s5 =	ssub.s32 s5, s6;
	s7 =	sadd.s32 s4, s21;
	s22 =	sadd.s32 s9, s21  }
0x10: {  	s23 =	sadd.s32 s10, s21;
	s26 =	sshrl.u32 s20, $0x3;
	s20 =	simm.s32 $0x80  }
0x11: {  	v0 =	vlaneseq.u32;
	s21 =	simm.s32 $0x5000;
	s6 =	simm.s32 $0x5;
	[dreg:$0x7] =	wrdreg s7  }
0x12: {  	v1 =	vor.u32 $0x10, v0;
	v2 =	vor.u32 $0x20, v0;
	s10 =	simm.s32 $0x6;
	s9 =	simm.s32 $0xC;
	[dreg:$0xa] =	wrdreg s22  }
0x13: {  	v3 =	vor.u32 $0x30, v0;
	v4 =	vor.u32 $0x40, v0;
	v5 =	vor.u32 $0x50, v0;
	s3 =	sshrl.u32 s3, $0x3;
	s7 =	sadd.s32 $0x9C000, s2;
	[dreg:$0xb] =	wrdreg s23  }
0x14: {  	v6 =	vor.u32 $0x60, v0;
	v7 =	vor.u32 $0x70, v0;
	v8 =	vor.u32 $0x80, v0;
	s24 =	smax.u32 s5, $0x1;
	[dreg:$0xe] =	wrdreg s26;
	s22 =	simm.s32 $0x7000  }
0x15: {  	v9 =	vor.u32 $0x90, v0;
	v10 =	vor.u32 $0xA0, v0;
	v11 =	vor.u32 $0xB0, v0;
	s26 =	simm.s32 $0xB000;
	s23 =	simm.s32 $0xF000;
	s5 =	simm.s32 $0x7  }
0x16: {  	v12 =	vor.u32 $0xC0, v0;
	v13 =	vor.u32 $0xD0, v0;
	v14 =	vor.u32 $0xE0, v0;
	s3 =	sadd.s32 s3, s1;
	s1 =	sadd.s32 $0x80200, s1;
	[dreg:$0xc] =	wrdreg s24  }
.Ltmp0:
0x17: {  	v15 =	vor.u32 $0x2710, v0;
	v16 =	vor.u32 $0x2720, v0;
	v17 =	vor.u32 $0x2730, v0;
	[dreg:$0x8] =	wrdreg s7;
	s0 =	sshrl.u32 @!p1 s7, $0x3;
	(pc) =	sbr.rel .LBB2_1-.Ltmp0, $4  }
0x18: {  	v18 =	vor.u32 $0x2740, v0;
	v19 =	vor.u32 $0x2750, v0;
	v20 =	vor.u32 $0x2760, v0;
	s24 =	simm.s32 $0x9000;
	s7 =	simm.s32 $0xB;
	[dreg:$0x9] =	wrdreg s1  }
0x19: {  	v21 =	vor.u32 $0x2770, v0;
	v22 =	vor.u32 $0x2780, v0;
	v23 =	vor.u32 $0x2790, v0;
	s19 =	sadd.s32 $0x4000, s3;
	s3 =	sadd.s32 $0xDC40, s3;
	[dreg:$0xf] =	wrdreg s0  }
0x1a: {  	v24 =	vor.u32 $0x27A0, v0;
	v25 =	vor.u32 $0x27B0, v0;
	v26 =	vor.u32 $0x27C0, v0;
	s1 =	simm.s32 $0x4;
	s0 =	simm.s32 $0xA;
	[dreg:$0x5] =	wrdreg s19  }
0x1b: {  	v27 =	vor.u32 $0x27D0, v0;
	v28 =	vor.u32 $0x27E0, v0;
	v29 =	vor.u32 $0x27F0, v0;
	[dreg:$0x6] =	wrdreg s3;
	s3 =	simm.s32 $0x11;
	s19 =	simm.s32 $0x10  }
.LBB2_6:
0x1c: {  	s3 =	rddreg [dreg:$0x8]  }
0x1d: {  	s15 =	sadd.s32 $0x13800, s17;
	s17 =	sshrl.u32 s3, $0x3;
	s3 =	rddreg [dreg:$0xd]  }
0x1e: {  	[hbm:s15], [sflag:s3] =	dma.local [spmem:s17], $0x80  }
0x1f: {  	s3 =	simm.s32 $0x11  }
0x20: {  	_ =	swait.ge [sflag:s3], $0x80  }
0x21: {  	[sflag:s3] =	ssyncset.done $0x0  }
0x22: {  	[sflag:s3] =	ssyncadd.s32 $0xFFFFFF80  }
.LBB2_7:
0x23: {  	s18 =	sadd.s32 $0x1, s18;
	s15 =	rddreg [dreg:$0xc]  }
0x24: {  	p3 =	sne.s32 s18, s15  }
.Ltmp1:
0x25: {  	_ = 	snop;
	(pc) =	sbr.rel @!p3 .LBB2_8-.Ltmp1, $1  }
0x26: {  	_ =	sdelay $0x3  }
.LBB2_1:
0x27: {  	[dreg:$0x10] =	wrdreg s18  }
0x28: {  	s18 =	simm.s32 $0x0;
	s17 =	rddreg [dreg:$0x5]  }
0x29: {  	[tilespmem:s18], [sflag:$0x11] =	stream.linear.gather [hbm4b:s17+s18], $0x2710, $0x38;
	[tilespmem:$0x1F000] =	vst v63  }
0x2a: {  	_ =	swait.ge [sflag:s3], $0x2710  }
0x2b: {  	[sflag:s3] =	ssyncset.done $0x0  }
0x2c: {  	s15 =	simm.s32 $0x2800;
	s17 =	rddreg [dreg:$0x6];
	[sflag:s3] =	ssyncadd.s32 $0xFFFFD8F0  }
0x2d: {  	[tilespmem:s15], [sflag:$0x11] =	stream.linear.gather [hbm4b:s17+s18], $0x2710, $0x38;
	[tilespmem:$0x1F000] =	vst v63  }
0x2e: {  	_ =	swait.ge [sflag:s3], $0x2710  }
0x2f: {  	[sflag:s3] =	ssyncset.done $0x0  }
0x30: {  	[sflag:s3] =	ssyncadd.s32 $0xFFFFD8F0  }
0x31: {  	[tilespmem:$0x2710] =	vst v0  }
0x32: {  	[tilespmem:$0x2720] =	vst v1  }
0x33: {  	[tilespmem:$0x2730] =	vst v2  }
0x34: {  	[tilespmem:$0x2740] =	vst v3  }
0x35: {  	[tilespmem:$0x2750] =	vst v4  }
0x36: {  	[tilespmem:$0x2760] =	vst v5  }
0x37: {  	[tilespmem:$0x2770] =	vst v6  }
0x38: {  	[tilespmem:$0x2780] =	vst v7  }
0x39: {  	[tilespmem:$0x2790] =	vst v8  }
0x3a: {  	[tilespmem:$0x27A0] =	vst v9  }
0x3b: {  	[tilespmem:$0x27B0] =	vst v10  }
0x3c: {  	[tilespmem:$0x27C0] =	vst v11  }
0x3d: {  	[tilespmem:$0x27D0] =	vst v12  }
0x3e: {  	[tilespmem:$0x27E0] =	vst v13  }
0x3f: {  	[tilespmem:$0x27F0] =	vst v14  }
0x40: {  	[tilespmem:$0x4F10] =	vst v15  }
0x41: {  	[tilespmem:$0x4F20] =	vst v16  }
0x42: {  	[tilespmem:$0x4F30] =	vst v17  }
0x43: {  	[tilespmem:$0x4F40] =	vst v18  }
0x44: {  	[tilespmem:$0x4F50] =	vst v19  }
0x45: {  	[tilespmem:$0x4F60] =	vst v20  }
0x46: {  	[tilespmem:$0x4F70] =	vst v21  }
0x47: {  	[tilespmem:$0x4F80] =	vst v22  }
0x48: {  	[tilespmem:$0x4F90] =	vst v23  }
0x49: {  	[tilespmem:$0x4FA0] =	vst v24  }
0x4a: {  	[tilespmem:$0x4FB0] =	vst v25  }
0x4b: {  	[tilespmem:$0x4FC0] =	vst v26  }
0x4c: {  	s17 =	rddreg [dreg:$0x7];
	[tilespmem:$0x4FD0] =	vst v27  }
0x4d: {  	s15 =	rddreg [dreg:$0xe];
	[tilespmem:$0x4FE0] =	vst v28  }
0x4e: {  	s18 =	simm.s32 $0x11;
	s3 =	rddreg [dreg:$0xd];
	[tilespmem:$0x4FF0] =	vst v29  }
0x4f: {  	[spmem:s15], [sflag:s3] =	dma.local [hbm:s17], $0x1380  }
0x50: {  	_ =	swait.ge [sflag:s18], $0x1380  }
0x51: {  	[sflag:s18] =	ssyncset.done $0x0;
	s17 =	rddreg [dreg:$0x9]  }
0x52: {  	s15 =	rddreg [dreg:$0xf];
	[sflag:s18] =	ssyncadd.s32 $0xFFFFEC80  }
0x53: {  	[spmem:s15], [sflag:s3] =	dma.local @!p1 [hbm:s17], $0x80  }
0x54: {  	s17 =	simm.s32 @!p1 $0x11  }
0x55: {  	_ =	swait.ge @!p1 [sflag:s17], $0x80  }
0x56: {  	[sflag:s17] =	ssyncset.done @!p1 $0x0  }
0x57: {  	[sflag:s17] =	ssyncadd.s32 @!p1 $0xFFFFFF80  }
0x58: {  	s17 =	simm.s32 $0x0;
	[bflag:$0x0] =	sbarrier.arrive $0xFFFF  }
0x59: {  	[tilespmem:s21], [sflag:$0x1] =	stream.indirect.gather [hbm4b:s4+s20], $0x40, s17, s20, $0xb8;
	[tilespmem:$0x1F000] =	vst v63  }
0x5a: {  	_ = 	snop  }
0x5b: {  	[tilespmem:s22], [sflag:$0x2] =	stream.indirect.gather [hbm4b:s4+s20], $0x40, s20, s20, $0xb8;
	[tilespmem:$0x1F000] =	vst v63  }
0x5c: {  	s18 =	simm.s32 $0x100  }
0x5d: {  	[tilespmem:s24], [sflag:$0x3] =	stream.indirect.gather [hbm4b:s4+s20], $0x40, s18, s20, $0xb8;
	[tilespmem:$0x1F000] =	vst v63  }
0x5e: {  	s15 =	simm.s32 $0x180  }
0x5f: {  	[tilespmem:s26], [sflag:$0x4] =	stream.indirect.gather [hbm4b:s4+s20], $0x40, s15, s20, $0xb8;
	[tilespmem:$0x1F000] =	vst v63  }
0x60: {  	_ =	swait.ge [sflag:s28], $0x2000  }
0x61: {  	[sflag:s28] =	ssyncset.done $0x0  }
0x62: {  	s17 =	simm.s32 $0x2800;
	[sflag:s28] =	ssyncadd.s32 $0xFFFFE000  }
0x63: {  	[spmem:s2] =	stream.indirect.scatter.add.f32 [tilespmem:s21], [sflag:$0x9], $0x40, s17, s20, $0xb8;
	[tilespmem:$0x1F000] =	vst v63  }
0x64: {  	s18 =	simm.s32 $0x200  }
0x65: {  	[tilespmem:s30], [sflag:$0x5] =	stream.indirect.gather [hbm4b:s4+s20], $0x40, s18, s20, $0xb8;
	[tilespmem:$0x1F000] =	vst v63  }
0x66: {  	_ =	swait.ge [sflag:s31], $0x2000  }
0x67: {  	[sflag:s31] =	ssyncset.done $0x0  }
0x68: {  	s15 =	simm.s32 $0x2880;
	[sflag:s31] =	ssyncadd.s32 $0xFFFFE000  }
0x69: {  	[spmem:s2] =	stream.indirect.scatter.add.f32 [tilespmem:s22], [sflag:$0xA], $0x40, s15, s20, $0xb8;
	[tilespmem:$0x1F000] =	vst v63  }
0x6a: {  	s17 =	simm.s32 $0x280  }
0x6b: {  	[tilespmem:s23], [sflag:$0x6] =	stream.indirect.gather [hbm4b:s4+s20], $0x40, s17, s20, $0xb8;
	[tilespmem:$0x1F000] =	vst v63  }
0x6c: {  	_ =	swait.ge [sflag:s12], $0x2000  }
0x6d: {  	[sflag:s12] =	ssyncset.done $0x0  }
0x6e: {  	s18 =	simm.s32 $0x2900;
	[sflag:s12] =	ssyncadd.s32 $0xFFFFE000  }
0x6f: {  	[spmem:s2] =	stream.indirect.scatter.add.f32 [tilespmem:s24], [sflag:$0xB], $0x40, s18, s20, $0xb8;
	[tilespmem:$0x1F000] =	vst v63  }
0x70: {  	s15 =	simm.s32 $0x300  }
0x71: {  	[tilespmem:s29], [sflag:$0x7] =	stream.indirect.gather [hbm4b:s4+s20], $0x40, s15, s20, $0xb8;
	[tilespmem:$0x1F000] =	vst v63  }
0x72: {  	_ =	swait.ge [sflag:s1], $0x2000  }
0x73: {  	[sflag:s1] =	ssyncset.done $0x0  }
0x74: {  	s17 =	simm.s32 $0x2980;
	[sflag:s1] =	ssyncadd.s32 $0xFFFFE000  }
0x75: {  	[spmem:s2] =	stream.indirect.scatter.add.f32 [tilespmem:s26], [sflag:$0xC], $0x40, s17, s20, $0xb8;
	[tilespmem:$0x1F000] =	vst v63  }
0x76: {  	s18 =	simm.s32 $0x380  }
0x77: {  	[tilespmem:s25], [sflag:$0x8] =	stream.indirect.gather [hbm4b:s4+s20], $0x40, s18, s20, $0xb8;
	[tilespmem:$0x1F000] =	vst v63  }
0x78: {  	_ =	swait.ge [sflag:s6], $0x2000  }
0x79: {  	[sflag:s6] =	ssyncset.done $0x0  }
0x7a: {  	s3 =	simm.s32 $0x2A00;
	[sflag:s6] =	ssyncadd.s32 $0xFFFFE000  }
0x7b: {  	[spmem:s2] =	stream.indirect.scatter.add.f32 [tilespmem:s30], [sflag:$0xD], $0x40, s3, s20, $0xb8;
	[tilespmem:$0x1F000] =	vst v63  }
0x7c: {  	_ =	swait.ge [sflag:s13], $0x2000  }
0x7d: {  	[sflag:s13] =	ssyncset.done $0x0  }
0x7e: {  	s15 =	simm.s32 $0x400;
	[sflag:s13] =	ssyncadd.s32 $0xFFFFE000  }
0x7f: {  	[tilespmem:s21], [sflag:$0x1] =	stream.indirect.gather [hbm4b:s4+s20], $0x40, s15, s20, $0xb8;
	[tilespmem:$0x1F000] =	vst v63  }
0x80: {  	_ =	swait.ge [sflag:s10], $0x2000  }
0x81: {  	[sflag:s10] =	ssyncset.done $0x0  }
0x82: {  	s18 =	simm.s32 $0x2A80;
	[sflag:s10] =	ssyncadd.s32 $0xFFFFE000  }
0x83: {  	[spmem:s2] =	stream.indirect.scatter.add.f32 [tilespmem:s23], [sflag:$0xE], $0x40, s18, s20, $0xb8;
	[tilespmem:$0x1F000] =	vst v63  }
0x84: {  	_ =	swait.ge [sflag:s0], $0x2000  }
0x85: {  	[sflag:s0] =	ssyncset.done $0x0  }
0x86: {  	s3 =	simm.s32 $0x480;
	[sflag:s0] =	ssyncadd.s32 $0xFFFFE000  }
0x87: {  	[tilespmem:s22], [sflag:$0x2] =	stream.indirect.gather [hbm4b:s4+s20], $0x40, s3, s20, $0xb8;
	[tilespmem:$0x1F000] =	vst v63  }
0x88: {  	_ =	swait.ge [sflag:s5], $0x2000  }
0x89: {  	[sflag:s5] =	ssyncset.done $0x0  }
0x8a: {  	s15 =	simm.s32 $0x2B00;
	[sflag:s5] =	ssyncadd.s32 $0xFFFFE000  }
0x8b: {  	[spmem:s2] =	stream.indirect.scatter.add.f32 [tilespmem:s29], [sflag:$0xF], $0x40, s15, s20, $0xb8;
	[tilespmem:$0x1F000] =	vst v63  }
0x8c: {  	_ =	swait.ge [sflag:s7], $0x2000  }
0x8d: {  	[sflag:s7] =	ssyncset.done $0x0  }
0x8e: {  	s18 =	simm.s32 $0x500;
	[sflag:s7] =	ssyncadd.s32 $0xFFFFE000  }
0x8f: {  	[tilespmem:s24], [sflag:$0x3] =	stream.indirect.gather [hbm4b:s4+s20], $0x40, s18, s20, $0xb8;
	[tilespmem:$0x1F000] =	vst v63  }
0x90: {  	_ =	swait.ge [sflag:s8], $0x2000  }
0x91: {  	[sflag:s8] =	ssyncset.done $0x0  }
0x92: {  	s3 =	simm.s32 $0x2B80;
	[sflag:s8] =	ssyncadd.s32 $0xFFFFE000  }
0x93: {  	[spmem:s2] =	stream.indirect.scatter.add.f32 [tilespmem:s25], [sflag:$0x10], $0x40, s3, s20, $0xb8;
	[tilespmem:$0x1F000] =	vst v63  }
0x94: {  	_ =	swait.ge [sflag:s9], $0x2000  }
0x95: {  	[sflag:s9] =	ssyncset.done $0x0  }
0x96: {  	s15 =	simm.s32 $0x580;
	[sflag:s9] =	ssyncadd.s32 $0xFFFFE000  }
0x97: {  	[tilespmem:s26], [sflag:$0x4] =	stream.indirect.gather [hbm4b:s4+s20], $0x40, s15, s20, $0xb8;
	[tilespmem:$0x1F000] =	vst v63  }
0x98: {  	_ =	swait.ge [sflag:s28], $0x2000  }
0x99: {  	[sflag:s28] =	ssyncset.done $0x0  }
0x9a: {  	s18 =	simm.s32 $0x2C00;
	[sflag:s28] =	ssyncadd.s32 $0xFFFFE000  }
0x9b: {  	[spmem:s2] =	stream.indirect.scatter.add.f32 [tilespmem:s21], [sflag:$0x9], $0x40, s18, s20, $0xb8;
	[tilespmem:$0x1F000] =	vst v63  }
0x9c: {  	_ =	swait.ge [sflag:s11], $0x2000  }
0x9d: {  	[sflag:s11] =	ssyncset.done $0x0  }
0x9e: {  	s3 =	simm.s32 $0x600;
	[sflag:s11] =	ssyncadd.s32 $0xFFFFE000  }
0x9f: {  	[tilespmem:s30], [sflag:$0x5] =	stream.indirect.gather [hbm4b:s4+s20], $0x40, s3, s20, $0xb8;
	[tilespmem:$0x1F000] =	vst v63  }
0xa0: {  	_ =	swait.ge [sflag:s31], $0x2000  }
0xa1: {  	[sflag:s31] =	ssyncset.done $0x0  }
0xa2: {  	s15 =	simm.s32 $0x2C80;
	[sflag:s31] =	ssyncadd.s32 $0xFFFFE000  }
0xa3: {  	[spmem:s2] =	stream.indirect.scatter.add.f32 [tilespmem:s22], [sflag:$0xA], $0x40, s15, s20, $0xb8;
	[tilespmem:$0x1F000] =	vst v63  }
0xa4: {  	_ =	swait.ge [sflag:s16], $0x2000  }
0xa5: {  	[sflag:s16] =	ssyncset.done $0x0  }
0xa6: {  	s18 =	simm.s32 $0x680;
	[sflag:s16] =	ssyncadd.s32 $0xFFFFE000  }
0xa7: {  	[tilespmem:s23], [sflag:$0x6] =	stream.indirect.gather [hbm4b:s4+s20], $0x40, s18, s20, $0xb8;
	[tilespmem:$0x1F000] =	vst v63  }
0xa8: {  	_ =	swait.ge [sflag:s12], $0x2000  }
0xa9: {  	[sflag:s12] =	ssyncset.done $0x0  }
0xaa: {  	s3 =	simm.s32 $0x2D00;
	[sflag:s12] =	ssyncadd.s32 $0xFFFFE000  }
0xab: {  	[spmem:s2] =	stream.indirect.scatter.add.f32 [tilespmem:s24], [sflag:$0xB], $0x40, s3, s20, $0xb8;
	[tilespmem:$0x1F000] =	vst v63  }
0xac: {  	_ =	swait.ge [sflag:s14], $0x2000  }
0xad: {  	[sflag:s14] =	ssyncset.done $0x0  }
0xae: {  	s15 =	simm.s32 $0x700;
	[sflag:s14] =	ssyncadd.s32 $0xFFFFE000  }
0xaf: {  	[tilespmem:s29], [sflag:$0x7] =	stream.indirect.gather [hbm4b:s4+s20], $0x40, s15, s20, $0xb8;
	[tilespmem:$0x1F000] =	vst v63  }
0xb0: {  	_ =	swait.ge [sflag:s1], $0x2000  }
0xb1: {  	[sflag:s1] =	ssyncset.done $0x0  }
0xb2: {  	s18 =	simm.s32 $0x2D80;
	[sflag:s1] =	ssyncadd.s32 $0xFFFFE000  }
0xb3: {  	[spmem:s2] =	stream.indirect.scatter.add.f32 [tilespmem:s26], [sflag:$0xC], $0x40, s18, s20, $0xb8;
	[tilespmem:$0x1F000] =	vst v63  }
0xb4: {  	_ =	swait.ge [sflag:s19], $0x2000  }
0xb5: {  	[sflag:s19] =	ssyncset.done $0x0  }
0xb6: {  	s17 =	simm.s32 $0x780;
	s18 =	simm.s32 $0x1000;
	[sflag:s19] =	ssyncadd.s32 $0xFFFFE000  }
.LBB2_2:
0xb7: {  	[tilespmem:s25], [sflag:$0x8] =	stream.indirect.gather [hbm4b:s4+s20], $0x40, s17, s20, $0xb8;
	[tilespmem:$0x1F000] =	vst v63  }
0xb8: {  	s17 =	smov.u32 s18  }
0xb9: {  	p3 =	sne.s32 s18, $0x8000;
	s18 =	sadd.s32 $0x1000, s18;
	_ =	swait.ge [sflag:s6], $0x2000  }
0xba: {  	s17 =	sshra.s32 s17, $0x2;
	[sflag:s6] =	ssyncset.done $0x0  }
0xbb: {  	s15 =	sadd.s32 $0x2A00, s17;
	[sflag:s6] =	ssyncadd.s32 $0xFFFFE000  }
0xbc: {  	[spmem:s2] =	stream.indirect.scatter.add.f32 [tilespmem:s30], [sflag:$0xD], $0x40, s15, s20, $0xb8;
	[tilespmem:$0x1F000] =	vst v63  }
0xbd: {  	_ =	swait.ge [sflag:s13], $0x2000  }
0xbe: {  	[sflag:s13] =	ssyncset.done $0x0  }
0xbf: {  	s15 =	sadd.s32 $0x400, s17;
	[sflag:s13] =	ssyncadd.s32 $0xFFFFE000  }
0xc0: {  	[tilespmem:s21], [sflag:$0x1] =	stream.indirect.gather [hbm4b:s4+s20], $0x40, s15, s20, $0xb8;
	[tilespmem:$0x1F000] =	vst v63  }
0xc1: {  	_ =	swait.ge [sflag:s10], $0x2000  }
0xc2: {  	[sflag:s10] =	ssyncset.done $0x0  }
0xc3: {  	s15 =	sadd.s32 $0x2A80, s17;
	[sflag:s10] =	ssyncadd.s32 $0xFFFFE000  }
0xc4: {  	[spmem:s2] =	stream.indirect.scatter.add.f32 [tilespmem:s23], [sflag:$0xE], $0x40, s15, s20, $0xb8;
	[tilespmem:$0x1F000] =	vst v63  }
0xc5: {  	_ =	swait.ge [sflag:s0], $0x2000  }
0xc6: {  	[sflag:s0] =	ssyncset.done $0x0  }
0xc7: {  	s15 =	sadd.s32 $0x480, s17;
	[sflag:s0] =	ssyncadd.s32 $0xFFFFE000  }
0xc8: {  	[tilespmem:s22], [sflag:$0x2] =	stream.indirect.gather [hbm4b:s4+s20], $0x40, s15, s20, $0xb8;
	[tilespmem:$0x1F000] =	vst v63  }
0xc9: {  	_ =	swait.ge [sflag:s5], $0x2000  }
0xca: {  	[sflag:s5] =	ssyncset.done $0x0  }
0xcb: {  	s15 =	sadd.s32 $0x2B00, s17;
	[sflag:s5] =	ssyncadd.s32 $0xFFFFE000  }
0xcc: {  	[spmem:s2] =	stream.indirect.scatter.add.f32 [tilespmem:s29], [sflag:$0xF], $0x40, s15, s20, $0xb8;
	[tilespmem:$0x1F000] =	vst v63  }
0xcd: {  	_ =	swait.ge [sflag:s7], $0x2000  }
0xce: {  	[sflag:s7] =	ssyncset.done $0x0  }
0xcf: {  	s15 =	sadd.s32 $0x500, s17;
	[sflag:s7] =	ssyncadd.s32 $0xFFFFE000  }
0xd0: {  	[tilespmem:s24], [sflag:$0x3] =	stream.indirect.gather [hbm4b:s4+s20], $0x40, s15, s20, $0xb8;
	[tilespmem:$0x1F000] =	vst v63  }
0xd1: {  	_ =	swait.ge [sflag:s8], $0x2000  }
0xd2: {  	[sflag:s8] =	ssyncset.done $0x0  }
0xd3: {  	s15 =	sadd.s32 $0x2B80, s17;
	[sflag:s8] =	ssyncadd.s32 $0xFFFFE000  }
0xd4: {  	[spmem:s2] =	stream.indirect.scatter.add.f32 [tilespmem:s25], [sflag:$0x10], $0x40, s15, s20, $0xb8;
	[tilespmem:$0x1F000] =	vst v63  }
0xd5: {  	_ =	swait.ge [sflag:s9], $0x2000  }
0xd6: {  	[sflag:s9] =	ssyncset.done $0x0  }
0xd7: {  	s15 =	sadd.s32 $0x580, s17;
	[sflag:s9] =	ssyncadd.s32 $0xFFFFE000  }
0xd8: {  	[tilespmem:s26], [sflag:$0x4] =	stream.indirect.gather [hbm4b:s4+s20], $0x40, s15, s20, $0xb8;
	[tilespmem:$0x1F000] =	vst v63  }
0xd9: {  	_ =	swait.ge [sflag:s28], $0x2000  }
0xda: {  	[sflag:s28] =	ssyncset.done $0x0  }
0xdb: {  	s15 =	sadd.s32 $0x2C00, s17;
	[sflag:s28] =	ssyncadd.s32 $0xFFFFE000  }
0xdc: {  	[spmem:s2] =	stream.indirect.scatter.add.f32 [tilespmem:s21], [sflag:$0x9], $0x40, s15, s20, $0xb8;
	[tilespmem:$0x1F000] =	vst v63  }
0xdd: {  	_ =	swait.ge [sflag:s11], $0x2000  }
0xde: {  	[sflag:s11] =	ssyncset.done $0x0  }
0xdf: {  	s15 =	sadd.s32 $0x600, s17;
	[sflag:s11] =	ssyncadd.s32 $0xFFFFE000  }
0xe0: {  	[tilespmem:s30], [sflag:$0x5] =	stream.indirect.gather [hbm4b:s4+s20], $0x40, s15, s20, $0xb8;
	[tilespmem:$0x1F000] =	vst v63  }
0xe1: {  	_ =	swait.ge [sflag:s31], $0x2000  }
0xe2: {  	[sflag:s31] =	ssyncset.done $0x0  }
0xe3: {  	s15 =	sadd.s32 $0x2C80, s17;
	[sflag:s31] =	ssyncadd.s32 $0xFFFFE000  }
0xe4: {  	[spmem:s2] =	stream.indirect.scatter.add.f32 [tilespmem:s22], [sflag:$0xA], $0x40, s15, s20, $0xb8;
	[tilespmem:$0x1F000] =	vst v63  }
0xe5: {  	_ =	swait.ge [sflag:s16], $0x2000  }
0xe6: {  	[sflag:s16] =	ssyncset.done $0x0  }
0xe7: {  	s15 =	sadd.s32 $0x680, s17;
	[sflag:s16] =	ssyncadd.s32 $0xFFFFE000  }
0xe8: {  	[tilespmem:s23], [sflag:$0x6] =	stream.indirect.gather [hbm4b:s4+s20], $0x40, s15, s20, $0xb8;
	[tilespmem:$0x1F000] =	vst v63  }
0xe9: {  	_ =	swait.ge [sflag:s12], $0x2000  }
0xea: {  	[sflag:s12] =	ssyncset.done $0x0  }
0xeb: {  	s15 =	sadd.s32 $0x2D00, s17;
	[sflag:s12] =	ssyncadd.s32 $0xFFFFE000  }
0xec: {  	[spmem:s2] =	stream.indirect.scatter.add.f32 [tilespmem:s24], [sflag:$0xB], $0x40, s15, s20, $0xb8;
	[tilespmem:$0x1F000] =	vst v63  }
0xed: {  	_ =	swait.ge [sflag:s14], $0x2000  }
0xee: {  	[sflag:s14] =	ssyncset.done $0x0  }
0xef: {  	s15 =	sadd.s32 $0x700, s17;
	[sflag:s14] =	ssyncadd.s32 $0xFFFFE000  }
0xf0: {  	[tilespmem:s29], [sflag:$0x7] =	stream.indirect.gather [hbm4b:s4+s20], $0x40, s15, s20, $0xb8;
	[tilespmem:$0x1F000] =	vst v63  }
0xf1: {  	_ =	swait.ge [sflag:s1], $0x2000  }
0xf2: {  	[sflag:s1] =	ssyncset.done $0x0  }
.Ltmp2:
0xf3: {  	s15 =	sadd.s32 $0x2D80, s17;
	[sflag:s1] =	ssyncadd.s32 $0xFFFFE000;
	(pc) =	sbr.rel @p3 .LBB2_2-.Ltmp2, $4  }
0xf4: {  	[spmem:s2] =	stream.indirect.scatter.add.f32 [tilespmem:s26], [sflag:$0xC], $0x40, s15, s20, $0xb8;
	[tilespmem:$0x1F000] =	vst v63  }
0xf5: {  	_ =	swait.ge [sflag:s19], $0x2000  }
0xf6: {  	[sflag:s19] =	ssyncset.done $0x0  }
0xf7: {  	s17 =	sadd.s32 $0x780, s17;
	[sflag:s19] =	ssyncadd.s32 $0xFFFFE000  }
0xf8: {  	[tilespmem:s25], [sflag:$0x8] =	stream.indirect.gather [hbm4b:s4+s20], $0x40, s17, s20, $0xb8;
	[tilespmem:$0x1F000] =	vst v63  }
0xf9: {  	_ =	swait.ge [sflag:s6], $0x2000  }
0xfa: {  	[sflag:s6] =	ssyncset.done $0x0  }
0xfb: {  	s3 =	simm.s32 $0x4E00;
	[sflag:s6] =	ssyncadd.s32 $0xFFFFE000  }
0xfc: {  	[spmem:s2] =	stream.indirect.scatter.add.f32 [tilespmem:s30], [sflag:$0xD], $0x40, s3, s20, $0xb8;
	[tilespmem:$0x1F000] =	vst v63  }
0xfd: {  	_ =	swait.ge [sflag:s10], $0x2000  }
0xfe: {  	[sflag:s10] =	ssyncset.done $0x0  }
0xff: {  	s15 =	simm.s32 $0x4E80;
	[sflag:s10] =	ssyncadd.s32 $0xFFFFE000  }
0x100: {  	[spmem:s2] =	stream.indirect.scatter.add.f32 [tilespmem:s23], [sflag:$0xE], $0x40, s15, s20, $0xb8;
	[tilespmem:$0x1F000] =	vst v63  }
0x101: {  	_ =	swait.ge [sflag:s5], $0x2000  }
0x102: {  	[sflag:s5] =	ssyncset.done $0x0  }
0x103: {  	s17 =	simm.s32 $0x4F00;
	[sflag:s5] =	ssyncadd.s32 $0xFFFFE000  }
0x104: {  	[spmem:s2] =	stream.indirect.scatter.add.f32 [tilespmem:s29], [sflag:$0xF], $0x40, s17, s20, $0xb8;
	[tilespmem:$0x1F000] =	vst v63  }
0x105: {  	_ =	swait.ge [sflag:s8], $0x2000  }
0x106: {  	[sflag:s8] =	ssyncset.done $0x0  }
0x107: {  	s18 =	simm.s32 $0x4F80;
	[sflag:s8] =	ssyncadd.s32 $0xFFFFE000  }
0x108: {  	[spmem:s2] =	stream.indirect.scatter.add.f32 [tilespmem:s25], [sflag:$0x10], $0x40, s18, s20, $0xb8;
	[tilespmem:$0x1F000] =	vst v63  }
0x109: {  	_ =	swait.ge [sflag:s13], $0x2000  }
0x10a: {  	[sflag:s13] =	ssyncset.done $0x0  }
0x10b: {  	[sflag:s13] =	ssyncadd.s32 $0xFFFFE000  }
0x10c: {  	_ =	swait.ge [sflag:s0], $0x2000  }
0x10d: {  	[sflag:s0] =	ssyncset.done $0x0  }
0x10e: {  	[sflag:s0] =	ssyncadd.s32 $0xFFFFE000  }
0x10f: {  	_ =	swait.ge [sflag:s7], $0x2000  }
0x110: {  	[sflag:s7] =	ssyncset.done $0x0  }
0x111: {  	[sflag:s7] =	ssyncadd.s32 $0xFFFFE000  }
0x112: {  	_ =	swait.ge [sflag:s9], $0x2000  }
0x113: {  	[sflag:s9] =	ssyncset.done $0x0  }
0x114: {  	[sflag:s9] =	ssyncadd.s32 $0xFFFFE000  }
0x115: {  	_ =	swait.ge [sflag:s11], $0x2000  }
0x116: {  	[sflag:s11] =	ssyncset.done $0x0  }
0x117: {  	[sflag:s11] =	ssyncadd.s32 $0xFFFFE000  }
0x118: {  	_ =	swait.ge [sflag:s16], $0x2000  }
0x119: {  	[sflag:s16] =	ssyncset.done $0x0  }
0x11a: {  	[sflag:s16] =	ssyncadd.s32 $0xFFFFE000  }
0x11b: {  	_ =	swait.ge [sflag:s14], $0x2000  }
0x11c: {  	[sflag:s14] =	ssyncset.done $0x0  }
0x11d: {  	[sflag:s14] =	ssyncadd.s32 $0xFFFFE000  }
.Ltmp3:
0x11e: {  	_ =	swait.ge [sflag:s19], $0x2000;
	(pc) =	sbr.rel @!p0 .LBB2_4-.Ltmp3, $3  }
0x11f: {  	[sflag:s19] =	ssyncset.done $0x0  }
0x120: {  	[sflag:s19] =	ssyncadd.s32 $0xFFFFE000  }
0x121: {  	[bflag:$0x0] =	sbarrier.arrive $0xFFFF;
	_ =	sdelay $0x1  }
0x122: {  	s15 =	rddreg [dreg:$0xb]  }
0x123: {  	s3 =	rddreg [dreg:$0xd]  }
0x124: {  	s17 =	rddreg [dreg:$0xe]  }
0x125: {  	[hbm:s15], [sflag:s3] =	dma.local [spmem:s17], $0x1380  }
.Ltmp4:
0x126: {  	_ = 	snop;
	(pc) =	sbr.rel @p1 .LBB2_7-.Ltmp4, $4  }
.Ltmp5:
0x127: {  	s3 =	simm.s32 $0x11;
	(pc) =	sbr.rel @!p1 .LBB2_6-.Ltmp5, $4  }
0x128: {  	_ =	swait.ge [sflag:s3], $0x1380  }
0x129: {  	[sflag:s3] =	ssyncset.done $0x0;
	s17 =	rddreg [dreg:$0x4]  }
0x12a: {  	s18 =	rddreg [dreg:$0x10];
	[sflag:s3] =	ssyncadd.s32 $0xFFFFEC80  }
0x12b: {  	_ = 	snop  }
.LBB2_4:
0x12c: {  	s15 =	rddreg [dreg:$0xa]  }
0x12d: {  	s3 =	rddreg [dreg:$0xd]  }
0x12e: {  	s17 =	rddreg [dreg:$0xe]  }
0x12f: {  	[hbm:s15], [sflag:s3] =	dma.local [spmem:s17], $0x1380  }
.Ltmp6:
0x130: {  	_ = 	snop;
	(pc) =	sbr.rel @p2 .LBB2_6-.Ltmp6, $4  }
.Ltmp7:
0x131: {  	s3 =	simm.s32 $0x11;
	(pc) =	sbr.rel @!p2 .LBB2_7-.Ltmp7, $4  }
0x132: {  	_ =	swait.ge [sflag:s3], $0x1380  }
0x133: {  	[sflag:s3] =	ssyncset.done $0x0;
	s17 =	rddreg [dreg:$0x3]  }
0x134: {  	s18 =	rddreg [dreg:$0x10];
	[sflag:s3] =	ssyncadd.s32 $0xFFFFEC80  }
0x135: {  	_ = 	snop  }
.LBB2_8:
0x136: {  	_ =	sfence.sel $0x180000  }
0x137: {  	[bflag:$0x0] =	sbarrier.arrive $0xFFFF  }
0x138: {  	_ =	strace $0x9000004A  }
0x139: {  	s0 =	stileid.u32;
	[bflag:$0x2] =	sbarrier.arrive $0xFFFF  }
0x13a: {  	p0 =	sne.s32 s0, $0x0;
	s0 =	rddreg [dreg:$0x2]  }
0x13b: {  	s0 =	sadd.s32 @!p0 $0x100000, s0  }
0x13c: {  	[sflag:s0] =	ssyncadd.tile.s32 @!p0 $0x1;
	_ =	shalt  }
.Lfunc_end2:
_tile_overlayer_lowered:
.L_overlay_start_2:
0x13d: {  	(tag) =	ssettag $0x2  }
0x13e: {  	s0 =	rddreg [dreg:$0x0];
	s2 =	stileid.u32  }
0x13f: {  	s1 =	rddreg [dreg:$0x1];
	p0 =	sne.s32 s2, $0x0  }
0x140: {  	s3 =	rddreg [dreg:$0x2];
	[bflag:$0x3] =	sbarrier.arrive $0xFFFF;
	s2 =	simm.s32 @!p0 $0x1C11  }
0x141: {  	[timem:s3], [sflag:s2] =	dma.local @!p0 [hbm:s0], s1  }
0x142: {  	s0 =	simm.s32 @!p0 $0x11  }
0x143: {  	_ =	swait.ge @!p0 [sflag:s0], s1  }
0x144: {  	s1 =	ssub.s32 @!p0 $0x0, s1;
	[sflag:s0] =	ssyncset.done @!p0 $0x0  }
0x145: {  	[sflag:s0] =	ssyncadd.s32 @!p0 s1  }
0x146: {  	[bflag:$0x3] =	sbarrier.arrive $0xFFFF  }
0x147: {  	_ =	shalt  }

// kernel: kernel.17.cloned.1.call-start
scs
__scs_entry_jumppad:
0x0: {  	(pc) =	sbr.rel $0x88, $3  }
0x1: {  	(tag) =	ssettag $0x0;
	lr =	simm.s32 $0x1  }
0x2: {  	[smem:$0x3F99] =	sst lr;
	_ =	strace $0xD0000000  }
0x3: {  	_ = 	snop  }
0x4: {  	_ = 	snop  }
0x5: {  	_ = 	snop  }
0x6: {  	_ = 	snop  }
0x7: {  	_ = 	snop  }
__scs_overlays_trampoline_lowered:
0x8: {  	[smem:$0x3FA8] =	sst s0  }
0x9: {  	[smem:$0x3FA9] =	sst s1  }
0xa: {  	[smem:$0x3FAA] =	sst s2  }
0xb: {  	[smem:$0x3FAB] =	sst s3  }
0xc: {  	[smem:$0x3FAC] =	sst s4  }
0xd: {  	[smem:$0x3FAD] =	sst s5  }
0xe: {  	[smem:$0x3FAE] =	sst s6  }
0xf: {  	[smem:$0x3FAF] =	sst s7  }
0x10: {  	[smem:$0x3FB0] =	sst s8  }
0x11: {  	[smem:$0x3FB1] =	sst s9;
	s0 =	simm.s32 @!p0 $0x0  }
0x12: {  	s1 =	sld [smem:$0x3F97];
	s0 =	simm.s32 @p0 $0x1  }
0x13: {  	[smem:$0x3FB2] =	sst s0;
	s0 =	simm.s32 @!p1 $0x0  }
0x14: {  	s2 =	sld [smem:$0x3F96];
	s0 =	simm.s32 @p1 $0x1  }
0x15: {  	[smem:$0x3FB3] =	sst s0;
	s0 =	simm.s32 @!p2 $0x0  }
0x16: {  	s3 =	sld [smem:$0x3FDB];
	s0 =	simm.s32 @p2 $0x1  }
0x17: {  	s4 =	simm.s32 $0x1BF5;
	[smem:$0x3FB5] =	sst s0  }
0x18: {  	s0 =	sld [smem:$0x3F98];
	_ =	swait.ge [sflag:s4], $0x0  }
0x19: {  	s7 =	sld [smem:$0x3F99]  }
0x1a: {  	s8 =	sadd.s32 $0xFFFFE003, lr  }
0x1b: {  	s9 =	sadd.s32 $0xFFFFFEF7, lr;
	s5 =	simm.s32 $0xFFFFFFFF;
	p2 =	slt.u32 s8, $0xFFFFF086  }
0x1c: {  	p1 =	slt.u32 s9, $0xF7A;
	s5 =	simm.s32 @!p2 $0x0  }
0x1d: {  	s5 =	simm.s32 @p1 $0x1;
	p0 =	seq.s32 s7, s2  }
0x1e: {  	s7 =	smul.u32 @!p0 $0xF7A, s2;
	p2 =	seq.s32 @!p0 s5, $0x0  }
0x1f: {  	s9 =	smul.u32 $0xF7A, s1;
	s8 =	simm.s32 @!p0 $0x1BF5;
	p2 =	por !p2, p0  }
0x20: {  	[sflag:s8] =	ssyncset.s32 @!p0 $0xFFFFF086;
	s6 =	sadd.s32 @!p0 s3, s7;
	s7 =	simm.s32 @!p0 $0x108  }
0x21: {  	s3 =	sadd.s32 s3, s9;
	s6 =	sadd.s32 @!p0 $0x88, s6;
	s7 =	simm.s32 @p2 $0x1082  }
0x22: {  	[simem:s7], [sflag:s8] =	dma.local @!p0 [hbm:s6], $0xF7A  }
0x23: {  	s9 =	sor.u32 $0xD0000000, s2;
	s6 =	simm.s32 $0x108;
	_ =	swait.ge @!p0 [sflag:s8], $0x0  }
0x24: {  	s3 =	sadd.s32 $0x88, s3;
	s6 =	simm.s32 @!p1 $0x1082;
	[sflag:s4] =	ssyncset.s32 $0xFFFFF086  }
0x25: {  	[simem:s6], [sflag:s4] =	dma.local [hbm:s3], $0xF7A  }
0x26: {  	[smem:$0x3F99] =	sst s1;
	(tag) =	ssettag s2;
	_ =	strace s9  }
0x27: {  	s1 =	sld [smem:$0x3FA9]  }
0x28: {  	s2 =	sld [smem:$0x3FAA]  }
0x29: {  	s4 =	sld [smem:$0x3FAC]  }
0x2a: {  	p0 =	seq.s32 s5, $0x0;
	s5 =	sld [smem:$0x3FAD]  }
0x2b: {  	s6 =	sld [smem:$0x3FAE]  }
0x2c: {  	s7 =	sld [smem:$0x3FAF]  }
0x2d: {  	s3 =	simm.s32 $0x108;
	s8 =	sld [smem:$0x3FB0]  }
0x2e: {  	s3 =	simm.s32 @!p0 $0x1082;
	s9 =	sld [smem:$0x3FB1]  }
0x2f: {  	lr =	sadd.s32 s0, s3;
	s0 =	sld [smem:$0x3FA8]  }
0x30: {  	s3 =	sld [smem:$0x3FAB]  }
0x31: {  	[smem:$0x3FB4] =	sst s10  }
0x32: {  	s10 =	sld [smem:$0x3FB2];
	_ =	sdelay $0x3  }
0x33: {  	p0 =	seq.s32 s10, $0x1;
	s10 =	sld [smem:$0x3FB4];
	_ =	sdelay $0x3  }
0x34: {  	[smem:$0x3FB4] =	sst s10  }
0x35: {  	s10 =	sld [smem:$0x3FB3];
	_ =	sdelay $0x3  }
0x36: {  	p1 =	seq.s32 s10, $0x1;
	s10 =	sld [smem:$0x3FB4];
	_ =	sdelay $0x3  }
0x37: {  	[smem:$0x3FB4] =	sst s10  }
0x38: {  	s10 =	sld [smem:$0x3FB5]  }
0x39: {  	_ = 	snop;
	(pc) =	sbr.ind lr, $3  }
0x3a: {  	_ = 	snop  }
0x3b: {  	_ = 	snop  }
0x3c: {  	p2 =	seq.s32 s10, $0x1;
	s10 =	sld [smem:$0x3FB4]  }
0x3d: {  	_ =	shalt  }
0x3e: {  	_ =	shalt  }
0x3f: {  	_ =	shalt  }
0x40: {  	_ =	shalt  }
0x41: {  	_ =	shalt  }
0x42: {  	_ =	shalt  }
0x43: {  	_ =	shalt  }
0x44: {  	_ =	shalt  }
0x45: {  	_ =	shalt  }
0x46: {  	_ =	shalt  }
0x47: {  	_ =	shalt  }
0x48: {  	_ =	shalt  }
0x49: {  	_ =	shalt  }
0x4a: {  	_ =	shalt  }
0x4b: {  	_ =	shalt  }
0x4c: {  	_ =	shalt  }
0x4d: {  	_ =	shalt  }
0x4e: {  	_ =	shalt  }
0x4f: {  	_ =	shalt  }
0x50: {  	_ =	shalt  }
0x51: {  	_ =	shalt  }
0x52: {  	_ =	shalt  }
0x53: {  	_ =	shalt  }
0x54: {  	_ =	shalt  }
0x55: {  	_ =	shalt  }
0x56: {  	_ =	shalt  }
0x57: {  	_ =	shalt  }
0x58: {  	_ =	shalt  }
0x59: {  	_ =	shalt  }
0x5a: {  	_ =	shalt  }
0x5b: {  	_ =	shalt  }
0x5c: {  	_ =	shalt  }
0x5d: {  	_ =	shalt  }
0x5e: {  	_ =	shalt  }
0x5f: {  	_ =	shalt  }
0x60: {  	_ =	shalt  }
0x61: {  	_ =	shalt  }
0x62: {  	_ =	shalt  }
0x63: {  	_ =	shalt  }
0x64: {  	_ =	shalt  }
0x65: {  	_ =	shalt  }
0x66: {  	_ =	shalt  }
0x67: {  	_ =	shalt  }
0x68: {  	_ =	shalt  }
0x69: {  	_ =	shalt  }
0x6a: {  	_ =	shalt  }
0x6b: {  	_ =	shalt  }
0x6c: {  	_ =	shalt  }
0x6d: {  	_ =	shalt  }
0x6e: {  	_ =	shalt  }
0x6f: {  	_ =	shalt  }
0x70: {  	_ =	shalt  }
0x71: {  	_ =	shalt  }
0x72: {  	_ =	shalt  }
0x73: {  	_ =	shalt  }
0x74: {  	_ =	shalt  }
0x75: {  	_ =	shalt  }
0x76: {  	_ =	shalt  }
0x77: {  	_ =	shalt  }
0x78: {  	_ =	shalt  }
0x79: {  	_ =	shalt  }
0x7a: {  	_ =	shalt  }
0x7b: {  	_ =	shalt  }
0x7c: {  	_ =	shalt  }
0x7d: {  	_ =	shalt  }
0x7e: {  	_ =	shalt  }
0x7f: {  	_ =	shalt  }
0x80: {  	_ =	shalt  }
0x81: {  	_ =	shalt  }
0x82: {  	_ =	shalt  }
0x83: {  	_ =	shalt  }
0x84: {  	_ =	shalt  }
0x85: {  	_ =	shalt  }
0x86: {  	_ =	shalt  }
0x87: {  	_ =	shalt  }
.Lfunc_end0:
.L_simem_size_0:
called_computation.2_lowered:
.L_overlay_start_0:
0x88: {  	s2 =	sld [smem:$0x3FD9]  }
0x89: {  	s3 =	sld [smem:$0x3FFE];
	_ =	sdelay $0x1  }
0x8a: {  	s1 =	srdreg.scid  }
0x8b: {  	s0 =	sand.u32 $0x1, s1  }
0x8c: {  	s17 =	sshll.u32 s0, $0xA;
	s2 =	sadd.s32 s3, s2  }
0x8d: {  	s2 =	sadd.s32 s2, s17  }
0x8e: {  	[smem:$0x3FC0] =	sst s2  }
0x8f: {  	_ = 	snop  }
0x90: {  	s2 =	sld [smem:$0x3FD0];
	(tm) =	ssettm $0x1  }
0x91: {  	s18 =	sld [smem:$0x3FFB];
	_ =	sdelay $0x3  }
0x92: {  	_ =	strace s18  }
0x93: {  	s3 =	sld [smem:$0x3FFC];
	_ =	sdelay $0x3  }
0x94: {  	_ =	strace s3  }
0x95: {  	s3 =	sld [smem:$0x3FFD];
	_ =	sdelay $0x3  }
0x96: {  	_ =	strace s3  }
0x97: {  	_ =	strace $0x8FFFFFFF  }
0x98: {  	s19 =	sld [smem:$0x3FDB];
	_ =	sdelay $0x1  }
0x99: {  	s4 =	simm.s32 $_scs_section_size  }
0x9a: {  	s5 =	simm.s32 $_size__tile_overlayer_lowered;
	s6 =	simm.s32 $_tile_overlayer_lowered  }
0x9b: {  	s22 =	simm.s32 $0x1BFF;
	s21 =	sshll.u32 s6, $0x1;
	s3 =	sadd.s32 s4, s19  }
0x9c: {  	s7 =	simm.s32 $0x0;
	s20 =	sshll.u32 s5, $0x1;
	s5 =	sadd.s32 s21, s3  }
0x9d: {  	[timem:s7], [sflag:s22] =	dma.local [hbm:s5], s20  }
0x9e: {  	_ =	swait.ge [sflag:s22], s20  }
0x9f: {  	s4 =	ssub.s32 $0x0, s20;
	[sflag:s22] =	ssyncset.done $0x0  }
0xa0: {  	[sflag:s22] =	ssyncadd.s32 s4;
	_ =	sdelay $0x1  }
0xa1: {  	s23 =	simm.s32 $0x1B8B  }
0xa2: {  	_ =	swait.ge [sflag:s23], $0x1  }
0xa3: {  	[sflag:s23] =	ssyncset.done $0x0  }
0xa4: {  	s25 =	simm.s32 $0x1B8E;
	s24 =	sld [smem:$0x3FFE];
	[sflag:s23] =	ssyncadd.s32 $0xFFFFFFFF  }
0xa5: {  	s26 =	simm.s32 $execute0_lowered;
	[smem:$0x3FD2] =	sst s25  }
0xa6: {  	s5 =	sshll.u32 s26, $0x1;
	_ =	strace $0x8000004C;
	[dreg:$0x1] =	wrdreg $0xFFFFFFFF  }
0xa7: {  	s28 =	simm.s32 $_size_execute0_lowered;
	s3 =	sadd.s32 s3, s5;
	[dreg:$0x0] =	wrdreg $0x0  }
0xa8: {  	s5 =	sshll.u32 s28, $0x1;
	[dreg:$0x2] =	wrdreg s3  }
0xa9: {  	[dreg:$0x3] =	wrdreg s5  }
0xaa: {  	[dreg:$0x4] =	wrdreg $0xC0  }
0xab: {  	_ =	task [dreg:s7], $0x5FFFF  }
0xac: {  	[dreg:$0x1] =	wrdreg $0xFFFFFFFF  }
0xad: {  	[dreg:$0x0] =	wrdreg $0x60  }
0xae: {  	[dreg:$0x2] =	wrdreg s2  }
0xaf: {  	[dreg:$0x3] =	wrdreg s24  }
0xb0: {  	[dreg:$0x4] =	wrdreg $0xD0000  }
0xb1: {  	[dreg:$0x5] =	wrdreg $0x9  }
0xb2: {  	_ =	task.clear_ibuf [dreg:s7], $0x6FFFF;
	_ =	strace $0x9000004C  }
0xb3: {  	s29 =	simm.s32 $0x9;
	_ =	strace $0x8000004E  }
0xb4: {  	_ =	swait.ge [sflag:s29], $0x1  }
0xb5: {  	[sflag:s29] =	ssyncadd.s32 $0xFFFFFFFF  }
0xb6: {  	_ =	strace $0x9000004E  }
0xb7: {  	_ =	sfence  }
0xb8: {  	s30 =	sld [smem:$0x0];
	_ =	sdelay $0x2  }
0xb9: {  	s31 =	sshll.u32 s1, $0xD;
	s1 =	sshrl.u32 s1, $0x2  }
0xba: {  	s3 =	sand.u32 $0x4000, s31;
	s1 =	sadd.s32 s1, s30  }
0xbb: {  	s0 =	sor.u32 s3, s0;
	s1 =	sshll.u32 s1, $0x11  }
0xbc: {  	s0 =	sor.u32 s1, s0  }
0xbd: {  	s0 =	sadd.s32 $0x8F2B, s0  }
0xbe: {  	[sflag:s0] =	ssyncadd.remote.s32 $0x1  }
0xbf: {  	_ =	sfence.sel $0xFFFF  }
0xc0: {  	[dreg:$0x0] =	wrdreg $0xFFFFFFFF;
	(pc) =	sbr.abs _section_cstart, $3  }
0xc1: {  	[dreg:$0x1] =	wrdreg $0xFFFFFFFF  }
0xc2: {  	_ =	task.clear_ibuf [dreg:s7], $0x2FFFF;
	_ =	strace $0x9FFFFFFF  }
0xc3: {  	(tm) =	ssettm $0x7FFFFFFF  }
tec
execute0_lowered:
.L_overlay_start_1:
0x0: {  	(tag) =	ssettag $0x1  }
0x1: {  	s1 =	rddreg [dreg:$0x0]  }
0x2: {  	s0 =	srdreg.scid;
	s4 =	rddreg [dreg:$0x1]  }
0x3: {  	s8 =	stileid.u32;
	s3 =	rddreg [dreg:$0x2];
	s5 =	simm.s32 $0x0  }
0x4: {  	s28 =	simm.s32 $0x1;
	s30 =	simm.s32 $0x9000;
	s31 =	simm.s32 $0x2  }
0x5: {  	s12 =	simm.s32 $0x3;
	s29 =	simm.s32 $0xB000;
	s13 =	simm.s32 $0x9  }
0x6: {  	s11 =	simm.s32 $0xD;
	s14 =	simm.s32 $0xF;
	s0 =	sand.u32 $0x1, s0  }
0x7: {  	s2 =	sshll.u32 s8, $0x1;
	[smem:$0x7FF] =	sst s5;
	s9 =	sadd.s32 $0x76800, s4  }
0x8: {  	s7 =	smul.u32 $0x4E00, s8;
	s10 =	sadd.s32 $0x6CA00, s4;
	s21 =	sadd.s32 $0x9C00, s1  }
0x9: {  	p1 =	sne.s32 s8, $0xF;
	s25 =	sshll.u32 s8, $0x6;
	p2 =	seq.s32 s8, $0xF  }
0xa: {  	s5 =	simm.s32 $0x7;
	_ =	strace $0x8000004D;
	[dreg:$0xa] =	wrdreg s21  }
0xb: {  	s8 =	simm.s32 $0x8;
	s2 =	sor.u32 s0, s2;
	[dreg:$0x4] =	wrdreg s9  }
0xc: {  	s15 =	ssub.s32 $0x2, s0;
	p0 =	seq.s32 s0, $0x1;
	[dreg:$0x5] =	wrdreg s10  }
0xd: {  	s0 =	sor.u32 $0x1C11, s25;
	s21 =	simm.s32 $0x5000;
	s25 =	simm.s32 $0xC000  }
0xe: {  	s2 =	smul.u32 $0x2710, s2;
	s6 =	sshrl.u32 s15, $0x1;
	s18 =	sadd.s32 s7, s3  }
0xf: {  	s19 =	sshrl.u32 s7, $0x3;
	[dreg:$0xe] =	wrdreg s0;
	s7 =	simm.s32 $0xB  }
0x10: {  	s16 =	ssub.s32 s15, s6;
	s20 =	sadd.s32 s1, s19;
	s6 =	sadd.s32 $0x4E000, s3  }
0x11: {  	v0 =	vlaneseq.u32;
	s22 =	sadd.s32 s9, s19;
	s23 =	sadd.s32 s10, s19;
	[dreg:$0x8] =	wrdreg s20  }
0x12: {  	v1 =	vor.u32 $0x10, v0;
	v2 =	vor.u32 $0x20, v0;
	s26 =	sshrl.u32 s18, $0x3;
	s10 =	simm.s32 $0x6;
	[dreg:$0xb] =	wrdreg s22  }
0x13: {  	v3 =	vor.u32 $0x30, v0;
	v4 =	vor.u32 $0x40, v0;
	v5 =	vor.u32 $0x50, v0;
	s9 =	simm.s32 $0xC;
	s19 =	simm.s32 $0x10;
	[dreg:$0xc] =	wrdreg s23  }
0x14: {  	v6 =	vor.u32 $0x60, v0;
	v7 =	vor.u32 $0x70, v0;
	v8 =	vor.u32 $0x80, v0;
	s18 =	simm.s32 $0x0;
	s2 =	sshrl.u32 s2, $0x3;
	[dreg:$0xf] =	wrdreg s26  }
0x15: {  	v9 =	vor.u32 $0x90, v0;
	v10 =	vor.u32 $0xA0, v0;
	v11 =	vor.u32 $0xB0, v0;
	s24 =	smax.u32 s16, $0x1;
	[dreg:$0x9] =	wrdreg s6;
	s0 =	sshrl.u32 @!p1 s6, $0x3  }
0x16: {  	v12 =	vor.u32 $0xC0, v0;
	v13 =	vor.u32 $0xD0, v0;
	v14 =	vor.u32 $0xE0, v0;
	s20 =	simm.s32 $0x80;
	s22 =	simm.s32 $0x6000;
	s26 =	simm.s32 $0x8000  }
.Ltmp0:
0x17: {  	v15 =	vor.u32 $0x2710, v0;
	v16 =	vor.u32 $0x2720, v0;
	v17 =	vor.u32 $0x2730, v0;
	s23 =	simm.s32 $0xA000;
	s6 =	simm.s32 $0x5;
	(pc) =	sbr.rel .LBB2_1-.Ltmp0, $4  }
0x18: {  	v18 =	vor.u32 $0x2740, v0;
	v19 =	vor.u32 $0x2750, v0;
	v20 =	vor.u32 $0x2760, v0;
	s16 =	simm.s32 $0xE;
	s2 =	sadd.s32 s2, s4;
	[dreg:$0xd] =	wrdreg s24  }
0x19: {  	v21 =	vor.u32 $0x2770, v0;
	v22 =	vor.u32 $0x2780, v0;
	v23 =	vor.u32 $0x2790, v0;
	s4 =	simm.s32 $0x11;
	[dreg:$0x10] =	wrdreg s0;
	s17 =	sadd.s32 $0x4000, s2  }
0x1a: {  	v24 =	vor.u32 $0x27A0, v0;
	v25 =	vor.u32 $0x27B0, v0;
	v26 =	vor.u32 $0x27C0, v0;
	s24 =	simm.s32 $0x7000;
	s2 =	sadd.s32 $0xDC40, s2;
	[dreg:$0x6] =	wrdreg s17  }
0x1b: {  	v27 =	vor.u32 $0x27D0, v0;
	v28 =	vor.u32 $0x27E0, v0;
	v29 =	vor.u32 $0x27F0, v0;
	s0 =	simm.s32 $0xA;
	[dreg:$0x7] =	wrdreg s2;
	s2 =	simm.s32 $0x4  }
.LBB2_6:
0x1c: {  	s4 =	rddreg [dreg:$0x9]  }
0x1d: {  	s15 =	sadd.s32 $0x9C00, s17;
	s17 =	sshrl.u32 s4, $0x3;
	s4 =	rddreg [dreg:$0xe]  }
0x1e: {  	[hbm:s15], [sflag:s4] =	dma.local [spmem:s17], $0x40  }
0x1f: {  	s4 =	simm.s32 $0x11  }
0x20: {  	_ =	swait.ge [sflag:s4], $0x40  }
0x21: {  	[sflag:s4] =	ssyncset.done $0x0  }
0x22: {  	[sflag:s4] =	ssyncadd.s32 $0xFFFFFFC0  }
.LBB2_7:
0x23: {  	s18 =	sadd.s32 $0x1, s18;
	s15 =	rddreg [dreg:$0xd]  }
0x24: {  	p3 =	sne.s32 s18, s15  }
.Ltmp1:
0x25: {  	_ = 	snop;
	(pc) =	sbr.rel @!p3 .LBB2_8-.Ltmp1, $1  }
0x26: {  	_ =	sdelay $0x3  }
.LBB2_1:
0x27: {  	[dreg:$0x11] =	wrdreg s18  }
0x28: {  	s18 =	simm.s32 $0x0;
	s17 =	rddreg [dreg:$0x6]  }
0x29: {  	[tilespmem:s18], [sflag:$0x11] =	stream.linear.gather [hbm4b:s17+s18], $0x2710, $0x38;
	[tilespmem:$0x12000] =	vst v63  }
0x2a: {  	_ =	swait.ge [sflag:s4], $0x2710  }
0x2b: {  	[sflag:s4] =	ssyncset.done $0x0  }
0x2c: {  	s15 =	simm.s32 $0x2800;
	s17 =	rddreg [dreg:$0x7];
	[sflag:s4] =	ssyncadd.s32 $0xFFFFD8F0  }
0x2d: {  	[tilespmem:s15], [sflag:$0x11] =	stream.linear.gather [hbm4b:s17+s18], $0x2710, $0x38;
	[tilespmem:$0x12000] =	vst v63  }
0x2e: {  	_ =	swait.ge [sflag:s4], $0x2710  }
0x2f: {  	[sflag:s4] =	ssyncset.done $0x0  }
0x30: {  	[sflag:s4] =	ssyncadd.s32 $0xFFFFD8F0  }
0x31: {  	[tilespmem:$0x2710] =	vst v0  }
0x32: {  	[tilespmem:$0x2720] =	vst v1  }
0x33: {  	[tilespmem:$0x2730] =	vst v2  }
0x34: {  	[tilespmem:$0x2740] =	vst v3  }
0x35: {  	[tilespmem:$0x2750] =	vst v4  }
0x36: {  	[tilespmem:$0x2760] =	vst v5  }
0x37: {  	[tilespmem:$0x2770] =	vst v6  }
0x38: {  	[tilespmem:$0x2780] =	vst v7  }
0x39: {  	[tilespmem:$0x2790] =	vst v8  }
0x3a: {  	[tilespmem:$0x27A0] =	vst v9  }
0x3b: {  	[tilespmem:$0x27B0] =	vst v10  }
0x3c: {  	[tilespmem:$0x27C0] =	vst v11  }
0x3d: {  	[tilespmem:$0x27D0] =	vst v12  }
0x3e: {  	[tilespmem:$0x27E0] =	vst v13  }
0x3f: {  	[tilespmem:$0x27F0] =	vst v14  }
0x40: {  	[tilespmem:$0x4F10] =	vst v15  }
0x41: {  	[tilespmem:$0x4F20] =	vst v16  }
0x42: {  	[tilespmem:$0x4F30] =	vst v17  }
0x43: {  	[tilespmem:$0x4F40] =	vst v18  }
0x44: {  	[tilespmem:$0x4F50] =	vst v19  }
0x45: {  	[tilespmem:$0x4F60] =	vst v20  }
0x46: {  	[tilespmem:$0x4F70] =	vst v21  }
0x47: {  	[tilespmem:$0x4F80] =	vst v22  }
0x48: {  	[tilespmem:$0x4F90] =	vst v23  }
0x49: {  	[tilespmem:$0x4FA0] =	vst v24  }
0x4a: {  	[tilespmem:$0x4FB0] =	vst v25  }
0x4b: {  	[tilespmem:$0x4FC0] =	vst v26  }
0x4c: {  	s17 =	rddreg [dreg:$0x8];
	[tilespmem:$0x4FD0] =	vst v27  }
0x4d: {  	s15 =	rddreg [dreg:$0xf];
	[tilespmem:$0x4FE0] =	vst v28  }
0x4e: {  	s18 =	simm.s32 $0x11;
	s4 =	rddreg [dreg:$0xe];
	[tilespmem:$0x4FF0] =	vst v29  }
0x4f: {  	[spmem:s15], [sflag:s4] =	dma.local [hbm:s17], $0x9C0  }
0x50: {  	_ =	swait.ge [sflag:s18], $0x9C0  }
0x51: {  	[sflag:s18] =	ssyncset.done $0x0;
	s17 =	rddreg [dreg:$0xa]  }
0x52: {  	s15 =	rddreg [dreg:$0x10];
	[sflag:s18] =	ssyncadd.s32 $0xFFFFF640  }
0x53: {  	[spmem:s15], [sflag:s4] =	dma.local @!p1 [hbm:s17], $0x40  }
0x54: {  	s17 =	simm.s32 @!p1 $0x11  }
0x55: {  	_ =	swait.ge @!p1 [sflag:s17], $0x40  }
0x56: {  	[sflag:s17] =	ssyncset.done @!p1 $0x0  }
0x57: {  	[sflag:s17] =	ssyncadd.s32 @!p1 $0xFFFFFFC0  }
0x58: {  	s17 =	simm.s32 $0x0;
	[bflag:$0x0] =	sbarrier.arrive $0xFFFF  }
0x59: {  	[tilespmem:s21], [sflag:$0x1] =	stream.indirect.gather [hbm4b:s1+s20], $0x20, s17, s20, $0xb8;
	[tilespmem:$0x12000] =	vst v63  }
0x5a: {  	_ = 	snop  }
0x5b: {  	[tilespmem:s22], [sflag:$0x2] =	stream.indirect.gather [hbm4b:s1+s20], $0x20, s20, s20, $0xb8;
	[tilespmem:$0x12000] =	vst v63  }
0x5c: {  	s18 =	simm.s32 $0x100  }
0x5d: {  	[tilespmem:s24], [sflag:$0x3] =	stream.indirect.gather [hbm4b:s1+s20], $0x20, s18, s20, $0xb8;
	[tilespmem:$0x12000] =	vst v63  }
0x5e: {  	s15 =	simm.s32 $0x180  }
0x5f: {  	[tilespmem:s26], [sflag:$0x4] =	stream.indirect.gather [hbm4b:s1+s20], $0x20, s15, s20, $0xb8;
	[tilespmem:$0x12000] =	vst v63  }
0x60: {  	_ =	swait.ge [sflag:s28], $0x1000  }
0x61: {  	[sflag:s28] =	ssyncset.done $0x0  }
0x62: {  	s17 =	simm.s32 $0x2800;
	[sflag:s28] =	ssyncadd.s32 $0xFFFFF000  }
0x63: {  	[spmem:s3] =	stream.indirect.scatter.add.f32 [tilespmem:s21], [sflag:$0x9], $0x20, s17, s20, $0xb8;
	[tilespmem:$0x12000] =	vst v63  }
0x64: {  	s18 =	simm.s32 $0x200  }
0x65: {  	[tilespmem:s30], [sflag:$0x5] =	stream.indirect.gather [hbm4b:s1+s20], $0x20, s18, s20, $0xb8;
	[tilespmem:$0x12000] =	vst v63  }
0x66: {  	_ =	swait.ge [sflag:s31], $0x1000  }
0x67: {  	[sflag:s31] =	ssyncset.done $0x0  }
0x68: {  	s15 =	simm.s32 $0x2880;
	[sflag:s31] =	ssyncadd.s32 $0xFFFFF000  }
0x69: {  	[spmem:s3] =	stream.indirect.scatter.add.f32 [tilespmem:s22], [sflag:$0xA], $0x20, s15, s20, $0xb8;
	[tilespmem:$0x12000] =	vst v63  }
0x6a: {  	s17 =	simm.s32 $0x280  }
0x6b: {  	[tilespmem:s23], [sflag:$0x6] =	stream.indirect.gather [hbm4b:s1+s20], $0x20, s17, s20, $0xb8;
	[tilespmem:$0x12000] =	vst v63  }
0x6c: {  	_ =	swait.ge [sflag:s12], $0x1000  }
0x6d: {  	[sflag:s12] =	ssyncset.done $0x0  }
0x6e: {  	s18 =	simm.s32 $0x2900;
	[sflag:s12] =	ssyncadd.s32 $0xFFFFF000  }
0x6f: {  	[spmem:s3] =	stream.indirect.scatter.add.f32 [tilespmem:s24], [sflag:$0xB], $0x20, s18, s20, $0xb8;
	[tilespmem:$0x12000] =	vst v63  }
0x70: {  	s15 =	simm.s32 $0x300  }
0x71: {  	[tilespmem:s29], [sflag:$0x7] =	stream.indirect.gather [hbm4b:s1+s20], $0x20, s15, s20, $0xb8;
	[tilespmem:$0x12000] =	vst v63  }
0x72: {  	_ =	swait.ge [sflag:s2], $0x1000  }
0x73: {  	[sflag:s2] =	ssyncset.done $0x0  }
0x74: {  	s17 =	simm.s32 $0x2980;
	[sflag:s2] =	ssyncadd.s32 $0xFFFFF000  }
0x75: {  	[spmem:s3] =	stream.indirect.scatter.add.f32 [tilespmem:s26], [sflag:$0xC], $0x20, s17, s20, $0xb8;
	[tilespmem:$0x12000] =	vst v63  }
0x76: {  	s18 =	simm.s32 $0x380  }
0x77: {  	[tilespmem:s25], [sflag:$0x8] =	stream.indirect.gather [hbm4b:s1+s20], $0x20, s18, s20, $0xb8;
	[tilespmem:$0x12000] =	vst v63  }
0x78: {  	_ =	swait.ge [sflag:s6], $0x1000  }
0x79: {  	[sflag:s6] =	ssyncset.done $0x0  }
0x7a: {  	s4 =	simm.s32 $0x2A00;
	[sflag:s6] =	ssyncadd.s32 $0xFFFFF000  }
0x7b: {  	[spmem:s3] =	stream.indirect.scatter.add.f32 [tilespmem:s30], [sflag:$0xD], $0x20, s4, s20, $0xb8;
	[tilespmem:$0x12000] =	vst v63  }
0x7c: {  	_ =	swait.ge [sflag:s13], $0x1000  }
0x7d: {  	[sflag:s13] =	ssyncset.done $0x0  }
0x7e: {  	s15 =	simm.s32 $0x400;
	[sflag:s13] =	ssyncadd.s32 $0xFFFFF000  }
0x7f: {  	[tilespmem:s21], [sflag:$0x1] =	stream.indirect.gather [hbm4b:s1+s20], $0x20, s15, s20, $0xb8;
	[tilespmem:$0x12000] =	vst v63  }
0x80: {  	_ =	swait.ge [sflag:s10], $0x1000  }
0x81: {  	[sflag:s10] =	ssyncset.done $0x0  }
0x82: {  	s18 =	simm.s32 $0x2A80;
	[sflag:s10] =	ssyncadd.s32 $0xFFFFF000  }
0x83: {  	[spmem:s3] =	stream.indirect.scatter.add.f32 [tilespmem:s23], [sflag:$0xE], $0x20, s18, s20, $0xb8;
	[tilespmem:$0x12000] =	vst v63  }
0x84: {  	_ =	swait.ge [sflag:s0], $0x1000  }
0x85: {  	[sflag:s0] =	ssyncset.done $0x0  }
0x86: {  	s4 =	simm.s32 $0x480;
	[sflag:s0] =	ssyncadd.s32 $0xFFFFF000  }
0x87: {  	[tilespmem:s22], [sflag:$0x2] =	stream.indirect.gather [hbm4b:s1+s20], $0x20, s4, s20, $0xb8;
	[tilespmem:$0x12000] =	vst v63  }
0x88: {  	_ =	swait.ge [sflag:s5], $0x1000  }
0x89: {  	[sflag:s5] =	ssyncset.done $0x0  }
0x8a: {  	s15 =	simm.s32 $0x2B00;
	[sflag:s5] =	ssyncadd.s32 $0xFFFFF000  }
0x8b: {  	[spmem:s3] =	stream.indirect.scatter.add.f32 [tilespmem:s29], [sflag:$0xF], $0x20, s15, s20, $0xb8;
	[tilespmem:$0x12000] =	vst v63  }
0x8c: {  	_ =	swait.ge [sflag:s7], $0x1000  }
0x8d: {  	[sflag:s7] =	ssyncset.done $0x0  }
0x8e: {  	s18 =	simm.s32 $0x500;
	[sflag:s7] =	ssyncadd.s32 $0xFFFFF000  }
0x8f: {  	[tilespmem:s24], [sflag:$0x3] =	stream.indirect.gather [hbm4b:s1+s20], $0x20, s18, s20, $0xb8;
	[tilespmem:$0x12000] =	vst v63  }
0x90: {  	_ =	swait.ge [sflag:s8], $0x1000  }
0x91: {  	[sflag:s8] =	ssyncset.done $0x0  }
0x92: {  	s4 =	simm.s32 $0x2B80;
	[sflag:s8] =	ssyncadd.s32 $0xFFFFF000  }
0x93: {  	[spmem:s3] =	stream.indirect.scatter.add.f32 [tilespmem:s25], [sflag:$0x10], $0x20, s4, s20, $0xb8;
	[tilespmem:$0x12000] =	vst v63  }
0x94: {  	_ =	swait.ge [sflag:s9], $0x1000  }
0x95: {  	[sflag:s9] =	ssyncset.done $0x0  }
0x96: {  	s15 =	simm.s32 $0x580;
	[sflag:s9] =	ssyncadd.s32 $0xFFFFF000  }
0x97: {  	[tilespmem:s26], [sflag:$0x4] =	stream.indirect.gather [hbm4b:s1+s20], $0x20, s15, s20, $0xb8;
	[tilespmem:$0x12000] =	vst v63  }
0x98: {  	_ =	swait.ge [sflag:s28], $0x1000  }
0x99: {  	[sflag:s28] =	ssyncset.done $0x0  }
0x9a: {  	s18 =	simm.s32 $0x2C00;
	[sflag:s28] =	ssyncadd.s32 $0xFFFFF000  }
0x9b: {  	[spmem:s3] =	stream.indirect.scatter.add.f32 [tilespmem:s21], [sflag:$0x9], $0x20, s18, s20, $0xb8;
	[tilespmem:$0x12000] =	vst v63  }
0x9c: {  	_ =	swait.ge [sflag:s11], $0x1000  }
0x9d: {  	[sflag:s11] =	ssyncset.done $0x0  }
0x9e: {  	s4 =	simm.s32 $0x600;
	[sflag:s11] =	ssyncadd.s32 $0xFFFFF000  }
0x9f: {  	[tilespmem:s30], [sflag:$0x5] =	stream.indirect.gather [hbm4b:s1+s20], $0x20, s4, s20, $0xb8;
	[tilespmem:$0x12000] =	vst v63  }
0xa0: {  	_ =	swait.ge [sflag:s31], $0x1000  }
0xa1: {  	[sflag:s31] =	ssyncset.done $0x0  }
0xa2: {  	s15 =	simm.s32 $0x2C80;
	[sflag:s31] =	ssyncadd.s32 $0xFFFFF000  }
0xa3: {  	[spmem:s3] =	stream.indirect.scatter.add.f32 [tilespmem:s22], [sflag:$0xA], $0x20, s15, s20, $0xb8;
	[tilespmem:$0x12000] =	vst v63  }
0xa4: {  	_ =	swait.ge [sflag:s16], $0x1000  }
0xa5: {  	[sflag:s16] =	ssyncset.done $0x0  }
0xa6: {  	s18 =	simm.s32 $0x680;
	[sflag:s16] =	ssyncadd.s32 $0xFFFFF000  }
0xa7: {  	[tilespmem:s23], [sflag:$0x6] =	stream.indirect.gather [hbm4b:s1+s20], $0x20, s18, s20, $0xb8;
	[tilespmem:$0x12000] =	vst v63  }
0xa8: {  	_ =	swait.ge [sflag:s12], $0x1000  }
0xa9: {  	[sflag:s12] =	ssyncset.done $0x0  }
0xaa: {  	s4 =	simm.s32 $0x2D00;
	[sflag:s12] =	ssyncadd.s32 $0xFFFFF000  }
0xab: {  	[spmem:s3] =	stream.indirect.scatter.add.f32 [tilespmem:s24], [sflag:$0xB], $0x20, s4, s20, $0xb8;
	[tilespmem:$0x12000] =	vst v63  }
0xac: {  	_ =	swait.ge [sflag:s14], $0x1000  }
0xad: {  	[sflag:s14] =	ssyncset.done $0x0  }
0xae: {  	s15 =	simm.s32 $0x700;
	[sflag:s14] =	ssyncadd.s32 $0xFFFFF000  }
0xaf: {  	[tilespmem:s29], [sflag:$0x7] =	stream.indirect.gather [hbm4b:s1+s20], $0x20, s15, s20, $0xb8;
	[tilespmem:$0x12000] =	vst v63  }
0xb0: {  	_ =	swait.ge [sflag:s2], $0x1000  }
0xb1: {  	[sflag:s2] =	ssyncset.done $0x0  }
0xb2: {  	s18 =	simm.s32 $0x2D80;
	[sflag:s2] =	ssyncadd.s32 $0xFFFFF000  }
0xb3: {  	[spmem:s3] =	stream.indirect.scatter.add.f32 [tilespmem:s26], [sflag:$0xC], $0x20, s18, s20, $0xb8;
	[tilespmem:$0x12000] =	vst v63  }
0xb4: {  	_ =	swait.ge [sflag:s19], $0x1000  }
0xb5: {  	[sflag:s19] =	ssyncset.done $0x0  }
0xb6: {  	s17 =	simm.s32 $0x780;
	s18 =	simm.s32 $0x1000;
	[sflag:s19] =	ssyncadd.s32 $0xFFFFF000  }
.LBB2_2:
0xb7: {  	[tilespmem:s25], [sflag:$0x8] =	stream.indirect.gather [hbm4b:s1+s20], $0x20, s17, s20, $0xb8;
	[tilespmem:$0x12000] =	vst v63  }
0xb8: {  	s17 =	smov.u32 s18  }
0xb9: {  	p3 =	sne.s32 s18, $0x8000;
	s18 =	sadd.s32 $0x1000, s18;
	_ =	swait.ge [sflag:s6], $0x1000  }
0xba: {  	s17 =	sshra.s32 s17, $0x2;
	[sflag:s6] =	ssyncset.done $0x0  }
0xbb: {  	s15 =	sadd.s32 $0x2A00, s17;
	[sflag:s6] =	ssyncadd.s32 $0xFFFFF000  }
0xbc: {  	[spmem:s3] =	stream.indirect.scatter.add.f32 [tilespmem:s30], [sflag:$0xD], $0x20, s15, s20, $0xb8;
	[tilespmem:$0x12000] =	vst v63  }
0xbd: {  	_ =	swait.ge [sflag:s13], $0x1000  }
0xbe: {  	[sflag:s13] =	ssyncset.done $0x0  }
0xbf: {  	s15 =	sadd.s32 $0x400, s17;
	[sflag:s13] =	ssyncadd.s32 $0xFFFFF000  }
0xc0: {  	[tilespmem:s21], [sflag:$0x1] =	stream.indirect.gather [hbm4b:s1+s20], $0x20, s15, s20, $0xb8;
	[tilespmem:$0x12000] =	vst v63  }
0xc1: {  	_ =	swait.ge [sflag:s10], $0x1000  }
0xc2: {  	[sflag:s10] =	ssyncset.done $0x0  }
0xc3: {  	s15 =	sadd.s32 $0x2A80, s17;
	[sflag:s10] =	ssyncadd.s32 $0xFFFFF000  }
0xc4: {  	[spmem:s3] =	stream.indirect.scatter.add.f32 [tilespmem:s23], [sflag:$0xE], $0x20, s15, s20, $0xb8;
	[tilespmem:$0x12000] =	vst v63  }
0xc5: {  	_ =	swait.ge [sflag:s0], $0x1000  }
0xc6: {  	[sflag:s0] =	ssyncset.done $0x0  }
0xc7: {  	s15 =	sadd.s32 $0x480, s17;
	[sflag:s0] =	ssyncadd.s32 $0xFFFFF000  }
0xc8: {  	[tilespmem:s22], [sflag:$0x2] =	stream.indirect.gather [hbm4b:s1+s20], $0x20, s15, s20, $0xb8;
	[tilespmem:$0x12000] =	vst v63  }
0xc9: {  	_ =	swait.ge [sflag:s5], $0x1000  }
0xca: {  	[sflag:s5] =	ssyncset.done $0x0  }
0xcb: {  	s15 =	sadd.s32 $0x2B00, s17;
	[sflag:s5] =	ssyncadd.s32 $0xFFFFF000  }
0xcc: {  	[spmem:s3] =	stream.indirect.scatter.add.f32 [tilespmem:s29], [sflag:$0xF], $0x20, s15, s20, $0xb8;
	[tilespmem:$0x12000] =	vst v63  }
0xcd: {  	_ =	swait.ge [sflag:s7], $0x1000  }
0xce: {  	[sflag:s7] =	ssyncset.done $0x0  }
0xcf: {  	s15 =	sadd.s32 $0x500, s17;
	[sflag:s7] =	ssyncadd.s32 $0xFFFFF000  }
0xd0: {  	[tilespmem:s24], [sflag:$0x3] =	stream.indirect.gather [hbm4b:s1+s20], $0x20, s15, s20, $0xb8;
	[tilespmem:$0x12000] =	vst v63  }
0xd1: {  	_ =	swait.ge [sflag:s8], $0x1000  }
0xd2: {  	[sflag:s8] =	ssyncset.done $0x0  }
0xd3: {  	s15 =	sadd.s32 $0x2B80, s17;
	[sflag:s8] =	ssyncadd.s32 $0xFFFFF000  }
0xd4: {  	[spmem:s3] =	stream.indirect.scatter.add.f32 [tilespmem:s25], [sflag:$0x10], $0x20, s15, s20, $0xb8;
	[tilespmem:$0x12000] =	vst v63  }
0xd5: {  	_ =	swait.ge [sflag:s9], $0x1000  }
0xd6: {  	[sflag:s9] =	ssyncset.done $0x0  }
0xd7: {  	s15 =	sadd.s32 $0x580, s17;
	[sflag:s9] =	ssyncadd.s32 $0xFFFFF000  }
0xd8: {  	[tilespmem:s26], [sflag:$0x4] =	stream.indirect.gather [hbm4b:s1+s20], $0x20, s15, s20, $0xb8;
	[tilespmem:$0x12000] =	vst v63  }
0xd9: {  	_ =	swait.ge [sflag:s28], $0x1000  }
0xda: {  	[sflag:s28] =	ssyncset.done $0x0  }
0xdb: {  	s15 =	sadd.s32 $0x2C00, s17;
	[sflag:s28] =	ssyncadd.s32 $0xFFFFF000  }
0xdc: {  	[spmem:s3] =	stream.indirect.scatter.add.f32 [tilespmem:s21], [sflag:$0x9], $0x20, s15, s20, $0xb8;
	[tilespmem:$0x12000] =	vst v63  }
0xdd: {  	_ =	swait.ge [sflag:s11], $0x1000  }
0xde: {  	[sflag:s11] =	ssyncset.done $0x0  }
0xdf: {  	s15 =	sadd.s32 $0x600, s17;
	[sflag:s11] =	ssyncadd.s32 $0xFFFFF000  }
0xe0: {  	[tilespmem:s30], [sflag:$0x5] =	stream.indirect.gather [hbm4b:s1+s20], $0x20, s15, s20, $0xb8;
	[tilespmem:$0x12000] =	vst v63  }
0xe1: {  	_ =	swait.ge [sflag:s31], $0x1000  }
0xe2: {  	[sflag:s31] =	ssyncset.done $0x0  }
0xe3: {  	s15 =	sadd.s32 $0x2C80, s17;
	[sflag:s31] =	ssyncadd.s32 $0xFFFFF000  }
0xe4: {  	[spmem:s3] =	stream.indirect.scatter.add.f32 [tilespmem:s22], [sflag:$0xA], $0x20, s15, s20, $0xb8;
	[tilespmem:$0x12000] =	vst v63  }
0xe5: {  	_ =	swait.ge [sflag:s16], $0x1000  }
0xe6: {  	[sflag:s16] =	ssyncset.done $0x0  }
0xe7: {  	s15 =	sadd.s32 $0x680, s17;
	[sflag:s16] =	ssyncadd.s32 $0xFFFFF000  }
0xe8: {  	[tilespmem:s23], [sflag:$0x6] =	stream.indirect.gather [hbm4b:s1+s20], $0x20, s15, s20, $0xb8;
	[tilespmem:$0x12000] =	vst v63  }
0xe9: {  	_ =	swait.ge [sflag:s12], $0x1000  }
0xea: {  	[sflag:s12] =	ssyncset.done $0x0  }
0xeb: {  	s15 =	sadd.s32 $0x2D00, s17;
	[sflag:s12] =	ssyncadd.s32 $0xFFFFF000  }
0xec: {  	[spmem:s3] =	stream.indirect.scatter.add.f32 [tilespmem:s24], [sflag:$0xB], $0x20, s15, s20, $0xb8;
	[tilespmem:$0x12000] =	vst v63  }
0xed: {  	_ =	swait.ge [sflag:s14], $0x1000  }
0xee: {  	[sflag:s14] =	ssyncset.done $0x0  }
0xef: {  	s15 =	sadd.s32 $0x700, s17;
	[sflag:s14] =	ssyncadd.s32 $0xFFFFF000  }
0xf0: {  	[tilespmem:s29], [sflag:$0x7] =	stream.indirect.gather [hbm4b:s1+s20], $0x20, s15, s20, $0xb8;
	[tilespmem:$0x12000] =	vst v63  }
0xf1: {  	_ =	swait.ge [sflag:s2], $0x1000  }
0xf2: {  	[sflag:s2] =	ssyncset.done $0x0  }
.Ltmp2:
0xf3: {  	s15 =	sadd.s32 $0x2D80, s17;
	[sflag:s2] =	ssyncadd.s32 $0xFFFFF000;
	(pc) =	sbr.rel @p3 .LBB2_2-.Ltmp2, $4  }
0xf4: {  	[spmem:s3] =	stream.indirect.scatter.add.f32 [tilespmem:s26], [sflag:$0xC], $0x20, s15, s20, $0xb8;
	[tilespmem:$0x12000] =	vst v63  }
0xf5: {  	_ =	swait.ge [sflag:s19], $0x1000  }
0xf6: {  	[sflag:s19] =	ssyncset.done $0x0  }
0xf7: {  	s17 =	sadd.s32 $0x780, s17;
	[sflag:s19] =	ssyncadd.s32 $0xFFFFF000  }
0xf8: {  	[tilespmem:s25], [sflag:$0x8] =	stream.indirect.gather [hbm4b:s1+s20], $0x20, s17, s20, $0xb8;
	[tilespmem:$0x12000] =	vst v63  }
0xf9: {  	_ =	swait.ge [sflag:s6], $0x1000  }
0xfa: {  	[sflag:s6] =	ssyncset.done $0x0  }
0xfb: {  	s4 =	simm.s32 $0x4E00;
	[sflag:s6] =	ssyncadd.s32 $0xFFFFF000  }
0xfc: {  	[spmem:s3] =	stream.indirect.scatter.add.f32 [tilespmem:s30], [sflag:$0xD], $0x20, s4, s20, $0xb8;
	[tilespmem:$0x12000] =	vst v63  }
0xfd: {  	_ =	swait.ge [sflag:s10], $0x1000  }
0xfe: {  	[sflag:s10] =	ssyncset.done $0x0  }
0xff: {  	s15 =	simm.s32 $0x4E80;
	[sflag:s10] =	ssyncadd.s32 $0xFFFFF000  }
0x100: {  	[spmem:s3] =	stream.indirect.scatter.add.f32 [tilespmem:s23], [sflag:$0xE], $0x20, s15, s20, $0xb8;
	[tilespmem:$0x12000] =	vst v63  }
0x101: {  	_ =	swait.ge [sflag:s5], $0x1000  }
0x102: {  	[sflag:s5] =	ssyncset.done $0x0  }
0x103: {  	s17 =	simm.s32 $0x4F00;
	[sflag:s5] =	ssyncadd.s32 $0xFFFFF000  }
0x104: {  	[spmem:s3] =	stream.indirect.scatter.add.f32 [tilespmem:s29], [sflag:$0xF], $0x20, s17, s20, $0xb8;
	[tilespmem:$0x12000] =	vst v63  }
0x105: {  	_ =	swait.ge [sflag:s8], $0x1000  }
0x106: {  	[sflag:s8] =	ssyncset.done $0x0  }
0x107: {  	s18 =	simm.s32 $0x4F80;
	[sflag:s8] =	ssyncadd.s32 $0xFFFFF000  }
0x108: {  	[spmem:s3] =	stream.indirect.scatter.add.f32 [tilespmem:s25], [sflag:$0x10], $0x20, s18, s20, $0xb8;
	[tilespmem:$0x12000] =	vst v63  }
0x109: {  	_ =	swait.ge [sflag:s13], $0x1000  }
0x10a: {  	[sflag:s13] =	ssyncset.done $0x0  }
0x10b: {  	[sflag:s13] =	ssyncadd.s32 $0xFFFFF000  }
0x10c: {  	_ =	swait.ge [sflag:s0], $0x1000  }
0x10d: {  	[sflag:s0] =	ssyncset.done $0x0  }
0x10e: {  	[sflag:s0] =	ssyncadd.s32 $0xFFFFF000  }
0x10f: {  	_ =	swait.ge [sflag:s7], $0x1000  }
0x110: {  	[sflag:s7] =	ssyncset.done $0x0  }
0x111: {  	[sflag:s7] =	ssyncadd.s32 $0xFFFFF000  }
0x112: {  	_ =	swait.ge [sflag:s9], $0x1000  }
0x113: {  	[sflag:s9] =	ssyncset.done $0x0  }
0x114: {  	[sflag:s9] =	ssyncadd.s32 $0xFFFFF000  }
0x115: {  	_ =	swait.ge [sflag:s11], $0x1000  }
0x116: {  	[sflag:s11] =	ssyncset.done $0x0  }
0x117: {  	[sflag:s11] =	ssyncadd.s32 $0xFFFFF000  }
0x118: {  	_ =	swait.ge [sflag:s16], $0x1000  }
0x119: {  	[sflag:s16] =	ssyncset.done $0x0  }
0x11a: {  	[sflag:s16] =	ssyncadd.s32 $0xFFFFF000  }
0x11b: {  	_ =	swait.ge [sflag:s14], $0x1000  }
0x11c: {  	[sflag:s14] =	ssyncset.done $0x0  }
0x11d: {  	[sflag:s14] =	ssyncadd.s32 $0xFFFFF000  }
.Ltmp3:
0x11e: {  	_ =	swait.ge [sflag:s19], $0x1000;
	(pc) =	sbr.rel @!p0 .LBB2_4-.Ltmp3, $3  }
0x11f: {  	[sflag:s19] =	ssyncset.done $0x0  }
0x120: {  	[sflag:s19] =	ssyncadd.s32 $0xFFFFF000  }
0x121: {  	[bflag:$0x0] =	sbarrier.arrive $0xFFFF;
	_ =	sdelay $0x1  }
0x122: {  	s15 =	rddreg [dreg:$0xc]  }
0x123: {  	s4 =	rddreg [dreg:$0xe]  }
0x124: {  	s17 =	rddreg [dreg:$0xf]  }
0x125: {  	[hbm:s15], [sflag:s4] =	dma.local [spmem:s17], $0x9C0  }
.Ltmp4:
0x126: {  	_ = 	snop;
	(pc) =	sbr.rel @p1 .LBB2_7-.Ltmp4, $4  }
.Ltmp5:
0x127: {  	s4 =	simm.s32 $0x11;
	(pc) =	sbr.rel @!p1 .LBB2_6-.Ltmp5, $4  }
0x128: {  	_ =	swait.ge [sflag:s4], $0x9C0  }
0x129: {  	[sflag:s4] =	ssyncset.done $0x0;
	s17 =	rddreg [dreg:$0x5]  }
0x12a: {  	s18 =	rddreg [dreg:$0x11];
	[sflag:s4] =	ssyncadd.s32 $0xFFFFF640  }
0x12b: {  	_ = 	snop  }
.LBB2_4:
0x12c: {  	s15 =	rddreg [dreg:$0xb]  }
0x12d: {  	s4 =	rddreg [dreg:$0xe]  }
0x12e: {  	s17 =	rddreg [dreg:$0xf]  }
0x12f: {  	[hbm:s15], [sflag:s4] =	dma.local [spmem:s17], $0x9C0  }
.Ltmp6:
0x130: {  	_ = 	snop;
	(pc) =	sbr.rel @p2 .LBB2_6-.Ltmp6, $4  }
.Ltmp7:
0x131: {  	s4 =	simm.s32 $0x11;
	(pc) =	sbr.rel @!p2 .LBB2_7-.Ltmp7, $4  }
0x132: {  	_ =	swait.ge [sflag:s4], $0x9C0  }
0x133: {  	[sflag:s4] =	ssyncset.done $0x0;
	s17 =	rddreg [dreg:$0x4]  }
0x134: {  	s18 =	rddreg [dreg:$0x11];
	[sflag:s4] =	ssyncadd.s32 $0xFFFFF640  }
0x135: {  	_ = 	snop  }
.LBB2_8:
0x136: {  	_ =	sfence.sel $0x180000  }
0x137: {  	[bflag:$0x0] =	sbarrier.arrive $0xFFFF  }
0x138: {  	_ =	strace $0x9000004D  }
0x139: {  	s0 =	stileid.u32;
	[bflag:$0x2] =	sbarrier.arrive $0xFFFF  }
0x13a: {  	p0 =	sne.s32 s0, $0x0;
	s0 =	rddreg [dreg:$0x3]  }
0x13b: {  	s0 =	sadd.s32 @!p0 $0x100000, s0  }
0x13c: {  	[sflag:s0] =	ssyncadd.tile.s32 @!p0 $0x1;
	_ =	shalt  }
.Lfunc_end2:
_tile_overlayer_lowered:
.L_overlay_start_2:
0x13d: {  	(tag) =	ssettag $0x2  }
0x13e: {  	s0 =	rddreg [dreg:$0x0];
	s2 =	stileid.u32  }
0x13f: {  	s1 =	rddreg [dreg:$0x1];
	p0 =	sne.s32 s2, $0x0  }
0x140: {  	s3 =	rddreg [dreg:$0x2];
	[bflag:$0x3] =	sbarrier.arrive $0xFFFF;
	s2 =	simm.s32 @!p0 $0x1C11  }
0x141: {  	[timem:s3], [sflag:s2] =	dma.local @!p0 [hbm:s0], s1  }
0x142: {  	s0 =	simm.s32 @!p0 $0x11  }
0x143: {  	_ =	swait.ge @!p0 [sflag:s0], s1  }
0x144: {  	s1 =	ssub.s32 @!p0 $0x0, s1;
	[sflag:s0] =	ssyncset.done @!p0 $0x0  }
0x145: {  	[sflag:s0] =	ssyncadd.s32 @!p0 s1  }
0x146: {  	[bflag:$0x3] =	sbarrier.arrive $0xFFFF  }
0x147: {  	_ =	shalt  }

// kernel: kernel.20.cloned.1.call-start
scs
__scs_entry_jumppad:
0x0: {  	(pc) =	sbr.rel $0x88, $3  }
0x1: {  	(tag) =	ssettag $0x0;
	lr =	simm.s32 $0x1  }
0x2: {  	[smem:$0x3F99] =	sst lr;
	_ =	strace $0xD0000000  }
0x3: {  	_ = 	snop  }
0x4: {  	_ = 	snop  }
0x5: {  	_ = 	snop  }
0x6: {  	_ = 	snop  }
0x7: {  	_ = 	snop  }
__scs_overlays_trampoline_lowered:
0x8: {  	[smem:$0x3FA8] =	sst s0  }
0x9: {  	[smem:$0x3FA9] =	sst s1  }
0xa: {  	[smem:$0x3FAA] =	sst s2  }
0xb: {  	[smem:$0x3FAB] =	sst s3  }
0xc: {  	[smem:$0x3FAC] =	sst s4  }
0xd: {  	[smem:$0x3FAD] =	sst s5  }
0xe: {  	[smem:$0x3FAE] =	sst s6  }
0xf: {  	[smem:$0x3FAF] =	sst s7  }
0x10: {  	[smem:$0x3FB0] =	sst s8  }
0x11: {  	[smem:$0x3FB1] =	sst s9;
	s0 =	simm.s32 @!p0 $0x0  }
0x12: {  	s1 =	sld [smem:$0x3F97];
	s0 =	simm.s32 @p0 $0x1  }
0x13: {  	[smem:$0x3FB2] =	sst s0;
	s0 =	simm.s32 @!p1 $0x0  }
0x14: {  	s2 =	sld [smem:$0x3F96];
	s0 =	simm.s32 @p1 $0x1  }
0x15: {  	[smem:$0x3FB3] =	sst s0;
	s0 =	simm.s32 @!p2 $0x0  }
0x16: {  	s3 =	sld [smem:$0x3FDB];
	s0 =	simm.s32 @p2 $0x1  }
0x17: {  	s4 =	simm.s32 $0x1BF5;
	[smem:$0x3FB5] =	sst s0  }
0x18: {  	s0 =	sld [smem:$0x3F98];
	_ =	swait.ge [sflag:s4], $0x0  }
0x19: {  	s7 =	sld [smem:$0x3F99]  }
0x1a: {  	s8 =	sadd.s32 $0xFFFFE003, lr  }
0x1b: {  	s9 =	sadd.s32 $0xFFFFFEF7, lr;
	s5 =	simm.s32 $0xFFFFFFFF;
	p2 =	slt.u32 s8, $0xFFFFF086  }
0x1c: {  	p1 =	slt.u32 s9, $0xF7A;
	s5 =	simm.s32 @!p2 $0x0  }
0x1d: {  	s5 =	simm.s32 @p1 $0x1;
	p0 =	seq.s32 s7, s2  }
0x1e: {  	s7 =	smul.u32 @!p0 $0xF7A, s2;
	p2 =	seq.s32 @!p0 s5, $0x0  }
0x1f: {  	s9 =	smul.u32 $0xF7A, s1;
	s8 =	simm.s32 @!p0 $0x1BF5;
	p2 =	por !p2, p0  }
0x20: {  	[sflag:s8] =	ssyncset.s32 @!p0 $0xFFFFF086;
	s6 =	sadd.s32 @!p0 s3, s7;
	s7 =	simm.s32 @!p0 $0x108  }
0x21: {  	s3 =	sadd.s32 s3, s9;
	s6 =	sadd.s32 @!p0 $0x88, s6;
	s7 =	simm.s32 @p2 $0x1082  }
0x22: {  	[simem:s7], [sflag:s8] =	dma.local @!p0 [hbm:s6], $0xF7A  }
0x23: {  	s9 =	sor.u32 $0xD0000000, s2;
	s6 =	simm.s32 $0x108;
	_ =	swait.ge @!p0 [sflag:s8], $0x0  }
0x24: {  	s3 =	sadd.s32 $0x88, s3;
	s6 =	simm.s32 @!p1 $0x1082;
	[sflag:s4] =	ssyncset.s32 $0xFFFFF086  }
0x25: {  	[simem:s6], [sflag:s4] =	dma.local [hbm:s3], $0xF7A  }
0x26: {  	[smem:$0x3F99] =	sst s1;
	(tag) =	ssettag s2;
	_ =	strace s9  }
0x27: {  	s1 =	sld [smem:$0x3FA9]  }
0x28: {  	s2 =	sld [smem:$0x3FAA]  }
0x29: {  	s4 =	sld [smem:$0x3FAC]  }
0x2a: {  	p0 =	seq.s32 s5, $0x0;
	s5 =	sld [smem:$0x3FAD]  }
0x2b: {  	s6 =	sld [smem:$0x3FAE]  }
0x2c: {  	s7 =	sld [smem:$0x3FAF]  }
0x2d: {  	s3 =	simm.s32 $0x108;
	s8 =	sld [smem:$0x3FB0]  }
0x2e: {  	s3 =	simm.s32 @!p0 $0x1082;
	s9 =	sld [smem:$0x3FB1]  }
0x2f: {  	lr =	sadd.s32 s0, s3;
	s0 =	sld [smem:$0x3FA8]  }
0x30: {  	s3 =	sld [smem:$0x3FAB]  }
0x31: {  	[smem:$0x3FB4] =	sst s10  }
0x32: {  	s10 =	sld [smem:$0x3FB2];
	_ =	sdelay $0x3  }
0x33: {  	p0 =	seq.s32 s10, $0x1;
	s10 =	sld [smem:$0x3FB4];
	_ =	sdelay $0x3  }
0x34: {  	[smem:$0x3FB4] =	sst s10  }
0x35: {  	s10 =	sld [smem:$0x3FB3];
	_ =	sdelay $0x3  }
0x36: {  	p1 =	seq.s32 s10, $0x1;
	s10 =	sld [smem:$0x3FB4];
	_ =	sdelay $0x3  }
0x37: {  	[smem:$0x3FB4] =	sst s10  }
0x38: {  	s10 =	sld [smem:$0x3FB5]  }
0x39: {  	_ = 	snop;
	(pc) =	sbr.ind lr, $3  }
0x3a: {  	_ = 	snop  }
0x3b: {  	_ = 	snop  }
0x3c: {  	p2 =	seq.s32 s10, $0x1;
	s10 =	sld [smem:$0x3FB4]  }
0x3d: {  	_ =	shalt  }
0x3e: {  	_ =	shalt  }
0x3f: {  	_ =	shalt  }
0x40: {  	_ =	shalt  }
0x41: {  	_ =	shalt  }
0x42: {  	_ =	shalt  }
0x43: {  	_ =	shalt  }
0x44: {  	_ =	shalt  }
0x45: {  	_ =	shalt  }
0x46: {  	_ =	shalt  }
0x47: {  	_ =	shalt  }
0x48: {  	_ =	shalt  }
0x49: {  	_ =	shalt  }
0x4a: {  	_ =	shalt  }
0x4b: {  	_ =	shalt  }
0x4c: {  	_ =	shalt  }
0x4d: {  	_ =	shalt  }
0x4e: {  	_ =	shalt  }
0x4f: {  	_ =	shalt  }
0x50: {  	_ =	shalt  }
0x51: {  	_ =	shalt  }
0x52: {  	_ =	shalt  }
0x53: {  	_ =	shalt  }
0x54: {  	_ =	shalt  }
0x55: {  	_ =	shalt  }
0x56: {  	_ =	shalt  }
0x57: {  	_ =	shalt  }
0x58: {  	_ =	shalt  }
0x59: {  	_ =	shalt  }
0x5a: {  	_ =	shalt  }
0x5b: {  	_ =	shalt  }
0x5c: {  	_ =	shalt  }
0x5d: {  	_ =	shalt  }
0x5e: {  	_ =	shalt  }
0x5f: {  	_ =	shalt  }
0x60: {  	_ =	shalt  }
0x61: {  	_ =	shalt  }
0x62: {  	_ =	shalt  }
0x63: {  	_ =	shalt  }
0x64: {  	_ =	shalt  }
0x65: {  	_ =	shalt  }
0x66: {  	_ =	shalt  }
0x67: {  	_ =	shalt  }
0x68: {  	_ =	shalt  }
0x69: {  	_ =	shalt  }
0x6a: {  	_ =	shalt  }
0x6b: {  	_ =	shalt  }
0x6c: {  	_ =	shalt  }
0x6d: {  	_ =	shalt  }
0x6e: {  	_ =	shalt  }
0x6f: {  	_ =	shalt  }
0x70: {  	_ =	shalt  }
0x71: {  	_ =	shalt  }
0x72: {  	_ =	shalt  }
0x73: {  	_ =	shalt  }
0x74: {  	_ =	shalt  }
0x75: {  	_ =	shalt  }
0x76: {  	_ =	shalt  }
0x77: {  	_ =	shalt  }
0x78: {  	_ =	shalt  }
0x79: {  	_ =	shalt  }
0x7a: {  	_ =	shalt  }
0x7b: {  	_ =	shalt  }
0x7c: {  	_ =	shalt  }
0x7d: {  	_ =	shalt  }
0x7e: {  	_ =	shalt  }
0x7f: {  	_ =	shalt  }
0x80: {  	_ =	shalt  }
0x81: {  	_ =	shalt  }
0x82: {  	_ =	shalt  }
0x83: {  	_ =	shalt  }
0x84: {  	_ =	shalt  }
0x85: {  	_ =	shalt  }
0x86: {  	_ =	shalt  }
0x87: {  	_ =	shalt  }
.Lfunc_end0:
.L_simem_size_0:
called_computation.3_lowered:
.L_overlay_start_0:
0x88: {  	s2 =	sld [smem:$0x3FD9]  }
0x89: {  	s3 =	sld [smem:$0x3FFE];
	_ =	sdelay $0x1  }
0x8a: {  	s1 =	srdreg.scid  }
0x8b: {  	s0 =	sand.u32 $0x1, s1  }
0x8c: {  	s17 =	sshll.u32 s0, $0xA;
	s2 =	sadd.s32 s3, s2  }
0x8d: {  	s2 =	sadd.s32 s2, s17  }
0x8e: {  	[smem:$0x3FC0] =	sst s2  }
0x8f: {  	_ = 	snop  }
0x90: {  	s2 =	sld [smem:$0x3FD0];
	(tm) =	ssettm $0x1  }
0x91: {  	s18 =	sld [smem:$0x3FFB];
	_ =	sdelay $0x3  }
0x92: {  	_ =	strace s18  }
0x93: {  	s3 =	sld [smem:$0x3FFC];
	_ =	sdelay $0x3  }
0x94: {  	_ =	strace s3  }
0x95: {  	s3 =	sld [smem:$0x3FFD];
	_ =	sdelay $0x3  }
0x96: {  	_ =	strace s3  }
0x97: {  	_ =	strace $0x8FFFFFFF  }
0x98: {  	s19 =	sld [smem:$0x3FDB];
	_ =	sdelay $0x1  }
0x99: {  	s4 =	simm.s32 $_scs_section_size  }
0x9a: {  	s5 =	simm.s32 $_size__tile_overlayer_lowered;
	s6 =	simm.s32 $_tile_overlayer_lowered  }
0x9b: {  	s22 =	simm.s32 $0x1BFF;
	s21 =	sshll.u32 s6, $0x1;
	s3 =	sadd.s32 s4, s19  }
0x9c: {  	s7 =	simm.s32 $0x0;
	s20 =	sshll.u32 s5, $0x1;
	s5 =	sadd.s32 s21, s3  }
0x9d: {  	[timem:s7], [sflag:s22] =	dma.local [hbm:s5], s20  }
0x9e: {  	_ =	swait.ge [sflag:s22], s20  }
0x9f: {  	s4 =	ssub.s32 $0x0, s20;
	[sflag:s22] =	ssyncset.done $0x0  }
0xa0: {  	[sflag:s22] =	ssyncadd.s32 s4;
	_ =	sdelay $0x1  }
0xa1: {  	s23 =	simm.s32 $0x1B8B  }
0xa2: {  	_ =	swait.ge [sflag:s23], $0x1  }
0xa3: {  	[sflag:s23] =	ssyncset.done $0x0  }
0xa4: {  	s25 =	simm.s32 $0x1B8E;
	s24 =	sld [smem:$0x3FFE];
	[sflag:s23] =	ssyncadd.s32 $0xFFFFFFFF  }
0xa5: {  	s26 =	simm.s32 $execute0_lowered;
	[smem:$0x3FD2] =	sst s25  }
0xa6: {  	s5 =	sshll.u32 s26, $0x1;
	_ =	strace $0x8000004F;
	[dreg:$0x1] =	wrdreg $0xFFFFFFFF  }
0xa7: {  	s28 =	simm.s32 $_size_execute0_lowered;
	s3 =	sadd.s32 s3, s5;
	[dreg:$0x0] =	wrdreg $0x0  }
0xa8: {  	s5 =	sshll.u32 s28, $0x1;
	[dreg:$0x2] =	wrdreg s3  }
0xa9: {  	[dreg:$0x3] =	wrdreg s5  }
0xaa: {  	[dreg:$0x4] =	wrdreg $0xC0  }
0xab: {  	_ =	task [dreg:s7], $0x5FFFF  }
0xac: {  	[dreg:$0x1] =	wrdreg $0xFFFFFFFF  }
0xad: {  	[dreg:$0x0] =	wrdreg $0x60  }
0xae: {  	[dreg:$0x2] =	wrdreg s2  }
0xaf: {  	[dreg:$0x3] =	wrdreg s24  }
0xb0: {  	[dreg:$0x4] =	wrdreg $0xD0000  }
0xb1: {  	[dreg:$0x5] =	wrdreg $0x9  }
0xb2: {  	_ =	task.clear_ibuf [dreg:s7], $0x6FFFF;
	_ =	strace $0x9000004F  }
0xb3: {  	s29 =	simm.s32 $0x9;
	_ =	strace $0x80000051  }
0xb4: {  	_ =	swait.ge [sflag:s29], $0x1  }
0xb5: {  	[sflag:s29] =	ssyncadd.s32 $0xFFFFFFFF  }
0xb6: {  	_ =	strace $0x90000051  }
0xb7: {  	_ =	sfence  }
0xb8: {  	s30 =	sld [smem:$0x0];
	_ =	sdelay $0x2  }
0xb9: {  	s31 =	sshll.u32 s1, $0xD;
	s1 =	sshrl.u32 s1, $0x2  }
0xba: {  	s3 =	sand.u32 $0x4000, s31;
	s1 =	sadd.s32 s1, s30  }
0xbb: {  	s0 =	sor.u32 s3, s0;
	s1 =	sshll.u32 s1, $0x11  }
0xbc: {  	s0 =	sor.u32 s1, s0  }
0xbd: {  	s0 =	sadd.s32 $0x8F2B, s0  }
0xbe: {  	[sflag:s0] =	ssyncadd.remote.s32 $0x1  }
0xbf: {  	_ =	sfence.sel $0xFFFF  }
0xc0: {  	[dreg:$0x0] =	wrdreg $0xFFFFFFFF;
	(pc) =	sbr.abs _section_cstart, $3  }
0xc1: {  	[dreg:$0x1] =	wrdreg $0xFFFFFFFF  }
0xc2: {  	_ =	task.clear_ibuf [dreg:s7], $0x2FFFF;
	_ =	strace $0x9FFFFFFF  }
0xc3: {  	(tm) =	ssettm $0x7FFFFFFF  }
tec
execute0_lowered:
.L_overlay_start_1:
0x0: {  	(tag) =	ssettag $0x1  }
0x1: {  	s1 =	rddreg [dreg:$0x0]  }
0x2: {  	s0 =	srdreg.scid;
	s4 =	rddreg [dreg:$0x1]  }
0x3: {  	s8 =	stileid.u32;
	s3 =	rddreg [dreg:$0x2];
	s5 =	simm.s32 $0x0  }
0x4: {  	s28 =	simm.s32 $0x1;
	s30 =	simm.s32 $0x9000;
	s31 =	simm.s32 $0x2  }
0x5: {  	s12 =	simm.s32 $0x3;
	s29 =	simm.s32 $0xB000;
	s13 =	simm.s32 $0x9  }
0x6: {  	s11 =	simm.s32 $0xD;
	s14 =	simm.s32 $0xF;
	s0 =	sand.u32 $0x1, s0  }
0x7: {  	s2 =	sshll.u32 s8, $0x1;
	[smem:$0x7FF] =	sst s5;
	s9 =	sadd.s32 $0x76800, s4  }
0x8: {  	s7 =	smul.u32 $0x4E00, s8;
	s10 =	sadd.s32 $0x6CA00, s4;
	s21 =	sadd.s32 $0x9C00, s1  }
0x9: {  	p1 =	sne.s32 s8, $0xF;
	s25 =	sshll.u32 s8, $0x6;
	p2 =	seq.s32 s8, $0xF  }
0xa: {  	s5 =	simm.s32 $0x7;
	_ =	strace $0x80000050;
	[dreg:$0xa] =	wrdreg s21  }
0xb: {  	s8 =	simm.s32 $0x8;
	s2 =	sor.u32 s0, s2;
	[dreg:$0x4] =	wrdreg s9  }
0xc: {  	s15 =	ssub.s32 $0x2, s0;
	p0 =	seq.s32 s0, $0x1;
	[dreg:$0x5] =	wrdreg s10  }
0xd: {  	s0 =	sor.u32 $0x1C11, s25;
	s21 =	simm.s32 $0x5000;
	s25 =	simm.s32 $0xC000  }
0xe: {  	s2 =	smul.u32 $0x2710, s2;
	s6 =	sshrl.u32 s15, $0x1;
	s18 =	sadd.s32 s7, s3  }
0xf: {  	s19 =	sshrl.u32 s7, $0x3;
	[dreg:$0xe] =	wrdreg s0;
	s7 =	simm.s32 $0xB  }
0x10: {  	s16 =	ssub.s32 s15, s6;
	s20 =	sadd.s32 s1, s19;
	s6 =	sadd.s32 $0x4E000, s3  }
0x11: {  	v0 =	vlaneseq.u32;
	s22 =	sadd.s32 s9, s19;
	s23 =	sadd.s32 s10, s19;
	[dreg:$0x8] =	wrdreg s20  }
0x12: {  	v1 =	vor.u32 $0x10, v0;
	v2 =	vor.u32 $0x20, v0;
	s26 =	sshrl.u32 s18, $0x3;
	s10 =	simm.s32 $0x6;
	[dreg:$0xb] =	wrdreg s22  }
0x13: {  	v3 =	vor.u32 $0x30, v0;
	v4 =	vor.u32 $0x40, v0;
	v5 =	vor.u32 $0x50, v0;
	s9 =	simm.s32 $0xC;
	s19 =	simm.s32 $0x10;
	[dreg:$0xc] =	wrdreg s23  }
0x14: {  	v6 =	vor.u32 $0x60, v0;
	v7 =	vor.u32 $0x70, v0;
	v8 =	vor.u32 $0x80, v0;
	s18 =	simm.s32 $0x0;
	s2 =	sshrl.u32 s2, $0x3;
	[dreg:$0xf] =	wrdreg s26  }
0x15: {  	v9 =	vor.u32 $0x90, v0;
	v10 =	vor.u32 $0xA0, v0;
	v11 =	vor.u32 $0xB0, v0;
	s24 =	smax.u32 s16, $0x1;
	[dreg:$0x9] =	wrdreg s6;
	s0 =	sshrl.u32 @!p1 s6, $0x3  }
0x16: {  	v12 =	vor.u32 $0xC0, v0;
	v13 =	vor.u32 $0xD0, v0;
	v14 =	vor.u32 $0xE0, v0;
	s20 =	simm.s32 $0x80;
	s22 =	simm.s32 $0x6000;
	s26 =	simm.s32 $0x8000  }
.Ltmp0:
0x17: {  	v15 =	vor.u32 $0x2710, v0;
	v16 =	vor.u32 $0x2720, v0;
	v17 =	vor.u32 $0x2730, v0;
	s23 =	simm.s32 $0xA000;
	s6 =	simm.s32 $0x5;
	(pc) =	sbr.rel .LBB2_1-.Ltmp0, $4  }
0x18: {  	v18 =	vor.u32 $0x2740, v0;
	v19 =	vor.u32 $0x2750, v0;
	v20 =	vor.u32 $0x2760, v0;
	s16 =	simm.s32 $0xE;
	s2 =	sadd.s32 s2, s4;
	[dreg:$0xd] =	wrdreg s24  }
0x19: {  	v21 =	vor.u32 $0x2770, v0;
	v22 =	vor.u32 $0x2780, v0;
	v23 =	vor.u32 $0x2790, v0;
	s4 =	simm.s32 $0x11;
	[dreg:$0x10] =	wrdreg s0;
	s17 =	sadd.s32 $0x4000, s2  }
0x1a: {  	v24 =	vor.u32 $0x27A0, v0;
	v25 =	vor.u32 $0x27B0, v0;
	v26 =	vor.u32 $0x27C0, v0;
	s24 =	simm.s32 $0x7000;
	s2 =	sadd.s32 $0xDC40, s2;
	[dreg:$0x6] =	wrdreg s17  }
0x1b: {  	v27 =	vor.u32 $0x27D0, v0;
	v28 =	vor.u32 $0x27E0, v0;
	v29 =	vor.u32 $0x27F0, v0;
	s0 =	simm.s32 $0xA;
	[dreg:$0x7] =	wrdreg s2;
	s2 =	simm.s32 $0x4  }
.LBB2_6:
0x1c: {  	s4 =	rddreg [dreg:$0x9]  }
0x1d: {  	s15 =	sadd.s32 $0x9C00, s17;
	s17 =	sshrl.u32 s4, $0x3;
	s4 =	rddreg [dreg:$0xe]  }
0x1e: {  	[hbm:s15], [sflag:s4] =	dma.local [spmem:s17], $0x40  }
0x1f: {  	s4 =	simm.s32 $0x11  }
0x20: {  	_ =	swait.ge [sflag:s4], $0x40  }
0x21: {  	[sflag:s4] =	ssyncset.done $0x0  }
0x22: {  	[sflag:s4] =	ssyncadd.s32 $0xFFFFFFC0  }
.LBB2_7:
0x23: {  	s18 =	sadd.s32 $0x1, s18;
	s15 =	rddreg [dreg:$0xd]  }
0x24: {  	p3 =	sne.s32 s18, s15  }
.Ltmp1:
0x25: {  	_ = 	snop;
	(pc) =	sbr.rel @!p3 .LBB2_8-.Ltmp1, $1  }
0x26: {  	_ =	sdelay $0x3  }
.LBB2_1:
0x27: {  	[dreg:$0x11] =	wrdreg s18  }
0x28: {  	s18 =	simm.s32 $0x0;
	s17 =	rddreg [dreg:$0x6]  }
0x29: {  	[tilespmem:s18], [sflag:$0x11] =	stream.linear.gather [hbm4b:s17+s18], $0x2710, $0x38;
	[tilespmem:$0x12000] =	vst v63  }
0x2a: {  	_ =	swait.ge [sflag:s4], $0x2710  }
0x2b: {  	[sflag:s4] =	ssyncset.done $0x0  }
0x2c: {  	s15 =	simm.s32 $0x2800;
	s17 =	rddreg [dreg:$0x7];
	[sflag:s4] =	ssyncadd.s32 $0xFFFFD8F0  }
0x2d: {  	[tilespmem:s15], [sflag:$0x11] =	stream.linear.gather [hbm4b:s17+s18], $0x2710, $0x38;
	[tilespmem:$0x12000] =	vst v63  }
0x2e: {  	_ =	swait.ge [sflag:s4], $0x2710  }
0x2f: {  	[sflag:s4] =	ssyncset.done $0x0  }
0x30: {  	[sflag:s4] =	ssyncadd.s32 $0xFFFFD8F0  }
0x31: {  	[tilespmem:$0x2710] =	vst v0  }
0x32: {  	[tilespmem:$0x2720] =	vst v1  }
0x33: {  	[tilespmem:$0x2730] =	vst v2  }
0x34: {  	[tilespmem:$0x2740] =	vst v3  }
0x35: {  	[tilespmem:$0x2750] =	vst v4  }
0x36: {  	[tilespmem:$0x2760] =	vst v5  }
0x37: {  	[tilespmem:$0x2770] =	vst v6  }
0x38: {  	[tilespmem:$0x2780] =	vst v7  }
0x39: {  	[tilespmem:$0x2790] =	vst v8  }
0x3a: {  	[tilespmem:$0x27A0] =	vst v9  }
0x3b: {  	[tilespmem:$0x27B0] =	vst v10  }
0x3c: {  	[tilespmem:$0x27C0] =	vst v11  }
0x3d: {  	[tilespmem:$0x27D0] =	vst v12  }
0x3e: {  	[tilespmem:$0x27E0] =	vst v13  }
0x3f: {  	[tilespmem:$0x27F0] =	vst v14  }
0x40: {  	[tilespmem:$0x4F10] =	vst v15  }
0x41: {  	[tilespmem:$0x4F20] =	vst v16  }
0x42: {  	[tilespmem:$0x4F30] =	vst v17  }
0x43: {  	[tilespmem:$0x4F40] =	vst v18  }
0x44: {  	[tilespmem:$0x4F50] =	vst v19  }
0x45: {  	[tilespmem:$0x4F60] =	vst v20  }
0x46: {  	[tilespmem:$0x4F70] =	vst v21  }
0x47: {  	[tilespmem:$0x4F80] =	vst v22  }
0x48: {  	[tilespmem:$0x4F90] =	vst v23  }
0x49: {  	[tilespmem:$0x4FA0] =	vst v24  }
0x4a: {  	[tilespmem:$0x4FB0] =	vst v25  }
0x4b: {  	[tilespmem:$0x4FC0] =	vst v26  }
0x4c: {  	s17 =	rddreg [dreg:$0x8];
	[tilespmem:$0x4FD0] =	vst v27  }
0x4d: {  	s15 =	rddreg [dreg:$0xf];
	[tilespmem:$0x4FE0] =	vst v28  }
0x4e: {  	s18 =	simm.s32 $0x11;
	s4 =	rddreg [dreg:$0xe];
	[tilespmem:$0x4FF0] =	vst v29  }
0x4f: {  	[spmem:s15], [sflag:s4] =	dma.local [hbm:s17], $0x9C0  }
0x50: {  	_ =	swait.ge [sflag:s18], $0x9C0  }
0x51: {  	[sflag:s18] =	ssyncset.done $0x0;
	s17 =	rddreg [dreg:$0xa]  }
0x52: {  	s15 =	rddreg [dreg:$0x10];
	[sflag:s18] =	ssyncadd.s32 $0xFFFFF640  }
0x53: {  	[spmem:s15], [sflag:s4] =	dma.local @!p1 [hbm:s17], $0x40  }
0x54: {  	s17 =	simm.s32 @!p1 $0x11  }
0x55: {  	_ =	swait.ge @!p1 [sflag:s17], $0x40  }
0x56: {  	[sflag:s17] =	ssyncset.done @!p1 $0x0  }
0x57: {  	[sflag:s17] =	ssyncadd.s32 @!p1 $0xFFFFFFC0  }
0x58: {  	s17 =	simm.s32 $0x0;
	[bflag:$0x0] =	sbarrier.arrive $0xFFFF  }
0x59: {  	[tilespmem:s21], [sflag:$0x1] =	stream.indirect.gather [hbm4b:s1+s20], $0x20, s17, s20, $0xb8;
	[tilespmem:$0x12000] =	vst v63  }
0x5a: {  	_ = 	snop  }
0x5b: {  	[tilespmem:s22], [sflag:$0x2] =	stream.indirect.gather [hbm4b:s1+s20], $0x20, s20, s20, $0xb8;
	[tilespmem:$0x12000] =	vst v63  }
0x5c: {  	s18 =	simm.s32 $0x100  }
0x5d: {  	[tilespmem:s24], [sflag:$0x3] =	stream.indirect.gather [hbm4b:s1+s20], $0x20, s18, s20, $0xb8;
	[tilespmem:$0x12000] =	vst v63  }
0x5e: {  	s15 =	simm.s32 $0x180  }
0x5f: {  	[tilespmem:s26], [sflag:$0x4] =	stream.indirect.gather [hbm4b:s1+s20], $0x20, s15, s20, $0xb8;
	[tilespmem:$0x12000] =	vst v63  }
0x60: {  	_ =	swait.ge [sflag:s28], $0x1000  }
0x61: {  	[sflag:s28] =	ssyncset.done $0x0  }
0x62: {  	s17 =	simm.s32 $0x2800;
	[sflag:s28] =	ssyncadd.s32 $0xFFFFF000  }
0x63: {  	[spmem:s3] =	stream.indirect.scatter.add.f32 [tilespmem:s21], [sflag:$0x9], $0x20, s17, s20, $0xb8;
	[tilespmem:$0x12000] =	vst v63  }
0x64: {  	s18 =	simm.s32 $0x200  }
0x65: {  	[tilespmem:s30], [sflag:$0x5] =	stream.indirect.gather [hbm4b:s1+s20], $0x20, s18, s20, $0xb8;
	[tilespmem:$0x12000] =	vst v63  }
0x66: {  	_ =	swait.ge [sflag:s31], $0x1000  }
0x67: {  	[sflag:s31] =	ssyncset.done $0x0  }
0x68: {  	s15 =	simm.s32 $0x2880;
	[sflag:s31] =	ssyncadd.s32 $0xFFFFF000  }
0x69: {  	[spmem:s3] =	stream.indirect.scatter.add.f32 [tilespmem:s22], [sflag:$0xA], $0x20, s15, s20, $0xb8;
	[tilespmem:$0x12000] =	vst v63  }
0x6a: {  	s17 =	simm.s32 $0x280  }
0x6b: {  	[tilespmem:s23], [sflag:$0x6] =	stream.indirect.gather [hbm4b:s1+s20], $0x20, s17, s20, $0xb8;
	[tilespmem:$0x12000] =	vst v63  }
0x6c: {  	_ =	swait.ge [sflag:s12], $0x1000  }
0x6d: {  	[sflag:s12] =	ssyncset.done $0x0  }
0x6e: {  	s18 =	simm.s32 $0x2900;
	[sflag:s12] =	ssyncadd.s32 $0xFFFFF000  }
0x6f: {  	[spmem:s3] =	stream.indirect.scatter.add.f32 [tilespmem:s24], [sflag:$0xB], $0x20, s18, s20, $0xb8;
	[tilespmem:$0x12000] =	vst v63  }
0x70: {  	s15 =	simm.s32 $0x300  }
0x71: {  	[tilespmem:s29], [sflag:$0x7] =	stream.indirect.gather [hbm4b:s1+s20], $0x20, s15, s20, $0xb8;
	[tilespmem:$0x12000] =	vst v63  }
0x72: {  	_ =	swait.ge [sflag:s2], $0x1000  }
0x73: {  	[sflag:s2] =	ssyncset.done $0x0  }
0x74: {  	s17 =	simm.s32 $0x2980;
	[sflag:s2] =	ssyncadd.s32 $0xFFFFF000  }
0x75: {  	[spmem:s3] =	stream.indirect.scatter.add.f32 [tilespmem:s26], [sflag:$0xC], $0x20, s17, s20, $0xb8;
	[tilespmem:$0x12000] =	vst v63  }
0x76: {  	s18 =	simm.s32 $0x380  }
0x77: {  	[tilespmem:s25], [sflag:$0x8] =	stream.indirect.gather [hbm4b:s1+s20], $0x20, s18, s20, $0xb8;
	[tilespmem:$0x12000] =	vst v63  }
0x78: {  	_ =	swait.ge [sflag:s6], $0x1000  }
0x79: {  	[sflag:s6] =	ssyncset.done $0x0  }
0x7a: {  	s4 =	simm.s32 $0x2A00;
	[sflag:s6] =	ssyncadd.s32 $0xFFFFF000  }
0x7b: {  	[spmem:s3] =	stream.indirect.scatter.add.f32 [tilespmem:s30], [sflag:$0xD], $0x20, s4, s20, $0xb8;
	[tilespmem:$0x12000] =	vst v63  }
0x7c: {  	_ =	swait.ge [sflag:s13], $0x1000  }
0x7d: {  	[sflag:s13] =	ssyncset.done $0x0  }
0x7e: {  	s15 =	simm.s32 $0x400;
	[sflag:s13] =	ssyncadd.s32 $0xFFFFF000  }
0x7f: {  	[tilespmem:s21], [sflag:$0x1] =	stream.indirect.gather [hbm4b:s1+s20], $0x20, s15, s20, $0xb8;
	[tilespmem:$0x12000] =	vst v63  }
0x80: {  	_ =	swait.ge [sflag:s10], $0x1000  }
0x81: {  	[sflag:s10] =	ssyncset.done $0x0  }
0x82: {  	s18 =	simm.s32 $0x2A80;
	[sflag:s10] =	ssyncadd.s32 $0xFFFFF000  }
0x83: {  	[spmem:s3] =	stream.indirect.scatter.add.f32 [tilespmem:s23], [sflag:$0xE], $0x20, s18, s20, $0xb8;
	[tilespmem:$0x12000] =	vst v63  }
0x84: {  	_ =	swait.ge [sflag:s0], $0x1000  }
0x85: {  	[sflag:s0] =	ssyncset.done $0x0  }
0x86: {  	s4 =	simm.s32 $0x480;
	[sflag:s0] =	ssyncadd.s32 $0xFFFFF000  }
0x87: {  	[tilespmem:s22], [sflag:$0x2] =	stream.indirect.gather [hbm4b:s1+s20], $0x20, s4, s20, $0xb8;
	[tilespmem:$0x12000] =	vst v63  }
0x88: {  	_ =	swait.ge [sflag:s5], $0x1000  }
0x89: {  	[sflag:s5] =	ssyncset.done $0x0  }
0x8a: {  	s15 =	simm.s32 $0x2B00;
	[sflag:s5] =	ssyncadd.s32 $0xFFFFF000  }
0x8b: {  	[spmem:s3] =	stream.indirect.scatter.add.f32 [tilespmem:s29], [sflag:$0xF], $0x20, s15, s20, $0xb8;
	[tilespmem:$0x12000] =	vst v63  }
0x8c: {  	_ =	swait.ge [sflag:s7], $0x1000  }
0x8d: {  	[sflag:s7] =	ssyncset.done $0x0  }
0x8e: {  	s18 =	simm.s32 $0x500;
	[sflag:s7] =	ssyncadd.s32 $0xFFFFF000  }
0x8f: {  	[tilespmem:s24], [sflag:$0x3] =	stream.indirect.gather [hbm4b:s1+s20], $0x20, s18, s20, $0xb8;
	[tilespmem:$0x12000] =	vst v63  }
0x90: {  	_ =	swait.ge [sflag:s8], $0x1000  }
0x91: {  	[sflag:s8] =	ssyncset.done $0x0  }
0x92: {  	s4 =	simm.s32 $0x2B80;
	[sflag:s8] =	ssyncadd.s32 $0xFFFFF000  }
0x93: {  	[spmem:s3] =	stream.indirect.scatter.add.f32 [tilespmem:s25], [sflag:$0x10], $0x20, s4, s20, $0xb8;
	[tilespmem:$0x12000] =	vst v63  }
0x94: {  	_ =	swait.ge [sflag:s9], $0x1000  }
0x95: {  	[sflag:s9] =	ssyncset.done $0x0  }
0x96: {  	s15 =	simm.s32 $0x580;
	[sflag:s9] =	ssyncadd.s32 $0xFFFFF000  }
0x97: {  	[tilespmem:s26], [sflag:$0x4] =	stream.indirect.gather [hbm4b:s1+s20], $0x20, s15, s20, $0xb8;
	[tilespmem:$0x12000] =	vst v63  }
0x98: {  	_ =	swait.ge [sflag:s28], $0x1000  }
0x99: {  	[sflag:s28] =	ssyncset.done $0x0  }
0x9a: {  	s18 =	simm.s32 $0x2C00;
	[sflag:s28] =	ssyncadd.s32 $0xFFFFF000  }
0x9b: {  	[spmem:s3] =	stream.indirect.scatter.add.f32 [tilespmem:s21], [sflag:$0x9], $0x20, s18, s20, $0xb8;
	[tilespmem:$0x12000] =	vst v63  }
0x9c: {  	_ =	swait.ge [sflag:s11], $0x1000  }
0x9d: {  	[sflag:s11] =	ssyncset.done $0x0  }
0x9e: {  	s4 =	simm.s32 $0x600;
	[sflag:s11] =	ssyncadd.s32 $0xFFFFF000  }
0x9f: {  	[tilespmem:s30], [sflag:$0x5] =	stream.indirect.gather [hbm4b:s1+s20], $0x20, s4, s20, $0xb8;
	[tilespmem:$0x12000] =	vst v63  }
0xa0: {  	_ =	swait.ge [sflag:s31], $0x1000  }
0xa1: {  	[sflag:s31] =	ssyncset.done $0x0  }
0xa2: {  	s15 =	simm.s32 $0x2C80;
	[sflag:s31] =	ssyncadd.s32 $0xFFFFF000  }
0xa3: {  	[spmem:s3] =	stream.indirect.scatter.add.f32 [tilespmem:s22], [sflag:$0xA], $0x20, s15, s20, $0xb8;
	[tilespmem:$0x12000] =	vst v63  }
0xa4: {  	_ =	swait.ge [sflag:s16], $0x1000  }
0xa5: {  	[sflag:s16] =	ssyncset.done $0x0  }
0xa6: {  	s18 =	simm.s32 $0x680;
	[sflag:s16] =	ssyncadd.s32 $0xFFFFF000  }
0xa7: {  	[tilespmem:s23], [sflag:$0x6] =	stream.indirect.gather [hbm4b:s1+s20], $0x20, s18, s20, $0xb8;
	[tilespmem:$0x12000] =	vst v63  }
0xa8: {  	_ =	swait.ge [sflag:s12], $0x1000  }
0xa9: {  	[sflag:s12] =	ssyncset.done $0x0  }
0xaa: {  	s4 =	simm.s32 $0x2D00;
	[sflag:s12] =	ssyncadd.s32 $0xFFFFF000  }
0xab: {  	[spmem:s3] =	stream.indirect.scatter.add.f32 [tilespmem:s24], [sflag:$0xB], $0x20, s4, s20, $0xb8;
	[tilespmem:$0x12000] =	vst v63  }
0xac: {  	_ =	swait.ge [sflag:s14], $0x1000  }
0xad: {  	[sflag:s14] =	ssyncset.done $0x0  }
0xae: {  	s15 =	simm.s32 $0x700;
	[sflag:s14] =	ssyncadd.s32 $0xFFFFF000  }
0xaf: {  	[tilespmem:s29], [sflag:$0x7] =	stream.indirect.gather [hbm4b:s1+s20], $0x20, s15, s20, $0xb8;
	[tilespmem:$0x12000] =	vst v63  }
0xb0: {  	_ =	swait.ge [sflag:s2], $0x1000  }
0xb1: {  	[sflag:s2] =	ssyncset.done $0x0  }
0xb2: {  	s18 =	simm.s32 $0x2D80;
	[sflag:s2] =	ssyncadd.s32 $0xFFFFF000  }
0xb3: {  	[spmem:s3] =	stream.indirect.scatter.add.f32 [tilespmem:s26], [sflag:$0xC], $0x20, s18, s20, $0xb8;
	[tilespmem:$0x12000] =	vst v63  }
0xb4: {  	_ =	swait.ge [sflag:s19], $0x1000  }
0xb5: {  	[sflag:s19] =	ssyncset.done $0x0  }
0xb6: {  	s17 =	simm.s32 $0x780;
	s18 =	simm.s32 $0x1000;
	[sflag:s19] =	ssyncadd.s32 $0xFFFFF000  }
.LBB2_2:
0xb7: {  	[tilespmem:s25], [sflag:$0x8] =	stream.indirect.gather [hbm4b:s1+s20], $0x20, s17, s20, $0xb8;
	[tilespmem:$0x12000] =	vst v63  }
0xb8: {  	s17 =	smov.u32 s18  }
0xb9: {  	p3 =	sne.s32 s18, $0x8000;
	s18 =	sadd.s32 $0x1000, s18;
	_ =	swait.ge [sflag:s6], $0x1000  }
0xba: {  	s17 =	sshra.s32 s17, $0x2;
	[sflag:s6] =	ssyncset.done $0x0  }
0xbb: {  	s15 =	sadd.s32 $0x2A00, s17;
	[sflag:s6] =	ssyncadd.s32 $0xFFFFF000  }
0xbc: {  	[spmem:s3] =	stream.indirect.scatter.add.f32 [tilespmem:s30], [sflag:$0xD], $0x20, s15, s20, $0xb8;
	[tilespmem:$0x12000] =	vst v63  }
0xbd: {  	_ =	swait.ge [sflag:s13], $0x1000  }
0xbe: {  	[sflag:s13] =	ssyncset.done $0x0  }
0xbf: {  	s15 =	sadd.s32 $0x400, s17;
	[sflag:s13] =	ssyncadd.s32 $0xFFFFF000  }
0xc0: {  	[tilespmem:s21], [sflag:$0x1] =	stream.indirect.gather [hbm4b:s1+s20], $0x20, s15, s20, $0xb8;
	[tilespmem:$0x12000] =	vst v63  }
0xc1: {  	_ =	swait.ge [sflag:s10], $0x1000  }
0xc2: {  	[sflag:s10] =	ssyncset.done $0x0  }
0xc3: {  	s15 =	sadd.s32 $0x2A80, s17;
	[sflag:s10] =	ssyncadd.s32 $0xFFFFF000  }
0xc4: {  	[spmem:s3] =	stream.indirect.scatter.add.f32 [tilespmem:s23], [sflag:$0xE], $0x20, s15, s20, $0xb8;
	[tilespmem:$0x12000] =	vst v63  }
0xc5: {  	_ =	swait.ge [sflag:s0], $0x1000  }
0xc6: {  	[sflag:s0] =	ssyncset.done $0x0  }
0xc7: {  	s15 =	sadd.s32 $0x480, s17;
	[sflag:s0] =	ssyncadd.s32 $0xFFFFF000  }
0xc8: {  	[tilespmem:s22], [sflag:$0x2] =	stream.indirect.gather [hbm4b:s1+s20], $0x20, s15, s20, $0xb8;
	[tilespmem:$0x12000] =	vst v63  }
0xc9: {  	_ =	swait.ge [sflag:s5], $0x1000  }
0xca: {  	[sflag:s5] =	ssyncset.done $0x0  }
0xcb: {  	s15 =	sadd.s32 $0x2B00, s17;
	[sflag:s5] =	ssyncadd.s32 $0xFFFFF000  }
0xcc: {  	[spmem:s3] =	stream.indirect.scatter.add.f32 [tilespmem:s29], [sflag:$0xF], $0x20, s15, s20, $0xb8;
	[tilespmem:$0x12000] =	vst v63  }
0xcd: {  	_ =	swait.ge [sflag:s7], $0x1000  }
0xce: {  	[sflag:s7] =	ssyncset.done $0x0  }
0xcf: {  	s15 =	sadd.s32 $0x500, s17;
	[sflag:s7] =	ssyncadd.s32 $0xFFFFF000  }
0xd0: {  	[tilespmem:s24], [sflag:$0x3] =	stream.indirect.gather [hbm4b:s1+s20], $0x20, s15, s20, $0xb8;
	[tilespmem:$0x12000] =	vst v63  }
0xd1: {  	_ =	swait.ge [sflag:s8], $0x1000  }
0xd2: {  	[sflag:s8] =	ssyncset.done $0x0  }
0xd3: {  	s15 =	sadd.s32 $0x2B80, s17;
	[sflag:s8] =	ssyncadd.s32 $0xFFFFF000  }
0xd4: {  	[spmem:s3] =	stream.indirect.scatter.add.f32 [tilespmem:s25], [sflag:$0x10], $0x20, s15, s20, $0xb8;
	[tilespmem:$0x12000] =	vst v63  }
0xd5: {  	_ =	swait.ge [sflag:s9], $0x1000  }
0xd6: {  	[sflag:s9] =	ssyncset.done $0x0  }
0xd7: {  	s15 =	sadd.s32 $0x580, s17;
	[sflag:s9] =	ssyncadd.s32 $0xFFFFF000  }
0xd8: {  	[tilespmem:s26], [sflag:$0x4] =	stream.indirect.gather [hbm4b:s1+s20], $0x20, s15, s20, $0xb8;
	[tilespmem:$0x12000] =	vst v63  }
0xd9: {  	_ =	swait.ge [sflag:s28], $0x1000  }
0xda: {  	[sflag:s28] =	ssyncset.done $0x0  }
0xdb: {  	s15 =	sadd.s32 $0x2C00, s17;
	[sflag:s28] =	ssyncadd.s32 $0xFFFFF000  }
0xdc: {  	[spmem:s3] =	stream.indirect.scatter.add.f32 [tilespmem:s21], [sflag:$0x9], $0x20, s15, s20, $0xb8;
	[tilespmem:$0x12000] =	vst v63  }
0xdd: {  	_ =	swait.ge [sflag:s11], $0x1000  }
0xde: {  	[sflag:s11] =	ssyncset.done $0x0  }
0xdf: {  	s15 =	sadd.s32 $0x600, s17;
	[sflag:s11] =	ssyncadd.s32 $0xFFFFF000  }
0xe0: {  	[tilespmem:s30], [sflag:$0x5] =	stream.indirect.gather [hbm4b:s1+s20], $0x20, s15, s20, $0xb8;
	[tilespmem:$0x12000] =	vst v63  }
0xe1: {  	_ =	swait.ge [sflag:s31], $0x1000  }
0xe2: {  	[sflag:s31] =	ssyncset.done $0x0  }
0xe3: {  	s15 =	sadd.s32 $0x2C80, s17;
	[sflag:s31] =	ssyncadd.s32 $0xFFFFF000  }
0xe4: {  	[spmem:s3] =	stream.indirect.scatter.add.f32 [tilespmem:s22], [sflag:$0xA], $0x20, s15, s20, $0xb8;
	[tilespmem:$0x12000] =	vst v63  }
0xe5: {  	_ =	swait.ge [sflag:s16], $0x1000  }
0xe6: {  	[sflag:s16] =	ssyncset.done $0x0  }
0xe7: {  	s15 =	sadd.s32 $0x680, s17;
	[sflag:s16] =	ssyncadd.s32 $0xFFFFF000  }
0xe8: {  	[tilespmem:s23], [sflag:$0x6] =	stream.indirect.gather [hbm4b:s1+s20], $0x20, s15, s20, $0xb8;
	[tilespmem:$0x12000] =	vst v63  }
0xe9: {  	_ =	swait.ge [sflag:s12], $0x1000  }
0xea: {  	[sflag:s12] =	ssyncset.done $0x0  }
0xeb: {  	s15 =	sadd.s32 $0x2D00, s17;
	[sflag:s12] =	ssyncadd.s32 $0xFFFFF000  }
0xec: {  	[spmem:s3] =	stream.indirect.scatter.add.f32 [tilespmem:s24], [sflag:$0xB], $0x20, s15, s20, $0xb8;
	[tilespmem:$0x12000] =	vst v63  }
0xed: {  	_ =	swait.ge [sflag:s14], $0x1000  }
0xee: {  	[sflag:s14] =	ssyncset.done $0x0  }
0xef: {  	s15 =	sadd.s32 $0x700, s17;
	[sflag:s14] =	ssyncadd.s32 $0xFFFFF000  }
0xf0: {  	[tilespmem:s29], [sflag:$0x7] =	stream.indirect.gather [hbm4b:s1+s20], $0x20, s15, s20, $0xb8;
	[tilespmem:$0x12000] =	vst v63  }
0xf1: {  	_ =	swait.ge [sflag:s2], $0x1000  }
0xf2: {  	[sflag:s2] =	ssyncset.done $0x0  }
.Ltmp2:
0xf3: {  	s15 =	sadd.s32 $0x2D80, s17;
	[sflag:s2] =	ssyncadd.s32 $0xFFFFF000;
	(pc) =	sbr.rel @p3 .LBB2_2-.Ltmp2, $4  }
0xf4: {  	[spmem:s3] =	stream.indirect.scatter.add.f32 [tilespmem:s26], [sflag:$0xC], $0x20, s15, s20, $0xb8;
	[tilespmem:$0x12000] =	vst v63  }
0xf5: {  	_ =	swait.ge [sflag:s19], $0x1000  }
0xf6: {  	[sflag:s19] =	ssyncset.done $0x0  }
0xf7: {  	s17 =	sadd.s32 $0x780, s17;
	[sflag:s19] =	ssyncadd.s32 $0xFFFFF000  }
0xf8: {  	[tilespmem:s25], [sflag:$0x8] =	stream.indirect.gather [hbm4b:s1+s20], $0x20, s17, s20, $0xb8;
	[tilespmem:$0x12000] =	vst v63  }
0xf9: {  	_ =	swait.ge [sflag:s6], $0x1000  }
0xfa: {  	[sflag:s6] =	ssyncset.done $0x0  }
0xfb: {  	s4 =	simm.s32 $0x4E00;
	[sflag:s6] =	ssyncadd.s32 $0xFFFFF000  }
0xfc: {  	[spmem:s3] =	stream.indirect.scatter.add.f32 [tilespmem:s30], [sflag:$0xD], $0x20, s4, s20, $0xb8;
	[tilespmem:$0x12000] =	vst v63  }
0xfd: {  	_ =	swait.ge [sflag:s10], $0x1000  }
0xfe: {  	[sflag:s10] =	ssyncset.done $0x0  }
0xff: {  	s15 =	simm.s32 $0x4E80;
	[sflag:s10] =	ssyncadd.s32 $0xFFFFF000  }
0x100: {  	[spmem:s3] =	stream.indirect.scatter.add.f32 [tilespmem:s23], [sflag:$0xE], $0x20, s15, s20, $0xb8;
	[tilespmem:$0x12000] =	vst v63  }
0x101: {  	_ =	swait.ge [sflag:s5], $0x1000  }
0x102: {  	[sflag:s5] =	ssyncset.done $0x0  }
0x103: {  	s17 =	simm.s32 $0x4F00;
	[sflag:s5] =	ssyncadd.s32 $0xFFFFF000  }
0x104: {  	[spmem:s3] =	stream.indirect.scatter.add.f32 [tilespmem:s29], [sflag:$0xF], $0x20, s17, s20, $0xb8;
	[tilespmem:$0x12000] =	vst v63  }
0x105: {  	_ =	swait.ge [sflag:s8], $0x1000  }
0x106: {  	[sflag:s8] =	ssyncset.done $0x0  }
0x107: {  	s18 =	simm.s32 $0x4F80;
	[sflag:s8] =	ssyncadd.s32 $0xFFFFF000  }
0x108: {  	[spmem:s3] =	stream.indirect.scatter.add.f32 [tilespmem:s25], [sflag:$0x10], $0x20, s18, s20, $0xb8;
	[tilespmem:$0x12000] =	vst v63  }
0x109: {  	_ =	swait.ge [sflag:s13], $0x1000  }
0x10a: {  	[sflag:s13] =	ssyncset.done $0x0  }
0x10b: {  	[sflag:s13] =	ssyncadd.s32 $0xFFFFF000  }
0x10c: {  	_ =	swait.ge [sflag:s0], $0x1000  }
0x10d: {  	[sflag:s0] =	ssyncset.done $0x0  }
0x10e: {  	[sflag:s0] =	ssyncadd.s32 $0xFFFFF000  }
0x10f: {  	_ =	swait.ge [sflag:s7], $0x1000  }
0x110: {  	[sflag:s7] =	ssyncset.done $0x0  }
0x111: {  	[sflag:s7] =	ssyncadd.s32 $0xFFFFF000  }
0x112: {  	_ =	swait.ge [sflag:s9], $0x1000  }
0x113: {  	[sflag:s9] =	ssyncset.done $0x0  }
0x114: {  	[sflag:s9] =	ssyncadd.s32 $0xFFFFF000  }
0x115: {  	_ =	swait.ge [sflag:s11], $0x1000  }
0x116: {  	[sflag:s11] =	ssyncset.done $0x0  }
0x117: {  	[sflag:s11] =	ssyncadd.s32 $0xFFFFF000  }
0x118: {  	_ =	swait.ge [sflag:s16], $0x1000  }
0x119: {  	[sflag:s16] =	ssyncset.done $0x0  }
0x11a: {  	[sflag:s16] =	ssyncadd.s32 $0xFFFFF000  }
0x11b: {  	_ =	swait.ge [sflag:s14], $0x1000  }
0x11c: {  	[sflag:s14] =	ssyncset.done $0x0  }
0x11d: {  	[sflag:s14] =	ssyncadd.s32 $0xFFFFF000  }
.Ltmp3:
0x11e: {  	_ =	swait.ge [sflag:s19], $0x1000;
	(pc) =	sbr.rel @!p0 .LBB2_4-.Ltmp3, $3  }
0x11f: {  	[sflag:s19] =	ssyncset.done $0x0  }
0x120: {  	[sflag:s19] =	ssyncadd.s32 $0xFFFFF000  }
0x121: {  	[bflag:$0x0] =	sbarrier.arrive $0xFFFF;
	_ =	sdelay $0x1  }
0x122: {  	s15 =	rddreg [dreg:$0xc]  }
0x123: {  	s4 =	rddreg [dreg:$0xe]  }
0x124: {  	s17 =	rddreg [dreg:$0xf]  }
0x125: {  	[hbm:s15], [sflag:s4] =	dma.local [spmem:s17], $0x9C0  }
.Ltmp4:
0x126: {  	_ = 	snop;
	(pc) =	sbr.rel @p1 .LBB2_7-.Ltmp4, $4  }
.Ltmp5:
0x127: {  	s4 =	simm.s32 $0x11;
	(pc) =	sbr.rel @!p1 .LBB2_6-.Ltmp5, $4  }
0x128: {  	_ =	swait.ge [sflag:s4], $0x9C0  }
0x129: {  	[sflag:s4] =	ssyncset.done $0x0;
	s17 =	rddreg [dreg:$0x5]  }
0x12a: {  	s18 =	rddreg [dreg:$0x11];
	[sflag:s4] =	ssyncadd.s32 $0xFFFFF640  }
0x12b: {  	_ = 	snop  }
.LBB2_4:
0x12c: {  	s15 =	rddreg [dreg:$0xb]  }
0x12d: {  	s4 =	rddreg [dreg:$0xe]  }
0x12e: {  	s17 =	rddreg [dreg:$0xf]  }
0x12f: {  	[hbm:s15], [sflag:s4] =	dma.local [spmem:s17], $0x9C0  }
.Ltmp6:
0x130: {  	_ = 	snop;
	(pc) =	sbr.rel @p2 .LBB2_6-.Ltmp6, $4  }
.Ltmp7:
0x131: {  	s4 =	simm.s32 $0x11;
	(pc) =	sbr.rel @!p2 .LBB2_7-.Ltmp7, $4  }
0x132: {  	_ =	swait.ge [sflag:s4], $0x9C0  }
0x133: {  	[sflag:s4] =	ssyncset.done $0x0;
	s17 =	rddreg [dreg:$0x4]  }
0x134: {  	s18 =	rddreg [dreg:$0x11];
	[sflag:s4] =	ssyncadd.s32 $0xFFFFF640  }
0x135: {  	_ = 	snop  }
.LBB2_8:
0x136: {  	_ =	sfence.sel $0x180000  }
0x137: {  	[bflag:$0x0] =	sbarrier.arrive $0xFFFF  }
0x138: {  	_ =	strace $0x90000050  }
0x139: {  	s0 =	stileid.u32;
	[bflag:$0x2] =	sbarrier.arrive $0xFFFF  }
0x13a: {  	p0 =	sne.s32 s0, $0x0;
	s0 =	rddreg [dreg:$0x3]  }
0x13b: {  	s0 =	sadd.s32 @!p0 $0x100000, s0  }
0x13c: {  	[sflag:s0] =	ssyncadd.tile.s32 @!p0 $0x1;
	_ =	shalt  }
.Lfunc_end2:
_tile_overlayer_lowered:
.L_overlay_start_2:
0x13d: {  	(tag) =	ssettag $0x2  }
0x13e: {  	s0 =	rddreg [dreg:$0x0];
	s2 =	stileid.u32  }
0x13f: {  	s1 =	rddreg [dreg:$0x1];
	p0 =	sne.s32 s2, $0x0  }
0x140: {  	s3 =	rddreg [dreg:$0x2];
	[bflag:$0x3] =	sbarrier.arrive $0xFFFF;
	s2 =	simm.s32 @!p0 $0x1C11  }
0x141: {  	[timem:s3], [sflag:s2] =	dma.local @!p0 [hbm:s0], s1  }
0x142: {  	s0 =	simm.s32 @!p0 $0x11  }
0x143: {  	_ =	swait.ge @!p0 [sflag:s0], s1  }
0x144: {  	s1 =	ssub.s32 @!p0 $0x0, s1;
	[sflag:s0] =	ssyncset.done @!p0 $0x0  }
0x145: {  	[sflag:s0] =	ssyncadd.s32 @!p0 s1  }
0x146: {  	[bflag:$0x3] =	sbarrier.arrive $0xFFFF  }
0x147: {  	_ =	shalt  }

</sc_bundles>
